<compile_context>
chip_gen: v7x
topology: tpu7x:2x2x1
jax: 0.10.2.dev20260603
libtpu: 0.0.44.dev20260713+nightly
codegen_flags: <defaults>
</compile_context>

<pallas_src>
import functools

import jax
import jax.numpy as jnp
from jax import lax
from jax.experimental import pallas as pl
from jax.experimental.pallas import tpu as pltpu
from jax.experimental.pallas import tpu_sc as plsc

N = 10000
E = 320000
K = 32
D = 128
DE = 16

NC = 2
NS = 16
NW = NC * NS
LPR = 128

NP = 10240
TN = NP // NW
NK = NP * K
NKR = NK // LPR
RPT = NKR // NW

_MESH = plsc.VectorSubcoreMesh(core_axis_name="c", subcore_axis_name="s")


def _wid():
    return lax.axis_index("s") * NC + lax.axis_index("c")


@functools.partial(
    pl.kernel,
    out_type=(
        jax.ShapeDtypeStruct((NK, D), jnp.float32),
        jax.ShapeDtypeStruct((NKR, LPR), jnp.int32),
    ),
    mesh=_MESH,
    scratch_types=(
        [pltpu.VMEM((RPT, LPR), jnp.int32)] * 2
        + [pltpu.VMEM((LPR, D), jnp.float32)] * 4
        + [pltpu.VMEM((LPR,), jnp.int32)] * 4
        + [pltpu.SemaphoreType.DMA] * 8
    ),
)
def _b_gather(x_hbm, ei0_hbm, ei1_hbm, nbr_hbm, xg_hbm, dstn_hbm,
              eidx_v, nidx_v, xr0, xr1, xr2, xr3, dv0, dv1, dv2, dv3,
              g0, g1, g2, g3, s0, s1, s2, s3):
    base = _wid() * RPT
    pltpu.sync_copy(ei0_hbm.at[pl.ds(base, RPT)], eidx_v)
    pltpu.sync_copy(nbr_hbm.at[pl.ds(base, RPT)], nidx_v)
    bufs = [(xr0, dv0, g0, s0), (xr1, dv1, g1, s1),
            (xr2, dv2, g2, s2), (xr3, dv3, g3, s3)]

    def issue_gather(tc, b):
        xr, dv, g, s = b
        pltpu.async_copy(x_hbm.at[eidx_v.at[tc]], xr, g)
        pltpu.async_copy(ei1_hbm.at[nidx_v.at[tc]], dv, g)

    def wait_gather(b):
        xr, dv, g, s = b
        pltpu.make_async_copy(x_hbm.at[pl.ds(0, LPR)], xr, g).wait()
        pltpu.make_async_copy(ei1_hbm.at[pl.ds(0, LPR)], dv, g).wait()

    def issue_store(tc, b):
        xr, dv, g, s = b
        r = base + tc
        pltpu.async_copy(xr, xg_hbm.at[pl.ds(r * LPR, LPR)], s)
        pltpu.async_copy(dv, dstn_hbm.at[r], s)

    def drain_store(b):
        xr, dv, g, s = b
        pltpu.make_async_copy(xr, xg_hbm.at[pl.ds(0, LPR)], s).wait()
        pltpu.make_async_copy(dv, dstn_hbm.at[0], s).wait()

    issue_gather(0, bufs[0])
    issue_gather(1, bufs[1])

    @pl.loop(0, RPT, step=4)
    def _(t):
        for j in range(4):
            tc = t + j
            b = bufs[j]
            wait_gather(b)
            issue_store(tc, b)
            bn = bufs[(j + 2) % 4]

            @pl.when(tc >= 2)
            def _():
                drain_store(bn)

            @pl.when(tc + 2 < RPT)
            def _():
                issue_gather(tc + 2, bn)

    drain_store(bufs[2])
    drain_store(bufs[3])


_BE = 2048


def _a_body(ea_ref, xg_ref, we_ref, msg_ref):
    ep = lax.dot_general(ea_ref[...], we_ref[...], (((1,), (1,)), ((), ())),
                         preferred_element_type=jnp.float32)
    msg_ref[...] = jnp.maximum(xg_ref[...] + ep, 0.0) + 1e-7


def _a_msg(eap, xg, W_edge):
    return pl.pallas_call(
        _a_body,
        grid=(NK // _BE,),
        in_specs=[
            pl.BlockSpec((_BE, DE), lambda i: (i, 0)),
            pl.BlockSpec((_BE, D), lambda i: (i, 0)),
            pl.BlockSpec((D, DE), lambda i: (0, 0)),
        ],
        out_specs=pl.BlockSpec((_BE, D), lambda i: (i, 0)),
        out_shape=jax.ShapeDtypeStruct((NK, D), jnp.float32),
    )(eap, xg, W_edge)


C_CN = 4


@functools.partial(
    pl.kernel,
    out_type=(
        jax.ShapeDtypeStruct((NK, D), jnp.float32),
        jax.ShapeDtypeStruct((NP, D), jnp.float32),
    ),
    mesh=_MESH,
    scratch_types=(
        [pltpu.VMEM((RPT, LPR), jnp.int32)]
        + [pltpu.VMEM((LPR, D), jnp.float32)] * 4
        + [pltpu.VMEM((C_CN, D), jnp.float32)] * 4
        + [pltpu.SemaphoreType.DMA] * 8
    ),
)
def _c_gather(msg_hbm, nbr_hbm, mg_hbm, smax_hbm, nbr_all,
              m0, m1, m2, m3, a0, a1, a2, a3,
              g0, g1, g2, g3, s0, s1, s2, s3):
    w = _wid()
    base = w * RPT
    pltpu.sync_copy(nbr_hbm.at[pl.ds(base, RPT)], nbr_all)
    bufs = [(m0, a0, g0, s0), (m1, a1, g1, s1),
            (m2, a2, g2, s2), (m3, a3, g3, s3)]

    def issue_gather(tc, b):
        m, acc, g, s = b
        pltpu.async_copy(msg_hbm.at[nbr_all.at[tc]], m, g)

    def wait_gather(b):
        m, acc, g, s = b
        pltpu.make_async_copy(msg_hbm.at[pl.ds(0, LPR)], m, g).wait()

    def compute(b):
        m, acc, g, s = b

        @pl.loop(0, C_CN)
        def _(i):
            @pl.loop(0, D, step=16)
            def _(c):
                sl = (pl.ds(i, 1), pl.ds(c, 16))
                mx = m.at[pl.ds(i * K, 1), pl.ds(c, 16)][...]
                for k in range(1, K):
                    mx = jnp.maximum(mx, m.at[pl.ds(i * K + k, 1), pl.ds(c, 16)][...])
                acc.at[*sl][...] = mx

    def issue_store(tc, b):
        m, acc, g, s = b
        pltpu.async_copy(m, mg_hbm.at[pl.ds((base + tc) * LPR, LPR)], s)
        pltpu.async_copy(acc, smax_hbm.at[pl.ds(w * TN + tc * C_CN, C_CN)], s)

    def drain_store(b):
        m, acc, g, s = b
        pltpu.make_async_copy(m, mg_hbm.at[pl.ds(0, LPR)], s).wait()
        pltpu.make_async_copy(acc, smax_hbm.at[pl.ds(0, C_CN)], s).wait()

    issue_gather(0, bufs[0])
    issue_gather(1, bufs[1])

    @pl.loop(0, RPT, step=4)
    def _(t):
        for j in range(4):
            tc = t + j
            b = bufs[j]
            wait_gather(b)
            compute(b)
            issue_store(tc, b)
            bn = bufs[(j + 2) % 4]

            @pl.when(tc >= 2)
            def _():
                drain_store(bn)

            @pl.when(tc + 2 < RPT)
            def _():
                issue_gather(tc + 2, bn)

    drain_store(bufs[2])
    drain_store(bufs[3])


@functools.partial(
    pl.kernel,
    out_type=jax.ShapeDtypeStruct((NK, D), jnp.float32),
    mesh=_MESH,
    scratch_types=(
        [pltpu.VMEM((RPT, LPR), jnp.int32)]
        + [pltpu.VMEM((LPR, D), jnp.float32)] * 4
        + [pltpu.SemaphoreType.DMA] * 8
    ),
)
def _nb_gather(tbl_hbm, dstn_hbm, out_hbm, dst_all,
               r0, r1, r2, r3, g0, g1, g2, g3, s0, s1, s2, s3):
    base = _wid() * RPT
    pltpu.sync_copy(dstn_hbm.at[pl.ds(base, RPT)], dst_all)
    bufs = [(r0, g0, s0), (r1, g1, s1), (r2, g2, s2), (r3, g3, s3)]

    def issue_gather(tc, b):
        r, g, s = b
        pltpu.async_copy(tbl_hbm.at[dst_all.at[tc]], r, g)

    def wait_gather(b):
        r, g, s = b
        pltpu.make_async_copy(tbl_hbm.at[pl.ds(0, LPR)], r, g).wait()

    def issue_store(tc, b):
        r, g, s = b
        pltpu.async_copy(r, out_hbm.at[pl.ds((base + tc) * LPR, LPR)], s)

    def drain_store(b):
        r, g, s = b
        pltpu.make_async_copy(r, out_hbm.at[pl.ds(0, LPR)], s).wait()

    issue_gather(0, bufs[0])
    issue_gather(1, bufs[1])

    @pl.loop(0, RPT, step=4)
    def _(t):
        for j in range(4):
            tc = t + j
            b = bufs[j]
            wait_gather(b)
            issue_store(tc, b)
            bn = bufs[(j + 2) % 4]

            @pl.when(tc >= 2)
            def _():
                drain_store(bn)

            @pl.when(tc + 2 < RPT)
            def _():
                issue_gather(tc + 2, bn)

    drain_store(bufs[2])
    drain_store(bufs[3])


_BN = _BE // K


def _g4b_body(mg_ref, sm_ref, p_ref, inv_ref):
    mg = mg_ref[...]
    t = jnp.exp(mg - sm_ref[...])
    p_ref[...] = mg * t
    osum = t.reshape(_BN, K, D).sum(axis=1)
    inv_ref[...] = 1.0 / (osum + 1e-16)


def _g4b_weights(mgnb, smaxnb):
    return pl.pallas_call(
        _g4b_body,
        grid=(NK // _BE,),
        in_specs=[
            pl.BlockSpec((_BE, D), lambda i: (i, 0)),
            pl.BlockSpec((_BE, D), lambda i: (i, 0)),
        ],
        out_specs=[
            pl.BlockSpec((_BE, D), lambda i: (i, 0)),
            pl.BlockSpec((_BN, D), lambda i: (i, 0)),
        ],
        out_shape=(
            jax.ShapeDtypeStruct((NK, D), jnp.float32),
            jax.ShapeDtypeStruct((NP, D), jnp.float32),
        ),
    )(mgnb, smaxnb)


E_CN = 4
E_CP = E_CN * K
E_NCH = TN // E_CN


@functools.partial(
    pl.kernel,
    out_type=jax.ShapeDtypeStruct((NP, D), jnp.float32),
    mesh=_MESH,
    scratch_types=(
        [pltpu.VMEM((RPT, LPR), jnp.int32)]
        + [pltpu.VMEM((E_CP, D), jnp.float32)] * 4
        + [pltpu.VMEM((E_CN, D), jnp.float32)] * 2
        + [pltpu.SemaphoreType.DMA] * 4
    ),
)
def _g5_res(p_hbm, dstn_hbm, inv_hbm, res_hbm,
            dst_all, pr0, pr1, ir0, ir1, a0, a1, g0, g1, s0, s1):
    w = _wid()
    pltpu.sync_copy(dstn_hbm.at[pl.ds(w * RPT, RPT)], dst_all)
    bufs = [(pr0, ir0, a0, g0, s0), (pr1, ir1, a1, g1, s1)]

    def issue_gather(tc, pr, ir, g):
        pltpu.async_copy(p_hbm.at[pl.ds((w * RPT + tc) * LPR, E_CP)], pr, g)
        pltpu.async_copy(inv_hbm.at[dst_all.at[tc]], ir, g)

    def wait_gather(pr, ir, g):
        pltpu.make_async_copy(p_hbm.at[pl.ds(0, E_CP)], pr, g).wait()
        pltpu.make_async_copy(inv_hbm.at[pl.ds(0, E_CP)], ir, g).wait()

    def compute(pr, ir, acc):
        @pl.loop(0, E_CN)
        def _(i):
            @pl.loop(0, D, step=16)
            def _(c):
                sl = (pl.ds(i, 1), pl.ds(c, 16))
                total = jnp.zeros((1, 16), jnp.float32)
                for k in range(K):
                    rsl = (pl.ds(i * K + k, 1), pl.ds(c, 16))
                    total = total + pr.at[*rsl][...] * ir.at[*rsl][...]
                acc.at[*sl][...] = total

    issue_gather(0, pr0, ir0, g0)
    issue_gather(1, pr1, ir1, g1)

    @pl.loop(0, E_NCH, step=2)
    def _(t):
        for j in range(2):
            pr, ir, acc, g, s = bufs[j]
            tc = t + j
            wait_gather(pr, ir, g)

            @pl.when(tc >= 2)
            def _():
                pltpu.make_async_copy(acc, res_hbm.at[pl.ds(0, E_CN)], s).wait()

            compute(pr, ir, acc)
            pltpu.async_copy(acc, res_hbm.at[pl.ds(w * TN + tc * E_CN, E_CN)], s)

            @pl.when(tc + 2 < E_NCH)
            def _():
                issue_gather(tc + 2, pr, ir, g)

    pltpu.make_async_copy(a0, res_hbm.at[pl.ds(0, E_CN)], s0).wait()
    pltpu.make_async_copy(a1, res_hbm.at[pl.ds(0, E_CN)], s1).wait()


def _f_body(res_ref, x_ref, w1_ref, g_ref, b_ref, w2_ref, out_ref):
    h = res_ref[...] + x_ref[...]
    h1 = lax.dot_general(h, w1_ref[...], (((1,), (1,)), ((), ())),
                         preferred_element_type=jnp.float32)
    mean = jnp.mean(h1, axis=0, keepdims=True)
    cent = h1 - mean
    var = jnp.mean(cent * cent, axis=0, keepdims=True)
    h1n = cent / jnp.sqrt(var + 1e-5) * g_ref[...] + b_ref[...]
    h1n = jnp.maximum(h1n, 0.0)
    out_ref[...] = lax.dot_general(h1n, w2_ref[...], (((1,), (1,)), ((), ())),
                                   preferred_element_type=jnp.float32)


def _f_mlp(res, x, W1, gamma, beta, W2):
    return pl.pallas_call(
        _f_body,
        out_shape=jax.ShapeDtypeStruct((N, D), jnp.float32),
    )(res, x, W1, gamma, beta, W2)


def kernel(x, edge_index, edge_attr, nbr, W_edge, W1, gamma, beta, W2):
    ei = edge_index.astype(jnp.int32)
    ei0 = jnp.pad(ei[0], (0, NK - E)).reshape(NKR, LPR)
    nbrr = jnp.pad(nbr.astype(jnp.int32), ((0, NP - N), (0, 0))).reshape(NKR, LPR)
    eap = jnp.pad(edge_attr, ((0, NK - E), (0, 0)))

    xg, dstn = _b_gather(x, ei0, ei[1], nbrr)
    msg = _a_msg(eap, xg, W_edge)
    mgnb, smax = _c_gather(msg, nbrr)
    smaxnb = _nb_gather(smax, dstn)
    p, inv = _g4b_weights(mgnb, smaxnb)
    res = _g5_res(p, dstn, inv)
    return _f_mlp(res[:N], x, W1, gamma.reshape(1, -1), beta.reshape(1, -1), W2)

# --- scband reference (transcript-rebuilt; emitter-appended) ---
"""Pipeline reference for scband-execu-torch-model-33174327394956 (READ-ONLY COPY).

The authoritative reference and input builder live on the scoring server;
editing this copy changes nothing except your own understanding.
"""

import jax, jax.numpy as jnp
import numpy as np

N = 10000
E = 320000
K = 32
D = 128
DE = 16


def _scatter_sum_via_nbr(src, nbr):
    n, k = nbr.shape
    h = src.shape[1]
    idx = jnp.clip(nbr, 0, None).reshape(-1)
    gathered = src[idx].reshape(n, k, h)
    valid = (nbr >= 0)[:, :, None]
    gathered = jnp.where(valid, gathered, jnp.zeros((1, 1, h), src.dtype))
    return gathered.sum(axis=1)


def _scatter_max_via_nbr(src, nbr):
    n, k = nbr.shape
    h = src.shape[1]
    idx = jnp.clip(nbr, 0, None).reshape(-1)
    gathered = src[idx].reshape(n, k, h)
    valid = (nbr >= 0)[:, :, None]
    neg_inf = jnp.finfo(src.dtype).min
    gathered = jnp.where(valid, gathered, jnp.full((1, 1, h), neg_inf, src.dtype))
    return gathered.max(axis=1)


def setup_inputs(seed: int = 0) -> dict:
    key = jax.random.key(seed)
    ks = jax.random.split(key, 10)
    x = jax.random.normal(ks[0], (N, D), dtype=jnp.float32)
    edge_index = jax.random.randint(ks[1], (2, E), 0, N, dtype=jnp.int64 if jax.config.jax_enable_x64 else jnp.int32)
    edge_attr = jax.random.normal(ks[2], (E, DE), dtype=jnp.float32)
    nbr = jax.random.randint(ks[3], (N, K), 0, E, dtype=jnp.int64 if jax.config.jax_enable_x64 else jnp.int32)
    W_edge = jax.random.normal(ks[4], (D, DE), dtype=jnp.float32) * 0.05
    W1 = jax.random.normal(ks[5], (2 * D, D), dtype=jnp.float32) * 0.05
    gamma = jnp.ones((2 * D,), dtype=jnp.float32)
    beta = jnp.zeros((2 * D,), dtype=jnp.float32)
    W2 = jax.random.normal(ks[6], (D, 2 * D), dtype=jnp.float32) * 0.05
    return {"x": x, "edge_index": edge_index, "edge_attr": edge_attr, "nbr": nbr,
            "W_edge": W_edge, "W1": W1, "gamma": gamma, "beta": beta, "W2": W2}


def reference(x, edge_index, edge_attr, nbr, W_edge, W1, gamma, beta, W2):
    eps = 1e-07
    # in_channels == out_channels -> lin_src/lin_dst are Identity
    src = x
    dst = x
    # message
    x_j = src[edge_index[0]]
    e = edge_attr @ W_edge.T
    msg = jax.nn.relu(x_j + e) + eps
    # aggregate: softmax_via_nbr
    index = edge_index[1]
    src_max = _scatter_max_via_nbr(msg, nbr)
    out = jnp.exp(msg - src_max[index])
    out_sum = _scatter_sum_via_nbr(out, nbr) + 1e-16
    alpha = out / out_sum[index]
    res = _scatter_sum_via_nbr(msg * alpha, nbr)
    h = res + dst
    # mlp: Linear(no bias) -> BatchNorm1d (training-mode batch stats) -> ReLU -> Dropout(0) -> Linear(no bias)
    h1 = h @ W1.T
    mean = h1.mean(axis=0)
    var = h1.var(axis=0)
    h1n = (h1 - mean) / jnp.sqrt(var + 1e-5) * gamma + beta
    h1n = jax.nn.relu(h1n)
    return h1n @ W2.T

if __name__ == "__main__":
    import jax
    _d = setup_inputs()
    print(jax.jit(kernel)(*tuple(_d.values())))

</pallas_src>

<mosaic_0001>
#map = affine_map<(d0, d1) -> (0, 0)>
module attributes {stable_mosaic.version = 14 : i64} {
  func.func @_g5_res(%arg0: i32, %arg1: i32, %arg2: memref<327680x128xf32, #tpu.memory_space<hbm>>, %arg3: memref<2560x128xi32, #tpu.memory_space<hbm>>, %arg4: memref<10240x128xf32, #tpu.memory_space<hbm>>, %arg5: memref<10240x128xf32, #tpu.memory_space<hbm>>, %arg6: memref<80x128xi32, #tpu.memory_space<vmem>>, %arg7: memref<128x128xf32, #tpu.memory_space<vmem>>, %arg8: memref<128x128xf32, #tpu.memory_space<vmem>>, %arg9: memref<128x128xf32, #tpu.memory_space<vmem>>, %arg10: memref<128x128xf32, #tpu.memory_space<vmem>>, %arg11: memref<4x128xf32, #tpu.memory_space<vmem>>, %arg12: memref<4x128xf32, #tpu.memory_space<vmem>>, %arg13: memref<!tpu.dma_semaphore, #tpu.memory_space<semaphore_mem>>, %arg14: memref<!tpu.dma_semaphore, #tpu.memory_space<semaphore_mem>>, %arg15: memref<!tpu.dma_semaphore, #tpu.memory_space<semaphore_mem>>, %arg16: memref<!tpu.dma_semaphore, #tpu.memory_space<semaphore_mem>>) attributes {dimension_semantics = [#tpu.dimension_semantics<core_parallel>, #tpu.dimension_semantics<subcore_parallel>], iteration_bounds = array<i64: 2, 16>, scalar_prefetch = 0 : i64, scratch_operands = 11 : i64, tpu.core_type = #tpu.core_type<sc_vector_subcore>, window_params = [{transform_indices = #map}, {transform_indices = #map}, {transform_indices = #map}, {transform_indices = #map}]} {
    %mul3A = arith.constant 2 : i32
    %mul3A_0 = arith.muli %arg1, %mul3A : i32
    %add3A = arith.addi %mul3A_0, %arg0 : i32
    %mul3A_1 = arith.constant 80 : i32
    %mul3A_2 = arith.muli %add3A, %mul3A_1 : i32
    "tpu.region"() ({
      %run_scoped3A = tpu.sem_alloc : memref<!tpu.dma_semaphore, #tpu.memory_space<semaphore_mem>>
      %dma_start3A_51 = arith.constant 0 : i32
      %dma_start3A_52 = tpu.memref_slice %arg3[%mul3A_2, %dma_start3A_51] : memref<2560x128xi32, #tpu.memory_space<hbm>> -> memref<80x128xi32, #tpu.memory_space<hbm>>
      %dma_start3A_53 = arith.constant 0 : i32
      %dma_start3A_54 = tpu.memref_slice %arg3[%mul3A_2, %dma_start3A_53] : memref<2560x128xi32, #tpu.memory_space<hbm>> -> memref<80x128xi32, #tpu.memory_space<hbm>>
      tpu.enqueue_dma source(%dma_start3A_54 : memref<80x128xi32, #tpu.memory_space<hbm>>) target(%arg6 : memref<80x128xi32, #tpu.memory_space<vmem>>) target_semaphore(%run_scoped3A : memref<!tpu.dma_semaphore, #tpu.memory_space<semaphore_mem>>)
      %dma_wait3A_55 = arith.constant 0 : i32
      %dma_wait3A_56 = tpu.memref_slice %arg3[%mul3A_2, %dma_wait3A_55] : memref<2560x128xi32, #tpu.memory_space<hbm>> -> memref<80x128xi32, #tpu.memory_space<hbm>>
      %dma_wait3A_57 = arith.constant 0 : i32
      %dma_wait3A_58 = tpu.memref_slice %arg3[%mul3A_2, %dma_wait3A_57] : memref<2560x128xi32, #tpu.memory_space<hbm>> -> memref<80x128xi32, #tpu.memory_space<hbm>>
      tpu.wait_dma2 semaphore(%run_scoped3A : memref<!tpu.dma_semaphore, #tpu.memory_space<semaphore_mem>>) src(%dma_wait3A_58 : memref<80x128xi32, #tpu.memory_space<hbm>>) dst(%arg6 : memref<80x128xi32, #tpu.memory_space<vmem>>)
      tpu.yield
    }) : () -> ()
    %mul3A_3 = arith.constant 80 : i32
    %mul3A_4 = arith.muli %add3A, %mul3A_3 : i32
    %add3A_5 = arith.constant 0 : i32
    %add3A_6 = arith.addi %mul3A_4, %add3A_5 : i32
    %mul3A_7 = arith.constant 128 : i32
    %mul3A_8 = arith.muli %add3A_6, %mul3A_7 : i32
    %dma_start3A = arith.constant 0 : i32
    %dma_start3A_9 = tpu.memref_slice %arg2[%mul3A_8, %dma_start3A] : memref<327680x128xf32, #tpu.memory_space<hbm>> -> memref<128x128xf32, #tpu.memory_space<hbm>>
    %dma_start3A_10 = arith.constant 0 : i32
    %dma_start3A_11 = tpu.memref_slice %arg2[%mul3A_8, %dma_start3A_10] : memref<327680x128xf32, #tpu.memory_space<hbm>> -> memref<128x128xf32, #tpu.memory_space<hbm>>
    tpu.enqueue_dma source(%dma_start3A_11 : memref<128x128xf32, #tpu.memory_space<hbm>>) target(%arg7 : memref<128x128xf32, #tpu.memory_space<vmem>>) target_semaphore(%arg13 : memref<!tpu.dma_semaphore, #tpu.memory_space<semaphore_mem>>)
    %dma_start3A_12 = arith.constant 0 : i32
    %dma_start3A_13 = arith.constant 0 : i32
    %dma_start3A_14 = tpu.memref_slice %arg6[%dma_start3A_12, %dma_start3A_13] : memref<80x128xi32, #tpu.memory_space<vmem>> -> memref<1x128xi32, #tpu.memory_space<vmem>>
    %dma_start3A_15 = tpu.memref_squeeze %dma_start3A_14 : memref<1x128xi32, #tpu.memory_space<vmem>> -> memref<128xi32, #tpu.memory_space<vmem>>
    %dma_start3A_16 = arith.constant 0 : i32
    %dma_start3A_17 = arith.constant 0 : i32
    %dma_start3A_18 = tpu.memref_slice %arg4[%dma_start3A_16, %dma_start3A_17] : memref<10240x128xf32, #tpu.memory_space<hbm>> -> memref<10240x128xf32, #tpu.memory_space<hbm>>
    tpu.enqueue_indirect_dma source(%dma_start3A_18 : memref<10240x128xf32, #tpu.memory_space<hbm>>) target(%arg9 : memref<128x128xf32, #tpu.memory_space<vmem>>) offsets(%dma_start3A_15 : memref<128xi32, #tpu.memory_space<vmem>>) semaphore(%arg13 : memref<!tpu.dma_semaphore, #tpu.memory_space<semaphore_mem>>)
    %mul3A_19 = arith.constant 80 : i32
    %mul3A_20 = arith.muli %add3A, %mul3A_19 : i32
    %add3A_21 = arith.constant 1 : i32
    %add3A_22 = arith.addi %mul3A_20, %add3A_21 : i32
    %mul3A_23 = arith.constant 128 : i32
    %mul3A_24 = arith.muli %add3A_22, %mul3A_23 : i32
    %dma_start3A_25 = arith.constant 0 : i32
    %dma_start3A_26 = tpu.memref_slice %arg2[%mul3A_24, %dma_start3A_25] : memref<327680x128xf32, #tpu.memory_space<hbm>> -> memref<128x128xf32, #tpu.memory_space<hbm>>
    %dma_start3A_27 = arith.constant 0 : i32
    %dma_start3A_28 = tpu.memref_slice %arg2[%mul3A_24, %dma_start3A_27] : memref<327680x128xf32, #tpu.memory_space<hbm>> -> memref<128x128xf32, #tpu.memory_space<hbm>>
    tpu.enqueue_dma source(%dma_start3A_28 : memref<128x128xf32, #tpu.memory_space<hbm>>) target(%arg8 : memref<128x128xf32, #tpu.memory_space<vmem>>) target_semaphore(%arg14 : memref<!tpu.dma_semaphore, #tpu.memory_space<semaphore_mem>>)
    %dma_start3A_29 = arith.constant 1 : i32
    %dma_start3A_30 = arith.constant 0 : i32
    %dma_start3A_31 = tpu.memref_slice %arg6[%dma_start3A_29, %dma_start3A_30] : memref<80x128xi32, #tpu.memory_space<vmem>> -> memref<1x128xi32, #tpu.memory_space<vmem>>
    %dma_start3A_32 = tpu.memref_squeeze %dma_start3A_31 : memref<1x128xi32, #tpu.memory_space<vmem>> -> memref<128xi32, #tpu.memory_space<vmem>>
    %dma_start3A_33 = arith.constant 0 : i32
    %dma_start3A_34 = arith.constant 0 : i32
    %dma_start3A_35 = tpu.memref_slice %arg4[%dma_start3A_33, %dma_start3A_34] : memref<10240x128xf32, #tpu.memory_space<hbm>> -> memref<10240x128xf32, #tpu.memory_space<hbm>>
    tpu.enqueue_indirect_dma source(%dma_start3A_35 : memref<10240x128xf32, #tpu.memory_space<hbm>>) target(%arg10 : memref<128x128xf32, #tpu.memory_space<vmem>>) offsets(%dma_start3A_32 : memref<128xi32, #tpu.memory_space<vmem>>) semaphore(%arg14 : memref<!tpu.dma_semaphore, #tpu.memory_space<semaphore_mem>>)
    %scan3A = arith.constant 0 : i32
    %scan3A_36 = arith.constant 40 : i32
    %scan3A_37 = arith.addi %scan3A, %scan3A_36 : i32
    %scan3A_38 = arith.constant 1 : i32
    scf.for %scan3A_51 = %scan3A to %scan3A_37 step %scan3A_38  : i32 {
      %mul3A_52 = arith.constant 2 : i32
      %mul3A_53 = arith.muli %scan3A_51, %mul3A_52 : i32
      %add3A_54 = arith.constant 0 : i32
      %add3A_55 = arith.addi %add3A_54, %mul3A_53 : i32
      %add3A_56 = arith.constant 0 : i32
      %add3A_57 = arith.addi %add3A_55, %add3A_56 : i32
      %dma_wait3A_58 = arith.constant 0 : i32
      %dma_wait3A_59 = arith.constant 0 : i32
      %dma_wait3A_60 = tpu.memref_slice %arg2[%dma_wait3A_58, %dma_wait3A_59] : memref<327680x128xf32, #tpu.memory_space<hbm>> -> memref<128x128xf32, #tpu.memory_space<hbm>>
      %dma_wait3A_61 = arith.constant 0 : i32
      %dma_wait3A_62 = arith.constant 0 : i32
      %dma_wait3A_63 = tpu.memref_slice %arg2[%dma_wait3A_61, %dma_wait3A_62] : memref<327680x128xf32, #tpu.memory_space<hbm>> -> memref<128x128xf32, #tpu.memory_space<hbm>>
      tpu.wait_dma2 semaphore(%arg13 : memref<!tpu.dma_semaphore, #tpu.memory_space<semaphore_mem>>) src(%dma_wait3A_63 : memref<128x128xf32, #tpu.memory_space<hbm>>) dst(%arg7 : memref<128x128xf32, #tpu.memory_space<vmem>>)
      %dma_wait3A_64 = arith.constant 0 : i32
      %dma_wait3A_65 = arith.constant 0 : i32
      %dma_wait3A_66 = tpu.memref_slice %arg4[%dma_wait3A_64, %dma_wait3A_65] : memref<10240x128xf32, #tpu.memory_space<hbm>> -> memref<128x128xf32, #tpu.memory_space<hbm>>
      %dma_wait3A_67 = arith.constant 0 : i32
      %dma_wait3A_68 = arith.constant 0 : i32
      %dma_wait3A_69 = tpu.memref_slice %arg4[%dma_wait3A_67, %dma_wait3A_68] : memref<10240x128xf32, #tpu.memory_space<hbm>> -> memref<128x128xf32, #tpu.memory_space<hbm>>
      tpu.wait_dma2 semaphore(%arg13 : memref<!tpu.dma_semaphore, #tpu.memory_space<semaphore_mem>>) src(%dma_wait3A_69 : memref<128x128xf32, #tpu.memory_space<hbm>>) dst(%arg9 : memref<128x128xf32, #tpu.memory_space<vmem>>)
      %ge3A = arith.constant 2 : i32
      %ge3A_70 = arith.cmpi sge, %add3A_57, %ge3A : i32
      %convert_element_type3A = arith.extui %ge3A_70 : i1 to i32
      %cond3A = arith.constant 0 : i32
      %cond3A_71 = arith.cmpi ne, %convert_element_type3A, %cond3A : i32
      scf.if %cond3A_71 {
        %dma_wait3A_132 = arith.constant 0 : i32
        %dma_wait3A_133 = arith.constant 0 : i32
        %dma_wait3A_134 = tpu.memref_slice %arg5[%dma_wait3A_132, %dma_wait3A_133] : memref<10240x128xf32, #tpu.memory_space<hbm>> -> memref<4x128xf32, #tpu.memory_space<hbm>>
        %dma_wait3A_135 = arith.constant 0 : i32
        %dma_wait3A_136 = arith.constant 0 : i32
        %dma_wait3A_137 = tpu.memref_slice %arg5[%dma_wait3A_135, %dma_wait3A_136] : memref<10240x128xf32, #tpu.memory_space<hbm>> -> memref<4x128xf32, #tpu.memory_space<hbm>>
        tpu.wait_dma2 semaphore(%arg15 : memref<!tpu.dma_semaphore, #tpu.memory_space<semaphore_mem>>) src(%arg11 : memref<4x128xf32, #tpu.memory_space<vmem>>) dst(%dma_wait3A_137 : memref<4x128xf32, #tpu.memory_space<hbm>>)
      } else {
      }
      %scan3A_72 = arith.constant 0 : i32
      %scan3A_73 = arith.constant 4 : i32
      %scan3A_74 = arith.addi %scan3A_72, %scan3A_73 : i32
      %scan3A_75 = arith.constant 1 : i32
      scf.for %scan3A_132 = %scan3A_72 to %scan3A_74 step %scan3A_75  : i32 {
        %mul3A_133 = arith.constant 1 : i32
        %mul3A_134 = arith.muli %scan3A_132, %mul3A_133 : i32
        %add3A_135 = arith.constant 0 : i32
        %add3A_136 = arith.addi %add3A_135, %mul3A_134 : i32
        %scan3A_137 = arith.constant 0 : i32
        %scan3A_138 = arith.constant 8 : i32
        %scan3A_139 = arith.addi %scan3A_137, %scan3A_138 : i32
        %scan3A_140 = arith.constant 1 : i32
        scf.for %scan3A_142 = %scan3A_137 to %scan3A_139 step %scan3A_140  : i32 {
          %mul3A_143 = arith.constant 16 : i32
          %mul3A_144 = arith.muli %scan3A_142, %mul3A_143 : i32
          %add3A_145 = arith.constant 0 : i32
          %add3A_146 = arith.addi %add3A_145, %mul3A_144 : i32
          %broadcast_in_dim3A = arith.constant 0.000000e+00 : f32
          %broadcast_in_dim3A_147 = vector.broadcast %broadcast_in_dim3A : f32 to vector<1x16xf32>
          %mul3A_148 = arith.constant 32 : i32
          %mul3A_149 = arith.muli %add3A_136, %mul3A_148 : i32
          %add3A_150 = arith.constant 0 : i32
          %add3A_151 = arith.addi %mul3A_149, %add3A_150 : i32
          %get3A = arith.index_cast %add3A_151 : i32 to index
          %get3A_152 = arith.index_cast %add3A_146 : i32 to index
          %get3A_153 = tpu.vector_load %arg7[%get3A, %get3A_152] {strides = array<i32>} : memref<128x128xf32, #tpu.memory_space<vmem>>, vector<1x16xf32>,
          %get3A_154 = vector.shape_cast %get3A_153 : vector<1x16xf32> to vector<1x16xf32>
          %get3A_155 = arith.index_cast %add3A_151 : i32 to index
          %get3A_156 = arith.index_cast %add3A_146 : i32 to index
          %get3A_157 = tpu.vector_load %arg9[%get3A_155, %get3A_156] {strides = array<i32>} : memref<128x128xf32, #tpu.memory_space<vmem>>, vector<1x16xf32>,
          %get3A_158 = vector.shape_cast %get3A_157 : vector<1x16xf32> to vector<1x16xf32>
          %mul3A_159 = arith.mulf %get3A_154, %get3A_158 : vector<1x16xf32>
          %add3A_160 = arith.addf %broadcast_in_dim3A_147, %mul3A_159 : vector<1x16xf32>
          %mul3A_161 = arith.constant 32 : i32
          %mul3A_162 = arith.muli %add3A_136, %mul3A_161 : i32
          %add3A_163 = arith.constant 1 : i32
          %add3A_164 = arith.addi %mul3A_162, %add3A_163 : i32
          %get3A_165 = arith.index_cast %add3A_164 : i32 to index
          %get3A_166 = arith.index_cast %add3A_146 : i32 to index
          %get3A_167 = tpu.vector_load %arg7[%get3A_165, %get3A_166] {strides = array<i32>} : memref<128x128xf32, #tpu.memory_space<vmem>>, vector<1x16xf32>,
          %get3A_168 = vector.shape_cast %get3A_167 : vector<1x16xf32> to vector<1x16xf32>
          %get3A_169 = arith.index_cast %add3A_164 : i32 to index
          %get3A_170 = arith.index_cast %add3A_146 : i32 to index
          %get3A_171 = tpu.vector_load %arg9[%get3A_169, %get3A_170] {strides = array<i32>} : memref<128x128xf32, #tpu.memory_space<vmem>>, vector<1x16xf32>,
          %get3A_172 = vector.shape_cast %get3A_171 : vector<1x16xf32> to vector<1x16xf32>
          %mul3A_173 = arith.mulf %get3A_168, %get3A_172 : vector<1x16xf32>
          %add3A_174 = arith.addf %add3A_160, %mul3A_173 : vector<1x16xf32>
          %mul3A_175 = arith.constant 32 : i32
          %mul3A_176 = arith.muli %add3A_136, %mul3A_175 : i32
          %add3A_177 = arith.constant 2 : i32
          %add3A_178 = arith.addi %mul3A_176, %add3A_177 : i32
          %get3A_179 = arith.index_cast %add3A_178 : i32 to index
          %get3A_180 = arith.index_cast %add3A_146 : i32 to index
          %get3A_181 = tpu.vector_load %arg7[%get3A_179, %get3A_180] {strides = array<i32>} : memref<128x128xf32, #tpu.memory_space<vmem>>, vector<1x16xf32>,
          %get3A_182 = vector.shape_cast %get3A_181 : vector<1x16xf32> to vector<1x16xf32>
          %get3A_183 = arith.index_cast %add3A_178 : i32 to index
          %get3A_184 = arith.index_cast %add3A_146 : i32 to index
          %get3A_185 = tpu.vector_load %arg9[%get3A_183, %get3A_184] {strides = array<i32>} : memref<128x128xf32, #tpu.memory_space<vmem>>, vector<1x16xf32>,
          %get3A_186 = vector.shape_cast %get3A_185 : vector<1x16xf32> to vector<1x16xf32>
          %mul3A_187 = arith.mulf %get3A_182, %get3A_186 : vector<1x16xf32>
          %add3A_188 = arith.addf %add3A_174, %mul3A_187 : vector<1x16xf32>
          %mul3A_189 = arith.constant 32 : i32
          %mul3A_190 = arith.muli %add3A_136, %mul3A_189 : i32
          %add3A_191 = arith.constant 3 : i32
          %add3A_192 = arith.addi %mul3A_190, %add3A_191 : i32
          %get3A_193 = arith.index_cast %add3A_192 : i32 to index
          %get3A_194 = arith.index_cast %add3A_146 : i32 to index
          %get3A_195 = tpu.vector_load %arg7[%get3A_193, %get3A_194] {strides = array<i32>} : memref<128x128xf32, #tpu.memory_space<vmem>>, vector<1x16xf32>,
          %get3A_196 = vector.shape_cast %get3A_195 : vector<1x16xf32> to vector<1x16xf32>
          %get3A_197 = arith.index_cast %add3A_192 : i32 to index
          %get3A_198 = arith.index_cast %add3A_146 : i32 to index
          %get3A_199 = tpu.vector_load %arg9[%get3A_197, %get3A_198] {strides = array<i32>} : memref<128x128xf32, #tpu.memory_space<vmem>>, vector<1x16xf32>,
          %get3A_200 = vector.shape_cast %get3A_199 : vector<1x16xf32> to vector<1x16xf32>
          %mul3A_201 = arith.mulf %get3A_196, %get3A_200 : vector<1x16xf32>
          %add3A_202 = arith.addf %add3A_188, %mul3A_201 : vector<1x16xf32>
          %mul3A_203 = arith.constant 32 : i32
          %mul3A_204 = arith.muli %add3A_136, %mul3A_203 : i32
          %add3A_205 = arith.constant 4 : i32
          %add3A_206 = arith.addi %mul3A_204, %add3A_205 : i32
          %get3A_207 = arith.index_cast %add3A_206 : i32 to index
          %get3A_208 = arith.index_cast %add3A_146 : i32 to index
          %get3A_209 = tpu.vector_load %arg7[%get3A_207, %get3A_208] {strides = array<i32>} : memref<128x128xf32, #tpu.memory_space<vmem>>, vector<1x16xf32>,
          %get3A_210 = vector.shape_cast %get3A_209 : vector<1x16xf32> to vector<1x16xf32>
          %get3A_211 = arith.index_cast %add3A_206 : i32 to index
          %get3A_212 = arith.index_cast %add3A_146 : i32 to index
          %get3A_213 = tpu.vector_load %arg9[%get3A_211, %get3A_212] {strides = array<i32>} : memref<128x128xf32, #tpu.memory_space<vmem>>, vector<1x16xf32>,
          %get3A_214 = vector.shape_cast %get3A_213 : vector<1x16xf32> to vector<1x16xf32>
          %mul3A_215 = arith.mulf %get3A_210, %get3A_214 : vector<1x16xf32>
          %add3A_216 = arith.addf %add3A_202, %mul3A_215 : vector<1x16xf32>
          %mul3A_217 = arith.constant 32 : i32
          %mul3A_218 = arith.muli %add3A_136, %mul3A_217 : i32
          %add3A_219 = arith.constant 5 : i32
          %add3A_220 = arith.addi %mul3A_218, %add3A_219 : i32
          %get3A_221 = arith.index_cast %add3A_220 : i32 to index
          %get3A_222 = arith.index_cast %add3A_146 : i32 to index
          %get3A_223 = tpu.vector_load %arg7[%get3A_221, %get3A_222] {strides = array<i32>} : memref<128x128xf32, #tpu.memory_space<vmem>>, vector<1x16xf32>,
          %get3A_224 = vector.shape_cast %get3A_223 : vector<1x16xf32> to vector<1x16xf32>
          %get3A_225 = arith.index_cast %add3A_220 : i32 to index
          %get3A_226 = arith.index_cast %add3A_146 : i32 to index
          %get3A_227 = tpu.vector_load %arg9[%get3A_225, %get3A_226] {strides = array<i32>} : memref<128x128xf32, #tpu.memory_space<vmem>>, vector<1x16xf32>,
          %get3A_228 = vector.shape_cast %get3A_227 : vector<1x16xf32> to vector<1x16xf32>
          %mul3A_229 = arith.mulf %get3A_224, %get3A_228 : vector<1x16xf32>
          %add3A_230 = arith.addf %add3A_216, %mul3A_229 : vector<1x16xf32>
          %mul3A_231 = arith.constant 32 : i32
          %mul3A_232 = arith.muli %add3A_136, %mul3A_231 : i32
          %add3A_233 = arith.constant 6 : i32
          %add3A_234 = arith.addi %mul3A_232, %add3A_233 : i32
          %get3A_235 = arith.index_cast %add3A_234 : i32 to index
          %get3A_236 = arith.index_cast %add3A_146 : i32 to index
          %get3A_237 = tpu.vector_load %arg7[%get3A_235, %get3A_236] {strides = array<i32>} : memref<128x128xf32, #tpu.memory_space<vmem>>, vector<1x16xf32>,
          %get3A_238 = vector.shape_cast %get3A_237 : vector<1x16xf32> to vector<1x16xf32>
          %get3A_239 = arith.index_cast %add3A_234 : i32 to index
          %get3A_240 = arith.index_cast %add3A_146 : i32 to index
          %get3A_241 = tpu.vector_load %arg9[%get3A_239, %get3A_240] {strides = array<i32>} : memref<128x128xf32, #tpu.memory_space<vmem>>, vector<1x16xf32>,
          %get3A_242 = vector.shape_cast %get3A_241 : vector<1x16xf32> to vector<1x16xf32>
          %mul3A_243 = arith.mulf %get3A_238, %get3A_242 : vector<1x16xf32>
          %add3A_244 = arith.addf %add3A_230, %mul3A_243 : vector<1x16xf32>
          %mul3A_245 = arith.constant 32 : i32
          %mul3A_246 = arith.muli %add3A_136, %mul3A_245 : i32
          %add3A_247 = arith.constant 7 : i32
          %add3A_248 = arith.addi %mul3A_246, %add3A_247 : i32
          %get3A_249 = arith.index_cast %add3A_248 : i32 to index
          %get3A_250 = arith.index_cast %add3A_146 : i32 to index
          %get3A_251 = tpu.vector_load %arg7[%get3A_249, %get3A_250] {strides = array<i32>} : memref<128x128xf32, #tpu.memory_space<vmem>>, vector<1x16xf32>,
          %get3A_252 = vector.shape_cast %get3A_251 : vector<1x16xf32> to vector<1x16xf32>
          %get3A_253 = arith.index_cast %add3A_248 : i32 to index
          %get3A_254 = arith.index_cast %add3A_146 : i32 to index
          %get3A_255 = tpu.vector_load %arg9[%get3A_253, %get3A_254] {strides = array<i32>} : memref<128x128xf32, #tpu.memory_space<vmem>>, vector<1x16xf32>,
          %get3A_256 = vector.shape_cast %get3A_255 : vector<1x16xf32> to vector<1x16xf32>
          %mul3A_257 = arith.mulf %get3A_252, %get3A_256 : vector<1x16xf32>
          %add3A_258 = arith.addf %add3A_244, %mul3A_257 : vector<1x16xf32>
          %mul3A_259 = arith.constant 32 : i32
          %mul3A_260 = arith.muli %add3A_136, %mul3A_259 : i32
          %add3A_261 = arith.constant 8 : i32
          %add3A_262 = arith.addi %mul3A_260, %add3A_261 : i32
          %get3A_263 = arith.index_cast %add3A_262 : i32 to index
          %get3A_264 = arith.index_cast %add3A_146 : i32 to index
          %get3A_265 = tpu.vector_load %arg7[%get3A_263, %get3A_264] {strides = array<i32>} : memref<128x128xf32, #tpu.memory_space<vmem>>, vector<1x16xf32>,
          %get3A_266 = vector.shape_cast %get3A_265 : vector<1x16xf32> to vector<1x16xf32>
          %get3A_267 = arith.index_cast %add3A_262 : i32 to index
          %get3A_268 = arith.index_cast %add3A_146 : i32 to index
          %get3A_269 = tpu.vector_load %arg9[%get3A_267, %get3A_268] {strides = array<i32>} : memref<128x128xf32, #tpu.memory_space<vmem>>, vector<1x16xf32>,
          %get3A_270 = vector.shape_cast %get3A_269 : vector<1x16xf32> to vector<1x16xf32>
          %mul3A_271 = arith.mulf %get3A_266, %get3A_270 : vector<1x16xf32>
          %add3A_272 = arith.addf %add3A_258, %mul3A_271 : vector<1x16xf32>
          %mul3A_273 = arith.constant 32 : i32
          %mul3A_274 = arith.muli %add3A_136, %mul3A_273 : i32
          %add3A_275 = arith.constant 9 : i32
          %add3A_276 = arith.addi %mul3A_274, %add3A_275 : i32
          %get3A_277 = arith.index_cast %add3A_276 : i32 to index
          %get3A_278 = arith.index_cast %add3A_146 : i32 to index
          %get3A_279 = tpu.vector_load %arg7[%get3A_277, %get3A_278] {strides = array<i32>} : memref<128x128xf32, #tpu.memory_space<vmem>>, vector<1x16xf32>,
          %get3A_280 = vector.shape_cast %get3A_279 : vector<1x16xf32> to vector<1x16xf32>
          %get3A_281 = arith.index_cast %add3A_276 : i32 to index
          %get3A_282 = arith.index_cast %add3A_146 : i32 to index
          %get3A_283 = tpu.vector_load %arg9[%get3A_281, %get3A_282] {strides = array<i32>} : memref<128x128xf32, #tpu.memory_space<vmem>>, vector<1x16xf32>,
          %get3A_284 = vector.shape_cast %get3A_283 : vector<1x16xf32> to vector<1x16xf32>
          %mul3A_285 = arith.mulf %get3A_280, %get3A_284 : vector<1x16xf32>
          %add3A_286 = arith.addf %add3A_272, %mul3A_285 : vector<1x16xf32>
          %mul3A_287 = arith.constant 32 : i32
          %mul3A_288 = arith.muli %add3A_136, %mul3A_287 : i32
          %add3A_289 = arith.constant 10 : i32
          %add3A_290 = arith.addi %mul3A_288, %add3A_289 : i32
          %get3A_291 = arith.index_cast %add3A_290 : i32 to index
          %get3A_292 = arith.index_cast %add3A_146 : i32 to index
          %get3A_293 = tpu.vector_load %arg7[%get3A_291, %get3A_292] {strides = array<i32>} : memref<128x128xf32, #tpu.memory_space<vmem>>, vector<1x16xf32>,
          %get3A_294 = vector.shape_cast %get3A_293 : vector<1x16xf32> to vector<1x16xf32>
          %get3A_295 = arith.index_cast %add3A_290 : i32 to index
          %get3A_296 = arith.index_cast %add3A_146 : i32 to index
          %get3A_297 = tpu.vector_load %arg9[%get3A_295, %get3A_296] {strides = array<i32>} : memref<128x128xf32, #tpu.memory_space<vmem>>, vector<1x16xf32>,
          %get3A_298 = vector.shape_cast %get3A_297 : vector<1x16xf32> to vector<1x16xf32>
          %mul3A_299 = arith.mulf %get3A_294, %get3A_298 : vector<1x16xf32>
          %add3A_300 = arith.addf %add3A_286, %mul3A_299 : vector<1x16xf32>
          %mul3A_301 = arith.constant 32 : i32
          %mul3A_302 = arith.muli %add3A_136, %mul3A_301 : i32
          %add3A_303 = arith.constant 11 : i32
          %add3A_304 = arith.addi %mul3A_302, %add3A_303 : i32
          %get3A_305 = arith.index_cast %add3A_304 : i32 to index
          %get3A_306 = arith.index_cast %add3A_146 : i32 to index
          %get3A_307 = tpu.vector_load %arg7[%get3A_305, %get3A_306] {strides = array<i32>} : memref<128x128xf32, #tpu.memory_space<vmem>>, vector<1x16xf32>,
          %get3A_308 = vector.shape_cast %get3A_307 : vector<1x16xf32> to vector<1x16xf32>
          %get3A_309 = arith.index_cast %add3A_304 : i32 to index
          %get3A_310 = arith.index_cast %add3A_146 : i32 to index
          %get3A_311 = tpu.vector_load %arg9[%get3A_309, %get3A_310] {strides = array<i32>} : memref<128x128xf32, #tpu.memory_space<vmem>>, vector<1x16xf32>,
          %get3A_312 = vector.shape_cast %get3A_311 : vector<1x16xf32> to vector<1x16xf32>
          %mul3A_313 = arith.mulf %get3A_308, %get3A_312 : vector<1x16xf32>
          %add3A_314 = arith.addf %add3A_300, %mul3A_313 : vector<1x16xf32>
          %mul3A_315 = arith.constant 32 : i32
          %mul3A_316 = arith.muli %add3A_136, %mul3A_315 : i32
          %add3A_317 = arith.constant 12 : i32
          %add3A_318 = arith.addi %mul3A_316, %add3A_317 : i32
          %get3A_319 = arith.index_cast %add3A_318 : i32 to index
          %get3A_320 = arith.index_cast %add3A_146 : i32 to index
          %get3A_321 = tpu.vector_load %arg7[%get3A_319, %get3A_320] {strides = array<i32>} : memref<128x128xf32, #tpu.memory_space<vmem>>, vector<1x16xf32>,
          %get3A_322 = vector.shape_cast %get3A_321 : vector<1x16xf32> to vector<1x16xf32>
          %get3A_323 = arith.index_cast %add3A_318 : i32 to index
          %get3A_324 = arith.index_cast %add3A_146 : i32 to index
          %get3A_325 = tpu.vector_load %arg9[%get3A_323, %get3A_324] {strides = array<i32>} : memref<128x128xf32, #tpu.memory_space<vmem>>, vector<1x16xf32>,
          %get3A_326 = vector.shape_cast %get3A_325 : vector<1x16xf32> to vector<1x16xf32>
          %mul3A_327 = arith.mulf %get3A_322, %get3A_326 : vector<1x16xf32>
          %add3A_328 = arith.addf %add3A_314, %mul3A_327 : vector<1x16xf32>
          %mul3A_329 = arith.constant 32 : i32
          %mul3A_330 = arith.muli %add3A_136, %mul3A_329 : i32
          %add3A_331 = arith.constant 13 : i32
          %add3A_332 = arith.addi %mul3A_330, %add3A_331 : i32
          %get3A_333 = arith.index_cast %add3A_332 : i32 to index
          %get3A_334 = arith.index_cast %add3A_146 : i32 to index
          %get3A_335 = tpu.vector_load %arg7[%get3A_333, %get3A_334] {strides = array<i32>} : memref<128x128xf32, #tpu.memory_space<vmem>>, vector<1x16xf32>,
          %get3A_336 = vector.shape_cast %get3A_335 : vector<1x16xf32> to vector<1x16xf32>
          %get3A_337 = arith.index_cast %add3A_332 : i32 to index
          %get3A_338 = arith.index_cast %add3A_146 : i32 to index
          %get3A_339 = tpu.vector_load %arg9[%get3A_337, %get3A_338] {strides = array<i32>} : memref<128x128xf32, #tpu.memory_space<vmem>>, vector<1x16xf32>,
          %get3A_340 = vector.shape_cast %get3A_339 : vector<1x16xf32> to vector<1x16xf32>
          %mul3A_341 = arith.mulf %get3A_336, %get3A_340 : vector<1x16xf32>
          %add3A_342 = arith.addf %add3A_328, %mul3A_341 : vector<1x16xf32>
          %mul3A_343 = arith.constant 32 : i32
          %mul3A_344 = arith.muli %add3A_136, %mul3A_343 : i32
          %add3A_345 = arith.constant 14 : i32
          %add3A_346 = arith.addi %mul3A_344, %add3A_345 : i32
          %get3A_347 = arith.index_cast %add3A_346 : i32 to index
          %get3A_348 = arith.index_cast %add3A_146 : i32 to index
          %get3A_349 = tpu.vector_load %arg7[%get3A_347, %get3A_348] {strides = array<i32>} : memref<128x128xf32, #tpu.memory_space<vmem>>, vector<1x16xf32>,
          %get3A_350 = vector.shape_cast %get3A_349 : vector<1x16xf32> to vector<1x16xf32>
          %get3A_351 = arith.index_cast %add3A_346 : i32 to index
          %get3A_352 = arith.index_cast %add3A_146 : i32 to index
          %get3A_353 = tpu.vector_load %arg9[%get3A_351, %get3A_352] {strides = array<i32>} : memref<128x128xf32, #tpu.memory_space<vmem>>, vector<1x16xf32>,
          %get3A_354 = vector.shape_cast %get3A_353 : vector<1x16xf32> to vector<1x16xf32>
          %mul3A_355 = arith.mulf %get3A_350, %get3A_354 : vector<1x16xf32>
          %add3A_356 = arith.addf %add3A_342, %mul3A_355 : vector<1x16xf32>
          %mul3A_357 = arith.constant 32 : i32
          %mul3A_358 = arith.muli %add3A_136, %mul3A_357 : i32
          %add3A_359 = arith.constant 15 : i32
          %add3A_360 = arith.addi %mul3A_358, %add3A_359 : i32
          %get3A_361 = arith.index_cast %add3A_360 : i32 to index
          %get3A_362 = arith.index_cast %add3A_146 : i32 to index
          %get3A_363 = tpu.vector_load %arg7[%get3A_361, %get3A_362] {strides = array<i32>} : memref<128x128xf32, #tpu.memory_space<vmem>>, vector<1x16xf32>,
          %get3A_364 = vector.shape_cast %get3A_363 : vector<1x16xf32> to vector<1x16xf32>
          %get3A_365 = arith.index_cast %add3A_360 : i32 to index
          %get3A_366 = arith.index_cast %add3A_146 : i32 to index
          %get3A_367 = tpu.vector_load %arg9[%get3A_365, %get3A_366] {strides = array<i32>} : memref<128x128xf32, #tpu.memory_space<vmem>>, vector<1x16xf32>,
          %get3A_368 = vector.shape_cast %get3A_367 : vector<1x16xf32> to vector<1x16xf32>
          %mul3A_369 = arith.mulf %get3A_364, %get3A_368 : vector<1x16xf32>
          %add3A_370 = arith.addf %add3A_356, %mul3A_369 : vector<1x16xf32>
          %mul3A_371 = arith.constant 32 : i32
          %mul3A_372 = arith.muli %add3A_136, %mul3A_371 : i32
          %add3A_373 = arith.constant 16 : i32
          %add3A_374 = arith.addi %mul3A_372, %add3A_373 : i32
          %get3A_375 = arith.index_cast %add3A_374 : i32 to index
          %get3A_376 = arith.index_cast %add3A_146 : i32 to index
          %get3A_377 = tpu.vector_load %arg7[%get3A_375, %get3A_376] {strides = array<i32>} : memref<128x128xf32, #tpu.memory_space<vmem>>, vector<1x16xf32>,
          %get3A_378 = vector.shape_cast %get3A_377 : vector<1x16xf32> to vector<1x16xf32>
          %get3A_379 = arith.index_cast %add3A_374 : i32 to index
          %get3A_380 = arith.index_cast %add3A_146 : i32 to index
          %get3A_381 = tpu.vector_load %arg9[%get3A_379, %get3A_380] {strides = array<i32>} : memref<128x128xf32, #tpu.memory_space<vmem>>, vector<1x16xf32>,
          %get3A_382 = vector.shape_cast %get3A_381 : vector<1x16xf32> to vector<1x16xf32>
          %mul3A_383 = arith.mulf %get3A_378, %get3A_382 : vector<1x16xf32>
          %add3A_384 = arith.addf %add3A_370, %mul3A_383 : vector<1x16xf32>
          %mul3A_385 = arith.constant 32 : i32
          %mul3A_386 = arith.muli %add3A_136, %mul3A_385 : i32
          %add3A_387 = arith.constant 17 : i32
          %add3A_388 = arith.addi %mul3A_386, %add3A_387 : i32
          %get3A_389 = arith.index_cast %add3A_388 : i32 to index
          %get3A_390 = arith.index_cast %add3A_146 : i32 to index
          %get3A_391 = tpu.vector_load %arg7[%get3A_389, %get3A_390] {strides = array<i32>} : memref<128x128xf32, #tpu.memory_space<vmem>>, vector<1x16xf32>,
          %get3A_392 = vector.shape_cast %get3A_391 : vector<1x16xf32> to vector<1x16xf32>
          %get3A_393 = arith.index_cast %add3A_388 : i32 to index
          %get3A_394 = arith.index_cast %add3A_146 : i32 to index
          %get3A_395 = tpu.vector_load %arg9[%get3A_393, %get3A_394] {strides = array<i32>} : memref<128x128xf32, #tpu.memory_space<vmem>>, vector<1x16xf32>,
          %get3A_396 = vector.shape_cast %get3A_395 : vector<1x16xf32> to vector<1x16xf32>
          %mul3A_397 = arith.mulf %get3A_392, %get3A_396 : vector<1x16xf32>
          %add3A_398 = arith.addf %add3A_384, %mul3A_397 : vector<1x16xf32>
          %mul3A_399 = arith.constant 32 : i32
          %mul3A_400 = arith.muli %add3A_136, %mul3A_399 : i32
          %add3A_401 = arith.constant 18 : i32
          %add3A_402 = arith.addi %mul3A_400, %add3A_401 : i32
          %get3A_403 = arith.index_cast %add3A_402 : i32 to index
          %get3A_404 = arith.index_cast %add3A_146 : i32 to index
          %get3A_405 = tpu.vector_load %arg7[%get3A_403, %get3A_404] {strides = array<i32>} : memref<128x128xf32, #tpu.memory_space<vmem>>, vector<1x16xf32>,
          %get3A_406 = vector.shape_cast %get3A_405 : vector<1x16xf32> to vector<1x16xf32>
          %get3A_407 = arith.index_cast %add3A_402 : i32 to index
          %get3A_408 = arith.index_cast %add3A_146 : i32 to index
          %get3A_409 = tpu.vector_load %arg9[%get3A_407, %get3A_408] {strides = array<i32>} : memref<128x128xf32, #tpu.memory_space<vmem>>, vector<1x16xf32>,
          %get3A_410 = vector.shape_cast %get3A_409 : vector<1x16xf32> to vector<1x16xf32>
          %mul3A_411 = arith.mulf %get3A_406, %get3A_410 : vector<1x16xf32>
          %add3A_412 = arith.addf %add3A_398, %mul3A_411 : vector<1x16xf32>
          %mul3A_413 = arith.constant 32 : i32
          %mul3A_414 = arith.muli %add3A_136, %mul3A_413 : i32
          %add3A_415 = arith.constant 19 : i32
          %add3A_416 = arith.addi %mul3A_414, %add3A_415 : i32
          %get3A_417 = arith.index_cast %add3A_416 : i32 to index
          %get3A_418 = arith.index_cast %add3A_146 : i32 to index
          %get3A_419 = tpu.vector_load %arg7[%get3A_417, %get3A_418] {strides = array<i32>} : memref<128x128xf32, #tpu.memory_space<vmem>>, vector<1x16xf32>,
          %get3A_420 = vector.shape_cast %get3A_419 : vector<1x16xf32> to vector<1x16xf32>
          %get3A_421 = arith.index_cast %add3A_416 : i32 to index
          %get3A_422 = arith.index_cast %add3A_146 : i32 to index
          %get3A_423 = tpu.vector_load %arg9[%get3A_421, %get3A_422] {strides = array<i32>} : memref<128x128xf32, #tpu.memory_space<vmem>>, vector<1x16xf32>,
          %get3A_424 = vector.shape_cast %get3A_423 : vector<1x16xf32> to vector<1x16xf32>
          %mul3A_425 = arith.mulf %get3A_420, %get3A_424 : vector<1x16xf32>
          %add3A_426 = arith.addf %add3A_412, %mul3A_425 : vector<1x16xf32>
          %mul3A_427 = arith.constant 32 : i32
          %mul3A_428 = arith.muli %add3A_136, %mul3A_427 : i32
          %add3A_429 = arith.constant 20 : i32
          %add3A_430 = arith.addi %mul3A_428, %add3A_429 : i32
          %get3A_431 = arith.index_cast %add3A_430 : i32 to index
          %get3A_432 = arith.index_cast %add3A_146 : i32 to index
          %get3A_433 = tpu.vector_load %arg7[%get3A_431, %get3A_432] {strides = array<i32>} : memref<128x128xf32, #tpu.memory_space<vmem>>, vector<1x16xf32>,
          %get3A_434 = vector.shape_cast %get3A_433 : vector<1x16xf32> to vector<1x16xf32>
          %get3A_435 = arith.index_cast %add3A_430 : i32 to index
          %get3A_436 = arith.index_cast %add3A_146 : i32 to index
          %get3A_437 = tpu.vector_load %arg9[%get3A_435, %get3A_436] {strides = array<i32>} : memref<128x128xf32, #tpu.memory_space<vmem>>, vector<1x16xf32>,
          %get3A_438 = vector.shape_cast %get3A_437 : vector<1x16xf32> to vector<1x16xf32>
          %mul3A_439 = arith.mulf %get3A_434, %get3A_438 : vector<1x16xf32>
          %add3A_440 = arith.addf %add3A_426, %mul3A_439 : vector<1x16xf32>
          %mul3A_441 = arith.constant 32 : i32
          %mul3A_442 = arith.muli %add3A_136, %mul3A_441 : i32
          %add3A_443 = arith.constant 21 : i32
          %add3A_444 = arith.addi %mul3A_442, %add3A_443 : i32
          %get3A_445 = arith.index_cast %add3A_444 : i32 to index
          %get3A_446 = arith.index_cast %add3A_146 : i32 to index
          %get3A_447 = tpu.vector_load %arg7[%get3A_445, %get3A_446] {strides = array<i32>} : memref<128x128xf32, #tpu.memory_space<vmem>>, vector<1x16xf32>,
          %get3A_448 = vector.shape_cast %get3A_447 : vector<1x16xf32> to vector<1x16xf32>
          %get3A_449 = arith.index_cast %add3A_444 : i32 to index
          %get3A_450 = arith.index_cast %add3A_146 : i32 to index
          %get3A_451 = tpu.vector_load %arg9[%get3A_449, %get3A_450] {strides = array<i32>} : memref<128x128xf32, #tpu.memory_space<vmem>>, vector<1x16xf32>,
          %get3A_452 = vector.shape_cast %get3A_451 : vector<1x16xf32> to vector<1x16xf32>
          %mul3A_453 = arith.mulf %get3A_448, %get3A_452 : vector<1x16xf32>
          %add3A_454 = arith.addf %add3A_440, %mul3A_453 : vector<1x16xf32>
          %mul3A_455 = arith.constant 32 : i32
          %mul3A_456 = arith.muli %add3A_136, %mul3A_455 : i32
          %add3A_457 = arith.constant 22 : i32
          %add3A_458 = arith.addi %mul3A_456, %add3A_457 : i32
          %get3A_459 = arith.index_cast %add3A_458 : i32 to index
          %get3A_460 = arith.index_cast %add3A_146 : i32 to index
          %get3A_461 = tpu.vector_load %arg7[%get3A_459, %get3A_460] {strides = array<i32>} : memref<128x128xf32, #tpu.memory_space<vmem>>, vector<1x16xf32>,
          %get3A_462 = vector.shape_cast %get3A_461 : vector<1x16xf32> to vector<1x16xf32>
          %get3A_463 = arith.index_cast %add3A_458 : i32 to index
          %get3A_464 = arith.index_cast %add3A_146 : i32 to index
          %get3A_465 = tpu.vector_load %arg9[%get3A_463, %get3A_464] {strides = array<i32>} : memref<128x128xf32, #tpu.memory_space<vmem>>, vector<1x16xf32>,
          %get3A_466 = vector.shape_cast %get3A_465 : vector<1x16xf32> to vector<1x16xf32>
          %mul3A_467 = arith.mulf %get3A_462, %get3A_466 : vector<1x16xf32>
          %add3A_468 = arith.addf %add3A_454, %mul3A_467 : vector<1x16xf32>
          %mul3A_469 = arith.constant 32 : i32
          %mul3A_470 = arith.muli %add3A_136, %mul3A_469 : i32
          %add3A_471 = arith.constant 23 : i32
          %add3A_472 = arith.addi %mul3A_470, %add3A_471 : i32
          %get3A_473 = arith.index_cast %add3A_472 : i32 to index
          %get3A_474 = arith.index_cast %add3A_146 : i32 to index
          %get3A_475 = tpu.vector_load %arg7[%get3A_473, %get3A_474] {strides = array<i32>} : memref<128x128xf32, #tpu.memory_space<vmem>>, vector<1x16xf32>,
          %get3A_476 = vector.shape_cast %get3A_475 : vector<1x16xf32> to vector<1x16xf32>
          %get3A_477 = arith.index_cast %add3A_472 : i32 to index
          %get3A_478 = arith.index_cast %add3A_146 : i32 to index
          %get3A_479 = tpu.vector_load %arg9[%get3A_477, %get3A_478] {strides = array<i32>} : memref<128x128xf32, #tpu.memory_space<vmem>>, vector<1x16xf32>,
          %get3A_480 = vector.shape_cast %get3A_479 : vector<1x16xf32> to vector<1x16xf32>
          %mul3A_481 = arith.mulf %get3A_476, %get3A_480 : vector<1x16xf32>
          %add3A_482 = arith.addf %add3A_468, %mul3A_481 : vector<1x16xf32>
          %mul3A_483 = arith.constant 32 : i32
          %mul3A_484 = arith.muli %add3A_136, %mul3A_483 : i32
          %add3A_485 = arith.constant 24 : i32
          %add3A_486 = arith.addi %mul3A_484, %add3A_485 : i32
          %get3A_487 = arith.index_cast %add3A_486 : i32 to index
          %get3A_488 = arith.index_cast %add3A_146 : i32 to index
          %get3A_489 = tpu.vector_load %arg7[%get3A_487, %get3A_488] {strides = array<i32>} : memref<128x128xf32, #tpu.memory_space<vmem>>, vector<1x16xf32>,
          %get3A_490 = vector.shape_cast %get3A_489 : vector<1x16xf32> to vector<1x16xf32>
          %get3A_491 = arith.index_cast %add3A_486 : i32 to index
          %get3A_492 = arith.index_cast %add3A_146 : i32 to index
          %get3A_493 = tpu.vector_load %arg9[%get3A_491, %get3A_492] {strides = array<i32>} : memref<128x128xf32, #tpu.memory_space<vmem>>, vector<1x16xf32>,
          %get3A_494 = vector.shape_cast %get3A_493 : vector<1x16xf32> to vector<1x16xf32>
          %mul3A_495 = arith.mulf %get3A_490, %get3A_494 : vector<1x16xf32>
          %add3A_496 = arith.addf %add3A_482, %mul3A_495 : vector<1x16xf32>
          %mul3A_497 = arith.constant 32 : i32
          %mul3A_498 = arith.muli %add3A_136, %mul3A_497 : i32
          %add3A_499 = arith.constant 25 : i32
          %add3A_500 = arith.addi %mul3A_498, %add3A_499 : i32
          %get3A_501 = arith.index_cast %add3A_500 : i32 to index
          %get3A_502 = arith.index_cast %add3A_146 : i32 to index
          %get3A_503 = tpu.vector_load %arg7[%get3A_501, %get3A_502] {strides = array<i32>} : memref<128x128xf32, #tpu.memory_space<vmem>>, vector<1x16xf32>,
          %get3A_504 = vector.shape_cast %get3A_503 : vector<1x16xf32> to vector<1x16xf32>
          %get3A_505 = arith.index_cast %add3A_500 : i32 to index
          %get3A_506 = arith.index_cast %add3A_146 : i32 to index
          %get3A_507 = tpu.vector_load %arg9[%get3A_505, %get3A_506] {strides = array<i32>} : memref<128x128xf32, #tpu.memory_space<vmem>>, vector<1x16xf32>,
          %get3A_508 = vector.shape_cast %get3A_507 : vector<1x16xf32> to vector<1x16xf32>
          %mul3A_509 = arith.mulf %get3A_504, %get3A_508 : vector<1x16xf32>
          %add3A_510 = arith.addf %add3A_496, %mul3A_509 : vector<1x16xf32>
          %mul3A_511 = arith.constant 32 : i32
          %mul3A_512 = arith.muli %add3A_136, %mul3A_511 : i32
          %add3A_513 = arith.constant 26 : i32
          %add3A_514 = arith.addi %mul3A_512, %add3A_513 : i32
          %get3A_515 = arith.index_cast %add3A_514 : i32 to index
          %get3A_516 = arith.index_cast %add3A_146 : i32 to index
          %get3A_517 = tpu.vector_load %arg7[%get3A_515, %get3A_516] {strides = array<i32>} : memref<128x128xf32, #tpu.memory_space<vmem>>, vector<1x16xf32>,
          %get3A_518 = vector.shape_cast %get3A_517 : vector<1x16xf32> to vector<1x16xf32>
          %get3A_519 = arith.index_cast %add3A_514 : i32 to index
          %get3A_520 = arith.index_cast %add3A_146 : i32 to index
          %get3A_521 = tpu.vector_load %arg9[%get3A_519, %get3A_520] {strides = array<i32>} : memref<128x128xf32, #tpu.memory_space<vmem>>, vector<1x16xf32>,
          %get3A_522 = vector.shape_cast %get3A_521 : vector<1x16xf32> to vector<1x16xf32>
          %mul3A_523 = arith.mulf %get3A_518, %get3A_522 : vector<1x16xf32>
          %add3A_524 = arith.addf %add3A_510, %mul3A_523 : vector<1x16xf32>
          %mul3A_525 = arith.constant 32 : i32
          %mul3A_526 = arith.muli %add3A_136, %mul3A_525 : i32
          %add3A_527 = arith.constant 27 : i32
          %add3A_528 = arith.addi %mul3A_526, %add3A_527 : i32
          %get3A_529 = arith.index_cast %add3A_528 : i32 to index
          %get3A_530 = arith.index_cast %add3A_146 : i32 to index
          %get3A_531 = tpu.vector_load %arg7[%get3A_529, %get3A_530] {strides = array<i32>} : memref<128x128xf32, #tpu.memory_space<vmem>>, vector<1x16xf32>,
          %get3A_532 = vector.shape_cast %get3A_531 : vector<1x16xf32> to vector<1x16xf32>
          %get3A_533 = arith.index_cast %add3A_528 : i32 to index
          %get3A_534 = arith.index_cast %add3A_146 : i32 to index
          %get3A_535 = tpu.vector_load %arg9[%get3A_533, %get3A_534] {strides = array<i32>} : memref<128x128xf32, #tpu.memory_space<vmem>>, vector<1x16xf32>,
          %get3A_536 = vector.shape_cast %get3A_535 : vector<1x16xf32> to vector<1x16xf32>
          %mul3A_537 = arith.mulf %get3A_532, %get3A_536 : vector<1x16xf32>
          %add3A_538 = arith.addf %add3A_524, %mul3A_537 : vector<1x16xf32>
          %mul3A_539 = arith.constant 32 : i32
          %mul3A_540 = arith.muli %add3A_136, %mul3A_539 : i32
          %add3A_541 = arith.constant 28 : i32
          %add3A_542 = arith.addi %mul3A_540, %add3A_541 : i32
          %get3A_543 = arith.index_cast %add3A_542 : i32 to index
          %get3A_544 = arith.index_cast %add3A_146 : i32 to index
          %get3A_545 = tpu.vector_load %arg7[%get3A_543, %get3A_544] {strides = array<i32>} : memref<128x128xf32, #tpu.memory_space<vmem>>, vector<1x16xf32>,
          %get3A_546 = vector.shape_cast %get3A_545 : vector<1x16xf32> to vector<1x16xf32>
          %get3A_547 = arith.index_cast %add3A_542 : i32 to index
          %get3A_548 = arith.index_cast %add3A_146 : i32 to index
          %get3A_549 = tpu.vector_load %arg9[%get3A_547, %get3A_548] {strides = array<i32>} : memref<128x128xf32, #tpu.memory_space<vmem>>, vector<1x16xf32>,
          %get3A_550 = vector.shape_cast %get3A_549 : vector<1x16xf32> to vector<1x16xf32>
          %mul3A_551 = arith.mulf %get3A_546, %get3A_550 : vector<1x16xf32>
          %add3A_552 = arith.addf %add3A_538, %mul3A_551 : vector<1x16xf32>
          %mul3A_553 = arith.constant 32 : i32
          %mul3A_554 = arith.muli %add3A_136, %mul3A_553 : i32
          %add3A_555 = arith.constant 29 : i32
          %add3A_556 = arith.addi %mul3A_554, %add3A_555 : i32
          %get3A_557 = arith.index_cast %add3A_556 : i32 to index
          %get3A_558 = arith.index_cast %add3A_146 : i32 to index
          %get3A_559 = tpu.vector_load %arg7[%get3A_557, %get3A_558] {strides = array<i32>} : memref<128x128xf32, #tpu.memory_space<vmem>>, vector<1x16xf32>,
          %get3A_560 = vector.shape_cast %get3A_559 : vector<1x16xf32> to vector<1x16xf32>
          %get3A_561 = arith.index_cast %add3A_556 : i32 to index
          %get3A_562 = arith.index_cast %add3A_146 : i32 to index
          %get3A_563 = tpu.vector_load %arg9[%get3A_561, %get3A_562] {strides = array<i32>} : memref<128x128xf32, #tpu.memory_space<vmem>>, vector<1x16xf32>,
          %get3A_564 = vector.shape_cast %get3A_563 : vector<1x16xf32> to vector<1x16xf32>
          %mul3A_565 = arith.mulf %get3A_560, %get3A_564 : vector<1x16xf32>
          %add3A_566 = arith.addf %add3A_552, %mul3A_565 : vector<1x16xf32>
          %mul3A_567 = arith.constant 32 : i32
          %mul3A_568 = arith.muli %add3A_136, %mul3A_567 : i32
          %add3A_569 = arith.constant 30 : i32
          %add3A_570 = arith.addi %mul3A_568, %add3A_569 : i32
          %get3A_571 = arith.index_cast %add3A_570 : i32 to index
          %get3A_572 = arith.index_cast %add3A_146 : i32 to index
          %get3A_573 = tpu.vector_load %arg7[%get3A_571, %get3A_572] {strides = array<i32>} : memref<128x128xf32, #tpu.memory_space<vmem>>, vector<1x16xf32>,
          %get3A_574 = vector.shape_cast %get3A_573 : vector<1x16xf32> to vector<1x16xf32>
          %get3A_575 = arith.index_cast %add3A_570 : i32 to index
          %get3A_576 = arith.index_cast %add3A_146 : i32 to index
          %get3A_577 = tpu.vector_load %arg9[%get3A_575, %get3A_576] {strides = array<i32>} : memref<128x128xf32, #tpu.memory_space<vmem>>, vector<1x16xf32>,
          %get3A_578 = vector.shape_cast %get3A_577 : vector<1x16xf32> to vector<1x16xf32>
          %mul3A_579 = arith.mulf %get3A_574, %get3A_578 : vector<1x16xf32>
          %add3A_580 = arith.addf %add3A_566, %mul3A_579 : vector<1x16xf32>
          %mul3A_581 = arith.constant 32 : i32
          %mul3A_582 = arith.muli %add3A_136, %mul3A_581 : i32
          %add3A_583 = arith.constant 31 : i32
          %add3A_584 = arith.addi %mul3A_582, %add3A_583 : i32
          %get3A_585 = arith.index_cast %add3A_584 : i32 to index
          %get3A_586 = arith.index_cast %add3A_146 : i32 to index
          %get3A_587 = tpu.vector_load %arg7[%get3A_585, %get3A_586] {strides = array<i32>} : memref<128x128xf32, #tpu.memory_space<vmem>>, vector<1x16xf32>,
          %get3A_588 = vector.shape_cast %get3A_587 : vector<1x16xf32> to vector<1x16xf32>
          %get3A_589 = arith.index_cast %add3A_584 : i32 to index
          %get3A_590 = arith.index_cast %add3A_146 : i32 to index
          %get3A_591 = tpu.vector_load %arg9[%get3A_589, %get3A_590] {strides = array<i32>} : memref<128x128xf32, #tpu.memory_space<vmem>>, vector<1x16xf32>,
          %get3A_592 = vector.shape_cast %get3A_591 : vector<1x16xf32> to vector<1x16xf32>
          %mul3A_593 = arith.mulf %get3A_588, %get3A_592 : vector<1x16xf32>
          %add3A_594 = arith.addf %add3A_580, %mul3A_593 : vector<1x16xf32>
          %swap3A = arith.index_cast %add3A_136 : i32 to index
          %swap3A_595 = arith.index_cast %add3A_146 : i32 to index
          %swap3A_596 = tpu.vector_load %arg11[%swap3A, %swap3A_595] {strides = array<i32>} : memref<4x128xf32, #tpu.memory_space<vmem>>, vector<1x16xf32>,
          %swap3A_597 = vector.shape_cast %swap3A_596 : vector<1x16xf32> to vector<1x16xf32>
          %swap3A_598 = vector.shape_cast %add3A_594 : vector<1x16xf32> to vector<1x16xf32>
          tpu.vector_store %arg11[%swap3A, %swap3A_595], %swap3A_598 {strides = array<i32>} : memref<4x128xf32, #tpu.memory_space<vmem>>, vector<1x16xf32>,
        }
        %scan3A_141 = arith.constant 8 : i32
      }
      %scan3A_76 = arith.constant 4 : i32
      %mul3A_77 = arith.constant 320 : i32
      %mul3A_78 = arith.muli %add3A, %mul3A_77 : i32
      %mul3A_79 = arith.constant 4 : i32
      %mul3A_80 = arith.muli %add3A_57, %mul3A_79 : i32
      %add3A_81 = arith.addi %mul3A_78, %mul3A_80 : i32
      %dma_start3A_82 = arith.constant 0 : i32
      %dma_start3A_83 = tpu.memref_slice %arg5[%add3A_81, %dma_start3A_82] : memref<10240x128xf32, #tpu.memory_space<hbm>> -> memref<4x128xf32, #tpu.memory_space<hbm>>
      %dma_start3A_84 = arith.constant 0 : i32
      %dma_start3A_85 = tpu.memref_slice %arg5[%add3A_81, %dma_start3A_84] : memref<10240x128xf32, #tpu.memory_space<hbm>> -> memref<4x128xf32, #tpu.memory_space<hbm>>
      tpu.enqueue_dma source(%arg11 : memref<4x128xf32, #tpu.memory_space<vmem>>) target(%dma_start3A_85 : memref<4x128xf32, #tpu.memory_space<hbm>>) target_semaphore(%arg15 : memref<!tpu.dma_semaphore, #tpu.memory_space<semaphore_mem>>)
      %add3A_86 = arith.constant 2 : i32
      %add3A_87 = arith.addi %add3A_57, %add3A_86 : i32
      %lt3A = arith.constant 80 : i32
      %lt3A_88 = arith.cmpi slt, %add3A_87, %lt3A : i32
      %convert_element_type3A_89 = arith.extui %lt3A_88 : i1 to i32
      %cond3A_90 = arith.constant 0 : i32
      %cond3A_91 = arith.cmpi ne, %convert_element_type3A_89, %cond3A_90 : i32
      scf.if %cond3A_91 {
        %add3A_132 = arith.constant 2 : i32
        %add3A_133 = arith.addi %add3A_57, %add3A_132 : i32
        %mul3A_134 = arith.constant 80 : i32
        %mul3A_135 = arith.muli %add3A, %mul3A_134 : i32
        %add3A_136 = arith.addi %mul3A_135, %add3A_133 : i32
        %mul3A_137 = arith.constant 128 : i32
        %mul3A_138 = arith.muli %add3A_136, %mul3A_137 : i32
        %dma_start3A_139 = arith.constant 0 : i32
        %dma_start3A_140 = tpu.memref_slice %arg2[%mul3A_138, %dma_start3A_139] : memref<327680x128xf32, #tpu.memory_space<hbm>> -> memref<128x128xf32, #tpu.memory_space<hbm>>
        %dma_start3A_141 = arith.constant 0 : i32
        %dma_start3A_142 = tpu.memref_slice %arg2[%mul3A_138, %dma_start3A_141] : memref<327680x128xf32, #tpu.memory_space<hbm>> -> memref<128x128xf32, #tpu.memory_space<hbm>>
        tpu.enqueue_dma source(%dma_start3A_142 : memref<128x128xf32, #tpu.memory_space<hbm>>) target(%arg7 : memref<128x128xf32, #tpu.memory_space<vmem>>) target_semaphore(%arg13 : memref<!tpu.dma_semaphore, #tpu.memory_space<semaphore_mem>>)
        %dma_start3A_143 = arith.constant 0 : i32
        %dma_start3A_144 = tpu.memref_slice %arg6[%add3A_133, %dma_start3A_143] : memref<80x128xi32, #tpu.memory_space<vmem>> -> memref<1x128xi32, #tpu.memory_space<vmem>>
        %dma_start3A_145 = tpu.memref_squeeze %dma_start3A_144 : memref<1x128xi32, #tpu.memory_space<vmem>> -> memref<128xi32, #tpu.memory_space<vmem>>
        %dma_start3A_146 = arith.constant 0 : i32
        %dma_start3A_147 = arith.constant 0 : i32
        %dma_start3A_148 = tpu.memref_slice %arg4[%dma_start3A_146, %dma_start3A_147] : memref<10240x128xf32, #tpu.memory_space<hbm>> -> memref<10240x128xf32, #tpu.memory_space<hbm>>
        tpu.enqueue_indirect_dma source(%dma_start3A_148 : memref<10240x128xf32, #tpu.memory_space<hbm>>) target(%arg9 : memref<128x128xf32, #tpu.memory_space<vmem>>) offsets(%dma_start3A_145 : memref<128xi32, #tpu.memory_space<vmem>>) semaphore(%arg13 : memref<!tpu.dma_semaphore, #tpu.memory_space<semaphore_mem>>)
      } else {
      }
      %add3A_92 = arith.constant 1 : i32
      %add3A_93 = arith.addi %add3A_55, %add3A_92 : i32
      %dma_wait3A_94 = arith.constant 0 : i32
      %dma_wait3A_95 = arith.constant 0 : i32
      %dma_wait3A_96 = tpu.memref_slice %arg2[%dma_wait3A_94, %dma_wait3A_95] : memref<327680x128xf32, #tpu.memory_space<hbm>> -> memref<128x128xf32, #tpu.memory_space<hbm>>
      %dma_wait3A_97 = arith.constant 0 : i32
      %dma_wait3A_98 = arith.constant 0 : i32
      %dma_wait3A_99 = tpu.memref_slice %arg2[%dma_wait3A_97, %dma_wait3A_98] : memref<327680x128xf32, #tpu.memory_space<hbm>> -> memref<128x128xf32, #tpu.memory_space<hbm>>
      tpu.wait_dma2 semaphore(%arg14 : memref<!tpu.dma_semaphore, #tpu.memory_space<semaphore_mem>>) src(%dma_wait3A_99 : memref<128x128xf32, #tpu.memory_space<hbm>>) dst(%arg8 : memref<128x128xf32, #tpu.memory_space<vmem>>)
      %dma_wait3A_100 = arith.constant 0 : i32
      %dma_wait3A_101 = arith.constant 0 : i32
      %dma_wait3A_102 = tpu.memref_slice %arg4[%dma_wait3A_100, %dma_wait3A_101] : memref<10240x128xf32, #tpu.memory_space<hbm>> -> memref<128x128xf32, #tpu.memory_space<hbm>>
      %dma_wait3A_103 = arith.constant 0 : i32
      %dma_wait3A_104 = arith.constant 0 : i32
      %dma_wait3A_105 = tpu.memref_slice %arg4[%dma_wait3A_103, %dma_wait3A_104] : memref<10240x128xf32, #tpu.memory_space<hbm>> -> memref<128x128xf32, #tpu.memory_space<hbm>>
      tpu.wait_dma2 semaphore(%arg14 : memref<!tpu.dma_semaphore, #tpu.memory_space<semaphore_mem>>) src(%dma_wait3A_105 : memref<128x128xf32, #tpu.memory_space<hbm>>) dst(%arg10 : memref<128x128xf32, #tpu.memory_space<vmem>>)
      %ge3A_106 = arith.constant 2 : i32
      %ge3A_107 = arith.cmpi sge, %add3A_93, %ge3A_106 : i32
      %convert_element_type3A_108 = arith.extui %ge3A_107 : i1 to i32
      %cond3A_109 = arith.constant 0 : i32
      %cond3A_110 = arith.cmpi ne, %convert_element_type3A_108, %cond3A_109 : i32
      scf.if %cond3A_110 {
        %dma_wait3A_132 = arith.constant 0 : i32
        %dma_wait3A_133 = arith.constant 0 : i32
        %dma_wait3A_134 = tpu.memref_slice %arg5[%dma_wait3A_132, %dma_wait3A_133] : memref<10240x128xf32, #tpu.memory_space<hbm>> -> memref<4x128xf32, #tpu.memory_space<hbm>>
        %dma_wait3A_135 = arith.constant 0 : i32
        %dma_wait3A_136 = arith.constant 0 : i32
        %dma_wait3A_137 = tpu.memref_slice %arg5[%dma_wait3A_135, %dma_wait3A_136] : memref<10240x128xf32, #tpu.memory_space<hbm>> -> memref<4x128xf32, #tpu.memory_space<hbm>>
        tpu.wait_dma2 semaphore(%arg16 : memref<!tpu.dma_semaphore, #tpu.memory_space<semaphore_mem>>) src(%arg12 : memref<4x128xf32, #tpu.memory_space<vmem>>) dst(%dma_wait3A_137 : memref<4x128xf32, #tpu.memory_space<hbm>>)
      } else {
      }
      %scan3A_111 = arith.constant 0 : i32
      %scan3A_112 = arith.constant 4 : i32
      %scan3A_113 = arith.addi %scan3A_111, %scan3A_112 : i32
      %scan3A_114 = arith.constant 1 : i32
      scf.for %scan3A_132 = %scan3A_111 to %scan3A_113 step %scan3A_114  : i32 {
        %mul3A_133 = arith.constant 1 : i32
        %mul3A_134 = arith.muli %scan3A_132, %mul3A_133 : i32
        %add3A_135 = arith.constant 0 : i32
        %add3A_136 = arith.addi %add3A_135, %mul3A_134 : i32
        %scan3A_137 = arith.constant 0 : i32
        %scan3A_138 = arith.constant 8 : i32
        %scan3A_139 = arith.addi %scan3A_137, %scan3A_138 : i32
        %scan3A_140 = arith.constant 1 : i32
        scf.for %scan3A_142 = %scan3A_137 to %scan3A_139 step %scan3A_140  : i32 {
          %mul3A_143 = arith.constant 16 : i32
          %mul3A_144 = arith.muli %scan3A_142, %mul3A_143 : i32
          %add3A_145 = arith.constant 0 : i32
          %add3A_146 = arith.addi %add3A_145, %mul3A_144 : i32
          %broadcast_in_dim3A = arith.constant 0.000000e+00 : f32
          %broadcast_in_dim3A_147 = vector.broadcast %broadcast_in_dim3A : f32 to vector<1x16xf32>
          %mul3A_148 = arith.constant 32 : i32
          %mul3A_149 = arith.muli %add3A_136, %mul3A_148 : i32
          %add3A_150 = arith.constant 0 : i32
          %add3A_151 = arith.addi %mul3A_149, %add3A_150 : i32
          %get3A = arith.index_cast %add3A_151 : i32 to index
          %get3A_152 = arith.index_cast %add3A_146 : i32 to index
          %get3A_153 = tpu.vector_load %arg8[%get3A, %get3A_152] {strides = array<i32>} : memref<128x128xf32, #tpu.memory_space<vmem>>, vector<1x16xf32>,
          %get3A_154 = vector.shape_cast %get3A_153 : vector<1x16xf32> to vector<1x16xf32>
          %get3A_155 = arith.index_cast %add3A_151 : i32 to index
          %get3A_156 = arith.index_cast %add3A_146 : i32 to index
          %get3A_157 = tpu.vector_load %arg10[%get3A_155, %get3A_156] {strides = array<i32>} : memref<128x128xf32, #tpu.memory_space<vmem>>, vector<1x16xf32>,
          %get3A_158 = vector.shape_cast %get3A_157 : vector<1x16xf32> to vector<1x16xf32>
          %mul3A_159 = arith.mulf %get3A_154, %get3A_158 : vector<1x16xf32>
          %add3A_160 = arith.addf %broadcast_in_dim3A_147, %mul3A_159 : vector<1x16xf32>
          %mul3A_161 = arith.constant 32 : i32
          %mul3A_162 = arith.muli %add3A_136, %mul3A_161 : i32
          %add3A_163 = arith.constant 1 : i32
          %add3A_164 = arith.addi %mul3A_162, %add3A_163 : i32
          %get3A_165 = arith.index_cast %add3A_164 : i32 to index
          %get3A_166 = arith.index_cast %add3A_146 : i32 to index
          %get3A_167 = tpu.vector_load %arg8[%get3A_165, %get3A_166] {strides = array<i32>} : memref<128x128xf32, #tpu.memory_space<vmem>>, vector<1x16xf32>,
          %get3A_168 = vector.shape_cast %get3A_167 : vector<1x16xf32> to vector<1x16xf32>
          %get3A_169 = arith.index_cast %add3A_164 : i32 to index
          %get3A_170 = arith.index_cast %add3A_146 : i32 to index
          %get3A_171 = tpu.vector_load %arg10[%get3A_169, %get3A_170] {strides = array<i32>} : memref<128x128xf32, #tpu.memory_space<vmem>>, vector<1x16xf32>,
          %get3A_172 = vector.shape_cast %get3A_171 : vector<1x16xf32> to vector<1x16xf32>
          %mul3A_173 = arith.mulf %get3A_168, %get3A_172 : vector<1x16xf32>
          %add3A_174 = arith.addf %add3A_160, %mul3A_173 : vector<1x16xf32>
          %mul3A_175 = arith.constant 32 : i32
          %mul3A_176 = arith.muli %add3A_136, %mul3A_175 : i32
          %add3A_177 = arith.constant 2 : i32
          %add3A_178 = arith.addi %mul3A_176, %add3A_177 : i32
          %get3A_179 = arith.index_cast %add3A_178 : i32 to index
          %get3A_180 = arith.index_cast %add3A_146 : i32 to index
          %get3A_181 = tpu.vector_load %arg8[%get3A_179, %get3A_180] {strides = array<i32>} : memref<128x128xf32, #tpu.memory_space<vmem>>, vector<1x16xf32>,
          %get3A_182 = vector.shape_cast %get3A_181 : vector<1x16xf32> to vector<1x16xf32>
          %get3A_183 = arith.index_cast %add3A_178 : i32 to index
          %get3A_184 = arith.index_cast %add3A_146 : i32 to index
          %get3A_185 = tpu.vector_load %arg10[%get3A_183, %get3A_184] {strides = array<i32>} : memref<128x128xf32, #tpu.memory_space<vmem>>, vector<1x16xf32>,
          %get3A_186 = vector.shape_cast %get3A_185 : vector<1x16xf32> to vector<1x16xf32>
          %mul3A_187 = arith.mulf %get3A_182, %get3A_186 : vector<1x16xf32>
          %add3A_188 = arith.addf %add3A_174, %mul3A_187 : vector<1x16xf32>
          %mul3A_189 = arith.constant 32 : i32
          %mul3A_190 = arith.muli %add3A_136, %mul3A_189 : i32
          %add3A_191 = arith.constant 3 : i32
          %add3A_192 = arith.addi %mul3A_190, %add3A_191 : i32
          %get3A_193 = arith.index_cast %add3A_192 : i32 to index
          %get3A_194 = arith.index_cast %add3A_146 : i32 to index
          %get3A_195 = tpu.vector_load %arg8[%get3A_193, %get3A_194] {strides = array<i32>} : memref<128x128xf32, #tpu.memory_space<vmem>>, vector<1x16xf32>,
          %get3A_196 = vector.shape_cast %get3A_195 : vector<1x16xf32> to vector<1x16xf32>
          %get3A_197 = arith.index_cast %add3A_192 : i32 to index
          %get3A_198 = arith.index_cast %add3A_146 : i32 to index
          %get3A_199 = tpu.vector_load %arg10[%get3A_197, %get3A_198] {strides = array<i32>} : memref<128x128xf32, #tpu.memory_space<vmem>>, vector<1x16xf32>,
          %get3A_200 = vector.shape_cast %get3A_199 : vector<1x16xf32> to vector<1x16xf32>
          %mul3A_201 = arith.mulf %get3A_196, %get3A_200 : vector<1x16xf32>
          %add3A_202 = arith.addf %add3A_188, %mul3A_201 : vector<1x16xf32>
          %mul3A_203 = arith.constant 32 : i32
          %mul3A_204 = arith.muli %add3A_136, %mul3A_203 : i32
          %add3A_205 = arith.constant 4 : i32
          %add3A_206 = arith.addi %mul3A_204, %add3A_205 : i32
          %get3A_207 = arith.index_cast %add3A_206 : i32 to index
          %get3A_208 = arith.index_cast %add3A_146 : i32 to index
          %get3A_209 = tpu.vector_load %arg8[%get3A_207, %get3A_208] {strides = array<i32>} : memref<128x128xf32, #tpu.memory_space<vmem>>, vector<1x16xf32>,
          %get3A_210 = vector.shape_cast %get3A_209 : vector<1x16xf32> to vector<1x16xf32>
          %get3A_211 = arith.index_cast %add3A_206 : i32 to index
          %get3A_212 = arith.index_cast %add3A_146 : i32 to index
          %get3A_213 = tpu.vector_load %arg10[%get3A_211, %get3A_212] {strides = array<i32>} : memref<128x128xf32, #tpu.memory_space<vmem>>, vector<1x16xf32>,
          %get3A_214 = vector.shape_cast %get3A_213 : vector<1x16xf32> to vector<1x16xf32>
          %mul3A_215 = arith.mulf %get3A_210, %get3A_214 : vector<1x16xf32>
          %add3A_216 = arith.addf %add3A_202, %mul3A_215 : vector<1x16xf32>
          %mul3A_217 = arith.constant 32 : i32
          %mul3A_218 = arith.muli %add3A_136, %mul3A_217 : i32
          %add3A_219 = arith.constant 5 : i32
          %add3A_220 = arith.addi %mul3A_218, %add3A_219 : i32
          %get3A_221 = arith.index_cast %add3A_220 : i32 to index
          %get3A_222 = arith.index_cast %add3A_146 : i32 to index
          %get3A_223 = tpu.vector_load %arg8[%get3A_221, %get3A_222] {strides = array<i32>} : memref<128x128xf32, #tpu.memory_space<vmem>>, vector<1x16xf32>,
          %get3A_224 = vector.shape_cast %get3A_223 : vector<1x16xf32> to vector<1x16xf32>
          %get3A_225 = arith.index_cast %add3A_220 : i32 to index
          %get3A_226 = arith.index_cast %add3A_146 : i32 to index
          %get3A_227 = tpu.vector_load %arg10[%get3A_225, %get3A_226] {strides = array<i32>} : memref<128x128xf32, #tpu.memory_space<vmem>>, vector<1x16xf32>,
          %get3A_228 = vector.shape_cast %get3A_227 : vector<1x16xf32> to vector<1x16xf32>
          %mul3A_229 = arith.mulf %get3A_224, %get3A_228 : vector<1x16xf32>
          %add3A_230 = arith.addf %add3A_216, %mul3A_229 : vector<1x16xf32>
          %mul3A_231 = arith.constant 32 : i32
          %mul3A_232 = arith.muli %add3A_136, %mul3A_231 : i32
          %add3A_233 = arith.constant 6 : i32
          %add3A_234 = arith.addi %mul3A_232, %add3A_233 : i32
          %get3A_235 = arith.index_cast %add3A_234 : i32 to index
          %get3A_236 = arith.index_cast %add3A_146 : i32 to index
          %get3A_237 = tpu.vector_load %arg8[%get3A_235, %get3A_236] {strides = array<i32>} : memref<128x128xf32, #tpu.memory_space<vmem>>, vector<1x16xf32>,
          %get3A_238 = vector.shape_cast %get3A_237 : vector<1x16xf32> to vector<1x16xf32>
          %get3A_239 = arith.index_cast %add3A_234 : i32 to index
          %get3A_240 = arith.index_cast %add3A_146 : i32 to index
          %get3A_241 = tpu.vector_load %arg10[%get3A_239, %get3A_240] {strides = array<i32>} : memref<128x128xf32, #tpu.memory_space<vmem>>, vector<1x16xf32>,
          %get3A_242 = vector.shape_cast %get3A_241 : vector<1x16xf32> to vector<1x16xf32>
          %mul3A_243 = arith.mulf %get3A_238, %get3A_242 : vector<1x16xf32>
          %add3A_244 = arith.addf %add3A_230, %mul3A_243 : vector<1x16xf32>
          %mul3A_245 = arith.constant 32 : i32
          %mul3A_246 = arith.muli %add3A_136, %mul3A_245 : i32
          %add3A_247 = arith.constant 7 : i32
          %add3A_248 = arith.addi %mul3A_246, %add3A_247 : i32
          %get3A_249 = arith.index_cast %add3A_248 : i32 to index
          %get3A_250 = arith.index_cast %add3A_146 : i32 to index
          %get3A_251 = tpu.vector_load %arg8[%get3A_249, %get3A_250] {strides = array<i32>} : memref<128x128xf32, #tpu.memory_space<vmem>>, vector<1x16xf32>,
          %get3A_252 = vector.shape_cast %get3A_251 : vector<1x16xf32> to vector<1x16xf32>
          %get3A_253 = arith.index_cast %add3A_248 : i32 to index
          %get3A_254 = arith.index_cast %add3A_146 : i32 to index
          %get3A_255 = tpu.vector_load %arg10[%get3A_253, %get3A_254] {strides = array<i32>} : memref<128x128xf32, #tpu.memory_space<vmem>>, vector<1x16xf32>,
          %get3A_256 = vector.shape_cast %get3A_255 : vector<1x16xf32> to vector<1x16xf32>
          %mul3A_257 = arith.mulf %get3A_252, %get3A_256 : vector<1x16xf32>
          %add3A_258 = arith.addf %add3A_244, %mul3A_257 : vector<1x16xf32>
          %mul3A_259 = arith.constant 32 : i32
          %mul3A_260 = arith.muli %add3A_136, %mul3A_259 : i32
          %add3A_261 = arith.constant 8 : i32
          %add3A_262 = arith.addi %mul3A_260, %add3A_261 : i32
          %get3A_263 = arith.index_cast %add3A_262 : i32 to index
          %get3A_264 = arith.index_cast %add3A_146 : i32 to index
          %get3A_265 = tpu.vector_load %arg8[%get3A_263, %get3A_264] {strides = array<i32>} : memref<128x128xf32, #tpu.memory_space<vmem>>, vector<1x16xf32>,
          %get3A_266 = vector.shape_cast %get3A_265 : vector<1x16xf32> to vector<1x16xf32>
          %get3A_267 = arith.index_cast %add3A_262 : i32 to index
          %get3A_268 = arith.index_cast %add3A_146 : i32 to index
          %get3A_269 = tpu.vector_load %arg10[%get3A_267, %get3A_268] {strides = array<i32>} : memref<128x128xf32, #tpu.memory_space<vmem>>, vector<1x16xf32>,
          %get3A_270 = vector.shape_cast %get3A_269 : vector<1x16xf32> to vector<1x16xf32>
          %mul3A_271 = arith.mulf %get3A_266, %get3A_270 : vector<1x16xf32>
          %add3A_272 = arith.addf %add3A_258, %mul3A_271 : vector<1x16xf32>
          %mul3A_273 = arith.constant 32 : i32
          %mul3A_274 = arith.muli %add3A_136, %mul3A_273 : i32
          %add3A_275 = arith.constant 9 : i32
          %add3A_276 = arith.addi %mul3A_274, %add3A_275 : i32
          %get3A_277 = arith.index_cast %add3A_276 : i32 to index
          %get3A_278 = arith.index_cast %add3A_146 : i32 to index
          %get3A_279 = tpu.vector_load %arg8[%get3A_277, %get3A_278] {strides = array<i32>} : memref<128x128xf32, #tpu.memory_space<vmem>>, vector<1x16xf32>,
          %get3A_280 = vector.shape_cast %get3A_279 : vector<1x16xf32> to vector<1x16xf32>
          %get3A_281 = arith.index_cast %add3A_276 : i32 to index
          %get3A_282 = arith.index_cast %add3A_146 : i32 to index
          %get3A_283 = tpu.vector_load %arg10[%get3A_281, %get3A_282] {strides = array<i32>} : memref<128x128xf32, #tpu.memory_space<vmem>>, vector<1x16xf32>,
          %get3A_284 = vector.shape_cast %get3A_283 : vector<1x16xf32> to vector<1x16xf32>
          %mul3A_285 = arith.mulf %get3A_280, %get3A_284 : vector<1x16xf32>
          %add3A_286 = arith.addf %add3A_272, %mul3A_285 : vector<1x16xf32>
          %mul3A_287 = arith.constant 32 : i32
          %mul3A_288 = arith.muli %add3A_136, %mul3A_287 : i32
          %add3A_289 = arith.constant 10 : i32
          %add3A_290 = arith.addi %mul3A_288, %add3A_289 : i32
          %get3A_291 = arith.index_cast %add3A_290 : i32 to index
          %get3A_292 = arith.index_cast %add3A_146 : i32 to index
          %get3A_293 = tpu.vector_load %arg8[%get3A_291, %get3A_292] {strides = array<i32>} : memref<128x128xf32, #tpu.memory_space<vmem>>, vector<1x16xf32>,
          %get3A_294 = vector.shape_cast %get3A_293 : vector<1x16xf32> to vector<1x16xf32>
          %get3A_295 = arith.index_cast %add3A_290 : i32 to index
          %get3A_296 = arith.index_cast %add3A_146 : i32 to index
          %get3A_297 = tpu.vector_load %arg10[%get3A_295, %get3A_296] {strides = array<i32>} : memref<128x128xf32, #tpu.memory_space<vmem>>, vector<1x16xf32>,
          %get3A_298 = vector.shape_cast %get3A_297 : vector<1x16xf32> to vector<1x16xf32>
          %mul3A_299 = arith.mulf %get3A_294, %get3A_298 : vector<1x16xf32>
          %add3A_300 = arith.addf %add3A_286, %mul3A_299 : vector<1x16xf32>
          %mul3A_301 = arith.constant 32 : i32
          %mul3A_302 = arith.muli %add3A_136, %mul3A_301 : i32
          %add3A_303 = arith.constant 11 : i32
          %add3A_304 = arith.addi %mul3A_302, %add3A_303 : i32
          %get3A_305 = arith.index_cast %add3A_304 : i32 to index
          %get3A_306 = arith.index_cast %add3A_146 : i32 to index
          %get3A_307 = tpu.vector_load %arg8[%get3A_305, %get3A_306] {strides = array<i32>} : memref<128x128xf32, #tpu.memory_space<vmem>>, vector<1x16xf32>,
          %get3A_308 = vector.shape_cast %get3A_307 : vector<1x16xf32> to vector<1x16xf32>
          %get3A_309 = arith.index_cast %add3A_304 : i32 to index
          %get3A_310 = arith.index_cast %add3A_146 : i32 to index
          %get3A_311 = tpu.vector_load %arg10[%get3A_309, %get3A_310] {strides = array<i32>} : memref<128x128xf32, #tpu.memory_space<vmem>>, vector<1x16xf32>,
          %get3A_312 = vector.shape_cast %get3A_311 : vector<1x16xf32> to vector<1x16xf32>
          %mul3A_313 = arith.mulf %get3A_308, %get3A_312 : vector<1x16xf32>
          %add3A_314 = arith.addf %add3A_300, %mul3A_313 : vector<1x16xf32>
          %mul3A_315 = arith.constant 32 : i32
          %mul3A_316 = arith.muli %add3A_136, %mul3A_315 : i32
          %add3A_317 = arith.constant 12 : i32
          %add3A_318 = arith.addi %mul3A_316, %add3A_317 : i32
          %get3A_319 = arith.index_cast %add3A_318 : i32 to index
          %get3A_320 = arith.index_cast %add3A_146 : i32 to index
          %get3A_321 = tpu.vector_load %arg8[%get3A_319, %get3A_320] {strides = array<i32>} : memref<128x128xf32, #tpu.memory_space<vmem>>, vector<1x16xf32>,
          %get3A_322 = vector.shape_cast %get3A_321 : vector<1x16xf32> to vector<1x16xf32>
          %get3A_323 = arith.index_cast %add3A_318 : i32 to index
          %get3A_324 = arith.index_cast %add3A_146 : i32 to index
          %get3A_325 = tpu.vector_load %arg10[%get3A_323, %get3A_324] {strides = array<i32>} : memref<128x128xf32, #tpu.memory_space<vmem>>, vector<1x16xf32>,
          %get3A_326 = vector.shape_cast %get3A_325 : vector<1x16xf32> to vector<1x16xf32>
          %mul3A_327 = arith.mulf %get3A_322, %get3A_326 : vector<1x16xf32>
          %add3A_328 = arith.addf %add3A_314, %mul3A_327 : vector<1x16xf32>
          %mul3A_329 = arith.constant 32 : i32
          %mul3A_330 = arith.muli %add3A_136, %mul3A_329 : i32
          %add3A_331 = arith.constant 13 : i32
          %add3A_332 = arith.addi %mul3A_330, %add3A_331 : i32
          %get3A_333 = arith.index_cast %add3A_332 : i32 to index
          %get3A_334 = arith.index_cast %add3A_146 : i32 to index
          %get3A_335 = tpu.vector_load %arg8[%get3A_333, %get3A_334] {strides = array<i32>} : memref<128x128xf32, #tpu.memory_space<vmem>>, vector<1x16xf32>,
          %get3A_336 = vector.shape_cast %get3A_335 : vector<1x16xf32> to vector<1x16xf32>
          %get3A_337 = arith.index_cast %add3A_332 : i32 to index
          %get3A_338 = arith.index_cast %add3A_146 : i32 to index
          %get3A_339 = tpu.vector_load %arg10[%get3A_337, %get3A_338] {strides = array<i32>} : memref<128x128xf32, #tpu.memory_space<vmem>>, vector<1x16xf32>,
          %get3A_340 = vector.shape_cast %get3A_339 : vector<1x16xf32> to vector<1x16xf32>
          %mul3A_341 = arith.mulf %get3A_336, %get3A_340 : vector<1x16xf32>
          %add3A_342 = arith.addf %add3A_328, %mul3A_341 : vector<1x16xf32>
          %mul3A_343 = arith.constant 32 : i32
          %mul3A_344 = arith.muli %add3A_136, %mul3A_343 : i32
          %add3A_345 = arith.constant 14 : i32
          %add3A_346 = arith.addi %mul3A_344, %add3A_345 : i32
          %get3A_347 = arith.index_cast %add3A_346 : i32 to index
          %get3A_348 = arith.index_cast %add3A_146 : i32 to index
          %get3A_349 = tpu.vector_load %arg8[%get3A_347, %get3A_348] {strides = array<i32>} : memref<128x128xf32, #tpu.memory_space<vmem>>, vector<1x16xf32>,
          %get3A_350 = vector.shape_cast %get3A_349 : vector<1x16xf32> to vector<1x16xf32>
          %get3A_351 = arith.index_cast %add3A_346 : i32 to index
          %get3A_352 = arith.index_cast %add3A_146 : i32 to index
          %get3A_353 = tpu.vector_load %arg10[%get3A_351, %get3A_352] {strides = array<i32>} : memref<128x128xf32, #tpu.memory_space<vmem>>, vector<1x16xf32>,
          %get3A_354 = vector.shape_cast %get3A_353 : vector<1x16xf32> to vector<1x16xf32>
          %mul3A_355 = arith.mulf %get3A_350, %get3A_354 : vector<1x16xf32>
          %add3A_356 = arith.addf %add3A_342, %mul3A_355 : vector<1x16xf32>
          %mul3A_357 = arith.constant 32 : i32
          %mul3A_358 = arith.muli %add3A_136, %mul3A_357 : i32
          %add3A_359 = arith.constant 15 : i32
          %add3A_360 = arith.addi %mul3A_358, %add3A_359 : i32
          %get3A_361 = arith.index_cast %add3A_360 : i32 to index
          %get3A_362 = arith.index_cast %add3A_146 : i32 to index
          %get3A_363 = tpu.vector_load %arg8[%get3A_361, %get3A_362] {strides = array<i32>} : memref<128x128xf32, #tpu.memory_space<vmem>>, vector<1x16xf32>,
          %get3A_364 = vector.shape_cast %get3A_363 : vector<1x16xf32> to vector<1x16xf32>
          %get3A_365 = arith.index_cast %add3A_360 : i32 to index
          %get3A_366 = arith.index_cast %add3A_146 : i32 to index
          %get3A_367 = tpu.vector_load %arg10[%get3A_365, %get3A_366] {strides = array<i32>} : memref<128x128xf32, #tpu.memory_space<vmem>>, vector<1x16xf32>,
          %get3A_368 = vector.shape_cast %get3A_367 : vector<1x16xf32> to vector<1x16xf32>
          %mul3A_369 = arith.mulf %get3A_364, %get3A_368 : vector<1x16xf32>
          %add3A_370 = arith.addf %add3A_356, %mul3A_369 : vector<1x16xf32>
          %mul3A_371 = arith.constant 32 : i32
          %mul3A_372 = arith.muli %add3A_136, %mul3A_371 : i32
          %add3A_373 = arith.constant 16 : i32
          %add3A_374 = arith.addi %mul3A_372, %add3A_373 : i32
          %get3A_375 = arith.index_cast %add3A_374 : i32 to index
          %get3A_376 = arith.index_cast %add3A_146 : i32 to index
          %get3A_377 = tpu.vector_load %arg8[%get3A_375, %get3A_376] {strides = array<i32>} : memref<128x128xf32, #tpu.memory_space<vmem>>, vector<1x16xf32>,
          %get3A_378 = vector.shape_cast %get3A_377 : vector<1x16xf32> to vector<1x16xf32>
          %get3A_379 = arith.index_cast %add3A_374 : i32 to index
          %get3A_380 = arith.index_cast %add3A_146 : i32 to index
          %get3A_381 = tpu.vector_load %arg10[%get3A_379, %get3A_380] {strides = array<i32>} : memref<128x128xf32, #tpu.memory_space<vmem>>, vector<1x16xf32>,
          %get3A_382 = vector.shape_cast %get3A_381 : vector<1x16xf32> to vector<1x16xf32>
          %mul3A_383 = arith.mulf %get3A_378, %get3A_382 : vector<1x16xf32>
          %add3A_384 = arith.addf %add3A_370, %mul3A_383 : vector<1x16xf32>
          %mul3A_385 = arith.constant 32 : i32
          %mul3A_386 = arith.muli %add3A_136, %mul3A_385 : i32
          %add3A_387 = arith.constant 17 : i32
          %add3A_388 = arith.addi %mul3A_386, %add3A_387 : i32
          %get3A_389 = arith.index_cast %add3A_388 : i32 to index
          %get3A_390 = arith.index_cast %add3A_146 : i32 to index
          %get3A_391 = tpu.vector_load %arg8[%get3A_389, %get3A_390] {strides = array<i32>} : memref<128x128xf32, #tpu.memory_space<vmem>>, vector<1x16xf32>,
          %get3A_392 = vector.shape_cast %get3A_391 : vector<1x16xf32> to vector<1x16xf32>
          %get3A_393 = arith.index_cast %add3A_388 : i32 to index
          %get3A_394 = arith.index_cast %add3A_146 : i32 to index
          %get3A_395 = tpu.vector_load %arg10[%get3A_393, %get3A_394] {strides = array<i32>} : memref<128x128xf32, #tpu.memory_space<vmem>>, vector<1x16xf32>,
          %get3A_396 = vector.shape_cast %get3A_395 : vector<1x16xf32> to vector<1x16xf32>
          %mul3A_397 = arith.mulf %get3A_392, %get3A_396 : vector<1x16xf32>
          %add3A_398 = arith.addf %add3A_384, %mul3A_397 : vector<1x16xf32>
          %mul3A_399 = arith.constant 32 : i32
          %mul3A_400 = arith.muli %add3A_136, %mul3A_399 : i32
          %add3A_401 = arith.constant 18 : i32
          %add3A_402 = arith.addi %mul3A_400, %add3A_401 : i32
          %get3A_403 = arith.index_cast %add3A_402 : i32 to index
          %get3A_404 = arith.index_cast %add3A_146 : i32 to index
          %get3A_405 = tpu.vector_load %arg8[%get3A_403, %get3A_404] {strides = array<i32>} : memref<128x128xf32, #tpu.memory_space<vmem>>, vector<1x16xf32>,
          %get3A_406 = vector.shape_cast %get3A_405 : vector<1x16xf32> to vector<1x16xf32>
          %get3A_407 = arith.index_cast %add3A_402 : i32 to index
          %get3A_408 = arith.index_cast %add3A_146 : i32 to index
          %get3A_409 = tpu.vector_load %arg10[%get3A_407, %get3A_408] {strides = array<i32>} : memref<128x128xf32, #tpu.memory_space<vmem>>, vector<1x16xf32>,
          %get3A_410 = vector.shape_cast %get3A_409 : vector<1x16xf32> to vector<1x16xf32>
          %mul3A_411 = arith.mulf %get3A_406, %get3A_410 : vector<1x16xf32>
          %add3A_412 = arith.addf %add3A_398, %mul3A_411 : vector<1x16xf32>
          %mul3A_413 = arith.constant 32 : i32
          %mul3A_414 = arith.muli %add3A_136, %mul3A_413 : i32
          %add3A_415 = arith.constant 19 : i32
          %add3A_416 = arith.addi %mul3A_414, %add3A_415 : i32
          %get3A_417 = arith.index_cast %add3A_416 : i32 to index
          %get3A_418 = arith.index_cast %add3A_146 : i32 to index
          %get3A_419 = tpu.vector_load %arg8[%get3A_417, %get3A_418] {strides = array<i32>} : memref<128x128xf32, #tpu.memory_space<vmem>>, vector<1x16xf32>,
          %get3A_420 = vector.shape_cast %get3A_419 : vector<1x16xf32> to vector<1x16xf32>
          %get3A_421 = arith.index_cast %add3A_416 : i32 to index
          %get3A_422 = arith.index_cast %add3A_146 : i32 to index
          %get3A_423 = tpu.vector_load %arg10[%get3A_421, %get3A_422] {strides = array<i32>} : memref<128x128xf32, #tpu.memory_space<vmem>>, vector<1x16xf32>,
          %get3A_424 = vector.shape_cast %get3A_423 : vector<1x16xf32> to vector<1x16xf32>
          %mul3A_425 = arith.mulf %get3A_420, %get3A_424 : vector<1x16xf32>
          %add3A_426 = arith.addf %add3A_412, %mul3A_425 : vector<1x16xf32>
          %mul3A_427 = arith.constant 32 : i32
          %mul3A_428 = arith.muli %add3A_136, %mul3A_427 : i32
          %add3A_429 = arith.constant 20 : i32
          %add3A_430 = arith.addi %mul3A_428, %add3A_429 : i32
          %get3A_431 = arith.index_cast %add3A_430 : i32 to index
          %get3A_432 = arith.index_cast %add3A_146 : i32 to index
          %get3A_433 = tpu.vector_load %arg8[%get3A_431, %get3A_432] {strides = array<i32>} : memref<128x128xf32, #tpu.memory_space<vmem>>, vector<1x16xf32>,
          %get3A_434 = vector.shape_cast %get3A_433 : vector<1x16xf32> to vector<1x16xf32>
          %get3A_435 = arith.index_cast %add3A_430 : i32 to index
          %get3A_436 = arith.index_cast %add3A_146 : i32 to index
          %get3A_437 = tpu.vector_load %arg10[%get3A_435, %get3A_436] {strides = array<i32>} : memref<128x128xf32, #tpu.memory_space<vmem>>, vector<1x16xf32>,
          %get3A_438 = vector.shape_cast %get3A_437 : vector<1x16xf32> to vector<1x16xf32>
          %mul3A_439 = arith.mulf %get3A_434, %get3A_438 : vector<1x16xf32>
          %add3A_440 = arith.addf %add3A_426, %mul3A_439 : vector<1x16xf32>
          %mul3A_441 = arith.constant 32 : i32
          %mul3A_442 = arith.muli %add3A_136, %mul3A_441 : i32
          %add3A_443 = arith.constant 21 : i32
          %add3A_444 = arith.addi %mul3A_442, %add3A_443 : i32
          %get3A_445 = arith.index_cast %add3A_444 : i32 to index
          %get3A_446 = arith.index_cast %add3A_146 : i32 to index
          %get3A_447 = tpu.vector_load %arg8[%get3A_445, %get3A_446] {strides = array<i32>} : memref<128x128xf32, #tpu.memory_space<vmem>>, vector<1x16xf32>,
          %get3A_448 = vector.shape_cast %get3A_447 : vector<1x16xf32> to vector<1x16xf32>
          %get3A_449 = arith.index_cast %add3A_444 : i32 to index
          %get3A_450 = arith.index_cast %add3A_146 : i32 to index
          %get3A_451 = tpu.vector_load %arg10[%get3A_449, %get3A_450] {strides = array<i32>} : memref<128x128xf32, #tpu.memory_space<vmem>>, vector<1x16xf32>,
          %get3A_452 = vector.shape_cast %get3A_451 : vector<1x16xf32> to vector<1x16xf32>
          %mul3A_453 = arith.mulf %get3A_448, %get3A_452 : vector<1x16xf32>
          %add3A_454 = arith.addf %add3A_440, %mul3A_453 : vector<1x16xf32>
          %mul3A_455 = arith.constant 32 : i32
          %mul3A_456 = arith.muli %add3A_136, %mul3A_455 : i32
          %add3A_457 = arith.constant 22 : i32
          %add3A_458 = arith.addi %mul3A_456, %add3A_457 : i32
          %get3A_459 = arith.index_cast %add3A_458 : i32 to index
          %get3A_460 = arith.index_cast %add3A_146 : i32 to index
          %get3A_461 = tpu.vector_load %arg8[%get3A_459, %get3A_460] {strides = array<i32>} : memref<128x128xf32, #tpu.memory_space<vmem>>, vector<1x16xf32>,
          %get3A_462 = vector.shape_cast %get3A_461 : vector<1x16xf32> to vector<1x16xf32>
          %get3A_463 = arith.index_cast %add3A_458 : i32 to index
          %get3A_464 = arith.index_cast %add3A_146 : i32 to index
          %get3A_465 = tpu.vector_load %arg10[%get3A_463, %get3A_464] {strides = array<i32>} : memref<128x128xf32, #tpu.memory_space<vmem>>, vector<1x16xf32>,
          %get3A_466 = vector.shape_cast %get3A_465 : vector<1x16xf32> to vector<1x16xf32>
          %mul3A_467 = arith.mulf %get3A_462, %get3A_466 : vector<1x16xf32>
          %add3A_468 = arith.addf %add3A_454, %mul3A_467 : vector<1x16xf32>
          %mul3A_469 = arith.constant 32 : i32
          %mul3A_470 = arith.muli %add3A_136, %mul3A_469 : i32
          %add3A_471 = arith.constant 23 : i32
          %add3A_472 = arith.addi %mul3A_470, %add3A_471 : i32
          %get3A_473 = arith.index_cast %add3A_472 : i32 to index
          %get3A_474 = arith.index_cast %add3A_146 : i32 to index
          %get3A_475 = tpu.vector_load %arg8[%get3A_473, %get3A_474] {strides = array<i32>} : memref<128x128xf32, #tpu.memory_space<vmem>>, vector<1x16xf32>,
          %get3A_476 = vector.shape_cast %get3A_475 : vector<1x16xf32> to vector<1x16xf32>
          %get3A_477 = arith.index_cast %add3A_472 : i32 to index
          %get3A_478 = arith.index_cast %add3A_146 : i32 to index
          %get3A_479 = tpu.vector_load %arg10[%get3A_477, %get3A_478] {strides = array<i32>} : memref<128x128xf32, #tpu.memory_space<vmem>>, vector<1x16xf32>,
          %get3A_480 = vector.shape_cast %get3A_479 : vector<1x16xf32> to vector<1x16xf32>
          %mul3A_481 = arith.mulf %get3A_476, %get3A_480 : vector<1x16xf32>
          %add3A_482 = arith.addf %add3A_468, %mul3A_481 : vector<1x16xf32>
          %mul3A_483 = arith.constant 32 : i32
          %mul3A_484 = arith.muli %add3A_136, %mul3A_483 : i32
          %add3A_485 = arith.constant 24 : i32
          %add3A_486 = arith.addi %mul3A_484, %add3A_485 : i32
          %get3A_487 = arith.index_cast %add3A_486 : i32 to index
          %get3A_488 = arith.index_cast %add3A_146 : i32 to index
          %get3A_489 = tpu.vector_load %arg8[%get3A_487, %get3A_488] {strides = array<i32>} : memref<128x128xf32, #tpu.memory_space<vmem>>, vector<1x16xf32>,
          %get3A_490 = vector.shape_cast %get3A_489 : vector<1x16xf32> to vector<1x16xf32>
          %get3A_491 = arith.index_cast %add3A_486 : i32 to index
          %get3A_492 = arith.index_cast %add3A_146 : i32 to index
          %get3A_493 = tpu.vector_load %arg10[%get3A_491, %get3A_492] {strides = array<i32>} : memref<128x128xf32, #tpu.memory_space<vmem>>, vector<1x16xf32>,
          %get3A_494 = vector.shape_cast %get3A_493 : vector<1x16xf32> to vector<1x16xf32>
          %mul3A_495 = arith.mulf %get3A_490, %get3A_494 : vector<1x16xf32>
          %add3A_496 = arith.addf %add3A_482, %mul3A_495 : vector<1x16xf32>
          %mul3A_497 = arith.constant 32 : i32
          %mul3A_498 = arith.muli %add3A_136, %mul3A_497 : i32
          %add3A_499 = arith.constant 25 : i32
          %add3A_500 = arith.addi %mul3A_498, %add3A_499 : i32
          %get3A_501 = arith.index_cast %add3A_500 : i32 to index
          %get3A_502 = arith.index_cast %add3A_146 : i32 to index
          %get3A_503 = tpu.vector_load %arg8[%get3A_501, %get3A_502] {strides = array<i32>} : memref<128x128xf32, #tpu.memory_space<vmem>>, vector<1x16xf32>,
          %get3A_504 = vector.shape_cast %get3A_503 : vector<1x16xf32> to vector<1x16xf32>
          %get3A_505 = arith.index_cast %add3A_500 : i32 to index
          %get3A_506 = arith.index_cast %add3A_146 : i32 to index
          %get3A_507 = tpu.vector_load %arg10[%get3A_505, %get3A_506] {strides = array<i32>} : memref<128x128xf32, #tpu.memory_space<vmem>>, vector<1x16xf32>,
          %get3A_508 = vector.shape_cast %get3A_507 : vector<1x16xf32> to vector<1x16xf32>
          %mul3A_509 = arith.mulf %get3A_504, %get3A_508 : vector<1x16xf32>
          %add3A_510 = arith.addf %add3A_496, %mul3A_509 : vector<1x16xf32>
          %mul3A_511 = arith.constant 32 : i32
          %mul3A_512 = arith.muli %add3A_136, %mul3A_511 : i32
          %add3A_513 = arith.constant 26 : i32
          %add3A_514 = arith.addi %mul3A_512, %add3A_513 : i32
          %get3A_515 = arith.index_cast %add3A_514 : i32 to index
          %get3A_516 = arith.index_cast %add3A_146 : i32 to index
          %get3A_517 = tpu.vector_load %arg8[%get3A_515, %get3A_516] {strides = array<i32>} : memref<128x128xf32, #tpu.memory_space<vmem>>, vector<1x16xf32>,
          %get3A_518 = vector.shape_cast %get3A_517 : vector<1x16xf32> to vector<1x16xf32>
          %get3A_519 = arith.index_cast %add3A_514 : i32 to index
          %get3A_520 = arith.index_cast %add3A_146 : i32 to index
          %get3A_521 = tpu.vector_load %arg10[%get3A_519, %get3A_520] {strides = array<i32>} : memref<128x128xf32, #tpu.memory_space<vmem>>, vector<1x16xf32>,
          %get3A_522 = vector.shape_cast %get3A_521 : vector<1x16xf32> to vector<1x16xf32>
          %mul3A_523 = arith.mulf %get3A_518, %get3A_522 : vector<1x16xf32>
          %add3A_524 = arith.addf %add3A_510, %mul3A_523 : vector<1x16xf32>
          %mul3A_525 = arith.constant 32 : i32
          %mul3A_526 = arith.muli %add3A_136, %mul3A_525 : i32
          %add3A_527 = arith.constant 27 : i32
          %add3A_528 = arith.addi %mul3A_526, %add3A_527 : i32
          %get3A_529 = arith.index_cast %add3A_528 : i32 to index
          %get3A_530 = arith.index_cast %add3A_146 : i32 to index
          %get3A_531 = tpu.vector_load %arg8[%get3A_529, %get3A_530] {strides = array<i32>} : memref<128x128xf32, #tpu.memory_space<vmem>>, vector<1x16xf32>,
          %get3A_532 = vector.shape_cast %get3A_531 : vector<1x16xf32> to vector<1x16xf32>
          %get3A_533 = arith.index_cast %add3A_528 : i32 to index
          %get3A_534 = arith.index_cast %add3A_146 : i32 to index
          %get3A_535 = tpu.vector_load %arg10[%get3A_533, %get3A_534] {strides = array<i32>} : memref<128x128xf32, #tpu.memory_space<vmem>>, vector<1x16xf32>,
          %get3A_536 = vector.shape_cast %get3A_535 : vector<1x16xf32> to vector<1x16xf32>
          %mul3A_537 = arith.mulf %get3A_532, %get3A_536 : vector<1x16xf32>
          %add3A_538 = arith.addf %add3A_524, %mul3A_537 : vector<1x16xf32>
          %mul3A_539 = arith.constant 32 : i32
          %mul3A_540 = arith.muli %add3A_136, %mul3A_539 : i32
          %add3A_541 = arith.constant 28 : i32
          %add3A_542 = arith.addi %mul3A_540, %add3A_541 : i32
          %get3A_543 = arith.index_cast %add3A_542 : i32 to index
          %get3A_544 = arith.index_cast %add3A_146 : i32 to index
          %get3A_545 = tpu.vector_load %arg8[%get3A_543, %get3A_544] {strides = array<i32>} : memref<128x128xf32, #tpu.memory_space<vmem>>, vector<1x16xf32>,
          %get3A_546 = vector.shape_cast %get3A_545 : vector<1x16xf32> to vector<1x16xf32>
          %get3A_547 = arith.index_cast %add3A_542 : i32 to index
          %get3A_548 = arith.index_cast %add3A_146 : i32 to index
          %get3A_549 = tpu.vector_load %arg10[%get3A_547, %get3A_548] {strides = array<i32>} : memref<128x128xf32, #tpu.memory_space<vmem>>, vector<1x16xf32>,
          %get3A_550 = vector.shape_cast %get3A_549 : vector<1x16xf32> to vector<1x16xf32>
          %mul3A_551 = arith.mulf %get3A_546, %get3A_550 : vector<1x16xf32>
          %add3A_552 = arith.addf %add3A_538, %mul3A_551 : vector<1x16xf32>
          %mul3A_553 = arith.constant 32 : i32
          %mul3A_554 = arith.muli %add3A_136, %mul3A_553 : i32
          %add3A_555 = arith.constant 29 : i32
          %add3A_556 = arith.addi %mul3A_554, %add3A_555 : i32
          %get3A_557 = arith.index_cast %add3A_556 : i32 to index
          %get3A_558 = arith.index_cast %add3A_146 : i32 to index
          %get3A_559 = tpu.vector_load %arg8[%get3A_557, %get3A_558] {strides = array<i32>} : memref<128x128xf32, #tpu.memory_space<vmem>>, vector<1x16xf32>,
          %get3A_560 = vector.shape_cast %get3A_559 : vector<1x16xf32> to vector<1x16xf32>
          %get3A_561 = arith.index_cast %add3A_556 : i32 to index
          %get3A_562 = arith.index_cast %add3A_146 : i32 to index
          %get3A_563 = tpu.vector_load %arg10[%get3A_561, %get3A_562] {strides = array<i32>} : memref<128x128xf32, #tpu.memory_space<vmem>>, vector<1x16xf32>,
          %get3A_564 = vector.shape_cast %get3A_563 : vector<1x16xf32> to vector<1x16xf32>
          %mul3A_565 = arith.mulf %get3A_560, %get3A_564 : vector<1x16xf32>
          %add3A_566 = arith.addf %add3A_552, %mul3A_565 : vector<1x16xf32>
          %mul3A_567 = arith.constant 32 : i32
          %mul3A_568 = arith.muli %add3A_136, %mul3A_567 : i32
          %add3A_569 = arith.constant 30 : i32
          %add3A_570 = arith.addi %mul3A_568, %add3A_569 : i32
          %get3A_571 = arith.index_cast %add3A_570 : i32 to index
          %get3A_572 = arith.index_cast %add3A_146 : i32 to index
          %get3A_573 = tpu.vector_load %arg8[%get3A_571, %get3A_572] {strides = array<i32>} : memref<128x128xf32, #tpu.memory_space<vmem>>, vector<1x16xf32>,
          %get3A_574 = vector.shape_cast %get3A_573 : vector<1x16xf32> to vector<1x16xf32>
          %get3A_575 = arith.index_cast %add3A_570 : i32 to index
          %get3A_576 = arith.index_cast %add3A_146 : i32 to index
          %get3A_577 = tpu.vector_load %arg10[%get3A_575, %get3A_576] {strides = array<i32>} : memref<128x128xf32, #tpu.memory_space<vmem>>, vector<1x16xf32>,
          %get3A_578 = vector.shape_cast %get3A_577 : vector<1x16xf32> to vector<1x16xf32>
          %mul3A_579 = arith.mulf %get3A_574, %get3A_578 : vector<1x16xf32>
          %add3A_580 = arith.addf %add3A_566, %mul3A_579 : vector<1x16xf32>
          %mul3A_581 = arith.constant 32 : i32
          %mul3A_582 = arith.muli %add3A_136, %mul3A_581 : i32
          %add3A_583 = arith.constant 31 : i32
          %add3A_584 = arith.addi %mul3A_582, %add3A_583 : i32
          %get3A_585 = arith.index_cast %add3A_584 : i32 to index
          %get3A_586 = arith.index_cast %add3A_146 : i32 to index
          %get3A_587 = tpu.vector_load %arg8[%get3A_585, %get3A_586] {strides = array<i32>} : memref<128x128xf32, #tpu.memory_space<vmem>>, vector<1x16xf32>,
          %get3A_588 = vector.shape_cast %get3A_587 : vector<1x16xf32> to vector<1x16xf32>
          %get3A_589 = arith.index_cast %add3A_584 : i32 to index
          %get3A_590 = arith.index_cast %add3A_146 : i32 to index
          %get3A_591 = tpu.vector_load %arg10[%get3A_589, %get3A_590] {strides = array<i32>} : memref<128x128xf32, #tpu.memory_space<vmem>>, vector<1x16xf32>,
          %get3A_592 = vector.shape_cast %get3A_591 : vector<1x16xf32> to vector<1x16xf32>
          %mul3A_593 = arith.mulf %get3A_588, %get3A_592 : vector<1x16xf32>
          %add3A_594 = arith.addf %add3A_580, %mul3A_593 : vector<1x16xf32>
          %swap3A = arith.index_cast %add3A_136 : i32 to index
          %swap3A_595 = arith.index_cast %add3A_146 : i32 to index
          %swap3A_596 = tpu.vector_load %arg12[%swap3A, %swap3A_595] {strides = array<i32>} : memref<4x128xf32, #tpu.memory_space<vmem>>, vector<1x16xf32>,
          %swap3A_597 = vector.shape_cast %swap3A_596 : vector<1x16xf32> to vector<1x16xf32>
          %swap3A_598 = vector.shape_cast %add3A_594 : vector<1x16xf32> to vector<1x16xf32>
          tpu.vector_store %arg12[%swap3A, %swap3A_595], %swap3A_598 {strides = array<i32>} : memref<4x128xf32, #tpu.memory_space<vmem>>, vector<1x16xf32>,
        }
        %scan3A_141 = arith.constant 8 : i32
      }
      %scan3A_115 = arith.constant 4 : i32
      %mul3A_116 = arith.constant 320 : i32
      %mul3A_117 = arith.muli %add3A, %mul3A_116 : i32
      %mul3A_118 = arith.constant 4 : i32
      %mul3A_119 = arith.muli %add3A_93, %mul3A_118 : i32
      %add3A_120 = arith.addi %mul3A_117, %mul3A_119 : i32
      %dma_start3A_121 = arith.constant 0 : i32
      %dma_start3A_122 = tpu.memref_slice %arg5[%add3A_120, %dma_start3A_121] : memref<10240x128xf32, #tpu.memory_space<hbm>> -> memref<4x128xf32, #tpu.memory_space<hbm>>
      %dma_start3A_123 = arith.constant 0 : i32
      %dma_start3A_124 = tpu.memref_slice %arg5[%add3A_120, %dma_start3A_123] : memref<10240x128xf32, #tpu.memory_space<hbm>> -> memref<4x128xf32, #tpu.memory_space<hbm>>
      tpu.enqueue_dma source(%arg12 : memref<4x128xf32, #tpu.memory_space<vmem>>) target(%dma_start3A_124 : memref<4x128xf32, #tpu.memory_space<hbm>>) target_semaphore(%arg16 : memref<!tpu.dma_semaphore, #tpu.memory_space<semaphore_mem>>)
      %add3A_125 = arith.constant 2 : i32
      %add3A_126 = arith.addi %add3A_93, %add3A_125 : i32
      %lt3A_127 = arith.constant 80 : i32
      %lt3A_128 = arith.cmpi slt, %add3A_126, %lt3A_127 : i32
      %convert_element_type3A_129 = arith.extui %lt3A_128 : i1 to i32
      %cond3A_130 = arith.constant 0 : i32
      %cond3A_131 = arith.cmpi ne, %convert_element_type3A_129, %cond3A_130 : i32
      scf.if %cond3A_131 {
        %add3A_132 = arith.constant 2 : i32
        %add3A_133 = arith.addi %add3A_93, %add3A_132 : i32
        %mul3A_134 = arith.constant 80 : i32
        %mul3A_135 = arith.muli %add3A, %mul3A_134 : i32
        %add3A_136 = arith.addi %mul3A_135, %add3A_133 : i32
        %mul3A_137 = arith.constant 128 : i32
        %mul3A_138 = arith.muli %add3A_136, %mul3A_137 : i32
        %dma_start3A_139 = arith.constant 0 : i32
        %dma_start3A_140 = tpu.memref_slice %arg2[%mul3A_138, %dma_start3A_139] : memref<327680x128xf32, #tpu.memory_space<hbm>> -> memref<128x128xf32, #tpu.memory_space<hbm>>
        %dma_start3A_141 = arith.constant 0 : i32
        %dma_start3A_142 = tpu.memref_slice %arg2[%mul3A_138, %dma_start3A_141] : memref<327680x128xf32, #tpu.memory_space<hbm>> -> memref<128x128xf32, #tpu.memory_space<hbm>>
        tpu.enqueue_dma source(%dma_start3A_142 : memref<128x128xf32, #tpu.memory_space<hbm>>) target(%arg8 : memref<128x128xf32, #tpu.memory_space<vmem>>) target_semaphore(%arg14 : memref<!tpu.dma_semaphore, #tpu.memory_space<semaphore_mem>>)
        %dma_start3A_143 = arith.constant 0 : i32
        %dma_start3A_144 = tpu.memref_slice %arg6[%add3A_133, %dma_start3A_143] : memref<80x128xi32, #tpu.memory_space<vmem>> -> memref<1x128xi32, #tpu.memory_space<vmem>>
        %dma_start3A_145 = tpu.memref_squeeze %dma_start3A_144 : memref<1x128xi32, #tpu.memory_space<vmem>> -> memref<128xi32, #tpu.memory_space<vmem>>
        %dma_start3A_146 = arith.constant 0 : i32
        %dma_start3A_147 = arith.constant 0 : i32
        %dma_start3A_148 = tpu.memref_slice %arg4[%dma_start3A_146, %dma_start3A_147] : memref<10240x128xf32, #tpu.memory_space<hbm>> -> memref<10240x128xf32, #tpu.memory_space<hbm>>
        tpu.enqueue_indirect_dma source(%dma_start3A_148 : memref<10240x128xf32, #tpu.memory_space<hbm>>) target(%arg10 : memref<128x128xf32, #tpu.memory_space<vmem>>) offsets(%dma_start3A_145 : memref<128xi32, #tpu.memory_space<vmem>>) semaphore(%arg14 : memref<!tpu.dma_semaphore, #tpu.memory_space<semaphore_mem>>)
      } else {
      }
    }
    %scan3A_39 = arith.constant 40 : i32
    %dma_wait3A = arith.constant 0 : i32
    %dma_wait3A_40 = arith.constant 0 : i32
    %dma_wait3A_41 = tpu.memref_slice %arg5[%dma_wait3A, %dma_wait3A_40] : memref<10240x128xf32, #tpu.memory_space<hbm>> -> memref<4x128xf32, #tpu.memory_space<hbm>>
    %dma_wait3A_42 = arith.constant 0 : i32
    %dma_wait3A_43 = arith.constant 0 : i32
    %dma_wait3A_44 = tpu.memref_slice %arg5[%dma_wait3A_42, %dma_wait3A_43] : memref<10240x128xf32, #tpu.memory_space<hbm>> -> memref<4x128xf32, #tpu.memory_space<hbm>>
    tpu.wait_dma2 semaphore(%arg15 : memref<!tpu.dma_semaphore, #tpu.memory_space<semaphore_mem>>) src(%arg11 : memref<4x128xf32, #tpu.memory_space<vmem>>) dst(%dma_wait3A_44 : memref<4x128xf32, #tpu.memory_space<hbm>>)
    %dma_wait3A_45 = arith.constant 0 : i32
    %dma_wait3A_46 = arith.constant 0 : i32
    %dma_wait3A_47 = tpu.memref_slice %arg5[%dma_wait3A_45, %dma_wait3A_46] : memref<10240x128xf32, #tpu.memory_space<hbm>> -> memref<4x128xf32, #tpu.memory_space<hbm>>
    %dma_wait3A_48 = arith.constant 0 : i32
    %dma_wait3A_49 = arith.constant 0 : i32
    %dma_wait3A_50 = tpu.memref_slice %arg5[%dma_wait3A_48, %dma_wait3A_49] : memref<10240x128xf32, #tpu.memory_space<hbm>> -> memref<4x128xf32, #tpu.memory_space<hbm>>
    tpu.wait_dma2 semaphore(%arg16 : memref<!tpu.dma_semaphore, #tpu.memory_space<semaphore_mem>>) src(%arg12 : memref<4x128xf32, #tpu.memory_space<vmem>>) dst(%dma_wait3A_50 : memref<4x128xf32, #tpu.memory_space<hbm>>)
    return
  }
}

#map = affine_map<(d0, d1) -> (0, 0)>
#map1 = affine_map<(d0, d1) -> (0)>
module attributes {stable_mosaic.version = 14 : i64} {
  func.func @_b_gather(%arg0: i32, %arg1: i32, %arg2: memref<10000x128xf32, #tpu.memory_space<hbm>>, %arg3: memref<2560x128xi32, #tpu.memory_space<hbm>>, %arg4: memref<320000xi32, #tpu.memory_space<hbm>>, %arg5: memref<2560x128xi32, #tpu.memory_space<hbm>>, %arg6: memref<327680x128xf32, #tpu.memory_space<hbm>>, %arg7: memref<2560x128xi32, #tpu.memory_space<hbm>>, %arg8: memref<80x128xi32, #tpu.memory_space<vmem>>, %arg9: memref<80x128xi32, #tpu.memory_space<vmem>>, %arg10: memref<128x128xf32, #tpu.memory_space<vmem>>, %arg11: memref<128x128xf32, #tpu.memory_space<vmem>>, %arg12: memref<128x128xf32, #tpu.memory_space<vmem>>, %arg13: memref<128x128xf32, #tpu.memory_space<vmem>>, %arg14: memref<128xi32, #tpu.memory_space<vmem>>, %arg15: memref<128xi32, #tpu.memory_space<vmem>>, %arg16: memref<128xi32, #tpu.memory_space<vmem>>, %arg17: memref<128xi32, #tpu.memory_space<vmem>>, %arg18: memref<!tpu.dma_semaphore, #tpu.memory_space<semaphore_mem>>, %arg19: memref<!tpu.dma_semaphore, #tpu.memory_space<semaphore_mem>>, %arg20: memref<!tpu.dma_semaphore, #tpu.memory_space<semaphore_mem>>, %arg21: memref<!tpu.dma_semaphore, #tpu.memory_space<semaphore_mem>>, %arg22: memref<!tpu.dma_semaphore, #tpu.memory_space<semaphore_mem>>, %arg23: memref<!tpu.dma_semaphore, #tpu.memory_space<semaphore_mem>>, %arg24: memref<!tpu.dma_semaphore, #tpu.memory_space<semaphore_mem>>, %arg25: memref<!tpu.dma_semaphore, #tpu.memory_space<semaphore_mem>>) attributes {dimension_semantics = [#tpu.dimension_semantics<core_parallel>, #tpu.dimension_semantics<subcore_parallel>], iteration_bounds = array<i64: 2, 16>, scalar_prefetch = 0 : i64, scratch_operands = 18 : i64, tpu.core_type = #tpu.core_type<sc_vector_subcore>, window_params = [{transform_indices = #map}, {transform_indices = #map}, {transform_indices = #map1}, {transform_indices = #map}, {transform_indices = #map}, {transform_indices = #map}]} {
    %mul3A = arith.constant 2 : i32
    %mul3A_0 = arith.muli %arg1, %mul3A : i32
    %add3A = arith.addi %mul3A_0, %arg0 : i32
    %mul3A_1 = arith.constant 80 : i32
    %mul3A_2 = arith.muli %add3A, %mul3A_1 : i32
    "tpu.region"() ({
      %run_scoped3A = tpu.sem_alloc : memref<!tpu.dma_semaphore, #tpu.memory_space<semaphore_mem>>
      %dma_start3A_57 = arith.constant 0 : i32
      %dma_start3A_58 = tpu.memref_slice %arg3[%mul3A_2, %dma_start3A_57] : memref<2560x128xi32, #tpu.memory_space<hbm>> -> memref<80x128xi32, #tpu.memory_space<hbm>>
      %dma_start3A_59 = arith.constant 0 : i32
      %dma_start3A_60 = tpu.memref_slice %arg3[%mul3A_2, %dma_start3A_59] : memref<2560x128xi32, #tpu.memory_space<hbm>> -> memref<80x128xi32, #tpu.memory_space<hbm>>
      tpu.enqueue_dma source(%dma_start3A_60 : memref<80x128xi32, #tpu.memory_space<hbm>>) target(%arg8 : memref<80x128xi32, #tpu.memory_space<vmem>>) target_semaphore(%run_scoped3A : memref<!tpu.dma_semaphore, #tpu.memory_space<semaphore_mem>>)
      %dma_wait3A_61 = arith.constant 0 : i32
      %dma_wait3A_62 = tpu.memref_slice %arg3[%mul3A_2, %dma_wait3A_61] : memref<2560x128xi32, #tpu.memory_space<hbm>> -> memref<80x128xi32, #tpu.memory_space<hbm>>
      %dma_wait3A_63 = arith.constant 0 : i32
      %dma_wait3A_64 = tpu.memref_slice %arg3[%mul3A_2, %dma_wait3A_63] : memref<2560x128xi32, #tpu.memory_space<hbm>> -> memref<80x128xi32, #tpu.memory_space<hbm>>
      tpu.wait_dma2 semaphore(%run_scoped3A : memref<!tpu.dma_semaphore, #tpu.memory_space<semaphore_mem>>) src(%dma_wait3A_64 : memref<80x128xi32, #tpu.memory_space<hbm>>) dst(%arg8 : memref<80x128xi32, #tpu.memory_space<vmem>>)
      tpu.yield
    }) : () -> ()
    "tpu.region"() ({
      %run_scoped3A = tpu.sem_alloc : memref<!tpu.dma_semaphore, #tpu.memory_space<semaphore_mem>>
      %dma_start3A_57 = arith.constant 0 : i32
      %dma_start3A_58 = tpu.memref_slice %arg5[%mul3A_2, %dma_start3A_57] : memref<2560x128xi32, #tpu.memory_space<hbm>> -> memref<80x128xi32, #tpu.memory_space<hbm>>
      %dma_start3A_59 = arith.constant 0 : i32
      %dma_start3A_60 = tpu.memref_slice %arg5[%mul3A_2, %dma_start3A_59] : memref<2560x128xi32, #tpu.memory_space<hbm>> -> memref<80x128xi32, #tpu.memory_space<hbm>>
      tpu.enqueue_dma source(%dma_start3A_60 : memref<80x128xi32, #tpu.memory_space<hbm>>) target(%arg9 : memref<80x128xi32, #tpu.memory_space<vmem>>) target_semaphore(%run_scoped3A : memref<!tpu.dma_semaphore, #tpu.memory_space<semaphore_mem>>)
      %dma_wait3A_61 = arith.constant 0 : i32
      %dma_wait3A_62 = tpu.memref_slice %arg5[%mul3A_2, %dma_wait3A_61] : memref<2560x128xi32, #tpu.memory_space<hbm>> -> memref<80x128xi32, #tpu.memory_space<hbm>>
      %dma_wait3A_63 = arith.constant 0 : i32
      %dma_wait3A_64 = tpu.memref_slice %arg5[%mul3A_2, %dma_wait3A_63] : memref<2560x128xi32, #tpu.memory_space<hbm>> -> memref<80x128xi32, #tpu.memory_space<hbm>>
      tpu.wait_dma2 semaphore(%run_scoped3A : memref<!tpu.dma_semaphore, #tpu.memory_space<semaphore_mem>>) src(%dma_wait3A_64 : memref<80x128xi32, #tpu.memory_space<hbm>>) dst(%arg9 : memref<80x128xi32, #tpu.memory_space<vmem>>)
      tpu.yield
    }) : () -> ()
    %dma_start3A = arith.constant 0 : i32
    %dma_start3A_3 = arith.constant 0 : i32
    %dma_start3A_4 = tpu.memref_slice %arg8[%dma_start3A, %dma_start3A_3] : memref<80x128xi32, #tpu.memory_space<vmem>> -> memref<1x128xi32, #tpu.memory_space<vmem>>
    %dma_start3A_5 = tpu.memref_squeeze %dma_start3A_4 : memref<1x128xi32, #tpu.memory_space<vmem>> -> memref<128xi32, #tpu.memory_space<vmem>>
    %dma_start3A_6 = arith.constant 0 : i32
    %dma_start3A_7 = arith.constant 0 : i32
    %dma_start3A_8 = tpu.memref_slice %arg2[%dma_start3A_6, %dma_start3A_7] : memref<10000x128xf32, #tpu.memory_space<hbm>> -> memref<10000x128xf32, #tpu.memory_space<hbm>>
    tpu.enqueue_indirect_dma source(%dma_start3A_8 : memref<10000x128xf32, #tpu.memory_space<hbm>>) target(%arg10 : memref<128x128xf32, #tpu.memory_space<vmem>>) offsets(%dma_start3A_5 : memref<128xi32, #tpu.memory_space<vmem>>) semaphore(%arg18 : memref<!tpu.dma_semaphore, #tpu.memory_space<semaphore_mem>>)
    %dma_start3A_9 = arith.constant 0 : i32
    %dma_start3A_10 = arith.constant 0 : i32
    %dma_start3A_11 = tpu.memref_slice %arg9[%dma_start3A_9, %dma_start3A_10] : memref<80x128xi32, #tpu.memory_space<vmem>> -> memref<1x128xi32, #tpu.memory_space<vmem>>
    %dma_start3A_12 = tpu.memref_squeeze %dma_start3A_11 : memref<1x128xi32, #tpu.memory_space<vmem>> -> memref<128xi32, #tpu.memory_space<vmem>>
    %dma_start3A_13 = arith.constant 0 : i32
    %dma_start3A_14 = tpu.memref_slice %arg4[%dma_start3A_13] : memref<320000xi32, #tpu.memory_space<hbm>> -> memref<320000xi32, #tpu.memory_space<hbm>>
    tpu.enqueue_indirect_dma source(%dma_start3A_14 : memref<320000xi32, #tpu.memory_space<hbm>>) target(%arg14 : memref<128xi32, #tpu.memory_space<vmem>>) offsets(%dma_start3A_12 : memref<128xi32, #tpu.memory_space<vmem>>) semaphore(%arg18 : memref<!tpu.dma_semaphore, #tpu.memory_space<semaphore_mem>>)
    %dma_start3A_15 = arith.constant 1 : i32
    %dma_start3A_16 = arith.constant 0 : i32
    %dma_start3A_17 = tpu.memref_slice %arg8[%dma_start3A_15, %dma_start3A_16] : memref<80x128xi32, #tpu.memory_space<vmem>> -> memref<1x128xi32, #tpu.memory_space<vmem>>
    %dma_start3A_18 = tpu.memref_squeeze %dma_start3A_17 : memref<1x128xi32, #tpu.memory_space<vmem>> -> memref<128xi32, #tpu.memory_space<vmem>>
    %dma_start3A_19 = arith.constant 0 : i32
    %dma_start3A_20 = arith.constant 0 : i32
    %dma_start3A_21 = tpu.memref_slice %arg2[%dma_start3A_19, %dma_start3A_20] : memref<10000x128xf32, #tpu.memory_space<hbm>> -> memref<10000x128xf32, #tpu.memory_space<hbm>>
    tpu.enqueue_indirect_dma source(%dma_start3A_21 : memref<10000x128xf32, #tpu.memory_space<hbm>>) target(%arg11 : memref<128x128xf32, #tpu.memory_space<vmem>>) offsets(%dma_start3A_18 : memref<128xi32, #tpu.memory_space<vmem>>) semaphore(%arg19 : memref<!tpu.dma_semaphore, #tpu.memory_space<semaphore_mem>>)
    %dma_start3A_22 = arith.constant 1 : i32
    %dma_start3A_23 = arith.constant 0 : i32
    %dma_start3A_24 = tpu.memref_slice %arg9[%dma_start3A_22, %dma_start3A_23] : memref<80x128xi32, #tpu.memory_space<vmem>> -> memref<1x128xi32, #tpu.memory_space<vmem>>
    %dma_start3A_25 = tpu.memref_squeeze %dma_start3A_24 : memref<1x128xi32, #tpu.memory_space<vmem>> -> memref<128xi32, #tpu.memory_space<vmem>>
    %dma_start3A_26 = arith.constant 0 : i32
    %dma_start3A_27 = tpu.memref_slice %arg4[%dma_start3A_26] : memref<320000xi32, #tpu.memory_space<hbm>> -> memref<320000xi32, #tpu.memory_space<hbm>>
    tpu.enqueue_indirect_dma source(%dma_start3A_27 : memref<320000xi32, #tpu.memory_space<hbm>>) target(%arg15 : memref<128xi32, #tpu.memory_space<vmem>>) offsets(%dma_start3A_25 : memref<128xi32, #tpu.memory_space<vmem>>) semaphore(%arg19 : memref<!tpu.dma_semaphore, #tpu.memory_space<semaphore_mem>>)
    %scan3A = arith.constant 0 : i32
    %scan3A_28 = arith.constant 20 : i32
    %scan3A_29 = arith.addi %scan3A, %scan3A_28 : i32
    %scan3A_30 = arith.constant 1 : i32
    scf.for %scan3A_57 = %scan3A to %scan3A_29 step %scan3A_30  : i32 {
      %mul3A_58 = arith.constant 4 : i32
      %mul3A_59 = arith.muli %scan3A_57, %mul3A_58 : i32
      %add3A_60 = arith.constant 0 : i32
      %add3A_61 = arith.addi %add3A_60, %mul3A_59 : i32
      %add3A_62 = arith.constant 0 : i32
      %add3A_63 = arith.addi %add3A_61, %add3A_62 : i32
      %dma_wait3A_64 = arith.constant 0 : i32
      %dma_wait3A_65 = arith.constant 0 : i32
      %dma_wait3A_66 = tpu.memref_slice %arg2[%dma_wait3A_64, %dma_wait3A_65] : memref<10000x128xf32, #tpu.memory_space<hbm>> -> memref<128x128xf32, #tpu.memory_space<hbm>>
      %dma_wait3A_67 = arith.constant 0 : i32
      %dma_wait3A_68 = arith.constant 0 : i32
      %dma_wait3A_69 = tpu.memref_slice %arg2[%dma_wait3A_67, %dma_wait3A_68] : memref<10000x128xf32, #tpu.memory_space<hbm>> -> memref<128x128xf32, #tpu.memory_space<hbm>>
      tpu.wait_dma2 semaphore(%arg18 : memref<!tpu.dma_semaphore, #tpu.memory_space<semaphore_mem>>) src(%dma_wait3A_69 : memref<128x128xf32, #tpu.memory_space<hbm>>) dst(%arg10 : memref<128x128xf32, #tpu.memory_space<vmem>>)
      %dma_wait3A_70 = arith.constant 0 : i32
      %dma_wait3A_71 = tpu.memref_slice %arg4[%dma_wait3A_70] : memref<320000xi32, #tpu.memory_space<hbm>> -> memref<128xi32, #tpu.memory_space<hbm>>
      %dma_wait3A_72 = arith.constant 0 : i32
      %dma_wait3A_73 = tpu.memref_slice %arg4[%dma_wait3A_72] : memref<320000xi32, #tpu.memory_space<hbm>> -> memref<128xi32, #tpu.memory_space<hbm>>
      tpu.wait_dma2 semaphore(%arg18 : memref<!tpu.dma_semaphore, #tpu.memory_space<semaphore_mem>>) src(%dma_wait3A_73 : memref<128xi32, #tpu.memory_space<hbm>>) dst(%arg14 : memref<128xi32, #tpu.memory_space<vmem>>)
      %add3A_74 = arith.addi %mul3A_2, %add3A_63 : i32
      %mul3A_75 = arith.constant 128 : i32
      %mul3A_76 = arith.muli %add3A_74, %mul3A_75 : i32
      %dma_start3A_77 = arith.constant 0 : i32
      %dma_start3A_78 = tpu.memref_slice %arg6[%mul3A_76, %dma_start3A_77] : memref<327680x128xf32, #tpu.memory_space<hbm>> -> memref<128x128xf32, #tpu.memory_space<hbm>>
      %dma_start3A_79 = arith.constant 0 : i32
      %dma_start3A_80 = tpu.memref_slice %arg6[%mul3A_76, %dma_start3A_79] : memref<327680x128xf32, #tpu.memory_space<hbm>> -> memref<128x128xf32, #tpu.memory_space<hbm>>
      tpu.enqueue_dma source(%arg10 : memref<128x128xf32, #tpu.memory_space<vmem>>) target(%dma_start3A_80 : memref<128x128xf32, #tpu.memory_space<hbm>>) target_semaphore(%arg22 : memref<!tpu.dma_semaphore, #tpu.memory_space<semaphore_mem>>)
      %dma_start3A_81 = arith.constant 0 : i32
      %dma_start3A_82 = tpu.memref_slice %arg7[%add3A_74, %dma_start3A_81] : memref<2560x128xi32, #tpu.memory_space<hbm>> -> memref<1x128xi32, #tpu.memory_space<hbm>>
      %dma_start3A_83 = tpu.memref_squeeze %dma_start3A_82 : memref<1x128xi32, #tpu.memory_space<hbm>> -> memref<128xi32, #tpu.memory_space<hbm>>
      %dma_start3A_84 = arith.constant 0 : i32
      %dma_start3A_85 = tpu.memref_slice %arg7[%add3A_74, %dma_start3A_84] : memref<2560x128xi32, #tpu.memory_space<hbm>> -> memref<1x128xi32, #tpu.memory_space<hbm>>
      %dma_start3A_86 = tpu.memref_squeeze %dma_start3A_85 : memref<1x128xi32, #tpu.memory_space<hbm>> -> memref<128xi32, #tpu.memory_space<hbm>>
      tpu.enqueue_dma source(%arg14 : memref<128xi32, #tpu.memory_space<vmem>>) target(%dma_start3A_86 : memref<128xi32, #tpu.memory_space<hbm>>) target_semaphore(%arg22 : memref<!tpu.dma_semaphore, #tpu.memory_space<semaphore_mem>>)
      %ge3A = arith.constant 2 : i32
      %ge3A_87 = arith.cmpi sge, %add3A_63, %ge3A : i32
      %convert_element_type3A = arith.extui %ge3A_87 : i1 to i32
      %cond3A = arith.constant 0 : i32
      %cond3A_88 = arith.cmpi ne, %convert_element_type3A, %cond3A : i32
      scf.if %cond3A_88 {
        %dma_wait3A_206 = arith.constant 0 : i32
        %dma_wait3A_207 = arith.constant 0 : i32
        %dma_wait3A_208 = tpu.memref_slice %arg6[%dma_wait3A_206, %dma_wait3A_207] : memref<327680x128xf32, #tpu.memory_space<hbm>> -> memref<128x128xf32, #tpu.memory_space<hbm>>
        %dma_wait3A_209 = arith.constant 0 : i32
        %dma_wait3A_210 = arith.constant 0 : i32
        %dma_wait3A_211 = tpu.memref_slice %arg6[%dma_wait3A_209, %dma_wait3A_210] : memref<327680x128xf32, #tpu.memory_space<hbm>> -> memref<128x128xf32, #tpu.memory_space<hbm>>
        tpu.wait_dma2 semaphore(%arg24 : memref<!tpu.dma_semaphore, #tpu.memory_space<semaphore_mem>>) src(%arg12 : memref<128x128xf32, #tpu.memory_space<vmem>>) dst(%dma_wait3A_211 : memref<128x128xf32, #tpu.memory_space<hbm>>)
        %dma_wait3A_212 = arith.constant 0 : i32
        %dma_wait3A_213 = arith.constant 0 : i32
        %dma_wait3A_214 = tpu.memref_slice %arg7[%dma_wait3A_212, %dma_wait3A_213] : memref<2560x128xi32, #tpu.memory_space<hbm>> -> memref<1x128xi32, #tpu.memory_space<hbm>>
        %dma_wait3A_215 = tpu.memref_squeeze %dma_wait3A_214 : memref<1x128xi32, #tpu.memory_space<hbm>> -> memref<128xi32, #tpu.memory_space<hbm>>
        %dma_wait3A_216 = arith.constant 0 : i32
        %dma_wait3A_217 = tpu.memref_slice %arg7[%dma_wait3A_212, %dma_wait3A_216] : memref<2560x128xi32, #tpu.memory_space<hbm>> -> memref<1x128xi32, #tpu.memory_space<hbm>>
        %dma_wait3A_218 = tpu.memref_squeeze %dma_wait3A_217 : memref<1x128xi32, #tpu.memory_space<hbm>> -> memref<128xi32, #tpu.memory_space<hbm>>
        tpu.wait_dma2 semaphore(%arg24 : memref<!tpu.dma_semaphore, #tpu.memory_space<semaphore_mem>>) src(%arg16 : memref<128xi32, #tpu.memory_space<vmem>>) dst(%dma_wait3A_218 : memref<128xi32, #tpu.memory_space<hbm>>)
      } else {
      }
      %add3A_89 = arith.constant 2 : i32
      %add3A_90 = arith.addi %add3A_63, %add3A_89 : i32
      %lt3A = arith.constant 80 : i32
      %lt3A_91 = arith.cmpi slt, %add3A_90, %lt3A : i32
      %convert_element_type3A_92 = arith.extui %lt3A_91 : i1 to i32
      %cond3A_93 = arith.constant 0 : i32
      %cond3A_94 = arith.cmpi ne, %convert_element_type3A_92, %cond3A_93 : i32
      scf.if %cond3A_94 {
        %add3A_206 = arith.constant 2 : i32
        %add3A_207 = arith.addi %add3A_63, %add3A_206 : i32
        %dma_start3A_208 = arith.constant 0 : i32
        %dma_start3A_209 = tpu.memref_slice %arg8[%add3A_207, %dma_start3A_208] : memref<80x128xi32, #tpu.memory_space<vmem>> -> memref<1x128xi32, #tpu.memory_space<vmem>>
        %dma_start3A_210 = tpu.memref_squeeze %dma_start3A_209 : memref<1x128xi32, #tpu.memory_space<vmem>> -> memref<128xi32, #tpu.memory_space<vmem>>
        %dma_start3A_211 = arith.constant 0 : i32
        %dma_start3A_212 = arith.constant 0 : i32
        %dma_start3A_213 = tpu.memref_slice %arg2[%dma_start3A_211, %dma_start3A_212] : memref<10000x128xf32, #tpu.memory_space<hbm>> -> memref<10000x128xf32, #tpu.memory_space<hbm>>
        tpu.enqueue_indirect_dma source(%dma_start3A_213 : memref<10000x128xf32, #tpu.memory_space<hbm>>) target(%arg12 : memref<128x128xf32, #tpu.memory_space<vmem>>) offsets(%dma_start3A_210 : memref<128xi32, #tpu.memory_space<vmem>>) semaphore(%arg20 : memref<!tpu.dma_semaphore, #tpu.memory_space<semaphore_mem>>)
        %dma_start3A_214 = arith.constant 0 : i32
        %dma_start3A_215 = tpu.memref_slice %arg9[%add3A_207, %dma_start3A_214] : memref<80x128xi32, #tpu.memory_space<vmem>> -> memref<1x128xi32, #tpu.memory_space<vmem>>
        %dma_start3A_216 = tpu.memref_squeeze %dma_start3A_215 : memref<1x128xi32, #tpu.memory_space<vmem>> -> memref<128xi32, #tpu.memory_space<vmem>>
        %dma_start3A_217 = arith.constant 0 : i32
        %dma_start3A_218 = tpu.memref_slice %arg4[%dma_start3A_217] : memref<320000xi32, #tpu.memory_space<hbm>> -> memref<320000xi32, #tpu.memory_space<hbm>>
        tpu.enqueue_indirect_dma source(%dma_start3A_218 : memref<320000xi32, #tpu.memory_space<hbm>>) target(%arg16 : memref<128xi32, #tpu.memory_space<vmem>>) offsets(%dma_start3A_216 : memref<128xi32, #tpu.memory_space<vmem>>) semaphore(%arg20 : memref<!tpu.dma_semaphore, #tpu.memory_space<semaphore_mem>>)
      } else {
      }
      %add3A_95 = arith.constant 1 : i32
      %add3A_96 = arith.addi %add3A_61, %add3A_95 : i32
      %dma_wait3A_97 = arith.constant 0 : i32
      %dma_wait3A_98 = arith.constant 0 : i32
      %dma_wait3A_99 = tpu.memref_slice %arg2[%dma_wait3A_97, %dma_wait3A_98] : memref<10000x128xf32, #tpu.memory_space<hbm>> -> memref<128x128xf32, #tpu.memory_space<hbm>>
      %dma_wait3A_100 = arith.constant 0 : i32
      %dma_wait3A_101 = arith.constant 0 : i32
      %dma_wait3A_102 = tpu.memref_slice %arg2[%dma_wait3A_100, %dma_wait3A_101] : memref<10000x128xf32, #tpu.memory_space<hbm>> -> memref<128x128xf32, #tpu.memory_space<hbm>>
      tpu.wait_dma2 semaphore(%arg19 : memref<!tpu.dma_semaphore, #tpu.memory_space<semaphore_mem>>) src(%dma_wait3A_102 : memref<128x128xf32, #tpu.memory_space<hbm>>) dst(%arg11 : memref<128x128xf32, #tpu.memory_space<vmem>>)
      %dma_wait3A_103 = arith.constant 0 : i32
      %dma_wait3A_104 = tpu.memref_slice %arg4[%dma_wait3A_103] : memref<320000xi32, #tpu.memory_space<hbm>> -> memref<128xi32, #tpu.memory_space<hbm>>
      %dma_wait3A_105 = arith.constant 0 : i32
      %dma_wait3A_106 = tpu.memref_slice %arg4[%dma_wait3A_105] : memref<320000xi32, #tpu.memory_space<hbm>> -> memref<128xi32, #tpu.memory_space<hbm>>
      tpu.wait_dma2 semaphore(%arg19 : memref<!tpu.dma_semaphore, #tpu.memory_space<semaphore_mem>>) src(%dma_wait3A_106 : memref<128xi32, #tpu.memory_space<hbm>>) dst(%arg15 : memref<128xi32, #tpu.memory_space<vmem>>)
      %add3A_107 = arith.addi %mul3A_2, %add3A_96 : i32
      %mul3A_108 = arith.constant 128 : i32
      %mul3A_109 = arith.muli %add3A_107, %mul3A_108 : i32
      %dma_start3A_110 = arith.constant 0 : i32
      %dma_start3A_111 = tpu.memref_slice %arg6[%mul3A_109, %dma_start3A_110] : memref<327680x128xf32, #tpu.memory_space<hbm>> -> memref<128x128xf32, #tpu.memory_space<hbm>>
      %dma_start3A_112 = arith.constant 0 : i32
      %dma_start3A_113 = tpu.memref_slice %arg6[%mul3A_109, %dma_start3A_112] : memref<327680x128xf32, #tpu.memory_space<hbm>> -> memref<128x128xf32, #tpu.memory_space<hbm>>
      tpu.enqueue_dma source(%arg11 : memref<128x128xf32, #tpu.memory_space<vmem>>) target(%dma_start3A_113 : memref<128x128xf32, #tpu.memory_space<hbm>>) target_semaphore(%arg23 : memref<!tpu.dma_semaphore, #tpu.memory_space<semaphore_mem>>)
      %dma_start3A_114 = arith.constant 0 : i32
      %dma_start3A_115 = tpu.memref_slice %arg7[%add3A_107, %dma_start3A_114] : memref<2560x128xi32, #tpu.memory_space<hbm>> -> memref<1x128xi32, #tpu.memory_space<hbm>>
      %dma_start3A_116 = tpu.memref_squeeze %dma_start3A_115 : memref<1x128xi32, #tpu.memory_space<hbm>> -> memref<128xi32, #tpu.memory_space<hbm>>
      %dma_start3A_117 = arith.constant 0 : i32
      %dma_start3A_118 = tpu.memref_slice %arg7[%add3A_107, %dma_start3A_117] : memref<2560x128xi32, #tpu.memory_space<hbm>> -> memref<1x128xi32, #tpu.memory_space<hbm>>
      %dma_start3A_119 = tpu.memref_squeeze %dma_start3A_118 : memref<1x128xi32, #tpu.memory_space<hbm>> -> memref<128xi32, #tpu.memory_space<hbm>>
      tpu.enqueue_dma source(%arg15 : memref<128xi32, #tpu.memory_space<vmem>>) target(%dma_start3A_119 : memref<128xi32, #tpu.memory_space<hbm>>) target_semaphore(%arg23 : memref<!tpu.dma_semaphore, #tpu.memory_space<semaphore_mem>>)
      %ge3A_120 = arith.constant 2 : i32
      %ge3A_121 = arith.cmpi sge, %add3A_96, %ge3A_120 : i32
      %convert_element_type3A_122 = arith.extui %ge3A_121 : i1 to i32
      %cond3A_123 = arith.constant 0 : i32
      %cond3A_124 = arith.cmpi ne, %convert_element_type3A_122, %cond3A_123 : i32
      scf.if %cond3A_124 {
        %dma_wait3A_206 = arith.constant 0 : i32
        %dma_wait3A_207 = arith.constant 0 : i32
        %dma_wait3A_208 = tpu.memref_slice %arg6[%dma_wait3A_206, %dma_wait3A_207] : memref<327680x128xf32, #tpu.memory_space<hbm>> -> memref<128x128xf32, #tpu.memory_space<hbm>>
        %dma_wait3A_209 = arith.constant 0 : i32
        %dma_wait3A_210 = arith.constant 0 : i32
        %dma_wait3A_211 = tpu.memref_slice %arg6[%dma_wait3A_209, %dma_wait3A_210] : memref<327680x128xf32, #tpu.memory_space<hbm>> -> memref<128x128xf32, #tpu.memory_space<hbm>>
        tpu.wait_dma2 semaphore(%arg25 : memref<!tpu.dma_semaphore, #tpu.memory_space<semaphore_mem>>) src(%arg13 : memref<128x128xf32, #tpu.memory_space<vmem>>) dst(%dma_wait3A_211 : memref<128x128xf32, #tpu.memory_space<hbm>>)
        %dma_wait3A_212 = arith.constant 0 : i32
        %dma_wait3A_213 = arith.constant 0 : i32
        %dma_wait3A_214 = tpu.memref_slice %arg7[%dma_wait3A_212, %dma_wait3A_213] : memref<2560x128xi32, #tpu.memory_space<hbm>> -> memref<1x128xi32, #tpu.memory_space<hbm>>
        %dma_wait3A_215 = tpu.memref_squeeze %dma_wait3A_214 : memref<1x128xi32, #tpu.memory_space<hbm>> -> memref<128xi32, #tpu.memory_space<hbm>>
        %dma_wait3A_216 = arith.constant 0 : i32
        %dma_wait3A_217 = tpu.memref_slice %arg7[%dma_wait3A_212, %dma_wait3A_216] : memref<2560x128xi32, #tpu.memory_space<hbm>> -> memref<1x128xi32, #tpu.memory_space<hbm>>
        %dma_wait3A_218 = tpu.memref_squeeze %dma_wait3A_217 : memref<1x128xi32, #tpu.memory_space<hbm>> -> memref<128xi32, #tpu.memory_space<hbm>>
        tpu.wait_dma2 semaphore(%arg25 : memref<!tpu.dma_semaphore, #tpu.memory_space<semaphore_mem>>) src(%arg17 : memref<128xi32, #tpu.memory_space<vmem>>) dst(%dma_wait3A_218 : memref<128xi32, #tpu.memory_space<hbm>>)
      } else {
      }
      %add3A_125 = arith.constant 2 : i32
      %add3A_126 = arith.addi %add3A_96, %add3A_125 : i32
      %lt3A_127 = arith.constant 80 : i32
      %lt3A_128 = arith.cmpi slt, %add3A_126, %lt3A_127 : i32
      %convert_element_type3A_129 = arith.extui %lt3A_128 : i1 to i32
      %cond3A_130 = arith.constant 0 : i32
      %cond3A_131 = arith.cmpi ne, %convert_element_type3A_129, %cond3A_130 : i32
      scf.if %cond3A_131 {
        %add3A_206 = arith.constant 2 : i32
        %add3A_207 = arith.addi %add3A_96, %add3A_206 : i32
        %dma_start3A_208 = arith.constant 0 : i32
        %dma_start3A_209 = tpu.memref_slice %arg8[%add3A_207, %dma_start3A_208] : memref<80x128xi32, #tpu.memory_space<vmem>> -> memref<1x128xi32, #tpu.memory_space<vmem>>
        %dma_start3A_210 = tpu.memref_squeeze %dma_start3A_209 : memref<1x128xi32, #tpu.memory_space<vmem>> -> memref<128xi32, #tpu.memory_space<vmem>>
        %dma_start3A_211 = arith.constant 0 : i32
        %dma_start3A_212 = arith.constant 0 : i32
        %dma_start3A_213 = tpu.memref_slice %arg2[%dma_start3A_211, %dma_start3A_212] : memref<10000x128xf32, #tpu.memory_space<hbm>> -> memref<10000x128xf32, #tpu.memory_space<hbm>>
        tpu.enqueue_indirect_dma source(%dma_start3A_213 : memref<10000x128xf32, #tpu.memory_space<hbm>>) target(%arg13 : memref<128x128xf32, #tpu.memory_space<vmem>>) offsets(%dma_start3A_210 : memref<128xi32, #tpu.memory_space<vmem>>) semaphore(%arg21 : memref<!tpu.dma_semaphore, #tpu.memory_space<semaphore_mem>>)
        %dma_start3A_214 = arith.constant 0 : i32
        %dma_start3A_215 = tpu.memref_slice %arg9[%add3A_207, %dma_start3A_214] : memref<80x128xi32, #tpu.memory_space<vmem>> -> memref<1x128xi32, #tpu.memory_space<vmem>>
        %dma_start3A_216 = tpu.memref_squeeze %dma_start3A_215 : memref<1x128xi32, #tpu.memory_space<vmem>> -> memref<128xi32, #tpu.memory_space<vmem>>
        %dma_start3A_217 = arith.constant 0 : i32
        %dma_start3A_218 = tpu.memref_slice %arg4[%dma_start3A_217] : memref<320000xi32, #tpu.memory_space<hbm>> -> memref<320000xi32, #tpu.memory_space<hbm>>
        tpu.enqueue_indirect_dma source(%dma_start3A_218 : memref<320000xi32, #tpu.memory_space<hbm>>) target(%arg17 : memref<128xi32, #tpu.memory_space<vmem>>) offsets(%dma_start3A_216 : memref<128xi32, #tpu.memory_space<vmem>>) semaphore(%arg21 : memref<!tpu.dma_semaphore, #tpu.memory_space<semaphore_mem>>)
      } else {
      }
      %add3A_132 = arith.constant 2 : i32
      %add3A_133 = arith.addi %add3A_61, %add3A_132 : i32
      %dma_wait3A_134 = arith.constant 0 : i32
      %dma_wait3A_135 = arith.constant 0 : i32
      %dma_wait3A_136 = tpu.memref_slice %arg2[%dma_wait3A_134, %dma_wait3A_135] : memref<10000x128xf32, #tpu.memory_space<hbm>> -> memref<128x128xf32, #tpu.memory_space<hbm>>
      %dma_wait3A_137 = arith.constant 0 : i32
      %dma_wait3A_138 = arith.constant 0 : i32
      %dma_wait3A_139 = tpu.memref_slice %arg2[%dma_wait3A_137, %dma_wait3A_138] : memref<10000x128xf32, #tpu.memory_space<hbm>> -> memref<128x128xf32, #tpu.memory_space<hbm>>
      tpu.wait_dma2 semaphore(%arg20 : memref<!tpu.dma_semaphore, #tpu.memory_space<semaphore_mem>>) src(%dma_wait3A_139 : memref<128x128xf32, #tpu.memory_space<hbm>>) dst(%arg12 : memref<128x128xf32, #tpu.memory_space<vmem>>)
      %dma_wait3A_140 = arith.constant 0 : i32
      %dma_wait3A_141 = tpu.memref_slice %arg4[%dma_wait3A_140] : memref<320000xi32, #tpu.memory_space<hbm>> -> memref<128xi32, #tpu.memory_space<hbm>>
      %dma_wait3A_142 = arith.constant 0 : i32
      %dma_wait3A_143 = tpu.memref_slice %arg4[%dma_wait3A_142] : memref<320000xi32, #tpu.memory_space<hbm>> -> memref<128xi32, #tpu.memory_space<hbm>>
      tpu.wait_dma2 semaphore(%arg20 : memref<!tpu.dma_semaphore, #tpu.memory_space<semaphore_mem>>) src(%dma_wait3A_143 : memref<128xi32, #tpu.memory_space<hbm>>) dst(%arg16 : memref<128xi32, #tpu.memory_space<vmem>>)
      %add3A_144 = arith.addi %mul3A_2, %add3A_133 : i32
      %mul3A_145 = arith.constant 128 : i32
      %mul3A_146 = arith.muli %add3A_144, %mul3A_145 : i32
      %dma_start3A_147 = arith.constant 0 : i32
      %dma_start3A_148 = tpu.memref_slice %arg6[%mul3A_146, %dma_start3A_147] : memref<327680x128xf32, #tpu.memory_space<hbm>> -> memref<128x128xf32, #tpu.memory_space<hbm>>
      %dma_start3A_149 = arith.constant 0 : i32
      %dma_start3A_150 = tpu.memref_slice %arg6[%mul3A_146, %dma_start3A_149] : memref<327680x128xf32, #tpu.memory_space<hbm>> -> memref<128x128xf32, #tpu.memory_space<hbm>>
      tpu.enqueue_dma source(%arg12 : memref<128x128xf32, #tpu.memory_space<vmem>>) target(%dma_start3A_150 : memref<128x128xf32, #tpu.memory_space<hbm>>) target_semaphore(%arg24 : memref<!tpu.dma_semaphore, #tpu.memory_space<semaphore_mem>>)
      %dma_start3A_151 = arith.constant 0 : i32
      %dma_start3A_152 = tpu.memref_slice %arg7[%add3A_144, %dma_start3A_151] : memref<2560x128xi32, #tpu.memory_space<hbm>> -> memref<1x128xi32, #tpu.memory_space<hbm>>
      %dma_start3A_153 = tpu.memref_squeeze %dma_start3A_152 : memref<1x128xi32, #tpu.memory_space<hbm>> -> memref<128xi32, #tpu.memory_space<hbm>>
      %dma_start3A_154 = arith.constant 0 : i32
      %dma_start3A_155 = tpu.memref_slice %arg7[%add3A_144, %dma_start3A_154] : memref<2560x128xi32, #tpu.memory_space<hbm>> -> memref<1x128xi32, #tpu.memory_space<hbm>>
      %dma_start3A_156 = tpu.memref_squeeze %dma_start3A_155 : memref<1x128xi32, #tpu.memory_space<hbm>> -> memref<128xi32, #tpu.memory_space<hbm>>
      tpu.enqueue_dma source(%arg16 : memref<128xi32, #tpu.memory_space<vmem>>) target(%dma_start3A_156 : memref<128xi32, #tpu.memory_space<hbm>>) target_semaphore(%arg24 : memref<!tpu.dma_semaphore, #tpu.memory_space<semaphore_mem>>)
      %ge3A_157 = arith.constant 2 : i32
      %ge3A_158 = arith.cmpi sge, %add3A_133, %ge3A_157 : i32
      %convert_element_type3A_159 = arith.extui %ge3A_158 : i1 to i32
      %cond3A_160 = arith.constant 0 : i32
      %cond3A_161 = arith.cmpi ne, %convert_element_type3A_159, %cond3A_160 : i32
      scf.if %cond3A_161 {
        %dma_wait3A_206 = arith.constant 0 : i32
        %dma_wait3A_207 = arith.constant 0 : i32
        %dma_wait3A_208 = tpu.memref_slice %arg6[%dma_wait3A_206, %dma_wait3A_207] : memref<327680x128xf32, #tpu.memory_space<hbm>> -> memref<128x128xf32, #tpu.memory_space<hbm>>
        %dma_wait3A_209 = arith.constant 0 : i32
        %dma_wait3A_210 = arith.constant 0 : i32
        %dma_wait3A_211 = tpu.memref_slice %arg6[%dma_wait3A_209, %dma_wait3A_210] : memref<327680x128xf32, #tpu.memory_space<hbm>> -> memref<128x128xf32, #tpu.memory_space<hbm>>
        tpu.wait_dma2 semaphore(%arg22 : memref<!tpu.dma_semaphore, #tpu.memory_space<semaphore_mem>>) src(%arg10 : memref<128x128xf32, #tpu.memory_space<vmem>>) dst(%dma_wait3A_211 : memref<128x128xf32, #tpu.memory_space<hbm>>)
        %dma_wait3A_212 = arith.constant 0 : i32
        %dma_wait3A_213 = arith.constant 0 : i32
        %dma_wait3A_214 = tpu.memref_slice %arg7[%dma_wait3A_212, %dma_wait3A_213] : memref<2560x128xi32, #tpu.memory_space<hbm>> -> memref<1x128xi32, #tpu.memory_space<hbm>>
        %dma_wait3A_215 = tpu.memref_squeeze %dma_wait3A_214 : memref<1x128xi32, #tpu.memory_space<hbm>> -> memref<128xi32, #tpu.memory_space<hbm>>
        %dma_wait3A_216 = arith.constant 0 : i32
        %dma_wait3A_217 = tpu.memref_slice %arg7[%dma_wait3A_212, %dma_wait3A_216] : memref<2560x128xi32, #tpu.memory_space<hbm>> -> memref<1x128xi32, #tpu.memory_space<hbm>>
        %dma_wait3A_218 = tpu.memref_squeeze %dma_wait3A_217 : memref<1x128xi32, #tpu.memory_space<hbm>> -> memref<128xi32, #tpu.memory_space<hbm>>
        tpu.wait_dma2 semaphore(%arg22 : memref<!tpu.dma_semaphore, #tpu.memory_space<semaphore_mem>>) src(%arg14 : memref<128xi32, #tpu.memory_space<vmem>>) dst(%dma_wait3A_218 : memref<128xi32, #tpu.memory_space<hbm>>)
      } else {
      }
      %add3A_162 = arith.constant 2 : i32
      %add3A_163 = arith.addi %add3A_133, %add3A_162 : i32
      %lt3A_164 = arith.constant 80 : i32
      %lt3A_165 = arith.cmpi slt, %add3A_163, %lt3A_164 : i32
      %convert_element_type3A_166 = arith.extui %lt3A_165 : i1 to i32
      %cond3A_167 = arith.constant 0 : i32
      %cond3A_168 = arith.cmpi ne, %convert_element_type3A_166, %cond3A_167 : i32
      scf.if %cond3A_168 {
        %add3A_206 = arith.constant 2 : i32
        %add3A_207 = arith.addi %add3A_133, %add3A_206 : i32
        %dma_start3A_208 = arith.constant 0 : i32
        %dma_start3A_209 = tpu.memref_slice %arg8[%add3A_207, %dma_start3A_208] : memref<80x128xi32, #tpu.memory_space<vmem>> -> memref<1x128xi32, #tpu.memory_space<vmem>>
        %dma_start3A_210 = tpu.memref_squeeze %dma_start3A_209 : memref<1x128xi32, #tpu.memory_space<vmem>> -> memref<128xi32, #tpu.memory_space<vmem>>
        %dma_start3A_211 = arith.constant 0 : i32
        %dma_start3A_212 = arith.constant 0 : i32
        %dma_start3A_213 = tpu.memref_slice %arg2[%dma_start3A_211, %dma_start3A_212] : memref<10000x128xf32, #tpu.memory_space<hbm>> -> memref<10000x128xf32, #tpu.memory_space<hbm>>
        tpu.enqueue_indirect_dma source(%dma_start3A_213 : memref<10000x128xf32, #tpu.memory_space<hbm>>) target(%arg10 : memref<128x128xf32, #tpu.memory_space<vmem>>) offsets(%dma_start3A_210 : memref<128xi32, #tpu.memory_space<vmem>>) semaphore(%arg18 : memref<!tpu.dma_semaphore, #tpu.memory_space<semaphore_mem>>)
        %dma_start3A_214 = arith.constant 0 : i32
        %dma_start3A_215 = tpu.memref_slice %arg9[%add3A_207, %dma_start3A_214] : memref<80x128xi32, #tpu.memory_space<vmem>> -> memref<1x128xi32, #tpu.memory_space<vmem>>
        %dma_start3A_216 = tpu.memref_squeeze %dma_start3A_215 : memref<1x128xi32, #tpu.memory_space<vmem>> -> memref<128xi32, #tpu.memory_space<vmem>>
        %dma_start3A_217 = arith.constant 0 : i32
        %dma_start3A_218 = tpu.memref_slice %arg4[%dma_start3A_217] : memref<320000xi32, #tpu.memory_space<hbm>> -> memref<320000xi32, #tpu.memory_space<hbm>>
        tpu.enqueue_indirect_dma source(%dma_start3A_218 : memref<320000xi32, #tpu.memory_space<hbm>>) target(%arg14 : memref<128xi32, #tpu.memory_space<vmem>>) offsets(%dma_start3A_216 : memref<128xi32, #tpu.memory_space<vmem>>) semaphore(%arg18 : memref<!tpu.dma_semaphore, #tpu.memory_space<semaphore_mem>>)
      } else {
      }
      %add3A_169 = arith.constant 3 : i32
      %add3A_170 = arith.addi %add3A_61, %add3A_169 : i32
      %dma_wait3A_171 = arith.constant 0 : i32
      %dma_wait3A_172 = arith.constant 0 : i32
      %dma_wait3A_173 = tpu.memref_slice %arg2[%dma_wait3A_171, %dma_wait3A_172] : memref<10000x128xf32, #tpu.memory_space<hbm>> -> memref<128x128xf32, #tpu.memory_space<hbm>>
      %dma_wait3A_174 = arith.constant 0 : i32
      %dma_wait3A_175 = arith.constant 0 : i32
      %dma_wait3A_176 = tpu.memref_slice %arg2[%dma_wait3A_174, %dma_wait3A_175] : memref<10000x128xf32, #tpu.memory_space<hbm>> -> memref<128x128xf32, #tpu.memory_space<hbm>>
      tpu.wait_dma2 semaphore(%arg21 : memref<!tpu.dma_semaphore, #tpu.memory_space<semaphore_mem>>) src(%dma_wait3A_176 : memref<128x128xf32, #tpu.memory_space<hbm>>) dst(%arg13 : memref<128x128xf32, #tpu.memory_space<vmem>>)
      %dma_wait3A_177 = arith.constant 0 : i32
      %dma_wait3A_178 = tpu.memref_slice %arg4[%dma_wait3A_177] : memref<320000xi32, #tpu.memory_space<hbm>> -> memref<128xi32, #tpu.memory_space<hbm>>
      %dma_wait3A_179 = arith.constant 0 : i32
      %dma_wait3A_180 = tpu.memref_slice %arg4[%dma_wait3A_179] : memref<320000xi32, #tpu.memory_space<hbm>> -> memref<128xi32, #tpu.memory_space<hbm>>
      tpu.wait_dma2 semaphore(%arg21 : memref<!tpu.dma_semaphore, #tpu.memory_space<semaphore_mem>>) src(%dma_wait3A_180 : memref<128xi32, #tpu.memory_space<hbm>>) dst(%arg17 : memref<128xi32, #tpu.memory_space<vmem>>)
      %add3A_181 = arith.addi %mul3A_2, %add3A_170 : i32
      %mul3A_182 = arith.constant 128 : i32
      %mul3A_183 = arith.muli %add3A_181, %mul3A_182 : i32
      %dma_start3A_184 = arith.constant 0 : i32
      %dma_start3A_185 = tpu.memref_slice %arg6[%mul3A_183, %dma_start3A_184] : memref<327680x128xf32, #tpu.memory_space<hbm>> -> memref<128x128xf32, #tpu.memory_space<hbm>>
      %dma_start3A_186 = arith.constant 0 : i32
      %dma_start3A_187 = tpu.memref_slice %arg6[%mul3A_183, %dma_start3A_186] : memref<327680x128xf32, #tpu.memory_space<hbm>> -> memref<128x128xf32, #tpu.memory_space<hbm>>
      tpu.enqueue_dma source(%arg13 : memref<128x128xf32, #tpu.memory_space<vmem>>) target(%dma_start3A_187 : memref<128x128xf32, #tpu.memory_space<hbm>>) target_semaphore(%arg25 : memref<!tpu.dma_semaphore, #tpu.memory_space<semaphore_mem>>)
      %dma_start3A_188 = arith.constant 0 : i32
      %dma_start3A_189 = tpu.memref_slice %arg7[%add3A_181, %dma_start3A_188] : memref<2560x128xi32, #tpu.memory_space<hbm>> -> memref<1x128xi32, #tpu.memory_space<hbm>>
      %dma_start3A_190 = tpu.memref_squeeze %dma_start3A_189 : memref<1x128xi32, #tpu.memory_space<hbm>> -> memref<128xi32, #tpu.memory_space<hbm>>
      %dma_start3A_191 = arith.constant 0 : i32
      %dma_start3A_192 = tpu.memref_slice %arg7[%add3A_181, %dma_start3A_191] : memref<2560x128xi32, #tpu.memory_space<hbm>> -> memref<1x128xi32, #tpu.memory_space<hbm>>
      %dma_start3A_193 = tpu.memref_squeeze %dma_start3A_192 : memref<1x128xi32, #tpu.memory_space<hbm>> -> memref<128xi32, #tpu.memory_space<hbm>>
      tpu.enqueue_dma source(%arg17 : memref<128xi32, #tpu.memory_space<vmem>>) target(%dma_start3A_193 : memref<128xi32, #tpu.memory_space<hbm>>) target_semaphore(%arg25 : memref<!tpu.dma_semaphore, #tpu.memory_space<semaphore_mem>>)
      %ge3A_194 = arith.constant 2 : i32
      %ge3A_195 = arith.cmpi sge, %add3A_170, %ge3A_194 : i32
      %convert_element_type3A_196 = arith.extui %ge3A_195 : i1 to i32
      %cond3A_197 = arith.constant 0 : i32
      %cond3A_198 = arith.cmpi ne, %convert_element_type3A_196, %cond3A_197 : i32
      scf.if %cond3A_198 {
        %dma_wait3A_206 = arith.constant 0 : i32
        %dma_wait3A_207 = arith.constant 0 : i32
        %dma_wait3A_208 = tpu.memref_slice %arg6[%dma_wait3A_206, %dma_wait3A_207] : memref<327680x128xf32, #tpu.memory_space<hbm>> -> memref<128x128xf32, #tpu.memory_space<hbm>>
        %dma_wait3A_209 = arith.constant 0 : i32
        %dma_wait3A_210 = arith.constant 0 : i32
        %dma_wait3A_211 = tpu.memref_slice %arg6[%dma_wait3A_209, %dma_wait3A_210] : memref<327680x128xf32, #tpu.memory_space<hbm>> -> memref<128x128xf32, #tpu.memory_space<hbm>>
        tpu.wait_dma2 semaphore(%arg23 : memref<!tpu.dma_semaphore, #tpu.memory_space<semaphore_mem>>) src(%arg11 : memref<128x128xf32, #tpu.memory_space<vmem>>) dst(%dma_wait3A_211 : memref<128x128xf32, #tpu.memory_space<hbm>>)
        %dma_wait3A_212 = arith.constant 0 : i32
        %dma_wait3A_213 = arith.constant 0 : i32
        %dma_wait3A_214 = tpu.memref_slice %arg7[%dma_wait3A_212, %dma_wait3A_213] : memref<2560x128xi32, #tpu.memory_space<hbm>> -> memref<1x128xi32, #tpu.memory_space<hbm>>
        %dma_wait3A_215 = tpu.memref_squeeze %dma_wait3A_214 : memref<1x128xi32, #tpu.memory_space<hbm>> -> memref<128xi32, #tpu.memory_space<hbm>>
        %dma_wait3A_216 = arith.constant 0 : i32
        %dma_wait3A_217 = tpu.memref_slice %arg7[%dma_wait3A_212, %dma_wait3A_216] : memref<2560x128xi32, #tpu.memory_space<hbm>> -> memref<1x128xi32, #tpu.memory_space<hbm>>
        %dma_wait3A_218 = tpu.memref_squeeze %dma_wait3A_217 : memref<1x128xi32, #tpu.memory_space<hbm>> -> memref<128xi32, #tpu.memory_space<hbm>>
        tpu.wait_dma2 semaphore(%arg23 : memref<!tpu.dma_semaphore, #tpu.memory_space<semaphore_mem>>) src(%arg15 : memref<128xi32, #tpu.memory_space<vmem>>) dst(%dma_wait3A_218 : memref<128xi32, #tpu.memory_space<hbm>>)
      } else {
      }
      %add3A_199 = arith.constant 2 : i32
      %add3A_200 = arith.addi %add3A_170, %add3A_199 : i32
      %lt3A_201 = arith.constant 80 : i32
      %lt3A_202 = arith.cmpi slt, %add3A_200, %lt3A_201 : i32
      %convert_element_type3A_203 = arith.extui %lt3A_202 : i1 to i32
      %cond3A_204 = arith.constant 0 : i32
      %cond3A_205 = arith.cmpi ne, %convert_element_type3A_203, %cond3A_204 : i32
      scf.if %cond3A_205 {
        %add3A_206 = arith.constant 2 : i32
        %add3A_207 = arith.addi %add3A_170, %add3A_206 : i32
        %dma_start3A_208 = arith.constant 0 : i32
        %dma_start3A_209 = tpu.memref_slice %arg8[%add3A_207, %dma_start3A_208] : memref<80x128xi32, #tpu.memory_space<vmem>> -> memref<1x128xi32, #tpu.memory_space<vmem>>
        %dma_start3A_210 = tpu.memref_squeeze %dma_start3A_209 : memref<1x128xi32, #tpu.memory_space<vmem>> -> memref<128xi32, #tpu.memory_space<vmem>>
        %dma_start3A_211 = arith.constant 0 : i32
        %dma_start3A_212 = arith.constant 0 : i32
        %dma_start3A_213 = tpu.memref_slice %arg2[%dma_start3A_211, %dma_start3A_212] : memref<10000x128xf32, #tpu.memory_space<hbm>> -> memref<10000x128xf32, #tpu.memory_space<hbm>>
        tpu.enqueue_indirect_dma source(%dma_start3A_213 : memref<10000x128xf32, #tpu.memory_space<hbm>>) target(%arg11 : memref<128x128xf32, #tpu.memory_space<vmem>>) offsets(%dma_start3A_210 : memref<128xi32, #tpu.memory_space<vmem>>) semaphore(%arg19 : memref<!tpu.dma_semaphore, #tpu.memory_space<semaphore_mem>>)
        %dma_start3A_214 = arith.constant 0 : i32
        %dma_start3A_215 = tpu.memref_slice %arg9[%add3A_207, %dma_start3A_214] : memref<80x128xi32, #tpu.memory_space<vmem>> -> memref<1x128xi32, #tpu.memory_space<vmem>>
        %dma_start3A_216 = tpu.memref_squeeze %dma_start3A_215 : memref<1x128xi32, #tpu.memory_space<vmem>> -> memref<128xi32, #tpu.memory_space<vmem>>
        %dma_start3A_217 = arith.constant 0 : i32
        %dma_start3A_218 = tpu.memref_slice %arg4[%dma_start3A_217] : memref<320000xi32, #tpu.memory_space<hbm>> -> memref<320000xi32, #tpu.memory_space<hbm>>
        tpu.enqueue_indirect_dma source(%dma_start3A_218 : memref<320000xi32, #tpu.memory_space<hbm>>) target(%arg15 : memref<128xi32, #tpu.memory_space<vmem>>) offsets(%dma_start3A_216 : memref<128xi32, #tpu.memory_space<vmem>>) semaphore(%arg19 : memref<!tpu.dma_semaphore, #tpu.memory_space<semaphore_mem>>)
      } else {
      }
    }
    %scan3A_31 = arith.constant 20 : i32
    %dma_wait3A = arith.constant 0 : i32
    %dma_wait3A_32 = arith.constant 0 : i32
    %dma_wait3A_33 = tpu.memref_slice %arg6[%dma_wait3A, %dma_wait3A_32] : memref<327680x128xf32, #tpu.memory_space<hbm>> -> memref<128x128xf32, #tpu.memory_space<hbm>>
    %dma_wait3A_34 = arith.constant 0 : i32
    %dma_wait3A_35 = arith.constant 0 : i32
    %dma_wait3A_36 = tpu.memref_slice %arg6[%dma_wait3A_34, %dma_wait3A_35] : memref<327680x128xf32, #tpu.memory_space<hbm>> -> memref<128x128xf32, #tpu.memory_space<hbm>>
    tpu.wait_dma2 semaphore(%arg24 : memref<!tpu.dma_semaphore, #tpu.memory_space<semaphore_mem>>) src(%arg12 : memref<128x128xf32, #tpu.memory_space<vmem>>) dst(%dma_wait3A_36 : memref<128x128xf32, #tpu.memory_space<hbm>>)
    %dma_wait3A_37 = arith.constant 0 : i32
    %dma_wait3A_38 = arith.constant 0 : i32
    %dma_wait3A_39 = tpu.memref_slice %arg7[%dma_wait3A_37, %dma_wait3A_38] : memref<2560x128xi32, #tpu.memory_space<hbm>> -> memref<1x128xi32, #tpu.memory_space<hbm>>
    %dma_wait3A_40 = tpu.memref_squeeze %dma_wait3A_39 : memref<1x128xi32, #tpu.memory_space<hbm>> -> memref<128xi32, #tpu.memory_space<hbm>>
    %dma_wait3A_41 = arith.constant 0 : i32
    %dma_wait3A_42 = tpu.memref_slice %arg7[%dma_wait3A_37, %dma_wait3A_41] : memref<2560x128xi32, #tpu.memory_space<hbm>> -> memref<1x128xi32, #tpu.memory_space<hbm>>
    %dma_wait3A_43 = tpu.memref_squeeze %dma_wait3A_42 : memref<1x128xi32, #tpu.memory_space<hbm>> -> memref<128xi32, #tpu.memory_space<hbm>>
    tpu.wait_dma2 semaphore(%arg24 : memref<!tpu.dma_semaphore, #tpu.memory_space<semaphore_mem>>) src(%arg16 : memref<128xi32, #tpu.memory_space<vmem>>) dst(%dma_wait3A_43 : memref<128xi32, #tpu.memory_space<hbm>>)
    %dma_wait3A_44 = arith.constant 0 : i32
    %dma_wait3A_45 = arith.constant 0 : i32
    %dma_wait3A_46 = tpu.memref_slice %arg6[%dma_wait3A_44, %dma_wait3A_45] : memref<327680x128xf32, #tpu.memory_space<hbm>> -> memref<128x128xf32, #tpu.memory_space<hbm>>
    %dma_wait3A_47 = arith.constant 0 : i32
    %dma_wait3A_48 = arith.constant 0 : i32
    %dma_wait3A_49 = tpu.memref_slice %arg6[%dma_wait3A_47, %dma_wait3A_48] : memref<327680x128xf32, #tpu.memory_space<hbm>> -> memref<128x128xf32, #tpu.memory_space<hbm>>
    tpu.wait_dma2 semaphore(%arg25 : memref<!tpu.dma_semaphore, #tpu.memory_space<semaphore_mem>>) src(%arg13 : memref<128x128xf32, #tpu.memory_space<vmem>>) dst(%dma_wait3A_49 : memref<128x128xf32, #tpu.memory_space<hbm>>)
    %dma_wait3A_50 = arith.constant 0 : i32
    %dma_wait3A_51 = arith.constant 0 : i32
    %dma_wait3A_52 = tpu.memref_slice %arg7[%dma_wait3A_50, %dma_wait3A_51] : memref<2560x128xi32, #tpu.memory_space<hbm>> -> memref<1x128xi32, #tpu.memory_space<hbm>>
    %dma_wait3A_53 = tpu.memref_squeeze %dma_wait3A_52 : memref<1x128xi32, #tpu.memory_space<hbm>> -> memref<128xi32, #tpu.memory_space<hbm>>
    %dma_wait3A_54 = arith.constant 0 : i32
    %dma_wait3A_55 = tpu.memref_slice %arg7[%dma_wait3A_50, %dma_wait3A_54] : memref<2560x128xi32, #tpu.memory_space<hbm>> -> memref<1x128xi32, #tpu.memory_space<hbm>>
    %dma_wait3A_56 = tpu.memref_squeeze %dma_wait3A_55 : memref<1x128xi32, #tpu.memory_space<hbm>> -> memref<128xi32, #tpu.memory_space<hbm>>
    tpu.wait_dma2 semaphore(%arg25 : memref<!tpu.dma_semaphore, #tpu.memory_space<semaphore_mem>>) src(%arg17 : memref<128xi32, #tpu.memory_space<vmem>>) dst(%dma_wait3A_56 : memref<128xi32, #tpu.memory_space<hbm>>)
    return
  }
}

#map = affine_map<(d0, d1) -> (0, 0)>
module attributes {stable_mosaic.version = 14 : i64} {
  func.func @_c_gather(%arg0: i32, %arg1: i32, %arg2: memref<327680x128xf32, #tpu.memory_space<hbm>>, %arg3: memref<2560x128xi32, #tpu.memory_space<hbm>>, %arg4: memref<327680x128xf32, #tpu.memory_space<hbm>>, %arg5: memref<10240x128xf32, #tpu.memory_space<hbm>>, %arg6: memref<80x128xi32, #tpu.memory_space<vmem>>, %arg7: memref<128x128xf32, #tpu.memory_space<vmem>>, %arg8: memref<128x128xf32, #tpu.memory_space<vmem>>, %arg9: memref<128x128xf32, #tpu.memory_space<vmem>>, %arg10: memref<128x128xf32, #tpu.memory_space<vmem>>, %arg11: memref<4x128xf32, #tpu.memory_space<vmem>>, %arg12: memref<4x128xf32, #tpu.memory_space<vmem>>, %arg13: memref<4x128xf32, #tpu.memory_space<vmem>>, %arg14: memref<4x128xf32, #tpu.memory_space<vmem>>, %arg15: memref<!tpu.dma_semaphore, #tpu.memory_space<semaphore_mem>>, %arg16: memref<!tpu.dma_semaphore, #tpu.memory_space<semaphore_mem>>, %arg17: memref<!tpu.dma_semaphore, #tpu.memory_space<semaphore_mem>>, %arg18: memref<!tpu.dma_semaphore, #tpu.memory_space<semaphore_mem>>, %arg19: memref<!tpu.dma_semaphore, #tpu.memory_space<semaphore_mem>>, %arg20: memref<!tpu.dma_semaphore, #tpu.memory_space<semaphore_mem>>, %arg21: memref<!tpu.dma_semaphore, #tpu.memory_space<semaphore_mem>>, %arg22: memref<!tpu.dma_semaphore, #tpu.memory_space<semaphore_mem>>) attributes {dimension_semantics = [#tpu.dimension_semantics<core_parallel>, #tpu.dimension_semantics<subcore_parallel>], iteration_bounds = array<i64: 2, 16>, scalar_prefetch = 0 : i64, scratch_operands = 17 : i64, tpu.core_type = #tpu.core_type<sc_vector_subcore>, window_params = [{transform_indices = #map}, {transform_indices = #map}, {transform_indices = #map}, {transform_indices = #map}]} {
    %mul3A = arith.constant 2 : i32
    %mul3A_0 = arith.muli %arg1, %mul3A : i32
    %add3A = arith.addi %mul3A_0, %arg0 : i32
    %mul3A_1 = arith.constant 80 : i32
    %mul3A_2 = arith.muli %add3A, %mul3A_1 : i32
    "tpu.region"() ({
      %run_scoped3A = tpu.sem_alloc : memref<!tpu.dma_semaphore, #tpu.memory_space<semaphore_mem>>
      %dma_start3A_43 = arith.constant 0 : i32
      %dma_start3A_44 = tpu.memref_slice %arg3[%mul3A_2, %dma_start3A_43] : memref<2560x128xi32, #tpu.memory_space<hbm>> -> memref<80x128xi32, #tpu.memory_space<hbm>>
      %dma_start3A_45 = arith.constant 0 : i32
      %dma_start3A_46 = tpu.memref_slice %arg3[%mul3A_2, %dma_start3A_45] : memref<2560x128xi32, #tpu.memory_space<hbm>> -> memref<80x128xi32, #tpu.memory_space<hbm>>
      tpu.enqueue_dma source(%dma_start3A_46 : memref<80x128xi32, #tpu.memory_space<hbm>>) target(%arg6 : memref<80x128xi32, #tpu.memory_space<vmem>>) target_semaphore(%run_scoped3A : memref<!tpu.dma_semaphore, #tpu.memory_space<semaphore_mem>>)
      %dma_wait3A_47 = arith.constant 0 : i32
      %dma_wait3A_48 = tpu.memref_slice %arg3[%mul3A_2, %dma_wait3A_47] : memref<2560x128xi32, #tpu.memory_space<hbm>> -> memref<80x128xi32, #tpu.memory_space<hbm>>
      %dma_wait3A_49 = arith.constant 0 : i32
      %dma_wait3A_50 = tpu.memref_slice %arg3[%mul3A_2, %dma_wait3A_49] : memref<2560x128xi32, #tpu.memory_space<hbm>> -> memref<80x128xi32, #tpu.memory_space<hbm>>
      tpu.wait_dma2 semaphore(%run_scoped3A : memref<!tpu.dma_semaphore, #tpu.memory_space<semaphore_mem>>) src(%dma_wait3A_50 : memref<80x128xi32, #tpu.memory_space<hbm>>) dst(%arg6 : memref<80x128xi32, #tpu.memory_space<vmem>>)
      tpu.yield
    }) : () -> ()
    %dma_start3A = arith.constant 0 : i32
    %dma_start3A_3 = arith.constant 0 : i32
    %dma_start3A_4 = tpu.memref_slice %arg6[%dma_start3A, %dma_start3A_3] : memref<80x128xi32, #tpu.memory_space<vmem>> -> memref<1x128xi32, #tpu.memory_space<vmem>>
    %dma_start3A_5 = tpu.memref_squeeze %dma_start3A_4 : memref<1x128xi32, #tpu.memory_space<vmem>> -> memref<128xi32, #tpu.memory_space<vmem>>
    %dma_start3A_6 = arith.constant 0 : i32
    %dma_start3A_7 = arith.constant 0 : i32
    %dma_start3A_8 = tpu.memref_slice %arg2[%dma_start3A_6, %dma_start3A_7] : memref<327680x128xf32, #tpu.memory_space<hbm>> -> memref<327680x128xf32, #tpu.memory_space<hbm>>
    tpu.enqueue_indirect_dma source(%dma_start3A_8 : memref<327680x128xf32, #tpu.memory_space<hbm>>) target(%arg7 : memref<128x128xf32, #tpu.memory_space<vmem>>) offsets(%dma_start3A_5 : memref<128xi32, #tpu.memory_space<vmem>>) semaphore(%arg15 : memref<!tpu.dma_semaphore, #tpu.memory_space<semaphore_mem>>)
    %dma_start3A_9 = arith.constant 1 : i32
    %dma_start3A_10 = arith.constant 0 : i32
    %dma_start3A_11 = tpu.memref_slice %arg6[%dma_start3A_9, %dma_start3A_10] : memref<80x128xi32, #tpu.memory_space<vmem>> -> memref<1x128xi32, #tpu.memory_space<vmem>>
    %dma_start3A_12 = tpu.memref_squeeze %dma_start3A_11 : memref<1x128xi32, #tpu.memory_space<vmem>> -> memref<128xi32, #tpu.memory_space<vmem>>
    %dma_start3A_13 = arith.constant 0 : i32
    %dma_start3A_14 = arith.constant 0 : i32
    %dma_start3A_15 = tpu.memref_slice %arg2[%dma_start3A_13, %dma_start3A_14] : memref<327680x128xf32, #tpu.memory_space<hbm>> -> memref<327680x128xf32, #tpu.memory_space<hbm>>
    tpu.enqueue_indirect_dma source(%dma_start3A_15 : memref<327680x128xf32, #tpu.memory_space<hbm>>) target(%arg8 : memref<128x128xf32, #tpu.memory_space<vmem>>) offsets(%dma_start3A_12 : memref<128xi32, #tpu.memory_space<vmem>>) semaphore(%arg16 : memref<!tpu.dma_semaphore, #tpu.memory_space<semaphore_mem>>)
    %scan3A = arith.constant 0 : i32
    %scan3A_16 = arith.constant 20 : i32
    %scan3A_17 = arith.addi %scan3A, %scan3A_16 : i32
    %scan3A_18 = arith.constant 1 : i32
    scf.for %scan3A_43 = %scan3A to %scan3A_17 step %scan3A_18  : i32 {
      %mul3A_44 = arith.constant 4 : i32
      %mul3A_45 = arith.muli %scan3A_43, %mul3A_44 : i32
      %add3A_46 = arith.constant 0 : i32
      %add3A_47 = arith.addi %add3A_46, %mul3A_45 : i32
      %add3A_48 = arith.constant 0 : i32
      %add3A_49 = arith.addi %add3A_47, %add3A_48 : i32
      %dma_wait3A_50 = arith.constant 0 : i32
      %dma_wait3A_51 = arith.constant 0 : i32
      %dma_wait3A_52 = tpu.memref_slice %arg2[%dma_wait3A_50, %dma_wait3A_51] : memref<327680x128xf32, #tpu.memory_space<hbm>> -> memref<128x128xf32, #tpu.memory_space<hbm>>
      %dma_wait3A_53 = arith.constant 0 : i32
      %dma_wait3A_54 = arith.constant 0 : i32
      %dma_wait3A_55 = tpu.memref_slice %arg2[%dma_wait3A_53, %dma_wait3A_54] : memref<327680x128xf32, #tpu.memory_space<hbm>> -> memref<128x128xf32, #tpu.memory_space<hbm>>
      tpu.wait_dma2 semaphore(%arg15 : memref<!tpu.dma_semaphore, #tpu.memory_space<semaphore_mem>>) src(%dma_wait3A_55 : memref<128x128xf32, #tpu.memory_space<hbm>>) dst(%arg7 : memref<128x128xf32, #tpu.memory_space<vmem>>)
      %scan3A_56 = arith.constant 0 : i32
      %scan3A_57 = arith.constant 4 : i32
      %scan3A_58 = arith.addi %scan3A_56, %scan3A_57 : i32
      %scan3A_59 = arith.constant 1 : i32
      scf.for %scan3A_208 = %scan3A_56 to %scan3A_58 step %scan3A_59  : i32 {
        %mul3A_209 = arith.constant 1 : i32
        %mul3A_210 = arith.muli %scan3A_208, %mul3A_209 : i32
        %add3A_211 = arith.constant 0 : i32
        %add3A_212 = arith.addi %add3A_211, %mul3A_210 : i32
        %scan3A_213 = arith.constant 0 : i32
        %scan3A_214 = arith.constant 8 : i32
        %scan3A_215 = arith.addi %scan3A_213, %scan3A_214 : i32
        %scan3A_216 = arith.constant 1 : i32
        scf.for %scan3A_218 = %scan3A_213 to %scan3A_215 step %scan3A_216  : i32 {
          %mul3A_219 = arith.constant 16 : i32
          %mul3A_220 = arith.muli %scan3A_218, %mul3A_219 : i32
          %add3A_221 = arith.constant 0 : i32
          %add3A_222 = arith.addi %add3A_221, %mul3A_220 : i32
          %mul3A_223 = arith.constant 32 : i32
          %mul3A_224 = arith.muli %add3A_212, %mul3A_223 : i32
          %get3A = arith.index_cast %mul3A_224 : i32 to index
          %get3A_225 = arith.index_cast %add3A_222 : i32 to index
          %get3A_226 = tpu.vector_load %arg7[%get3A, %get3A_225] {strides = array<i32>} : memref<128x128xf32, #tpu.memory_space<vmem>>, vector<1x16xf32>,
          %get3A_227 = vector.shape_cast %get3A_226 : vector<1x16xf32> to vector<1x16xf32>
          %mul3A_228 = arith.constant 32 : i32
          %mul3A_229 = arith.muli %add3A_212, %mul3A_228 : i32
          %add3A_230 = arith.constant 1 : i32
          %add3A_231 = arith.addi %mul3A_229, %add3A_230 : i32
          %get3A_232 = arith.index_cast %add3A_231 : i32 to index
          %get3A_233 = arith.index_cast %add3A_222 : i32 to index
          %get3A_234 = tpu.vector_load %arg7[%get3A_232, %get3A_233] {strides = array<i32>} : memref<128x128xf32, #tpu.memory_space<vmem>>, vector<1x16xf32>,
          %get3A_235 = vector.shape_cast %get3A_234 : vector<1x16xf32> to vector<1x16xf32>
          %max3A = arith.maximumf %get3A_227, %get3A_235 : vector<1x16xf32>
          %mul3A_236 = arith.constant 32 : i32
          %mul3A_237 = arith.muli %add3A_212, %mul3A_236 : i32
          %add3A_238 = arith.constant 2 : i32
          %add3A_239 = arith.addi %mul3A_237, %add3A_238 : i32
          %get3A_240 = arith.index_cast %add3A_239 : i32 to index
          %get3A_241 = arith.index_cast %add3A_222 : i32 to index
          %get3A_242 = tpu.vector_load %arg7[%get3A_240, %get3A_241] {strides = array<i32>} : memref<128x128xf32, #tpu.memory_space<vmem>>, vector<1x16xf32>,
          %get3A_243 = vector.shape_cast %get3A_242 : vector<1x16xf32> to vector<1x16xf32>
          %max3A_244 = arith.maximumf %max3A, %get3A_243 : vector<1x16xf32>
          %mul3A_245 = arith.constant 32 : i32
          %mul3A_246 = arith.muli %add3A_212, %mul3A_245 : i32
          %add3A_247 = arith.constant 3 : i32
          %add3A_248 = arith.addi %mul3A_246, %add3A_247 : i32
          %get3A_249 = arith.index_cast %add3A_248 : i32 to index
          %get3A_250 = arith.index_cast %add3A_222 : i32 to index
          %get3A_251 = tpu.vector_load %arg7[%get3A_249, %get3A_250] {strides = array<i32>} : memref<128x128xf32, #tpu.memory_space<vmem>>, vector<1x16xf32>,
          %get3A_252 = vector.shape_cast %get3A_251 : vector<1x16xf32> to vector<1x16xf32>
          %max3A_253 = arith.maximumf %max3A_244, %get3A_252 : vector<1x16xf32>
          %mul3A_254 = arith.constant 32 : i32
          %mul3A_255 = arith.muli %add3A_212, %mul3A_254 : i32
          %add3A_256 = arith.constant 4 : i32
          %add3A_257 = arith.addi %mul3A_255, %add3A_256 : i32
          %get3A_258 = arith.index_cast %add3A_257 : i32 to index
          %get3A_259 = arith.index_cast %add3A_222 : i32 to index
          %get3A_260 = tpu.vector_load %arg7[%get3A_258, %get3A_259] {strides = array<i32>} : memref<128x128xf32, #tpu.memory_space<vmem>>, vector<1x16xf32>,
          %get3A_261 = vector.shape_cast %get3A_260 : vector<1x16xf32> to vector<1x16xf32>
          %max3A_262 = arith.maximumf %max3A_253, %get3A_261 : vector<1x16xf32>
          %mul3A_263 = arith.constant 32 : i32
          %mul3A_264 = arith.muli %add3A_212, %mul3A_263 : i32
          %add3A_265 = arith.constant 5 : i32
          %add3A_266 = arith.addi %mul3A_264, %add3A_265 : i32
          %get3A_267 = arith.index_cast %add3A_266 : i32 to index
          %get3A_268 = arith.index_cast %add3A_222 : i32 to index
          %get3A_269 = tpu.vector_load %arg7[%get3A_267, %get3A_268] {strides = array<i32>} : memref<128x128xf32, #tpu.memory_space<vmem>>, vector<1x16xf32>,
          %get3A_270 = vector.shape_cast %get3A_269 : vector<1x16xf32> to vector<1x16xf32>
          %max3A_271 = arith.maximumf %max3A_262, %get3A_270 : vector<1x16xf32>
          %mul3A_272 = arith.constant 32 : i32
          %mul3A_273 = arith.muli %add3A_212, %mul3A_272 : i32
          %add3A_274 = arith.constant 6 : i32
          %add3A_275 = arith.addi %mul3A_273, %add3A_274 : i32
          %get3A_276 = arith.index_cast %add3A_275 : i32 to index
          %get3A_277 = arith.index_cast %add3A_222 : i32 to index
          %get3A_278 = tpu.vector_load %arg7[%get3A_276, %get3A_277] {strides = array<i32>} : memref<128x128xf32, #tpu.memory_space<vmem>>, vector<1x16xf32>,
          %get3A_279 = vector.shape_cast %get3A_278 : vector<1x16xf32> to vector<1x16xf32>
          %max3A_280 = arith.maximumf %max3A_271, %get3A_279 : vector<1x16xf32>
          %mul3A_281 = arith.constant 32 : i32
          %mul3A_282 = arith.muli %add3A_212, %mul3A_281 : i32
          %add3A_283 = arith.constant 7 : i32
          %add3A_284 = arith.addi %mul3A_282, %add3A_283 : i32
          %get3A_285 = arith.index_cast %add3A_284 : i32 to index
          %get3A_286 = arith.index_cast %add3A_222 : i32 to index
          %get3A_287 = tpu.vector_load %arg7[%get3A_285, %get3A_286] {strides = array<i32>} : memref<128x128xf32, #tpu.memory_space<vmem>>, vector<1x16xf32>,
          %get3A_288 = vector.shape_cast %get3A_287 : vector<1x16xf32> to vector<1x16xf32>
          %max3A_289 = arith.maximumf %max3A_280, %get3A_288 : vector<1x16xf32>
          %mul3A_290 = arith.constant 32 : i32
          %mul3A_291 = arith.muli %add3A_212, %mul3A_290 : i32
          %add3A_292 = arith.constant 8 : i32
          %add3A_293 = arith.addi %mul3A_291, %add3A_292 : i32
          %get3A_294 = arith.index_cast %add3A_293 : i32 to index
          %get3A_295 = arith.index_cast %add3A_222 : i32 to index
          %get3A_296 = tpu.vector_load %arg7[%get3A_294, %get3A_295] {strides = array<i32>} : memref<128x128xf32, #tpu.memory_space<vmem>>, vector<1x16xf32>,
          %get3A_297 = vector.shape_cast %get3A_296 : vector<1x16xf32> to vector<1x16xf32>
          %max3A_298 = arith.maximumf %max3A_289, %get3A_297 : vector<1x16xf32>
          %mul3A_299 = arith.constant 32 : i32
          %mul3A_300 = arith.muli %add3A_212, %mul3A_299 : i32
          %add3A_301 = arith.constant 9 : i32
          %add3A_302 = arith.addi %mul3A_300, %add3A_301 : i32
          %get3A_303 = arith.index_cast %add3A_302 : i32 to index
          %get3A_304 = arith.index_cast %add3A_222 : i32 to index
          %get3A_305 = tpu.vector_load %arg7[%get3A_303, %get3A_304] {strides = array<i32>} : memref<128x128xf32, #tpu.memory_space<vmem>>, vector<1x16xf32>,
          %get3A_306 = vector.shape_cast %get3A_305 : vector<1x16xf32> to vector<1x16xf32>
          %max3A_307 = arith.maximumf %max3A_298, %get3A_306 : vector<1x16xf32>
          %mul3A_308 = arith.constant 32 : i32
          %mul3A_309 = arith.muli %add3A_212, %mul3A_308 : i32
          %add3A_310 = arith.constant 10 : i32
          %add3A_311 = arith.addi %mul3A_309, %add3A_310 : i32
          %get3A_312 = arith.index_cast %add3A_311 : i32 to index
          %get3A_313 = arith.index_cast %add3A_222 : i32 to index
          %get3A_314 = tpu.vector_load %arg7[%get3A_312, %get3A_313] {strides = array<i32>} : memref<128x128xf32, #tpu.memory_space<vmem>>, vector<1x16xf32>,
          %get3A_315 = vector.shape_cast %get3A_314 : vector<1x16xf32> to vector<1x16xf32>
          %max3A_316 = arith.maximumf %max3A_307, %get3A_315 : vector<1x16xf32>
          %mul3A_317 = arith.constant 32 : i32
          %mul3A_318 = arith.muli %add3A_212, %mul3A_317 : i32
          %add3A_319 = arith.constant 11 : i32
          %add3A_320 = arith.addi %mul3A_318, %add3A_319 : i32
          %get3A_321 = arith.index_cast %add3A_320 : i32 to index
          %get3A_322 = arith.index_cast %add3A_222 : i32 to index
          %get3A_323 = tpu.vector_load %arg7[%get3A_321, %get3A_322] {strides = array<i32>} : memref<128x128xf32, #tpu.memory_space<vmem>>, vector<1x16xf32>,
          %get3A_324 = vector.shape_cast %get3A_323 : vector<1x16xf32> to vector<1x16xf32>
          %max3A_325 = arith.maximumf %max3A_316, %get3A_324 : vector<1x16xf32>
          %mul3A_326 = arith.constant 32 : i32
          %mul3A_327 = arith.muli %add3A_212, %mul3A_326 : i32
          %add3A_328 = arith.constant 12 : i32
          %add3A_329 = arith.addi %mul3A_327, %add3A_328 : i32
          %get3A_330 = arith.index_cast %add3A_329 : i32 to index
          %get3A_331 = arith.index_cast %add3A_222 : i32 to index
          %get3A_332 = tpu.vector_load %arg7[%get3A_330, %get3A_331] {strides = array<i32>} : memref<128x128xf32, #tpu.memory_space<vmem>>, vector<1x16xf32>,
          %get3A_333 = vector.shape_cast %get3A_332 : vector<1x16xf32> to vector<1x16xf32>
          %max3A_334 = arith.maximumf %max3A_325, %get3A_333 : vector<1x16xf32>
          %mul3A_335 = arith.constant 32 : i32
          %mul3A_336 = arith.muli %add3A_212, %mul3A_335 : i32
          %add3A_337 = arith.constant 13 : i32
          %add3A_338 = arith.addi %mul3A_336, %add3A_337 : i32
          %get3A_339 = arith.index_cast %add3A_338 : i32 to index
          %get3A_340 = arith.index_cast %add3A_222 : i32 to index
          %get3A_341 = tpu.vector_load %arg7[%get3A_339, %get3A_340] {strides = array<i32>} : memref<128x128xf32, #tpu.memory_space<vmem>>, vector<1x16xf32>,
          %get3A_342 = vector.shape_cast %get3A_341 : vector<1x16xf32> to vector<1x16xf32>
          %max3A_343 = arith.maximumf %max3A_334, %get3A_342 : vector<1x16xf32>
          %mul3A_344 = arith.constant 32 : i32
          %mul3A_345 = arith.muli %add3A_212, %mul3A_344 : i32
          %add3A_346 = arith.constant 14 : i32
          %add3A_347 = arith.addi %mul3A_345, %add3A_346 : i32
          %get3A_348 = arith.index_cast %add3A_347 : i32 to index
          %get3A_349 = arith.index_cast %add3A_222 : i32 to index
          %get3A_350 = tpu.vector_load %arg7[%get3A_348, %get3A_349] {strides = array<i32>} : memref<128x128xf32, #tpu.memory_space<vmem>>, vector<1x16xf32>,
          %get3A_351 = vector.shape_cast %get3A_350 : vector<1x16xf32> to vector<1x16xf32>
          %max3A_352 = arith.maximumf %max3A_343, %get3A_351 : vector<1x16xf32>
          %mul3A_353 = arith.constant 32 : i32
          %mul3A_354 = arith.muli %add3A_212, %mul3A_353 : i32
          %add3A_355 = arith.constant 15 : i32
          %add3A_356 = arith.addi %mul3A_354, %add3A_355 : i32
          %get3A_357 = arith.index_cast %add3A_356 : i32 to index
          %get3A_358 = arith.index_cast %add3A_222 : i32 to index
          %get3A_359 = tpu.vector_load %arg7[%get3A_357, %get3A_358] {strides = array<i32>} : memref<128x128xf32, #tpu.memory_space<vmem>>, vector<1x16xf32>,
          %get3A_360 = vector.shape_cast %get3A_359 : vector<1x16xf32> to vector<1x16xf32>
          %max3A_361 = arith.maximumf %max3A_352, %get3A_360 : vector<1x16xf32>
          %mul3A_362 = arith.constant 32 : i32
          %mul3A_363 = arith.muli %add3A_212, %mul3A_362 : i32
          %add3A_364 = arith.constant 16 : i32
          %add3A_365 = arith.addi %mul3A_363, %add3A_364 : i32
          %get3A_366 = arith.index_cast %add3A_365 : i32 to index
          %get3A_367 = arith.index_cast %add3A_222 : i32 to index
          %get3A_368 = tpu.vector_load %arg7[%get3A_366, %get3A_367] {strides = array<i32>} : memref<128x128xf32, #tpu.memory_space<vmem>>, vector<1x16xf32>,
          %get3A_369 = vector.shape_cast %get3A_368 : vector<1x16xf32> to vector<1x16xf32>
          %max3A_370 = arith.maximumf %max3A_361, %get3A_369 : vector<1x16xf32>
          %mul3A_371 = arith.constant 32 : i32
          %mul3A_372 = arith.muli %add3A_212, %mul3A_371 : i32
          %add3A_373 = arith.constant 17 : i32
          %add3A_374 = arith.addi %mul3A_372, %add3A_373 : i32
          %get3A_375 = arith.index_cast %add3A_374 : i32 to index
          %get3A_376 = arith.index_cast %add3A_222 : i32 to index
          %get3A_377 = tpu.vector_load %arg7[%get3A_375, %get3A_376] {strides = array<i32>} : memref<128x128xf32, #tpu.memory_space<vmem>>, vector<1x16xf32>,
          %get3A_378 = vector.shape_cast %get3A_377 : vector<1x16xf32> to vector<1x16xf32>
          %max3A_379 = arith.maximumf %max3A_370, %get3A_378 : vector<1x16xf32>
          %mul3A_380 = arith.constant 32 : i32
          %mul3A_381 = arith.muli %add3A_212, %mul3A_380 : i32
          %add3A_382 = arith.constant 18 : i32
          %add3A_383 = arith.addi %mul3A_381, %add3A_382 : i32
          %get3A_384 = arith.index_cast %add3A_383 : i32 to index
          %get3A_385 = arith.index_cast %add3A_222 : i32 to index
          %get3A_386 = tpu.vector_load %arg7[%get3A_384, %get3A_385] {strides = array<i32>} : memref<128x128xf32, #tpu.memory_space<vmem>>, vector<1x16xf32>,
          %get3A_387 = vector.shape_cast %get3A_386 : vector<1x16xf32> to vector<1x16xf32>
          %max3A_388 = arith.maximumf %max3A_379, %get3A_387 : vector<1x16xf32>
          %mul3A_389 = arith.constant 32 : i32
          %mul3A_390 = arith.muli %add3A_212, %mul3A_389 : i32
          %add3A_391 = arith.constant 19 : i32
          %add3A_392 = arith.addi %mul3A_390, %add3A_391 : i32
          %get3A_393 = arith.index_cast %add3A_392 : i32 to index
          %get3A_394 = arith.index_cast %add3A_222 : i32 to index
          %get3A_395 = tpu.vector_load %arg7[%get3A_393, %get3A_394] {strides = array<i32>} : memref<128x128xf32, #tpu.memory_space<vmem>>, vector<1x16xf32>,
          %get3A_396 = vector.shape_cast %get3A_395 : vector<1x16xf32> to vector<1x16xf32>
          %max3A_397 = arith.maximumf %max3A_388, %get3A_396 : vector<1x16xf32>
          %mul3A_398 = arith.constant 32 : i32
          %mul3A_399 = arith.muli %add3A_212, %mul3A_398 : i32
          %add3A_400 = arith.constant 20 : i32
          %add3A_401 = arith.addi %mul3A_399, %add3A_400 : i32
          %get3A_402 = arith.index_cast %add3A_401 : i32 to index
          %get3A_403 = arith.index_cast %add3A_222 : i32 to index
          %get3A_404 = tpu.vector_load %arg7[%get3A_402, %get3A_403] {strides = array<i32>} : memref<128x128xf32, #tpu.memory_space<vmem>>, vector<1x16xf32>,
          %get3A_405 = vector.shape_cast %get3A_404 : vector<1x16xf32> to vector<1x16xf32>
          %max3A_406 = arith.maximumf %max3A_397, %get3A_405 : vector<1x16xf32>
          %mul3A_407 = arith.constant 32 : i32
          %mul3A_408 = arith.muli %add3A_212, %mul3A_407 : i32
          %add3A_409 = arith.constant 21 : i32
          %add3A_410 = arith.addi %mul3A_408, %add3A_409 : i32
          %get3A_411 = arith.index_cast %add3A_410 : i32 to index
          %get3A_412 = arith.index_cast %add3A_222 : i32 to index
          %get3A_413 = tpu.vector_load %arg7[%get3A_411, %get3A_412] {strides = array<i32>} : memref<128x128xf32, #tpu.memory_space<vmem>>, vector<1x16xf32>,
          %get3A_414 = vector.shape_cast %get3A_413 : vector<1x16xf32> to vector<1x16xf32>
          %max3A_415 = arith.maximumf %max3A_406, %get3A_414 : vector<1x16xf32>
          %mul3A_416 = arith.constant 32 : i32
          %mul3A_417 = arith.muli %add3A_212, %mul3A_416 : i32
          %add3A_418 = arith.constant 22 : i32
          %add3A_419 = arith.addi %mul3A_417, %add3A_418 : i32
          %get3A_420 = arith.index_cast %add3A_419 : i32 to index
          %get3A_421 = arith.index_cast %add3A_222 : i32 to index
          %get3A_422 = tpu.vector_load %arg7[%get3A_420, %get3A_421] {strides = array<i32>} : memref<128x128xf32, #tpu.memory_space<vmem>>, vector<1x16xf32>,
          %get3A_423 = vector.shape_cast %get3A_422 : vector<1x16xf32> to vector<1x16xf32>
          %max3A_424 = arith.maximumf %max3A_415, %get3A_423 : vector<1x16xf32>
          %mul3A_425 = arith.constant 32 : i32
          %mul3A_426 = arith.muli %add3A_212, %mul3A_425 : i32
          %add3A_427 = arith.constant 23 : i32
          %add3A_428 = arith.addi %mul3A_426, %add3A_427 : i32
          %get3A_429 = arith.index_cast %add3A_428 : i32 to index
          %get3A_430 = arith.index_cast %add3A_222 : i32 to index
          %get3A_431 = tpu.vector_load %arg7[%get3A_429, %get3A_430] {strides = array<i32>} : memref<128x128xf32, #tpu.memory_space<vmem>>, vector<1x16xf32>,
          %get3A_432 = vector.shape_cast %get3A_431 : vector<1x16xf32> to vector<1x16xf32>
          %max3A_433 = arith.maximumf %max3A_424, %get3A_432 : vector<1x16xf32>
          %mul3A_434 = arith.constant 32 : i32
          %mul3A_435 = arith.muli %add3A_212, %mul3A_434 : i32
          %add3A_436 = arith.constant 24 : i32
          %add3A_437 = arith.addi %mul3A_435, %add3A_436 : i32
          %get3A_438 = arith.index_cast %add3A_437 : i32 to index
          %get3A_439 = arith.index_cast %add3A_222 : i32 to index
          %get3A_440 = tpu.vector_load %arg7[%get3A_438, %get3A_439] {strides = array<i32>} : memref<128x128xf32, #tpu.memory_space<vmem>>, vector<1x16xf32>,
          %get3A_441 = vector.shape_cast %get3A_440 : vector<1x16xf32> to vector<1x16xf32>
          %max3A_442 = arith.maximumf %max3A_433, %get3A_441 : vector<1x16xf32>
          %mul3A_443 = arith.constant 32 : i32
          %mul3A_444 = arith.muli %add3A_212, %mul3A_443 : i32
          %add3A_445 = arith.constant 25 : i32
          %add3A_446 = arith.addi %mul3A_444, %add3A_445 : i32
          %get3A_447 = arith.index_cast %add3A_446 : i32 to index
          %get3A_448 = arith.index_cast %add3A_222 : i32 to index
          %get3A_449 = tpu.vector_load %arg7[%get3A_447, %get3A_448] {strides = array<i32>} : memref<128x128xf32, #tpu.memory_space<vmem>>, vector<1x16xf32>,
          %get3A_450 = vector.shape_cast %get3A_449 : vector<1x16xf32> to vector<1x16xf32>
          %max3A_451 = arith.maximumf %max3A_442, %get3A_450 : vector<1x16xf32>
          %mul3A_452 = arith.constant 32 : i32
          %mul3A_453 = arith.muli %add3A_212, %mul3A_452 : i32
          %add3A_454 = arith.constant 26 : i32
          %add3A_455 = arith.addi %mul3A_453, %add3A_454 : i32
          %get3A_456 = arith.index_cast %add3A_455 : i32 to index
          %get3A_457 = arith.index_cast %add3A_222 : i32 to index
          %get3A_458 = tpu.vector_load %arg7[%get3A_456, %get3A_457] {strides = array<i32>} : memref<128x128xf32, #tpu.memory_space<vmem>>, vector<1x16xf32>,
          %get3A_459 = vector.shape_cast %get3A_458 : vector<1x16xf32> to vector<1x16xf32>
          %max3A_460 = arith.maximumf %max3A_451, %get3A_459 : vector<1x16xf32>
          %mul3A_461 = arith.constant 32 : i32
          %mul3A_462 = arith.muli %add3A_212, %mul3A_461 : i32
          %add3A_463 = arith.constant 27 : i32
          %add3A_464 = arith.addi %mul3A_462, %add3A_463 : i32
          %get3A_465 = arith.index_cast %add3A_464 : i32 to index
          %get3A_466 = arith.index_cast %add3A_222 : i32 to index
          %get3A_467 = tpu.vector_load %arg7[%get3A_465, %get3A_466] {strides = array<i32>} : memref<128x128xf32, #tpu.memory_space<vmem>>, vector<1x16xf32>,
          %get3A_468 = vector.shape_cast %get3A_467 : vector<1x16xf32> to vector<1x16xf32>
          %max3A_469 = arith.maximumf %max3A_460, %get3A_468 : vector<1x16xf32>
          %mul3A_470 = arith.constant 32 : i32
          %mul3A_471 = arith.muli %add3A_212, %mul3A_470 : i32
          %add3A_472 = arith.constant 28 : i32
          %add3A_473 = arith.addi %mul3A_471, %add3A_472 : i32
          %get3A_474 = arith.index_cast %add3A_473 : i32 to index
          %get3A_475 = arith.index_cast %add3A_222 : i32 to index
          %get3A_476 = tpu.vector_load %arg7[%get3A_474, %get3A_475] {strides = array<i32>} : memref<128x128xf32, #tpu.memory_space<vmem>>, vector<1x16xf32>,
          %get3A_477 = vector.shape_cast %get3A_476 : vector<1x16xf32> to vector<1x16xf32>
          %max3A_478 = arith.maximumf %max3A_469, %get3A_477 : vector<1x16xf32>
          %mul3A_479 = arith.constant 32 : i32
          %mul3A_480 = arith.muli %add3A_212, %mul3A_479 : i32
          %add3A_481 = arith.constant 29 : i32
          %add3A_482 = arith.addi %mul3A_480, %add3A_481 : i32
          %get3A_483 = arith.index_cast %add3A_482 : i32 to index
          %get3A_484 = arith.index_cast %add3A_222 : i32 to index
          %get3A_485 = tpu.vector_load %arg7[%get3A_483, %get3A_484] {strides = array<i32>} : memref<128x128xf32, #tpu.memory_space<vmem>>, vector<1x16xf32>,
          %get3A_486 = vector.shape_cast %get3A_485 : vector<1x16xf32> to vector<1x16xf32>
          %max3A_487 = arith.maximumf %max3A_478, %get3A_486 : vector<1x16xf32>
          %mul3A_488 = arith.constant 32 : i32
          %mul3A_489 = arith.muli %add3A_212, %mul3A_488 : i32
          %add3A_490 = arith.constant 30 : i32
          %add3A_491 = arith.addi %mul3A_489, %add3A_490 : i32
          %get3A_492 = arith.index_cast %add3A_491 : i32 to index
          %get3A_493 = arith.index_cast %add3A_222 : i32 to index
          %get3A_494 = tpu.vector_load %arg7[%get3A_492, %get3A_493] {strides = array<i32>} : memref<128x128xf32, #tpu.memory_space<vmem>>, vector<1x16xf32>,
          %get3A_495 = vector.shape_cast %get3A_494 : vector<1x16xf32> to vector<1x16xf32>
          %max3A_496 = arith.maximumf %max3A_487, %get3A_495 : vector<1x16xf32>
          %mul3A_497 = arith.constant 32 : i32
          %mul3A_498 = arith.muli %add3A_212, %mul3A_497 : i32
          %add3A_499 = arith.constant 31 : i32
          %add3A_500 = arith.addi %mul3A_498, %add3A_499 : i32
          %get3A_501 = arith.index_cast %add3A_500 : i32 to index
          %get3A_502 = arith.index_cast %add3A_222 : i32 to index
          %get3A_503 = tpu.vector_load %arg7[%get3A_501, %get3A_502] {strides = array<i32>} : memref<128x128xf32, #tpu.memory_space<vmem>>, vector<1x16xf32>,
          %get3A_504 = vector.shape_cast %get3A_503 : vector<1x16xf32> to vector<1x16xf32>
          %max3A_505 = arith.maximumf %max3A_496, %get3A_504 : vector<1x16xf32>
          %swap3A = arith.index_cast %add3A_212 : i32 to index
          %swap3A_506 = arith.index_cast %add3A_222 : i32 to index
          %swap3A_507 = tpu.vector_load %arg11[%swap3A, %swap3A_506] {strides = array<i32>} : memref<4x128xf32, #tpu.memory_space<vmem>>, vector<1x16xf32>,
          %swap3A_508 = vector.shape_cast %swap3A_507 : vector<1x16xf32> to vector<1x16xf32>
          %swap3A_509 = vector.shape_cast %max3A_505 : vector<1x16xf32> to vector<1x16xf32>
          tpu.vector_store %arg11[%swap3A, %swap3A_506], %swap3A_509 {strides = array<i32>} : memref<4x128xf32, #tpu.memory_space<vmem>>, vector<1x16xf32>,
        }
        %scan3A_217 = arith.constant 8 : i32
      }
      %scan3A_60 = arith.constant 4 : i32
      %add3A_61 = arith.addi %mul3A_2, %add3A_49 : i32
      %mul3A_62 = arith.constant 128 : i32
      %mul3A_63 = arith.muli %add3A_61, %mul3A_62 : i32
      %dma_start3A_64 = arith.constant 0 : i32
      %dma_start3A_65 = tpu.memref_slice %arg4[%mul3A_63, %dma_start3A_64] : memref<327680x128xf32, #tpu.memory_space<hbm>> -> memref<128x128xf32, #tpu.memory_space<hbm>>
      %dma_start3A_66 = arith.constant 0 : i32
      %dma_start3A_67 = tpu.memref_slice %arg4[%mul3A_63, %dma_start3A_66] : memref<327680x128xf32, #tpu.memory_space<hbm>> -> memref<128x128xf32, #tpu.memory_space<hbm>>
      tpu.enqueue_dma source(%arg7 : memref<128x128xf32, #tpu.memory_space<vmem>>) target(%dma_start3A_67 : memref<128x128xf32, #tpu.memory_space<hbm>>) target_semaphore(%arg19 : memref<!tpu.dma_semaphore, #tpu.memory_space<semaphore_mem>>)
      %mul3A_68 = arith.constant 320 : i32
      %mul3A_69 = arith.muli %add3A, %mul3A_68 : i32
      %mul3A_70 = arith.constant 4 : i32
      %mul3A_71 = arith.muli %add3A_49, %mul3A_70 : i32
      %add3A_72 = arith.addi %mul3A_69, %mul3A_71 : i32
      %dma_start3A_73 = arith.constant 0 : i32
      %dma_start3A_74 = tpu.memref_slice %arg5[%add3A_72, %dma_start3A_73] : memref<10240x128xf32, #tpu.memory_space<hbm>> -> memref<4x128xf32, #tpu.memory_space<hbm>>
      %dma_start3A_75 = arith.constant 0 : i32
      %dma_start3A_76 = tpu.memref_slice %arg5[%add3A_72, %dma_start3A_75] : memref<10240x128xf32, #tpu.memory_space<hbm>> -> memref<4x128xf32, #tpu.memory_space<hbm>>
      tpu.enqueue_dma source(%arg11 : memref<4x128xf32, #tpu.memory_space<vmem>>) target(%dma_start3A_76 : memref<4x128xf32, #tpu.memory_space<hbm>>) target_semaphore(%arg19 : memref<!tpu.dma_semaphore, #tpu.memory_space<semaphore_mem>>)
      %ge3A = arith.constant 2 : i32
      %ge3A_77 = arith.cmpi sge, %add3A_49, %ge3A : i32
      %convert_element_type3A = arith.extui %ge3A_77 : i1 to i32
      %cond3A = arith.constant 0 : i32
      %cond3A_78 = arith.cmpi ne, %convert_element_type3A, %cond3A : i32
      scf.if %cond3A_78 {
        %dma_wait3A_208 = arith.constant 0 : i32
        %dma_wait3A_209 = arith.constant 0 : i32
        %dma_wait3A_210 = tpu.memref_slice %arg4[%dma_wait3A_208, %dma_wait3A_209] : memref<327680x128xf32, #tpu.memory_space<hbm>> -> memref<128x128xf32, #tpu.memory_space<hbm>>
        %dma_wait3A_211 = arith.constant 0 : i32
        %dma_wait3A_212 = arith.constant 0 : i32
        %dma_wait3A_213 = tpu.memref_slice %arg4[%dma_wait3A_211, %dma_wait3A_212] : memref<327680x128xf32, #tpu.memory_space<hbm>> -> memref<128x128xf32, #tpu.memory_space<hbm>>
        tpu.wait_dma2 semaphore(%arg21 : memref<!tpu.dma_semaphore, #tpu.memory_space<semaphore_mem>>) src(%arg9 : memref<128x128xf32, #tpu.memory_space<vmem>>) dst(%dma_wait3A_213 : memref<128x128xf32, #tpu.memory_space<hbm>>)
        %dma_wait3A_214 = arith.constant 0 : i32
        %dma_wait3A_215 = arith.constant 0 : i32
        %dma_wait3A_216 = tpu.memref_slice %arg5[%dma_wait3A_214, %dma_wait3A_215] : memref<10240x128xf32, #tpu.memory_space<hbm>> -> memref<4x128xf32, #tpu.memory_space<hbm>>
        %dma_wait3A_217 = arith.constant 0 : i32
        %dma_wait3A_218 = arith.constant 0 : i32
        %dma_wait3A_219 = tpu.memref_slice %arg5[%dma_wait3A_217, %dma_wait3A_218] : memref<10240x128xf32, #tpu.memory_space<hbm>> -> memref<4x128xf32, #tpu.memory_space<hbm>>
        tpu.wait_dma2 semaphore(%arg21 : memref<!tpu.dma_semaphore, #tpu.memory_space<semaphore_mem>>) src(%arg13 : memref<4x128xf32, #tpu.memory_space<vmem>>) dst(%dma_wait3A_219 : memref<4x128xf32, #tpu.memory_space<hbm>>)
      } else {
      }
      %add3A_79 = arith.constant 2 : i32
      %add3A_80 = arith.addi %add3A_49, %add3A_79 : i32
      %lt3A = arith.constant 80 : i32
      %lt3A_81 = arith.cmpi slt, %add3A_80, %lt3A : i32
      %convert_element_type3A_82 = arith.extui %lt3A_81 : i1 to i32
      %cond3A_83 = arith.constant 0 : i32
      %cond3A_84 = arith.cmpi ne, %convert_element_type3A_82, %cond3A_83 : i32
      scf.if %cond3A_84 {
        %add3A_208 = arith.constant 2 : i32
        %add3A_209 = arith.addi %add3A_49, %add3A_208 : i32
        %dma_start3A_210 = arith.constant 0 : i32
        %dma_start3A_211 = tpu.memref_slice %arg6[%add3A_209, %dma_start3A_210] : memref<80x128xi32, #tpu.memory_space<vmem>> -> memref<1x128xi32, #tpu.memory_space<vmem>>
        %dma_start3A_212 = tpu.memref_squeeze %dma_start3A_211 : memref<1x128xi32, #tpu.memory_space<vmem>> -> memref<128xi32, #tpu.memory_space<vmem>>
        %dma_start3A_213 = arith.constant 0 : i32
        %dma_start3A_214 = arith.constant 0 : i32
        %dma_start3A_215 = tpu.memref_slice %arg2[%dma_start3A_213, %dma_start3A_214] : memref<327680x128xf32, #tpu.memory_space<hbm>> -> memref<327680x128xf32, #tpu.memory_space<hbm>>
        tpu.enqueue_indirect_dma source(%dma_start3A_215 : memref<327680x128xf32, #tpu.memory_space<hbm>>) target(%arg9 : memref<128x128xf32, #tpu.memory_space<vmem>>) offsets(%dma_start3A_212 : memref<128xi32, #tpu.memory_space<vmem>>) semaphore(%arg17 : memref<!tpu.dma_semaphore, #tpu.memory_space<semaphore_mem>>)
      } else {
      }
      %add3A_85 = arith.constant 1 : i32
      %add3A_86 = arith.addi %add3A_47, %add3A_85 : i32
      %dma_wait3A_87 = arith.constant 0 : i32
      %dma_wait3A_88 = arith.constant 0 : i32
      %dma_wait3A_89 = tpu.memref_slice %arg2[%dma_wait3A_87, %dma_wait3A_88] : memref<327680x128xf32, #tpu.memory_space<hbm>> -> memref<128x128xf32, #tpu.memory_space<hbm>>
      %dma_wait3A_90 = arith.constant 0 : i32
      %dma_wait3A_91 = arith.constant 0 : i32
      %dma_wait3A_92 = tpu.memref_slice %arg2[%dma_wait3A_90, %dma_wait3A_91] : memref<327680x128xf32, #tpu.memory_space<hbm>> -> memref<128x128xf32, #tpu.memory_space<hbm>>
      tpu.wait_dma2 semaphore(%arg16 : memref<!tpu.dma_semaphore, #tpu.memory_space<semaphore_mem>>) src(%dma_wait3A_92 : memref<128x128xf32, #tpu.memory_space<hbm>>) dst(%arg8 : memref<128x128xf32, #tpu.memory_space<vmem>>)
      %scan3A_93 = arith.constant 0 : i32
      %scan3A_94 = arith.constant 4 : i32
      %scan3A_95 = arith.addi %scan3A_93, %scan3A_94 : i32
      %scan3A_96 = arith.constant 1 : i32
      scf.for %scan3A_208 = %scan3A_93 to %scan3A_95 step %scan3A_96  : i32 {
        %mul3A_209 = arith.constant 1 : i32
        %mul3A_210 = arith.muli %scan3A_208, %mul3A_209 : i32
        %add3A_211 = arith.constant 0 : i32
        %add3A_212 = arith.addi %add3A_211, %mul3A_210 : i32
        %scan3A_213 = arith.constant 0 : i32
        %scan3A_214 = arith.constant 8 : i32
        %scan3A_215 = arith.addi %scan3A_213, %scan3A_214 : i32
        %scan3A_216 = arith.constant 1 : i32
        scf.for %scan3A_218 = %scan3A_213 to %scan3A_215 step %scan3A_216  : i32 {
          %mul3A_219 = arith.constant 16 : i32
          %mul3A_220 = arith.muli %scan3A_218, %mul3A_219 : i32
          %add3A_221 = arith.constant 0 : i32
          %add3A_222 = arith.addi %add3A_221, %mul3A_220 : i32
          %mul3A_223 = arith.constant 32 : i32
          %mul3A_224 = arith.muli %add3A_212, %mul3A_223 : i32
          %get3A = arith.index_cast %mul3A_224 : i32 to index
          %get3A_225 = arith.index_cast %add3A_222 : i32 to index
          %get3A_226 = tpu.vector_load %arg8[%get3A, %get3A_225] {strides = array<i32>} : memref<128x128xf32, #tpu.memory_space<vmem>>, vector<1x16xf32>,
          %get3A_227 = vector.shape_cast %get3A_226 : vector<1x16xf32> to vector<1x16xf32>
          %mul3A_228 = arith.constant 32 : i32
          %mul3A_229 = arith.muli %add3A_212, %mul3A_228 : i32
          %add3A_230 = arith.constant 1 : i32
          %add3A_231 = arith.addi %mul3A_229, %add3A_230 : i32
          %get3A_232 = arith.index_cast %add3A_231 : i32 to index
          %get3A_233 = arith.index_cast %add3A_222 : i32 to index
          %get3A_234 = tpu.vector_load %arg8[%get3A_232, %get3A_233] {strides = array<i32>} : memref<128x128xf32, #tpu.memory_space<vmem>>, vector<1x16xf32>,
          %get3A_235 = vector.shape_cast %get3A_234 : vector<1x16xf32> to vector<1x16xf32>
          %max3A = arith.maximumf %get3A_227, %get3A_235 : vector<1x16xf32>
          %mul3A_236 = arith.constant 32 : i32
          %mul3A_237 = arith.muli %add3A_212, %mul3A_236 : i32
          %add3A_238 = arith.constant 2 : i32
          %add3A_239 = arith.addi %mul3A_237, %add3A_238 : i32
          %get3A_240 = arith.index_cast %add3A_239 : i32 to index
          %get3A_241 = arith.index_cast %add3A_222 : i32 to index
          %get3A_242 = tpu.vector_load %arg8[%get3A_240, %get3A_241] {strides = array<i32>} : memref<128x128xf32, #tpu.memory_space<vmem>>, vector<1x16xf32>,
          %get3A_243 = vector.shape_cast %get3A_242 : vector<1x16xf32> to vector<1x16xf32>
          %max3A_244 = arith.maximumf %max3A, %get3A_243 : vector<1x16xf32>
          %mul3A_245 = arith.constant 32 : i32
          %mul3A_246 = arith.muli %add3A_212, %mul3A_245 : i32
          %add3A_247 = arith.constant 3 : i32
          %add3A_248 = arith.addi %mul3A_246, %add3A_247 : i32
          %get3A_249 = arith.index_cast %add3A_248 : i32 to index
          %get3A_250 = arith.index_cast %add3A_222 : i32 to index
          %get3A_251 = tpu.vector_load %arg8[%get3A_249, %get3A_250] {strides = array<i32>} : memref<128x128xf32, #tpu.memory_space<vmem>>, vector<1x16xf32>,
          %get3A_252 = vector.shape_cast %get3A_251 : vector<1x16xf32> to vector<1x16xf32>
          %max3A_253 = arith.maximumf %max3A_244, %get3A_252 : vector<1x16xf32>
          %mul3A_254 = arith.constant 32 : i32
          %mul3A_255 = arith.muli %add3A_212, %mul3A_254 : i32
          %add3A_256 = arith.constant 4 : i32
          %add3A_257 = arith.addi %mul3A_255, %add3A_256 : i32
          %get3A_258 = arith.index_cast %add3A_257 : i32 to index
          %get3A_259 = arith.index_cast %add3A_222 : i32 to index
          %get3A_260 = tpu.vector_load %arg8[%get3A_258, %get3A_259] {strides = array<i32>} : memref<128x128xf32, #tpu.memory_space<vmem>>, vector<1x16xf32>,
          %get3A_261 = vector.shape_cast %get3A_260 : vector<1x16xf32> to vector<1x16xf32>
          %max3A_262 = arith.maximumf %max3A_253, %get3A_261 : vector<1x16xf32>
          %mul3A_263 = arith.constant 32 : i32
          %mul3A_264 = arith.muli %add3A_212, %mul3A_263 : i32
          %add3A_265 = arith.constant 5 : i32
          %add3A_266 = arith.addi %mul3A_264, %add3A_265 : i32
          %get3A_267 = arith.index_cast %add3A_266 : i32 to index
          %get3A_268 = arith.index_cast %add3A_222 : i32 to index
          %get3A_269 = tpu.vector_load %arg8[%get3A_267, %get3A_268] {strides = array<i32>} : memref<128x128xf32, #tpu.memory_space<vmem>>, vector<1x16xf32>,
          %get3A_270 = vector.shape_cast %get3A_269 : vector<1x16xf32> to vector<1x16xf32>
          %max3A_271 = arith.maximumf %max3A_262, %get3A_270 : vector<1x16xf32>
          %mul3A_272 = arith.constant 32 : i32
          %mul3A_273 = arith.muli %add3A_212, %mul3A_272 : i32
          %add3A_274 = arith.constant 6 : i32
          %add3A_275 = arith.addi %mul3A_273, %add3A_274 : i32
          %get3A_276 = arith.index_cast %add3A_275 : i32 to index
          %get3A_277 = arith.index_cast %add3A_222 : i32 to index
          %get3A_278 = tpu.vector_load %arg8[%get3A_276, %get3A_277] {strides = array<i32>} : memref<128x128xf32, #tpu.memory_space<vmem>>, vector<1x16xf32>,
          %get3A_279 = vector.shape_cast %get3A_278 : vector<1x16xf32> to vector<1x16xf32>
          %max3A_280 = arith.maximumf %max3A_271, %get3A_279 : vector<1x16xf32>
          %mul3A_281 = arith.constant 32 : i32
          %mul3A_282 = arith.muli %add3A_212, %mul3A_281 : i32
          %add3A_283 = arith.constant 7 : i32
          %add3A_284 = arith.addi %mul3A_282, %add3A_283 : i32
          %get3A_285 = arith.index_cast %add3A_284 : i32 to index
          %get3A_286 = arith.index_cast %add3A_222 : i32 to index
          %get3A_287 = tpu.vector_load %arg8[%get3A_285, %get3A_286] {strides = array<i32>} : memref<128x128xf32, #tpu.memory_space<vmem>>, vector<1x16xf32>,
          %get3A_288 = vector.shape_cast %get3A_287 : vector<1x16xf32> to vector<1x16xf32>
          %max3A_289 = arith.maximumf %max3A_280, %get3A_288 : vector<1x16xf32>
          %mul3A_290 = arith.constant 32 : i32
          %mul3A_291 = arith.muli %add3A_212, %mul3A_290 : i32
          %add3A_292 = arith.constant 8 : i32
          %add3A_293 = arith.addi %mul3A_291, %add3A_292 : i32
          %get3A_294 = arith.index_cast %add3A_293 : i32 to index
          %get3A_295 = arith.index_cast %add3A_222 : i32 to index
          %get3A_296 = tpu.vector_load %arg8[%get3A_294, %get3A_295] {strides = array<i32>} : memref<128x128xf32, #tpu.memory_space<vmem>>, vector<1x16xf32>,
          %get3A_297 = vector.shape_cast %get3A_296 : vector<1x16xf32> to vector<1x16xf32>
          %max3A_298 = arith.maximumf %max3A_289, %get3A_297 : vector<1x16xf32>
          %mul3A_299 = arith.constant 32 : i32
          %mul3A_300 = arith.muli %add3A_212, %mul3A_299 : i32
          %add3A_301 = arith.constant 9 : i32
          %add3A_302 = arith.addi %mul3A_300, %add3A_301 : i32
          %get3A_303 = arith.index_cast %add3A_302 : i32 to index
          %get3A_304 = arith.index_cast %add3A_222 : i32 to index
          %get3A_305 = tpu.vector_load %arg8[%get3A_303, %get3A_304] {strides = array<i32>} : memref<128x128xf32, #tpu.memory_space<vmem>>, vector<1x16xf32>,
          %get3A_306 = vector.shape_cast %get3A_305 : vector<1x16xf32> to vector<1x16xf32>
          %max3A_307 = arith.maximumf %max3A_298, %get3A_306 : vector<1x16xf32>
          %mul3A_308 = arith.constant 32 : i32
          %mul3A_309 = arith.muli %add3A_212, %mul3A_308 : i32
          %add3A_310 = arith.constant 10 : i32
          %add3A_311 = arith.addi %mul3A_309, %add3A_310 : i32
          %get3A_312 = arith.index_cast %add3A_311 : i32 to index
          %get3A_313 = arith.index_cast %add3A_222 : i32 to index
          %get3A_314 = tpu.vector_load %arg8[%get3A_312, %get3A_313] {strides = array<i32>} : memref<128x128xf32, #tpu.memory_space<vmem>>, vector<1x16xf32>,
          %get3A_315 = vector.shape_cast %get3A_314 : vector<1x16xf32> to vector<1x16xf32>
          %max3A_316 = arith.maximumf %max3A_307, %get3A_315 : vector<1x16xf32>
          %mul3A_317 = arith.constant 32 : i32
          %mul3A_318 = arith.muli %add3A_212, %mul3A_317 : i32
          %add3A_319 = arith.constant 11 : i32
          %add3A_320 = arith.addi %mul3A_318, %add3A_319 : i32
          %get3A_321 = arith.index_cast %add3A_320 : i32 to index
          %get3A_322 = arith.index_cast %add3A_222 : i32 to index
          %get3A_323 = tpu.vector_load %arg8[%get3A_321, %get3A_322] {strides = array<i32>} : memref<128x128xf32, #tpu.memory_space<vmem>>, vector<1x16xf32>,
          %get3A_324 = vector.shape_cast %get3A_323 : vector<1x16xf32> to vector<1x16xf32>
          %max3A_325 = arith.maximumf %max3A_316, %get3A_324 : vector<1x16xf32>
          %mul3A_326 = arith.constant 32 : i32
          %mul3A_327 = arith.muli %add3A_212, %mul3A_326 : i32
          %add3A_328 = arith.constant 12 : i32
          %add3A_329 = arith.addi %mul3A_327, %add3A_328 : i32
          %get3A_330 = arith.index_cast %add3A_329 : i32 to index
          %get3A_331 = arith.index_cast %add3A_222 : i32 to index
          %get3A_332 = tpu.vector_load %arg8[%get3A_330, %get3A_331] {strides = array<i32>} : memref<128x128xf32, #tpu.memory_space<vmem>>, vector<1x16xf32>,
          %get3A_333 = vector.shape_cast %get3A_332 : vector<1x16xf32> to vector<1x16xf32>
          %max3A_334 = arith.maximumf %max3A_325, %get3A_333 : vector<1x16xf32>
          %mul3A_335 = arith.constant 32 : i32
          %mul3A_336 = arith.muli %add3A_212, %mul3A_335 : i32
          %add3A_337 = arith.constant 13 : i32
          %add3A_338 = arith.addi %mul3A_336, %add3A_337 : i32
          %get3A_339 = arith.index_cast %add3A_338 : i32 to index
          %get3A_340 = arith.index_cast %add3A_222 : i32 to index
          %get3A_341 = tpu.vector_load %arg8[%get3A_339, %get3A_340] {strides = array<i32>} : memref<128x128xf32, #tpu.memory_space<vmem>>, vector<1x16xf32>,
          %get3A_342 = vector.shape_cast %get3A_341 : vector<1x16xf32> to vector<1x16xf32>
          %max3A_343 = arith.maximumf %max3A_334, %get3A_342 : vector<1x16xf32>
          %mul3A_344 = arith.constant 32 : i32
          %mul3A_345 = arith.muli %add3A_212, %mul3A_344 : i32
          %add3A_346 = arith.constant 14 : i32
          %add3A_347 = arith.addi %mul3A_345, %add3A_346 : i32
          %get3A_348 = arith.index_cast %add3A_347 : i32 to index
          %get3A_349 = arith.index_cast %add3A_222 : i32 to index
          %get3A_350 = tpu.vector_load %arg8[%get3A_348, %get3A_349] {strides = array<i32>} : memref<128x128xf32, #tpu.memory_space<vmem>>, vector<1x16xf32>,
          %get3A_351 = vector.shape_cast %get3A_350 : vector<1x16xf32> to vector<1x16xf32>
          %max3A_352 = arith.maximumf %max3A_343, %get3A_351 : vector<1x16xf32>
          %mul3A_353 = arith.constant 32 : i32
          %mul3A_354 = arith.muli %add3A_212, %mul3A_353 : i32
          %add3A_355 = arith.constant 15 : i32
          %add3A_356 = arith.addi %mul3A_354, %add3A_355 : i32
          %get3A_357 = arith.index_cast %add3A_356 : i32 to index
          %get3A_358 = arith.index_cast %add3A_222 : i32 to index
          %get3A_359 = tpu.vector_load %arg8[%get3A_357, %get3A_358] {strides = array<i32>} : memref<128x128xf32, #tpu.memory_space<vmem>>, vector<1x16xf32>,
          %get3A_360 = vector.shape_cast %get3A_359 : vector<1x16xf32> to vector<1x16xf32>
          %max3A_361 = arith.maximumf %max3A_352, %get3A_360 : vector<1x16xf32>
          %mul3A_362 = arith.constant 32 : i32
          %mul3A_363 = arith.muli %add3A_212, %mul3A_362 : i32
          %add3A_364 = arith.constant 16 : i32
          %add3A_365 = arith.addi %mul3A_363, %add3A_364 : i32
          %get3A_366 = arith.index_cast %add3A_365 : i32 to index
          %get3A_367 = arith.index_cast %add3A_222 : i32 to index
          %get3A_368 = tpu.vector_load %arg8[%get3A_366, %get3A_367] {strides = array<i32>} : memref<128x128xf32, #tpu.memory_space<vmem>>, vector<1x16xf32>,
          %get3A_369 = vector.shape_cast %get3A_368 : vector<1x16xf32> to vector<1x16xf32>
          %max3A_370 = arith.maximumf %max3A_361, %get3A_369 : vector<1x16xf32>
          %mul3A_371 = arith.constant 32 : i32
          %mul3A_372 = arith.muli %add3A_212, %mul3A_371 : i32
          %add3A_373 = arith.constant 17 : i32
          %add3A_374 = arith.addi %mul3A_372, %add3A_373 : i32
          %get3A_375 = arith.index_cast %add3A_374 : i32 to index
          %get3A_376 = arith.index_cast %add3A_222 : i32 to index
          %get3A_377 = tpu.vector_load %arg8[%get3A_375, %get3A_376] {strides = array<i32>} : memref<128x128xf32, #tpu.memory_space<vmem>>, vector<1x16xf32>,
          %get3A_378 = vector.shape_cast %get3A_377 : vector<1x16xf32> to vector<1x16xf32>
          %max3A_379 = arith.maximumf %max3A_370, %get3A_378 : vector<1x16xf32>
          %mul3A_380 = arith.constant 32 : i32
          %mul3A_381 = arith.muli %add3A_212, %mul3A_380 : i32
          %add3A_382 = arith.constant 18 : i32
          %add3A_383 = arith.addi %mul3A_381, %add3A_382 : i32
          %get3A_384 = arith.index_cast %add3A_383 : i32 to index
          %get3A_385 = arith.index_cast %add3A_222 : i32 to index
          %get3A_386 = tpu.vector_load %arg8[%get3A_384, %get3A_385] {strides = array<i32>} : memref<128x128xf32, #tpu.memory_space<vmem>>, vector<1x16xf32>,
          %get3A_387 = vector.shape_cast %get3A_386 : vector<1x16xf32> to vector<1x16xf32>
          %max3A_388 = arith.maximumf %max3A_379, %get3A_387 : vector<1x16xf32>
          %mul3A_389 = arith.constant 32 : i32
          %mul3A_390 = arith.muli %add3A_212, %mul3A_389 : i32
          %add3A_391 = arith.constant 19 : i32
          %add3A_392 = arith.addi %mul3A_390, %add3A_391 : i32
          %get3A_393 = arith.index_cast %add3A_392 : i32 to index
          %get3A_394 = arith.index_cast %add3A_222 : i32 to index
          %get3A_395 = tpu.vector_load %arg8[%get3A_393, %get3A_394] {strides = array<i32>} : memref<128x128xf32, #tpu.memory_space<vmem>>, vector<1x16xf32>,
          %get3A_396 = vector.shape_cast %get3A_395 : vector<1x16xf32> to vector<1x16xf32>
          %max3A_397 = arith.maximumf %max3A_388, %get3A_396 : vector<1x16xf32>
          %mul3A_398 = arith.constant 32 : i32
          %mul3A_399 = arith.muli %add3A_212, %mul3A_398 : i32
          %add3A_400 = arith.constant 20 : i32
          %add3A_401 = arith.addi %mul3A_399, %add3A_400 : i32
          %get3A_402 = arith.index_cast %add3A_401 : i32 to index
          %get3A_403 = arith.index_cast %add3A_222 : i32 to index
          %get3A_404 = tpu.vector_load %arg8[%get3A_402, %get3A_403] {strides = array<i32>} : memref<128x128xf32, #tpu.memory_space<vmem>>, vector<1x16xf32>,
          %get3A_405 = vector.shape_cast %get3A_404 : vector<1x16xf32> to vector<1x16xf32>
          %max3A_406 = arith.maximumf %max3A_397, %get3A_405 : vector<1x16xf32>
          %mul3A_407 = arith.constant 32 : i32
          %mul3A_408 = arith.muli %add3A_212, %mul3A_407 : i32
          %add3A_409 = arith.constant 21 : i32
          %add3A_410 = arith.addi %mul3A_408, %add3A_409 : i32
          %get3A_411 = arith.index_cast %add3A_410 : i32 to index
          %get3A_412 = arith.index_cast %add3A_222 : i32 to index
          %get3A_413 = tpu.vector_load %arg8[%get3A_411, %get3A_412] {strides = array<i32>} : memref<128x128xf32, #tpu.memory_space<vmem>>, vector<1x16xf32>,
          %get3A_414 = vector.shape_cast %get3A_413 : vector<1x16xf32> to vector<1x16xf32>
          %max3A_415 = arith.maximumf %max3A_406, %get3A_414 : vector<1x16xf32>
          %mul3A_416 = arith.constant 32 : i32
          %mul3A_417 = arith.muli %add3A_212, %mul3A_416 : i32
          %add3A_418 = arith.constant 22 : i32
          %add3A_419 = arith.addi %mul3A_417, %add3A_418 : i32
          %get3A_420 = arith.index_cast %add3A_419 : i32 to index
          %get3A_421 = arith.index_cast %add3A_222 : i32 to index
          %get3A_422 = tpu.vector_load %arg8[%get3A_420, %get3A_421] {strides = array<i32>} : memref<128x128xf32, #tpu.memory_space<vmem>>, vector<1x16xf32>,
          %get3A_423 = vector.shape_cast %get3A_422 : vector<1x16xf32> to vector<1x16xf32>
          %max3A_424 = arith.maximumf %max3A_415, %get3A_423 : vector<1x16xf32>
          %mul3A_425 = arith.constant 32 : i32
          %mul3A_426 = arith.muli %add3A_212, %mul3A_425 : i32
          %add3A_427 = arith.constant 23 : i32
          %add3A_428 = arith.addi %mul3A_426, %add3A_427 : i32
          %get3A_429 = arith.index_cast %add3A_428 : i32 to index
          %get3A_430 = arith.index_cast %add3A_222 : i32 to index
          %get3A_431 = tpu.vector_load %arg8[%get3A_429, %get3A_430] {strides = array<i32>} : memref<128x128xf32, #tpu.memory_space<vmem>>, vector<1x16xf32>,
          %get3A_432 = vector.shape_cast %get3A_431 : vector<1x16xf32> to vector<1x16xf32>
          %max3A_433 = arith.maximumf %max3A_424, %get3A_432 : vector<1x16xf32>
          %mul3A_434 = arith.constant 32 : i32
          %mul3A_435 = arith.muli %add3A_212, %mul3A_434 : i32
          %add3A_436 = arith.constant 24 : i32
          %add3A_437 = arith.addi %mul3A_435, %add3A_436 : i32
          %get3A_438 = arith.index_cast %add3A_437 : i32 to index
          %get3A_439 = arith.index_cast %add3A_222 : i32 to index
          %get3A_440 = tpu.vector_load %arg8[%get3A_438, %get3A_439] {strides = array<i32>} : memref<128x128xf32, #tpu.memory_space<vmem>>, vector<1x16xf32>,
          %get3A_441 = vector.shape_cast %get3A_440 : vector<1x16xf32> to vector<1x16xf32>
          %max3A_442 = arith.maximumf %max3A_433, %get3A_441 : vector<1x16xf32>
          %mul3A_443 = arith.constant 32 : i32
          %mul3A_444 = arith.muli %add3A_212, %mul3A_443 : i32
          %add3A_445 = arith.constant 25 : i32
          %add3A_446 = arith.addi %mul3A_444, %add3A_445 : i32
          %get3A_447 = arith.index_cast %add3A_446 : i32 to index
          %get3A_448 = arith.index_cast %add3A_222 : i32 to index
          %get3A_449 = tpu.vector_load %arg8[%get3A_447, %get3A_448] {strides = array<i32>} : memref<128x128xf32, #tpu.memory_space<vmem>>, vector<1x16xf32>,
          %get3A_450 = vector.shape_cast %get3A_449 : vector<1x16xf32> to vector<1x16xf32>
          %max3A_451 = arith.maximumf %max3A_442, %get3A_450 : vector<1x16xf32>
          %mul3A_452 = arith.constant 32 : i32
          %mul3A_453 = arith.muli %add3A_212, %mul3A_452 : i32
          %add3A_454 = arith.constant 26 : i32
          %add3A_455 = arith.addi %mul3A_453, %add3A_454 : i32
          %get3A_456 = arith.index_cast %add3A_455 : i32 to index
          %get3A_457 = arith.index_cast %add3A_222 : i32 to index
          %get3A_458 = tpu.vector_load %arg8[%get3A_456, %get3A_457] {strides = array<i32>} : memref<128x128xf32, #tpu.memory_space<vmem>>, vector<1x16xf32>,
          %get3A_459 = vector.shape_cast %get3A_458 : vector<1x16xf32> to vector<1x16xf32>
          %max3A_460 = arith.maximumf %max3A_451, %get3A_459 : vector<1x16xf32>
          %mul3A_461 = arith.constant 32 : i32
          %mul3A_462 = arith.muli %add3A_212, %mul3A_461 : i32
          %add3A_463 = arith.constant 27 : i32
          %add3A_464 = arith.addi %mul3A_462, %add3A_463 : i32
          %get3A_465 = arith.index_cast %add3A_464 : i32 to index
          %get3A_466 = arith.index_cast %add3A_222 : i32 to index
          %get3A_467 = tpu.vector_load %arg8[%get3A_465, %get3A_466] {strides = array<i32>} : memref<128x128xf32, #tpu.memory_space<vmem>>, vector<1x16xf32>,
          %get3A_468 = vector.shape_cast %get3A_467 : vector<1x16xf32> to vector<1x16xf32>
          %max3A_469 = arith.maximumf %max3A_460, %get3A_468 : vector<1x16xf32>
          %mul3A_470 = arith.constant 32 : i32
          %mul3A_471 = arith.muli %add3A_212, %mul3A_470 : i32
          %add3A_472 = arith.constant 28 : i32
          %add3A_473 = arith.addi %mul3A_471, %add3A_472 : i32
          %get3A_474 = arith.index_cast %add3A_473 : i32 to index
          %get3A_475 = arith.index_cast %add3A_222 : i32 to index
          %get3A_476 = tpu.vector_load %arg8[%get3A_474, %get3A_475] {strides = array<i32>} : memref<128x128xf32, #tpu.memory_space<vmem>>, vector<1x16xf32>,
          %get3A_477 = vector.shape_cast %get3A_476 : vector<1x16xf32> to vector<1x16xf32>
          %max3A_478 = arith.maximumf %max3A_469, %get3A_477 : vector<1x16xf32>
          %mul3A_479 = arith.constant 32 : i32
          %mul3A_480 = arith.muli %add3A_212, %mul3A_479 : i32
          %add3A_481 = arith.constant 29 : i32
          %add3A_482 = arith.addi %mul3A_480, %add3A_481 : i32
          %get3A_483 = arith.index_cast %add3A_482 : i32 to index
          %get3A_484 = arith.index_cast %add3A_222 : i32 to index
          %get3A_485 = tpu.vector_load %arg8[%get3A_483, %get3A_484] {strides = array<i32>} : memref<128x128xf32, #tpu.memory_space<vmem>>, vector<1x16xf32>,
          %get3A_486 = vector.shape_cast %get3A_485 : vector<1x16xf32> to vector<1x16xf32>
          %max3A_487 = arith.maximumf %max3A_478, %get3A_486 : vector<1x16xf32>
          %mul3A_488 = arith.constant 32 : i32
          %mul3A_489 = arith.muli %add3A_212, %mul3A_488 : i32
          %add3A_490 = arith.constant 30 : i32
          %add3A_491 = arith.addi %mul3A_489, %add3A_490 : i32
          %get3A_492 = arith.index_cast %add3A_491 : i32 to index
          %get3A_493 = arith.index_cast %add3A_222 : i32 to index
          %get3A_494 = tpu.vector_load %arg8[%get3A_492, %get3A_493] {strides = array<i32>} : memref<128x128xf32, #tpu.memory_space<vmem>>, vector<1x16xf32>,
          %get3A_495 = vector.shape_cast %get3A_494 : vector<1x16xf32> to vector<1x16xf32>
          %max3A_496 = arith.maximumf %max3A_487, %get3A_495 : vector<1x16xf32>
          %mul3A_497 = arith.constant 32 : i32
          %mul3A_498 = arith.muli %add3A_212, %mul3A_497 : i32
          %add3A_499 = arith.constant 31 : i32
          %add3A_500 = arith.addi %mul3A_498, %add3A_499 : i32
          %get3A_501 = arith.index_cast %add3A_500 : i32 to index
          %get3A_502 = arith.index_cast %add3A_222 : i32 to index
          %get3A_503 = tpu.vector_load %arg8[%get3A_501, %get3A_502] {strides = array<i32>} : memref<128x128xf32, #tpu.memory_space<vmem>>, vector<1x16xf32>,
          %get3A_504 = vector.shape_cast %get3A_503 : vector<1x16xf32> to vector<1x16xf32>
          %max3A_505 = arith.maximumf %max3A_496, %get3A_504 : vector<1x16xf32>
          %swap3A = arith.index_cast %add3A_212 : i32 to index
          %swap3A_506 = arith.index_cast %add3A_222 : i32 to index
          %swap3A_507 = tpu.vector_load %arg12[%swap3A, %swap3A_506] {strides = array<i32>} : memref<4x128xf32, #tpu.memory_space<vmem>>, vector<1x16xf32>,
          %swap3A_508 = vector.shape_cast %swap3A_507 : vector<1x16xf32> to vector<1x16xf32>
          %swap3A_509 = vector.shape_cast %max3A_505 : vector<1x16xf32> to vector<1x16xf32>
          tpu.vector_store %arg12[%swap3A, %swap3A_506], %swap3A_509 {strides = array<i32>} : memref<4x128xf32, #tpu.memory_space<vmem>>, vector<1x16xf32>,
        }
        %scan3A_217 = arith.constant 8 : i32
      }
      %scan3A_97 = arith.constant 4 : i32
      %add3A_98 = arith.addi %mul3A_2, %add3A_86 : i32
      %mul3A_99 = arith.constant 128 : i32
      %mul3A_100 = arith.muli %add3A_98, %mul3A_99 : i32
      %dma_start3A_101 = arith.constant 0 : i32
      %dma_start3A_102 = tpu.memref_slice %arg4[%mul3A_100, %dma_start3A_101] : memref<327680x128xf32, #tpu.memory_space<hbm>> -> memref<128x128xf32, #tpu.memory_space<hbm>>
      %dma_start3A_103 = arith.constant 0 : i32
      %dma_start3A_104 = tpu.memref_slice %arg4[%mul3A_100, %dma_start3A_103] : memref<327680x128xf32, #tpu.memory_space<hbm>> -> memref<128x128xf32, #tpu.memory_space<hbm>>
      tpu.enqueue_dma source(%arg8 : memref<128x128xf32, #tpu.memory_space<vmem>>) target(%dma_start3A_104 : memref<128x128xf32, #tpu.memory_space<hbm>>) target_semaphore(%arg20 : memref<!tpu.dma_semaphore, #tpu.memory_space<semaphore_mem>>)
      %mul3A_105 = arith.constant 320 : i32
      %mul3A_106 = arith.muli %add3A, %mul3A_105 : i32
      %mul3A_107 = arith.constant 4 : i32
      %mul3A_108 = arith.muli %add3A_86, %mul3A_107 : i32
      %add3A_109 = arith.addi %mul3A_106, %mul3A_108 : i32
      %dma_start3A_110 = arith.constant 0 : i32
      %dma_start3A_111 = tpu.memref_slice %arg5[%add3A_109, %dma_start3A_110] : memref<10240x128xf32, #tpu.memory_space<hbm>> -> memref<4x128xf32, #tpu.memory_space<hbm>>
      %dma_start3A_112 = arith.constant 0 : i32
      %dma_start3A_113 = tpu.memref_slice %arg5[%add3A_109, %dma_start3A_112] : memref<10240x128xf32, #tpu.memory_space<hbm>> -> memref<4x128xf32, #tpu.memory_space<hbm>>
      tpu.enqueue_dma source(%arg12 : memref<4x128xf32, #tpu.memory_space<vmem>>) target(%dma_start3A_113 : memref<4x128xf32, #tpu.memory_space<hbm>>) target_semaphore(%arg20 : memref<!tpu.dma_semaphore, #tpu.memory_space<semaphore_mem>>)
      %ge3A_114 = arith.constant 2 : i32
      %ge3A_115 = arith.cmpi sge, %add3A_86, %ge3A_114 : i32
      %convert_element_type3A_116 = arith.extui %ge3A_115 : i1 to i32
      %cond3A_117 = arith.constant 0 : i32
      %cond3A_118 = arith.cmpi ne, %convert_element_type3A_116, %cond3A_117 : i32
      scf.if %cond3A_118 {
        %dma_wait3A_208 = arith.constant 0 : i32
        %dma_wait3A_209 = arith.constant 0 : i32
        %dma_wait3A_210 = tpu.memref_slice %arg4[%dma_wait3A_208, %dma_wait3A_209] : memref<327680x128xf32, #tpu.memory_space<hbm>> -> memref<128x128xf32, #tpu.memory_space<hbm>>
        %dma_wait3A_211 = arith.constant 0 : i32
        %dma_wait3A_212 = arith.constant 0 : i32
        %dma_wait3A_213 = tpu.memref_slice %arg4[%dma_wait3A_211, %dma_wait3A_212] : memref<327680x128xf32, #tpu.memory_space<hbm>> -> memref<128x128xf32, #tpu.memory_space<hbm>>
        tpu.wait_dma2 semaphore(%arg22 : memref<!tpu.dma_semaphore, #tpu.memory_space<semaphore_mem>>) src(%arg10 : memref<128x128xf32, #tpu.memory_space<vmem>>) dst(%dma_wait3A_213 : memref<128x128xf32, #tpu.memory_space<hbm>>)
        %dma_wait3A_214 = arith.constant 0 : i32
        %dma_wait3A_215 = arith.constant 0 : i32
        %dma_wait3A_216 = tpu.memref_slice %arg5[%dma_wait3A_214, %dma_wait3A_215] : memref<10240x128xf32, #tpu.memory_space<hbm>> -> memref<4x128xf32, #tpu.memory_space<hbm>>
        %dma_wait3A_217 = arith.constant 0 : i32
        %dma_wait3A_218 = arith.constant 0 : i32
        %dma_wait3A_219 = tpu.memref_slice %arg5[%dma_wait3A_217, %dma_wait3A_218] : memref<10240x128xf32, #tpu.memory_space<hbm>> -> memref<4x128xf32, #tpu.memory_space<hbm>>
        tpu.wait_dma2 semaphore(%arg22 : memref<!tpu.dma_semaphore, #tpu.memory_space<semaphore_mem>>) src(%arg14 : memref<4x128xf32, #tpu.memory_space<vmem>>) dst(%dma_wait3A_219 : memref<4x128xf32, #tpu.memory_space<hbm>>)
      } else {
      }
      %add3A_119 = arith.constant 2 : i32
      %add3A_120 = arith.addi %add3A_86, %add3A_119 : i32
      %lt3A_121 = arith.constant 80 : i32
      %lt3A_122 = arith.cmpi slt, %add3A_120, %lt3A_121 : i32
      %convert_element_type3A_123 = arith.extui %lt3A_122 : i1 to i32
      %cond3A_124 = arith.constant 0 : i32
      %cond3A_125 = arith.cmpi ne, %convert_element_type3A_123, %cond3A_124 : i32
      scf.if %cond3A_125 {
        %add3A_208 = arith.constant 2 : i32
        %add3A_209 = arith.addi %add3A_86, %add3A_208 : i32
        %dma_start3A_210 = arith.constant 0 : i32
        %dma_start3A_211 = tpu.memref_slice %arg6[%add3A_209, %dma_start3A_210] : memref<80x128xi32, #tpu.memory_space<vmem>> -> memref<1x128xi32, #tpu.memory_space<vmem>>
        %dma_start3A_212 = tpu.memref_squeeze %dma_start3A_211 : memref<1x128xi32, #tpu.memory_space<vmem>> -> memref<128xi32, #tpu.memory_space<vmem>>
        %dma_start3A_213 = arith.constant 0 : i32
        %dma_start3A_214 = arith.constant 0 : i32
        %dma_start3A_215 = tpu.memref_slice %arg2[%dma_start3A_213, %dma_start3A_214] : memref<327680x128xf32, #tpu.memory_space<hbm>> -> memref<327680x128xf32, #tpu.memory_space<hbm>>
        tpu.enqueue_indirect_dma source(%dma_start3A_215 : memref<327680x128xf32, #tpu.memory_space<hbm>>) target(%arg10 : memref<128x128xf32, #tpu.memory_space<vmem>>) offsets(%dma_start3A_212 : memref<128xi32, #tpu.memory_space<vmem>>) semaphore(%arg18 : memref<!tpu.dma_semaphore, #tpu.memory_space<semaphore_mem>>)
      } else {
      }
      %add3A_126 = arith.constant 2 : i32
      %add3A_127 = arith.addi %add3A_47, %add3A_126 : i32
      %dma_wait3A_128 = arith.constant 0 : i32
      %dma_wait3A_129 = arith.constant 0 : i32
      %dma_wait3A_130 = tpu.memref_slice %arg2[%dma_wait3A_128, %dma_wait3A_129] : memref<327680x128xf32, #tpu.memory_space<hbm>> -> memref<128x128xf32, #tpu.memory_space<hbm>>
      %dma_wait3A_131 = arith.constant 0 : i32
      %dma_wait3A_132 = arith.constant 0 : i32
      %dma_wait3A_133 = tpu.memref_slice %arg2[%dma_wait3A_131, %dma_wait3A_132] : memref<327680x128xf32, #tpu.memory_space<hbm>> -> memref<128x128xf32, #tpu.memory_space<hbm>>
      tpu.wait_dma2 semaphore(%arg17 : memref<!tpu.dma_semaphore, #tpu.memory_space<semaphore_mem>>) src(%dma_wait3A_133 : memref<128x128xf32, #tpu.memory_space<hbm>>) dst(%arg9 : memref<128x128xf32, #tpu.memory_space<vmem>>)
      %scan3A_134 = arith.constant 0 : i32
      %scan3A_135 = arith.constant 4 : i32
      %scan3A_136 = arith.addi %scan3A_134, %scan3A_135 : i32
      %scan3A_137 = arith.constant 1 : i32
      scf.for %scan3A_208 = %scan3A_134 to %scan3A_136 step %scan3A_137  : i32 {
        %mul3A_209 = arith.constant 1 : i32
        %mul3A_210 = arith.muli %scan3A_208, %mul3A_209 : i32
        %add3A_211 = arith.constant 0 : i32
        %add3A_212 = arith.addi %add3A_211, %mul3A_210 : i32
        %scan3A_213 = arith.constant 0 : i32
        %scan3A_214 = arith.constant 8 : i32
        %scan3A_215 = arith.addi %scan3A_213, %scan3A_214 : i32
        %scan3A_216 = arith.constant 1 : i32
        scf.for %scan3A_218 = %scan3A_213 to %scan3A_215 step %scan3A_216  : i32 {
          %mul3A_219 = arith.constant 16 : i32
          %mul3A_220 = arith.muli %scan3A_218, %mul3A_219 : i32
          %add3A_221 = arith.constant 0 : i32
          %add3A_222 = arith.addi %add3A_221, %mul3A_220 : i32
          %mul3A_223 = arith.constant 32 : i32
          %mul3A_224 = arith.muli %add3A_212, %mul3A_223 : i32
          %get3A = arith.index_cast %mul3A_224 : i32 to index
          %get3A_225 = arith.index_cast %add3A_222 : i32 to index
          %get3A_226 = tpu.vector_load %arg9[%get3A, %get3A_225] {strides = array<i32>} : memref<128x128xf32, #tpu.memory_space<vmem>>, vector<1x16xf32>,
          %get3A_227 = vector.shape_cast %get3A_226 : vector<1x16xf32> to vector<1x16xf32>
          %mul3A_228 = arith.constant 32 : i32
          %mul3A_229 = arith.muli %add3A_212, %mul3A_228 : i32
          %add3A_230 = arith.constant 1 : i32
          %add3A_231 = arith.addi %mul3A_229, %add3A_230 : i32
          %get3A_232 = arith.index_cast %add3A_231 : i32 to index
          %get3A_233 = arith.index_cast %add3A_222 : i32 to index
          %get3A_234 = tpu.vector_load %arg9[%get3A_232, %get3A_233] {strides = array<i32>} : memref<128x128xf32, #tpu.memory_space<vmem>>, vector<1x16xf32>,
          %get3A_235 = vector.shape_cast %get3A_234 : vector<1x16xf32> to vector<1x16xf32>
          %max3A = arith.maximumf %get3A_227, %get3A_235 : vector<1x16xf32>
          %mul3A_236 = arith.constant 32 : i32
          %mul3A_237 = arith.muli %add3A_212, %mul3A_236 : i32
          %add3A_238 = arith.constant 2 : i32
          %add3A_239 = arith.addi %mul3A_237, %add3A_238 : i32
          %get3A_240 = arith.index_cast %add3A_239 : i32 to index
          %get3A_241 = arith.index_cast %add3A_222 : i32 to index
          %get3A_242 = tpu.vector_load %arg9[%get3A_240, %get3A_241] {strides = array<i32>} : memref<128x128xf32, #tpu.memory_space<vmem>>, vector<1x16xf32>,
          %get3A_243 = vector.shape_cast %get3A_242 : vector<1x16xf32> to vector<1x16xf32>
          %max3A_244 = arith.maximumf %max3A, %get3A_243 : vector<1x16xf32>
          %mul3A_245 = arith.constant 32 : i32
          %mul3A_246 = arith.muli %add3A_212, %mul3A_245 : i32
          %add3A_247 = arith.constant 3 : i32
          %add3A_248 = arith.addi %mul3A_246, %add3A_247 : i32
          %get3A_249 = arith.index_cast %add3A_248 : i32 to index
          %get3A_250 = arith.index_cast %add3A_222 : i32 to index
          %get3A_251 = tpu.vector_load %arg9[%get3A_249, %get3A_250] {strides = array<i32>} : memref<128x128xf32, #tpu.memory_space<vmem>>, vector<1x16xf32>,
          %get3A_252 = vector.shape_cast %get3A_251 : vector<1x16xf32> to vector<1x16xf32>
          %max3A_253 = arith.maximumf %max3A_244, %get3A_252 : vector<1x16xf32>
          %mul3A_254 = arith.constant 32 : i32
          %mul3A_255 = arith.muli %add3A_212, %mul3A_254 : i32
          %add3A_256 = arith.constant 4 : i32
          %add3A_257 = arith.addi %mul3A_255, %add3A_256 : i32
          %get3A_258 = arith.index_cast %add3A_257 : i32 to index
          %get3A_259 = arith.index_cast %add3A_222 : i32 to index
          %get3A_260 = tpu.vector_load %arg9[%get3A_258, %get3A_259] {strides = array<i32>} : memref<128x128xf32, #tpu.memory_space<vmem>>, vector<1x16xf32>,
          %get3A_261 = vector.shape_cast %get3A_260 : vector<1x16xf32> to vector<1x16xf32>
          %max3A_262 = arith.maximumf %max3A_253, %get3A_261 : vector<1x16xf32>
          %mul3A_263 = arith.constant 32 : i32
          %mul3A_264 = arith.muli %add3A_212, %mul3A_263 : i32
          %add3A_265 = arith.constant 5 : i32
          %add3A_266 = arith.addi %mul3A_264, %add3A_265 : i32
          %get3A_267 = arith.index_cast %add3A_266 : i32 to index
          %get3A_268 = arith.index_cast %add3A_222 : i32 to index
          %get3A_269 = tpu.vector_load %arg9[%get3A_267, %get3A_268] {strides = array<i32>} : memref<128x128xf32, #tpu.memory_space<vmem>>, vector<1x16xf32>,
          %get3A_270 = vector.shape_cast %get3A_269 : vector<1x16xf32> to vector<1x16xf32>
          %max3A_271 = arith.maximumf %max3A_262, %get3A_270 : vector<1x16xf32>
          %mul3A_272 = arith.constant 32 : i32
          %mul3A_273 = arith.muli %add3A_212, %mul3A_272 : i32
          %add3A_274 = arith.constant 6 : i32
          %add3A_275 = arith.addi %mul3A_273, %add3A_274 : i32
          %get3A_276 = arith.index_cast %add3A_275 : i32 to index
          %get3A_277 = arith.index_cast %add3A_222 : i32 to index
          %get3A_278 = tpu.vector_load %arg9[%get3A_276, %get3A_277] {strides = array<i32>} : memref<128x128xf32, #tpu.memory_space<vmem>>, vector<1x16xf32>,
          %get3A_279 = vector.shape_cast %get3A_278 : vector<1x16xf32> to vector<1x16xf32>
          %max3A_280 = arith.maximumf %max3A_271, %get3A_279 : vector<1x16xf32>
          %mul3A_281 = arith.constant 32 : i32
          %mul3A_282 = arith.muli %add3A_212, %mul3A_281 : i32
          %add3A_283 = arith.constant 7 : i32
          %add3A_284 = arith.addi %mul3A_282, %add3A_283 : i32
          %get3A_285 = arith.index_cast %add3A_284 : i32 to index
          %get3A_286 = arith.index_cast %add3A_222 : i32 to index
          %get3A_287 = tpu.vector_load %arg9[%get3A_285, %get3A_286] {strides = array<i32>} : memref<128x128xf32, #tpu.memory_space<vmem>>, vector<1x16xf32>,
          %get3A_288 = vector.shape_cast %get3A_287 : vector<1x16xf32> to vector<1x16xf32>
          %max3A_289 = arith.maximumf %max3A_280, %get3A_288 : vector<1x16xf32>
          %mul3A_290 = arith.constant 32 : i32
          %mul3A_291 = arith.muli %add3A_212, %mul3A_290 : i32
          %add3A_292 = arith.constant 8 : i32
          %add3A_293 = arith.addi %mul3A_291, %add3A_292 : i32
          %get3A_294 = arith.index_cast %add3A_293 : i32 to index
          %get3A_295 = arith.index_cast %add3A_222 : i32 to index
          %get3A_296 = tpu.vector_load %arg9[%get3A_294, %get3A_295] {strides = array<i32>} : memref<128x128xf32, #tpu.memory_space<vmem>>, vector<1x16xf32>,
          %get3A_297 = vector.shape_cast %get3A_296 : vector<1x16xf32> to vector<1x16xf32>
          %max3A_298 = arith.maximumf %max3A_289, %get3A_297 : vector<1x16xf32>
          %mul3A_299 = arith.constant 32 : i32
          %mul3A_300 = arith.muli %add3A_212, %mul3A_299 : i32
          %add3A_301 = arith.constant 9 : i32
          %add3A_302 = arith.addi %mul3A_300, %add3A_301 : i32
          %get3A_303 = arith.index_cast %add3A_302 : i32 to index
          %get3A_304 = arith.index_cast %add3A_222 : i32 to index
          %get3A_305 = tpu.vector_load %arg9[%get3A_303, %get3A_304] {strides = array<i32>} : memref<128x128xf32, #tpu.memory_space<vmem>>, vector<1x16xf32>,
          %get3A_306 = vector.shape_cast %get3A_305 : vector<1x16xf32> to vector<1x16xf32>
          %max3A_307 = arith.maximumf %max3A_298, %get3A_306 : vector<1x16xf32>
          %mul3A_308 = arith.constant 32 : i32
          %mul3A_309 = arith.muli %add3A_212, %mul3A_308 : i32
          %add3A_310 = arith.constant 10 : i32
          %add3A_311 = arith.addi %mul3A_309, %add3A_310 : i32
          %get3A_312 = arith.index_cast %add3A_311 : i32 to index
          %get3A_313 = arith.index_cast %add3A_222 : i32 to index
          %get3A_314 = tpu.vector_load %arg9[%get3A_312, %get3A_313] {strides = array<i32>} : memref<128x128xf32, #tpu.memory_space<vmem>>, vector<1x16xf32>,
          %get3A_315 = vector.shape_cast %get3A_314 : vector<1x16xf32> to vector<1x16xf32>
          %max3A_316 = arith.maximumf %max3A_307, %get3A_315 : vector<1x16xf32>
          %mul3A_317 = arith.constant 32 : i32
          %mul3A_318 = arith.muli %add3A_212, %mul3A_317 : i32
          %add3A_319 = arith.constant 11 : i32
          %add3A_320 = arith.addi %mul3A_318, %add3A_319 : i32
          %get3A_321 = arith.index_cast %add3A_320 : i32 to index
          %get3A_322 = arith.index_cast %add3A_222 : i32 to index
          %get3A_323 = tpu.vector_load %arg9[%get3A_321, %get3A_322] {strides = array<i32>} : memref<128x128xf32, #tpu.memory_space<vmem>>, vector<1x16xf32>,
          %get3A_324 = vector.shape_cast %get3A_323 : vector<1x16xf32> to vector<1x16xf32>
          %max3A_325 = arith.maximumf %max3A_316, %get3A_324 : vector<1x16xf32>
          %mul3A_326 = arith.constant 32 : i32
          %mul3A_327 = arith.muli %add3A_212, %mul3A_326 : i32
          %add3A_328 = arith.constant 12 : i32
          %add3A_329 = arith.addi %mul3A_327, %add3A_328 : i32
          %get3A_330 = arith.index_cast %add3A_329 : i32 to index
          %get3A_331 = arith.index_cast %add3A_222 : i32 to index
          %get3A_332 = tpu.vector_load %arg9[%get3A_330, %get3A_331] {strides = array<i32>} : memref<128x128xf32, #tpu.memory_space<vmem>>, vector<1x16xf32>,
          %get3A_333 = vector.shape_cast %get3A_332 : vector<1x16xf32> to vector<1x16xf32>
          %max3A_334 = arith.maximumf %max3A_325, %get3A_333 : vector<1x16xf32>
          %mul3A_335 = arith.constant 32 : i32
          %mul3A_336 = arith.muli %add3A_212, %mul3A_335 : i32
          %add3A_337 = arith.constant 13 : i32
          %add3A_338 = arith.addi %mul3A_336, %add3A_337 : i32
          %get3A_339 = arith.index_cast %add3A_338 : i32 to index
          %get3A_340 = arith.index_cast %add3A_222 : i32 to index
          %get3A_341 = tpu.vector_load %arg9[%get3A_339, %get3A_340] {strides = array<i32>} : memref<128x128xf32, #tpu.memory_space<vmem>>, vector<1x16xf32>,
          %get3A_342 = vector.shape_cast %get3A_341 : vector<1x16xf32> to vector<1x16xf32>
          %max3A_343 = arith.maximumf %max3A_334, %get3A_342 : vector<1x16xf32>
          %mul3A_344 = arith.constant 32 : i32
          %mul3A_345 = arith.muli %add3A_212, %mul3A_344 : i32
          %add3A_346 = arith.constant 14 : i32
          %add3A_347 = arith.addi %mul3A_345, %add3A_346 : i32
          %get3A_348 = arith.index_cast %add3A_347 : i32 to index
          %get3A_349 = arith.index_cast %add3A_222 : i32 to index
          %get3A_350 = tpu.vector_load %arg9[%get3A_348, %get3A_349] {strides = array<i32>} : memref<128x128xf32, #tpu.memory_space<vmem>>, vector<1x16xf32>,
          %get3A_351 = vector.shape_cast %get3A_350 : vector<1x16xf32> to vector<1x16xf32>
          %max3A_352 = arith.maximumf %max3A_343, %get3A_351 : vector<1x16xf32>
          %mul3A_353 = arith.constant 32 : i32
          %mul3A_354 = arith.muli %add3A_212, %mul3A_353 : i32
          %add3A_355 = arith.constant 15 : i32
          %add3A_356 = arith.addi %mul3A_354, %add3A_355 : i32
          %get3A_357 = arith.index_cast %add3A_356 : i32 to index
          %get3A_358 = arith.index_cast %add3A_222 : i32 to index
          %get3A_359 = tpu.vector_load %arg9[%get3A_357, %get3A_358] {strides = array<i32>} : memref<128x128xf32, #tpu.memory_space<vmem>>, vector<1x16xf32>,
          %get3A_360 = vector.shape_cast %get3A_359 : vector<1x16xf32> to vector<1x16xf32>
          %max3A_361 = arith.maximumf %max3A_352, %get3A_360 : vector<1x16xf32>
          %mul3A_362 = arith.constant 32 : i32
          %mul3A_363 = arith.muli %add3A_212, %mul3A_362 : i32
          %add3A_364 = arith.constant 16 : i32
          %add3A_365 = arith.addi %mul3A_363, %add3A_364 : i32
          %get3A_366 = arith.index_cast %add3A_365 : i32 to index
          %get3A_367 = arith.index_cast %add3A_222 : i32 to index
          %get3A_368 = tpu.vector_load %arg9[%get3A_366, %get3A_367] {strides = array<i32>} : memref<128x128xf32, #tpu.memory_space<vmem>>, vector<1x16xf32>,
          %get3A_369 = vector.shape_cast %get3A_368 : vector<1x16xf32> to vector<1x16xf32>
          %max3A_370 = arith.maximumf %max3A_361, %get3A_369 : vector<1x16xf32>
          %mul3A_371 = arith.constant 32 : i32
          %mul3A_372 = arith.muli %add3A_212, %mul3A_371 : i32
          %add3A_373 = arith.constant 17 : i32
          %add3A_374 = arith.addi %mul3A_372, %add3A_373 : i32
          %get3A_375 = arith.index_cast %add3A_374 : i32 to index
          %get3A_376 = arith.index_cast %add3A_222 : i32 to index
          %get3A_377 = tpu.vector_load %arg9[%get3A_375, %get3A_376] {strides = array<i32>} : memref<128x128xf32, #tpu.memory_space<vmem>>, vector<1x16xf32>,
          %get3A_378 = vector.shape_cast %get3A_377 : vector<1x16xf32> to vector<1x16xf32>
          %max3A_379 = arith.maximumf %max3A_370, %get3A_378 : vector<1x16xf32>
          %mul3A_380 = arith.constant 32 : i32
          %mul3A_381 = arith.muli %add3A_212, %mul3A_380 : i32
          %add3A_382 = arith.constant 18 : i32
          %add3A_383 = arith.addi %mul3A_381, %add3A_382 : i32
          %get3A_384 = arith.index_cast %add3A_383 : i32 to index
          %get3A_385 = arith.index_cast %add3A_222 : i32 to index
          %get3A_386 = tpu.vector_load %arg9[%get3A_384, %get3A_385] {strides = array<i32>} : memref<128x128xf32, #tpu.memory_space<vmem>>, vector<1x16xf32>,
          %get3A_387 = vector.shape_cast %get3A_386 : vector<1x16xf32> to vector<1x16xf32>
          %max3A_388 = arith.maximumf %max3A_379, %get3A_387 : vector<1x16xf32>
          %mul3A_389 = arith.constant 32 : i32
          %mul3A_390 = arith.muli %add3A_212, %mul3A_389 : i32
          %add3A_391 = arith.constant 19 : i32
          %add3A_392 = arith.addi %mul3A_390, %add3A_391 : i32
          %get3A_393 = arith.index_cast %add3A_392 : i32 to index
          %get3A_394 = arith.index_cast %add3A_222 : i32 to index
          %get3A_395 = tpu.vector_load %arg9[%get3A_393, %get3A_394] {strides = array<i32>} : memref<128x128xf32, #tpu.memory_space<vmem>>, vector<1x16xf32>,
          %get3A_396 = vector.shape_cast %get3A_395 : vector<1x16xf32> to vector<1x16xf32>
          %max3A_397 = arith.maximumf %max3A_388, %get3A_396 : vector<1x16xf32>
          %mul3A_398 = arith.constant 32 : i32
          %mul3A_399 = arith.muli %add3A_212, %mul3A_398 : i32
          %add3A_400 = arith.constant 20 : i32
          %add3A_401 = arith.addi %mul3A_399, %add3A_400 : i32
          %get3A_402 = arith.index_cast %add3A_401 : i32 to index
          %get3A_403 = arith.index_cast %add3A_222 : i32 to index
          %get3A_404 = tpu.vector_load %arg9[%get3A_402, %get3A_403] {strides = array<i32>} : memref<128x128xf32, #tpu.memory_space<vmem>>, vector<1x16xf32>,
          %get3A_405 = vector.shape_cast %get3A_404 : vector<1x16xf32> to vector<1x16xf32>
          %max3A_406 = arith.maximumf %max3A_397, %get3A_405 : vector<1x16xf32>
          %mul3A_407 = arith.constant 32 : i32
          %mul3A_408 = arith.muli %add3A_212, %mul3A_407 : i32
          %add3A_409 = arith.constant 21 : i32
          %add3A_410 = arith.addi %mul3A_408, %add3A_409 : i32
          %get3A_411 = arith.index_cast %add3A_410 : i32 to index
          %get3A_412 = arith.index_cast %add3A_222 : i32 to index
          %get3A_413 = tpu.vector_load %arg9[%get3A_411, %get3A_412] {strides = array<i32>} : memref<128x128xf32, #tpu.memory_space<vmem>>, vector<1x16xf32>,
          %get3A_414 = vector.shape_cast %get3A_413 : vector<1x16xf32> to vector<1x16xf32>
          %max3A_415 = arith.maximumf %max3A_406, %get3A_414 : vector<1x16xf32>
          %mul3A_416 = arith.constant 32 : i32
          %mul3A_417 = arith.muli %add3A_212, %mul3A_416 : i32
          %add3A_418 = arith.constant 22 : i32
          %add3A_419 = arith.addi %mul3A_417, %add3A_418 : i32
          %get3A_420 = arith.index_cast %add3A_419 : i32 to index
          %get3A_421 = arith.index_cast %add3A_222 : i32 to index
          %get3A_422 = tpu.vector_load %arg9[%get3A_420, %get3A_421] {strides = array<i32>} : memref<128x128xf32, #tpu.memory_space<vmem>>, vector<1x16xf32>,
          %get3A_423 = vector.shape_cast %get3A_422 : vector<1x16xf32> to vector<1x16xf32>
          %max3A_424 = arith.maximumf %max3A_415, %get3A_423 : vector<1x16xf32>
          %mul3A_425 = arith.constant 32 : i32
          %mul3A_426 = arith.muli %add3A_212, %mul3A_425 : i32
          %add3A_427 = arith.constant 23 : i32
          %add3A_428 = arith.addi %mul3A_426, %add3A_427 : i32
          %get3A_429 = arith.index_cast %add3A_428 : i32 to index
          %get3A_430 = arith.index_cast %add3A_222 : i32 to index
          %get3A_431 = tpu.vector_load %arg9[%get3A_429, %get3A_430] {strides = array<i32>} : memref<128x128xf32, #tpu.memory_space<vmem>>, vector<1x16xf32>,
          %get3A_432 = vector.shape_cast %get3A_431 : vector<1x16xf32> to vector<1x16xf32>
          %max3A_433 = arith.maximumf %max3A_424, %get3A_432 : vector<1x16xf32>
          %mul3A_434 = arith.constant 32 : i32
          %mul3A_435 = arith.muli %add3A_212, %mul3A_434 : i32
          %add3A_436 = arith.constant 24 : i32
          %add3A_437 = arith.addi %mul3A_435, %add3A_436 : i32
          %get3A_438 = arith.index_cast %add3A_437 : i32 to index
          %get3A_439 = arith.index_cast %add3A_222 : i32 to index
          %get3A_440 = tpu.vector_load %arg9[%get3A_438, %get3A_439] {strides = array<i32>} : memref<128x128xf32, #tpu.memory_space<vmem>>, vector<1x16xf32>,
          %get3A_441 = vector.shape_cast %get3A_440 : vector<1x16xf32> to vector<1x16xf32>
          %max3A_442 = arith.maximumf %max3A_433, %get3A_441 : vector<1x16xf32>
          %mul3A_443 = arith.constant 32 : i32
          %mul3A_444 = arith.muli %add3A_212, %mul3A_443 : i32
          %add3A_445 = arith.constant 25 : i32
          %add3A_446 = arith.addi %mul3A_444, %add3A_445 : i32
          %get3A_447 = arith.index_cast %add3A_446 : i32 to index
          %get3A_448 = arith.index_cast %add3A_222 : i32 to index
          %get3A_449 = tpu.vector_load %arg9[%get3A_447, %get3A_448] {strides = array<i32>} : memref<128x128xf32, #tpu.memory_space<vmem>>, vector<1x16xf32>,
          %get3A_450 = vector.shape_cast %get3A_449 : vector<1x16xf32> to vector<1x16xf32>
          %max3A_451 = arith.maximumf %max3A_442, %get3A_450 : vector<1x16xf32>
          %mul3A_452 = arith.constant 32 : i32
          %mul3A_453 = arith.muli %add3A_212, %mul3A_452 : i32
          %add3A_454 = arith.constant 26 : i32
          %add3A_455 = arith.addi %mul3A_453, %add3A_454 : i32
          %get3A_456 = arith.index_cast %add3A_455 : i32 to index
          %get3A_457 = arith.index_cast %add3A_222 : i32 to index
          %get3A_458 = tpu.vector_load %arg9[%get3A_456, %get3A_457] {strides = array<i32>} : memref<128x128xf32, #tpu.memory_space<vmem>>, vector<1x16xf32>,
          %get3A_459 = vector.shape_cast %get3A_458 : vector<1x16xf32> to vector<1x16xf32>
          %max3A_460 = arith.maximumf %max3A_451, %get3A_459 : vector<1x16xf32>
          %mul3A_461 = arith.constant 32 : i32
          %mul3A_462 = arith.muli %add3A_212, %mul3A_461 : i32
          %add3A_463 = arith.constant 27 : i32
          %add3A_464 = arith.addi %mul3A_462, %add3A_463 : i32
          %get3A_465 = arith.index_cast %add3A_464 : i32 to index
          %get3A_466 = arith.index_cast %add3A_222 : i32 to index
          %get3A_467 = tpu.vector_load %arg9[%get3A_465, %get3A_466] {strides = array<i32>} : memref<128x128xf32, #tpu.memory_space<vmem>>, vector<1x16xf32>,
          %get3A_468 = vector.shape_cast %get3A_467 : vector<1x16xf32> to vector<1x16xf32>
          %max3A_469 = arith.maximumf %max3A_460, %get3A_468 : vector<1x16xf32>
          %mul3A_470 = arith.constant 32 : i32
          %mul3A_471 = arith.muli %add3A_212, %mul3A_470 : i32
          %add3A_472 = arith.constant 28 : i32
          %add3A_473 = arith.addi %mul3A_471, %add3A_472 : i32
          %get3A_474 = arith.index_cast %add3A_473 : i32 to index
          %get3A_475 = arith.index_cast %add3A_222 : i32 to index
          %get3A_476 = tpu.vector_load %arg9[%get3A_474, %get3A_475] {strides = array<i32>} : memref<128x128xf32, #tpu.memory_space<vmem>>, vector<1x16xf32>,
          %get3A_477 = vector.shape_cast %get3A_476 : vector<1x16xf32> to vector<1x16xf32>
          %max3A_478 = arith.maximumf %max3A_469, %get3A_477 : vector<1x16xf32>
          %mul3A_479 = arith.constant 32 : i32
          %mul3A_480 = arith.muli %add3A_212, %mul3A_479 : i32
          %add3A_481 = arith.constant 29 : i32
          %add3A_482 = arith.addi %mul3A_480, %add3A_481 : i32
          %get3A_483 = arith.index_cast %add3A_482 : i32 to index
          %get3A_484 = arith.index_cast %add3A_222 : i32 to index
          %get3A_485 = tpu.vector_load %arg9[%get3A_483, %get3A_484] {strides = array<i32>} : memref<128x128xf32, #tpu.memory_space<vmem>>, vector<1x16xf32>,
          %get3A_486 = vector.shape_cast %get3A_485 : vector<1x16xf32> to vector<1x16xf32>
          %max3A_487 = arith.maximumf %max3A_478, %get3A_486 : vector<1x16xf32>
          %mul3A_488 = arith.constant 32 : i32
          %mul3A_489 = arith.muli %add3A_212, %mul3A_488 : i32
          %add3A_490 = arith.constant 30 : i32
          %add3A_491 = arith.addi %mul3A_489, %add3A_490 : i32
          %get3A_492 = arith.index_cast %add3A_491 : i32 to index
          %get3A_493 = arith.index_cast %add3A_222 : i32 to index
          %get3A_494 = tpu.vector_load %arg9[%get3A_492, %get3A_493] {strides = array<i32>} : memref<128x128xf32, #tpu.memory_space<vmem>>, vector<1x16xf32>,
          %get3A_495 = vector.shape_cast %get3A_494 : vector<1x16xf32> to vector<1x16xf32>
          %max3A_496 = arith.maximumf %max3A_487, %get3A_495 : vector<1x16xf32>
          %mul3A_497 = arith.constant 32 : i32
          %mul3A_498 = arith.muli %add3A_212, %mul3A_497 : i32
          %add3A_499 = arith.constant 31 : i32
          %add3A_500 = arith.addi %mul3A_498, %add3A_499 : i32
          %get3A_501 = arith.index_cast %add3A_500 : i32 to index
          %get3A_502 = arith.index_cast %add3A_222 : i32 to index
          %get3A_503 = tpu.vector_load %arg9[%get3A_501, %get3A_502] {strides = array<i32>} : memref<128x128xf32, #tpu.memory_space<vmem>>, vector<1x16xf32>,
          %get3A_504 = vector.shape_cast %get3A_503 : vector<1x16xf32> to vector<1x16xf32>
          %max3A_505 = arith.maximumf %max3A_496, %get3A_504 : vector<1x16xf32>
          %swap3A = arith.index_cast %add3A_212 : i32 to index
          %swap3A_506 = arith.index_cast %add3A_222 : i32 to index
          %swap3A_507 = tpu.vector_load %arg13[%swap3A, %swap3A_506] {strides = array<i32>} : memref<4x128xf32, #tpu.memory_space<vmem>>, vector<1x16xf32>,
          %swap3A_508 = vector.shape_cast %swap3A_507 : vector<1x16xf32> to vector<1x16xf32>
          %swap3A_509 = vector.shape_cast %max3A_505 : vector<1x16xf32> to vector<1x16xf32>
          tpu.vector_store %arg13[%swap3A, %swap3A_506], %swap3A_509 {strides = array<i32>} : memref<4x128xf32, #tpu.memory_space<vmem>>, vector<1x16xf32>,
        }
        %scan3A_217 = arith.constant 8 : i32
      }
      %scan3A_138 = arith.constant 4 : i32
      %add3A_139 = arith.addi %mul3A_2, %add3A_127 : i32
      %mul3A_140 = arith.constant 128 : i32
      %mul3A_141 = arith.muli %add3A_139, %mul3A_140 : i32
      %dma_start3A_142 = arith.constant 0 : i32
      %dma_start3A_143 = tpu.memref_slice %arg4[%mul3A_141, %dma_start3A_142] : memref<327680x128xf32, #tpu.memory_space<hbm>> -> memref<128x128xf32, #tpu.memory_space<hbm>>
      %dma_start3A_144 = arith.constant 0 : i32
      %dma_start3A_145 = tpu.memref_slice %arg4[%mul3A_141, %dma_start3A_144] : memref<327680x128xf32, #tpu.memory_space<hbm>> -> memref<128x128xf32, #tpu.memory_space<hbm>>
      tpu.enqueue_dma source(%arg9 : memref<128x128xf32, #tpu.memory_space<vmem>>) target(%dma_start3A_145 : memref<128x128xf32, #tpu.memory_space<hbm>>) target_semaphore(%arg21 : memref<!tpu.dma_semaphore, #tpu.memory_space<semaphore_mem>>)
      %mul3A_146 = arith.constant 320 : i32
      %mul3A_147 = arith.muli %add3A, %mul3A_146 : i32
      %mul3A_148 = arith.constant 4 : i32
      %mul3A_149 = arith.muli %add3A_127, %mul3A_148 : i32
      %add3A_150 = arith.addi %mul3A_147, %mul3A_149 : i32
      %dma_start3A_151 = arith.constant 0 : i32
      %dma_start3A_152 = tpu.memref_slice %arg5[%add3A_150, %dma_start3A_151] : memref<10240x128xf32, #tpu.memory_space<hbm>> -> memref<4x128xf32, #tpu.memory_space<hbm>>
      %dma_start3A_153 = arith.constant 0 : i32
      %dma_start3A_154 = tpu.memref_slice %arg5[%add3A_150, %dma_start3A_153] : memref<10240x128xf32, #tpu.memory_space<hbm>> -> memref<4x128xf32, #tpu.memory_space<hbm>>
      tpu.enqueue_dma source(%arg13 : memref<4x128xf32, #tpu.memory_space<vmem>>) target(%dma_start3A_154 : memref<4x128xf32, #tpu.memory_space<hbm>>) target_semaphore(%arg21 : memref<!tpu.dma_semaphore, #tpu.memory_space<semaphore_mem>>)
      %ge3A_155 = arith.constant 2 : i32
      %ge3A_156 = arith.cmpi sge, %add3A_127, %ge3A_155 : i32
      %convert_element_type3A_157 = arith.extui %ge3A_156 : i1 to i32
      %cond3A_158 = arith.constant 0 : i32
      %cond3A_159 = arith.cmpi ne, %convert_element_type3A_157, %cond3A_158 : i32
      scf.if %cond3A_159 {
        %dma_wait3A_208 = arith.constant 0 : i32
        %dma_wait3A_209 = arith.constant 0 : i32
        %dma_wait3A_210 = tpu.memref_slice %arg4[%dma_wait3A_208, %dma_wait3A_209] : memref<327680x128xf32, #tpu.memory_space<hbm>> -> memref<128x128xf32, #tpu.memory_space<hbm>>
        %dma_wait3A_211 = arith.constant 0 : i32
        %dma_wait3A_212 = arith.constant 0 : i32
        %dma_wait3A_213 = tpu.memref_slice %arg4[%dma_wait3A_211, %dma_wait3A_212] : memref<327680x128xf32, #tpu.memory_space<hbm>> -> memref<128x128xf32, #tpu.memory_space<hbm>>
        tpu.wait_dma2 semaphore(%arg19 : memref<!tpu.dma_semaphore, #tpu.memory_space<semaphore_mem>>) src(%arg7 : memref<128x128xf32, #tpu.memory_space<vmem>>) dst(%dma_wait3A_213 : memref<128x128xf32, #tpu.memory_space<hbm>>)
        %dma_wait3A_214 = arith.constant 0 : i32
        %dma_wait3A_215 = arith.constant 0 : i32
        %dma_wait3A_216 = tpu.memref_slice %arg5[%dma_wait3A_214, %dma_wait3A_215] : memref<10240x128xf32, #tpu.memory_space<hbm>> -> memref<4x128xf32, #tpu.memory_space<hbm>>
        %dma_wait3A_217 = arith.constant 0 : i32
        %dma_wait3A_218 = arith.constant 0 : i32
        %dma_wait3A_219 = tpu.memref_slice %arg5[%dma_wait3A_217, %dma_wait3A_218] : memref<10240x128xf32, #tpu.memory_space<hbm>> -> memref<4x128xf32, #tpu.memory_space<hbm>>
        tpu.wait_dma2 semaphore(%arg19 : memref<!tpu.dma_semaphore, #tpu.memory_space<semaphore_mem>>) src(%arg11 : memref<4x128xf32, #tpu.memory_space<vmem>>) dst(%dma_wait3A_219 : memref<4x128xf32, #tpu.memory_space<hbm>>)
      } else {
      }
      %add3A_160 = arith.constant 2 : i32
      %add3A_161 = arith.addi %add3A_127, %add3A_160 : i32
      %lt3A_162 = arith.constant 80 : i32
      %lt3A_163 = arith.cmpi slt, %add3A_161, %lt3A_162 : i32
      %convert_element_type3A_164 = arith.extui %lt3A_163 : i1 to i32
      %cond3A_165 = arith.constant 0 : i32
      %cond3A_166 = arith.cmpi ne, %convert_element_type3A_164, %cond3A_165 : i32
      scf.if %cond3A_166 {
        %add3A_208 = arith.constant 2 : i32
        %add3A_209 = arith.addi %add3A_127, %add3A_208 : i32
        %dma_start3A_210 = arith.constant 0 : i32
        %dma_start3A_211 = tpu.memref_slice %arg6[%add3A_209, %dma_start3A_210] : memref<80x128xi32, #tpu.memory_space<vmem>> -> memref<1x128xi32, #tpu.memory_space<vmem>>
        %dma_start3A_212 = tpu.memref_squeeze %dma_start3A_211 : memref<1x128xi32, #tpu.memory_space<vmem>> -> memref<128xi32, #tpu.memory_space<vmem>>
        %dma_start3A_213 = arith.constant 0 : i32
        %dma_start3A_214 = arith.constant 0 : i32
        %dma_start3A_215 = tpu.memref_slice %arg2[%dma_start3A_213, %dma_start3A_214] : memref<327680x128xf32, #tpu.memory_space<hbm>> -> memref<327680x128xf32, #tpu.memory_space<hbm>>
        tpu.enqueue_indirect_dma source(%dma_start3A_215 : memref<327680x128xf32, #tpu.memory_space<hbm>>) target(%arg7 : memref<128x128xf32, #tpu.memory_space<vmem>>) offsets(%dma_start3A_212 : memref<128xi32, #tpu.memory_space<vmem>>) semaphore(%arg15 : memref<!tpu.dma_semaphore, #tpu.memory_space<semaphore_mem>>)
      } else {
      }
      %add3A_167 = arith.constant 3 : i32
      %add3A_168 = arith.addi %add3A_47, %add3A_167 : i32
      %dma_wait3A_169 = arith.constant 0 : i32
      %dma_wait3A_170 = arith.constant 0 : i32
      %dma_wait3A_171 = tpu.memref_slice %arg2[%dma_wait3A_169, %dma_wait3A_170] : memref<327680x128xf32, #tpu.memory_space<hbm>> -> memref<128x128xf32, #tpu.memory_space<hbm>>
      %dma_wait3A_172 = arith.constant 0 : i32
      %dma_wait3A_173 = arith.constant 0 : i32
      %dma_wait3A_174 = tpu.memref_slice %arg2[%dma_wait3A_172, %dma_wait3A_173] : memref<327680x128xf32, #tpu.memory_space<hbm>> -> memref<128x128xf32, #tpu.memory_space<hbm>>
      tpu.wait_dma2 semaphore(%arg18 : memref<!tpu.dma_semaphore, #tpu.memory_space<semaphore_mem>>) src(%dma_wait3A_174 : memref<128x128xf32, #tpu.memory_space<hbm>>) dst(%arg10 : memref<128x128xf32, #tpu.memory_space<vmem>>)
      %scan3A_175 = arith.constant 0 : i32
      %scan3A_176 = arith.constant 4 : i32
      %scan3A_177 = arith.addi %scan3A_175, %scan3A_176 : i32
      %scan3A_178 = arith.constant 1 : i32
      scf.for %scan3A_208 = %scan3A_175 to %scan3A_177 step %scan3A_178  : i32 {
        %mul3A_209 = arith.constant 1 : i32
        %mul3A_210 = arith.muli %scan3A_208, %mul3A_209 : i32
        %add3A_211 = arith.constant 0 : i32
        %add3A_212 = arith.addi %add3A_211, %mul3A_210 : i32
        %scan3A_213 = arith.constant 0 : i32
        %scan3A_214 = arith.constant 8 : i32
        %scan3A_215 = arith.addi %scan3A_213, %scan3A_214 : i32
        %scan3A_216 = arith.constant 1 : i32
        scf.for %scan3A_218 = %scan3A_213 to %scan3A_215 step %scan3A_216  : i32 {
          %mul3A_219 = arith.constant 16 : i32
          %mul3A_220 = arith.muli %scan3A_218, %mul3A_219 : i32
          %add3A_221 = arith.constant 0 : i32
          %add3A_222 = arith.addi %add3A_221, %mul3A_220 : i32
          %mul3A_223 = arith.constant 32 : i32
          %mul3A_224 = arith.muli %add3A_212, %mul3A_223 : i32
          %get3A = arith.index_cast %mul3A_224 : i32 to index
          %get3A_225 = arith.index_cast %add3A_222 : i32 to index
          %get3A_226 = tpu.vector_load %arg10[%get3A, %get3A_225] {strides = array<i32>} : memref<128x128xf32, #tpu.memory_space<vmem>>, vector<1x16xf32>,
          %get3A_227 = vector.shape_cast %get3A_226 : vector<1x16xf32> to vector<1x16xf32>
          %mul3A_228 = arith.constant 32 : i32
          %mul3A_229 = arith.muli %add3A_212, %mul3A_228 : i32
          %add3A_230 = arith.constant 1 : i32
          %add3A_231 = arith.addi %mul3A_229, %add3A_230 : i32
          %get3A_232 = arith.index_cast %add3A_231 : i32 to index
          %get3A_233 = arith.index_cast %add3A_222 : i32 to index
          %get3A_234 = tpu.vector_load %arg10[%get3A_232, %get3A_233] {strides = array<i32>} : memref<128x128xf32, #tpu.memory_space<vmem>>, vector<1x16xf32>,
          %get3A_235 = vector.shape_cast %get3A_234 : vector<1x16xf32> to vector<1x16xf32>
          %max3A = arith.maximumf %get3A_227, %get3A_235 : vector<1x16xf32>
          %mul3A_236 = arith.constant 32 : i32
          %mul3A_237 = arith.muli %add3A_212, %mul3A_236 : i32
          %add3A_238 = arith.constant 2 : i32
          %add3A_239 = arith.addi %mul3A_237, %add3A_238 : i32
          %get3A_240 = arith.index_cast %add3A_239 : i32 to index
          %get3A_241 = arith.index_cast %add3A_222 : i32 to index
          %get3A_242 = tpu.vector_load %arg10[%get3A_240, %get3A_241] {strides = array<i32>} : memref<128x128xf32, #tpu.memory_space<vmem>>, vector<1x16xf32>,
          %get3A_243 = vector.shape_cast %get3A_242 : vector<1x16xf32> to vector<1x16xf32>
          %max3A_244 = arith.maximumf %max3A, %get3A_243 : vector<1x16xf32>
          %mul3A_245 = arith.constant 32 : i32
          %mul3A_246 = arith.muli %add3A_212, %mul3A_245 : i32
          %add3A_247 = arith.constant 3 : i32
          %add3A_248 = arith.addi %mul3A_246, %add3A_247 : i32
          %get3A_249 = arith.index_cast %add3A_248 : i32 to index
          %get3A_250 = arith.index_cast %add3A_222 : i32 to index
          %get3A_251 = tpu.vector_load %arg10[%get3A_249, %get3A_250] {strides = array<i32>} : memref<128x128xf32, #tpu.memory_space<vmem>>, vector<1x16xf32>,
          %get3A_252 = vector.shape_cast %get3A_251 : vector<1x16xf32> to vector<1x16xf32>
          %max3A_253 = arith.maximumf %max3A_244, %get3A_252 : vector<1x16xf32>
          %mul3A_254 = arith.constant 32 : i32
          %mul3A_255 = arith.muli %add3A_212, %mul3A_254 : i32
          %add3A_256 = arith.constant 4 : i32
          %add3A_257 = arith.addi %mul3A_255, %add3A_256 : i32
          %get3A_258 = arith.index_cast %add3A_257 : i32 to index
          %get3A_259 = arith.index_cast %add3A_222 : i32 to index
          %get3A_260 = tpu.vector_load %arg10[%get3A_258, %get3A_259] {strides = array<i32>} : memref<128x128xf32, #tpu.memory_space<vmem>>, vector<1x16xf32>,
          %get3A_261 = vector.shape_cast %get3A_260 : vector<1x16xf32> to vector<1x16xf32>
          %max3A_262 = arith.maximumf %max3A_253, %get3A_261 : vector<1x16xf32>
          %mul3A_263 = arith.constant 32 : i32
          %mul3A_264 = arith.muli %add3A_212, %mul3A_263 : i32
          %add3A_265 = arith.constant 5 : i32
          %add3A_266 = arith.addi %mul3A_264, %add3A_265 : i32
          %get3A_267 = arith.index_cast %add3A_266 : i32 to index
          %get3A_268 = arith.index_cast %add3A_222 : i32 to index
          %get3A_269 = tpu.vector_load %arg10[%get3A_267, %get3A_268] {strides = array<i32>} : memref<128x128xf32, #tpu.memory_space<vmem>>, vector<1x16xf32>,
          %get3A_270 = vector.shape_cast %get3A_269 : vector<1x16xf32> to vector<1x16xf32>
          %max3A_271 = arith.maximumf %max3A_262, %get3A_270 : vector<1x16xf32>
          %mul3A_272 = arith.constant 32 : i32
          %mul3A_273 = arith.muli %add3A_212, %mul3A_272 : i32
          %add3A_274 = arith.constant 6 : i32
          %add3A_275 = arith.addi %mul3A_273, %add3A_274 : i32
          %get3A_276 = arith.index_cast %add3A_275 : i32 to index
          %get3A_277 = arith.index_cast %add3A_222 : i32 to index
          %get3A_278 = tpu.vector_load %arg10[%get3A_276, %get3A_277] {strides = array<i32>} : memref<128x128xf32, #tpu.memory_space<vmem>>, vector<1x16xf32>,
          %get3A_279 = vector.shape_cast %get3A_278 : vector<1x16xf32> to vector<1x16xf32>
          %max3A_280 = arith.maximumf %max3A_271, %get3A_279 : vector<1x16xf32>
          %mul3A_281 = arith.constant 32 : i32
          %mul3A_282 = arith.muli %add3A_212, %mul3A_281 : i32
          %add3A_283 = arith.constant 7 : i32
          %add3A_284 = arith.addi %mul3A_282, %add3A_283 : i32
          %get3A_285 = arith.index_cast %add3A_284 : i32 to index
          %get3A_286 = arith.index_cast %add3A_222 : i32 to index
          %get3A_287 = tpu.vector_load %arg10[%get3A_285, %get3A_286] {strides = array<i32>} : memref<128x128xf32, #tpu.memory_space<vmem>>, vector<1x16xf32>,
          %get3A_288 = vector.shape_cast %get3A_287 : vector<1x16xf32> to vector<1x16xf32>
          %max3A_289 = arith.maximumf %max3A_280, %get3A_288 : vector<1x16xf32>
          %mul3A_290 = arith.constant 32 : i32
          %mul3A_291 = arith.muli %add3A_212, %mul3A_290 : i32
          %add3A_292 = arith.constant 8 : i32
          %add3A_293 = arith.addi %mul3A_291, %add3A_292 : i32
          %get3A_294 = arith.index_cast %add3A_293 : i32 to index
          %get3A_295 = arith.index_cast %add3A_222 : i32 to index
          %get3A_296 = tpu.vector_load %arg10[%get3A_294, %get3A_295] {strides = array<i32>} : memref<128x128xf32, #tpu.memory_space<vmem>>, vector<1x16xf32>,
          %get3A_297 = vector.shape_cast %get3A_296 : vector<1x16xf32> to vector<1x16xf32>
          %max3A_298 = arith.maximumf %max3A_289, %get3A_297 : vector<1x16xf32>
          %mul3A_299 = arith.constant 32 : i32
          %mul3A_300 = arith.muli %add3A_212, %mul3A_299 : i32
          %add3A_301 = arith.constant 9 : i32
          %add3A_302 = arith.addi %mul3A_300, %add3A_301 : i32
          %get3A_303 = arith.index_cast %add3A_302 : i32 to index
          %get3A_304 = arith.index_cast %add3A_222 : i32 to index
          %get3A_305 = tpu.vector_load %arg10[%get3A_303, %get3A_304] {strides = array<i32>} : memref<128x128xf32, #tpu.memory_space<vmem>>, vector<1x16xf32>,
          %get3A_306 = vector.shape_cast %get3A_305 : vector<1x16xf32> to vector<1x16xf32>
          %max3A_307 = arith.maximumf %max3A_298, %get3A_306 : vector<1x16xf32>
          %mul3A_308 = arith.constant 32 : i32
          %mul3A_309 = arith.muli %add3A_212, %mul3A_308 : i32
          %add3A_310 = arith.constant 10 : i32
          %add3A_311 = arith.addi %mul3A_309, %add3A_310 : i32
          %get3A_312 = arith.index_cast %add3A_311 : i32 to index
          %get3A_313 = arith.index_cast %add3A_222 : i32 to index
          %get3A_314 = tpu.vector_load %arg10[%get3A_312, %get3A_313] {strides = array<i32>} : memref<128x128xf32, #tpu.memory_space<vmem>>, vector<1x16xf32>,
          %get3A_315 = vector.shape_cast %get3A_314 : vector<1x16xf32> to vector<1x16xf32>
          %max3A_316 = arith.maximumf %max3A_307, %get3A_315 : vector<1x16xf32>
          %mul3A_317 = arith.constant 32 : i32
          %mul3A_318 = arith.muli %add3A_212, %mul3A_317 : i32
          %add3A_319 = arith.constant 11 : i32
          %add3A_320 = arith.addi %mul3A_318, %add3A_319 : i32
          %get3A_321 = arith.index_cast %add3A_320 : i32 to index
          %get3A_322 = arith.index_cast %add3A_222 : i32 to index
          %get3A_323 = tpu.vector_load %arg10[%get3A_321, %get3A_322] {strides = array<i32>} : memref<128x128xf32, #tpu.memory_space<vmem>>, vector<1x16xf32>,
          %get3A_324 = vector.shape_cast %get3A_323 : vector<1x16xf32> to vector<1x16xf32>
          %max3A_325 = arith.maximumf %max3A_316, %get3A_324 : vector<1x16xf32>
          %mul3A_326 = arith.constant 32 : i32
          %mul3A_327 = arith.muli %add3A_212, %mul3A_326 : i32
          %add3A_328 = arith.constant 12 : i32
          %add3A_329 = arith.addi %mul3A_327, %add3A_328 : i32
          %get3A_330 = arith.index_cast %add3A_329 : i32 to index
          %get3A_331 = arith.index_cast %add3A_222 : i32 to index
          %get3A_332 = tpu.vector_load %arg10[%get3A_330, %get3A_331] {strides = array<i32>} : memref<128x128xf32, #tpu.memory_space<vmem>>, vector<1x16xf32>,
          %get3A_333 = vector.shape_cast %get3A_332 : vector<1x16xf32> to vector<1x16xf32>
          %max3A_334 = arith.maximumf %max3A_325, %get3A_333 : vector<1x16xf32>
          %mul3A_335 = arith.constant 32 : i32
          %mul3A_336 = arith.muli %add3A_212, %mul3A_335 : i32
          %add3A_337 = arith.constant 13 : i32
          %add3A_338 = arith.addi %mul3A_336, %add3A_337 : i32
          %get3A_339 = arith.index_cast %add3A_338 : i32 to index
          %get3A_340 = arith.index_cast %add3A_222 : i32 to index
          %get3A_341 = tpu.vector_load %arg10[%get3A_339, %get3A_340] {strides = array<i32>} : memref<128x128xf32, #tpu.memory_space<vmem>>, vector<1x16xf32>,
          %get3A_342 = vector.shape_cast %get3A_341 : vector<1x16xf32> to vector<1x16xf32>
          %max3A_343 = arith.maximumf %max3A_334, %get3A_342 : vector<1x16xf32>
          %mul3A_344 = arith.constant 32 : i32
          %mul3A_345 = arith.muli %add3A_212, %mul3A_344 : i32
          %add3A_346 = arith.constant 14 : i32
          %add3A_347 = arith.addi %mul3A_345, %add3A_346 : i32
          %get3A_348 = arith.index_cast %add3A_347 : i32 to index
          %get3A_349 = arith.index_cast %add3A_222 : i32 to index
          %get3A_350 = tpu.vector_load %arg10[%get3A_348, %get3A_349] {strides = array<i32>} : memref<128x128xf32, #tpu.memory_space<vmem>>, vector<1x16xf32>,
          %get3A_351 = vector.shape_cast %get3A_350 : vector<1x16xf32> to vector<1x16xf32>
          %max3A_352 = arith.maximumf %max3A_343, %get3A_351 : vector<1x16xf32>
          %mul3A_353 = arith.constant 32 : i32
          %mul3A_354 = arith.muli %add3A_212, %mul3A_353 : i32
          %add3A_355 = arith.constant 15 : i32
          %add3A_356 = arith.addi %mul3A_354, %add3A_355 : i32
          %get3A_357 = arith.index_cast %add3A_356 : i32 to index
          %get3A_358 = arith.index_cast %add3A_222 : i32 to index
          %get3A_359 = tpu.vector_load %arg10[%get3A_357, %get3A_358] {strides = array<i32>} : memref<128x128xf32, #tpu.memory_space<vmem>>, vector<1x16xf32>,
          %get3A_360 = vector.shape_cast %get3A_359 : vector<1x16xf32> to vector<1x16xf32>
          %max3A_361 = arith.maximumf %max3A_352, %get3A_360 : vector<1x16xf32>
          %mul3A_362 = arith.constant 32 : i32
          %mul3A_363 = arith.muli %add3A_212, %mul3A_362 : i32
          %add3A_364 = arith.constant 16 : i32
          %add3A_365 = arith.addi %mul3A_363, %add3A_364 : i32
          %get3A_366 = arith.index_cast %add3A_365 : i32 to index
          %get3A_367 = arith.index_cast %add3A_222 : i32 to index
          %get3A_368 = tpu.vector_load %arg10[%get3A_366, %get3A_367] {strides = array<i32>} : memref<128x128xf32, #tpu.memory_space<vmem>>, vector<1x16xf32>,
          %get3A_369 = vector.shape_cast %get3A_368 : vector<1x16xf32> to vector<1x16xf32>
          %max3A_370 = arith.maximumf %max3A_361, %get3A_369 : vector<1x16xf32>
          %mul3A_371 = arith.constant 32 : i32
          %mul3A_372 = arith.muli %add3A_212, %mul3A_371 : i32
          %add3A_373 = arith.constant 17 : i32
          %add3A_374 = arith.addi %mul3A_372, %add3A_373 : i32
          %get3A_375 = arith.index_cast %add3A_374 : i32 to index
          %get3A_376 = arith.index_cast %add3A_222 : i32 to index
          %get3A_377 = tpu.vector_load %arg10[%get3A_375, %get3A_376] {strides = array<i32>} : memref<128x128xf32, #tpu.memory_space<vmem>>, vector<1x16xf32>,
          %get3A_378 = vector.shape_cast %get3A_377 : vector<1x16xf32> to vector<1x16xf32>
          %max3A_379 = arith.maximumf %max3A_370, %get3A_378 : vector<1x16xf32>
          %mul3A_380 = arith.constant 32 : i32
          %mul3A_381 = arith.muli %add3A_212, %mul3A_380 : i32
          %add3A_382 = arith.constant 18 : i32
          %add3A_383 = arith.addi %mul3A_381, %add3A_382 : i32
          %get3A_384 = arith.index_cast %add3A_383 : i32 to index
          %get3A_385 = arith.index_cast %add3A_222 : i32 to index
          %get3A_386 = tpu.vector_load %arg10[%get3A_384, %get3A_385] {strides = array<i32>} : memref<128x128xf32, #tpu.memory_space<vmem>>, vector<1x16xf32>,
          %get3A_387 = vector.shape_cast %get3A_386 : vector<1x16xf32> to vector<1x16xf32>
          %max3A_388 = arith.maximumf %max3A_379, %get3A_387 : vector<1x16xf32>
          %mul3A_389 = arith.constant 32 : i32
          %mul3A_390 = arith.muli %add3A_212, %mul3A_389 : i32
          %add3A_391 = arith.constant 19 : i32
          %add3A_392 = arith.addi %mul3A_390, %add3A_391 : i32
          %get3A_393 = arith.index_cast %add3A_392 : i32 to index
          %get3A_394 = arith.index_cast %add3A_222 : i32 to index
          %get3A_395 = tpu.vector_load %arg10[%get3A_393, %get3A_394] {strides = array<i32>} : memref<128x128xf32, #tpu.memory_space<vmem>>, vector<1x16xf32>,
          %get3A_396 = vector.shape_cast %get3A_395 : vector<1x16xf32> to vector<1x16xf32>
          %max3A_397 = arith.maximumf %max3A_388, %get3A_396 : vector<1x16xf32>
          %mul3A_398 = arith.constant 32 : i32
          %mul3A_399 = arith.muli %add3A_212, %mul3A_398 : i32
          %add3A_400 = arith.constant 20 : i32
          %add3A_401 = arith.addi %mul3A_399, %add3A_400 : i32
          %get3A_402 = arith.index_cast %add3A_401 : i32 to index
          %get3A_403 = arith.index_cast %add3A_222 : i32 to index
          %get3A_404 = tpu.vector_load %arg10[%get3A_402, %get3A_403] {strides = array<i32>} : memref<128x128xf32, #tpu.memory_space<vmem>>, vector<1x16xf32>,
          %get3A_405 = vector.shape_cast %get3A_404 : vector<1x16xf32> to vector<1x16xf32>
          %max3A_406 = arith.maximumf %max3A_397, %get3A_405 : vector<1x16xf32>
          %mul3A_407 = arith.constant 32 : i32
          %mul3A_408 = arith.muli %add3A_212, %mul3A_407 : i32
          %add3A_409 = arith.constant 21 : i32
          %add3A_410 = arith.addi %mul3A_408, %add3A_409 : i32
          %get3A_411 = arith.index_cast %add3A_410 : i32 to index
          %get3A_412 = arith.index_cast %add3A_222 : i32 to index
          %get3A_413 = tpu.vector_load %arg10[%get3A_411, %get3A_412] {strides = array<i32>} : memref<128x128xf32, #tpu.memory_space<vmem>>, vector<1x16xf32>,
          %get3A_414 = vector.shape_cast %get3A_413 : vector<1x16xf32> to vector<1x16xf32>
          %max3A_415 = arith.maximumf %max3A_406, %get3A_414 : vector<1x16xf32>
          %mul3A_416 = arith.constant 32 : i32
          %mul3A_417 = arith.muli %add3A_212, %mul3A_416 : i32
          %add3A_418 = arith.constant 22 : i32
          %add3A_419 = arith.addi %mul3A_417, %add3A_418 : i32
          %get3A_420 = arith.index_cast %add3A_419 : i32 to index
          %get3A_421 = arith.index_cast %add3A_222 : i32 to index
          %get3A_422 = tpu.vector_load %arg10[%get3A_420, %get3A_421] {strides = array<i32>} : memref<128x128xf32, #tpu.memory_space<vmem>>, vector<1x16xf32>,
          %get3A_423 = vector.shape_cast %get3A_422 : vector<1x16xf32> to vector<1x16xf32>
          %max3A_424 = arith.maximumf %max3A_415, %get3A_423 : vector<1x16xf32>
          %mul3A_425 = arith.constant 32 : i32
          %mul3A_426 = arith.muli %add3A_212, %mul3A_425 : i32
          %add3A_427 = arith.constant 23 : i32
          %add3A_428 = arith.addi %mul3A_426, %add3A_427 : i32
          %get3A_429 = arith.index_cast %add3A_428 : i32 to index
          %get3A_430 = arith.index_cast %add3A_222 : i32 to index
          %get3A_431 = tpu.vector_load %arg10[%get3A_429, %get3A_430] {strides = array<i32>} : memref<128x128xf32, #tpu.memory_space<vmem>>, vector<1x16xf32>,
          %get3A_432 = vector.shape_cast %get3A_431 : vector<1x16xf32> to vector<1x16xf32>
          %max3A_433 = arith.maximumf %max3A_424, %get3A_432 : vector<1x16xf32>
          %mul3A_434 = arith.constant 32 : i32
          %mul3A_435 = arith.muli %add3A_212, %mul3A_434 : i32
          %add3A_436 = arith.constant 24 : i32
          %add3A_437 = arith.addi %mul3A_435, %add3A_436 : i32
          %get3A_438 = arith.index_cast %add3A_437 : i32 to index
          %get3A_439 = arith.index_cast %add3A_222 : i32 to index
          %get3A_440 = tpu.vector_load %arg10[%get3A_438, %get3A_439] {strides = array<i32>} : memref<128x128xf32, #tpu.memory_space<vmem>>, vector<1x16xf32>,
          %get3A_441 = vector.shape_cast %get3A_440 : vector<1x16xf32> to vector<1x16xf32>
          %max3A_442 = arith.maximumf %max3A_433, %get3A_441 : vector<1x16xf32>
          %mul3A_443 = arith.constant 32 : i32
          %mul3A_444 = arith.muli %add3A_212, %mul3A_443 : i32
          %add3A_445 = arith.constant 25 : i32
          %add3A_446 = arith.addi %mul3A_444, %add3A_445 : i32
          %get3A_447 = arith.index_cast %add3A_446 : i32 to index
          %get3A_448 = arith.index_cast %add3A_222 : i32 to index
          %get3A_449 = tpu.vector_load %arg10[%get3A_447, %get3A_448] {strides = array<i32>} : memref<128x128xf32, #tpu.memory_space<vmem>>, vector<1x16xf32>,
          %get3A_450 = vector.shape_cast %get3A_449 : vector<1x16xf32> to vector<1x16xf32>
          %max3A_451 = arith.maximumf %max3A_442, %get3A_450 : vector<1x16xf32>
          %mul3A_452 = arith.constant 32 : i32
          %mul3A_453 = arith.muli %add3A_212, %mul3A_452 : i32
          %add3A_454 = arith.constant 26 : i32
          %add3A_455 = arith.addi %mul3A_453, %add3A_454 : i32
          %get3A_456 = arith.index_cast %add3A_455 : i32 to index
          %get3A_457 = arith.index_cast %add3A_222 : i32 to index
          %get3A_458 = tpu.vector_load %arg10[%get3A_456, %get3A_457] {strides = array<i32>} : memref<128x128xf32, #tpu.memory_space<vmem>>, vector<1x16xf32>,
          %get3A_459 = vector.shape_cast %get3A_458 : vector<1x16xf32> to vector<1x16xf32>
          %max3A_460 = arith.maximumf %max3A_451, %get3A_459 : vector<1x16xf32>
          %mul3A_461 = arith.constant 32 : i32
          %mul3A_462 = arith.muli %add3A_212, %mul3A_461 : i32
          %add3A_463 = arith.constant 27 : i32
          %add3A_464 = arith.addi %mul3A_462, %add3A_463 : i32
          %get3A_465 = arith.index_cast %add3A_464 : i32 to index
          %get3A_466 = arith.index_cast %add3A_222 : i32 to index
          %get3A_467 = tpu.vector_load %arg10[%get3A_465, %get3A_466] {strides = array<i32>} : memref<128x128xf32, #tpu.memory_space<vmem>>, vector<1x16xf32>,
          %get3A_468 = vector.shape_cast %get3A_467 : vector<1x16xf32> to vector<1x16xf32>
          %max3A_469 = arith.maximumf %max3A_460, %get3A_468 : vector<1x16xf32>
          %mul3A_470 = arith.constant 32 : i32
          %mul3A_471 = arith.muli %add3A_212, %mul3A_470 : i32
          %add3A_472 = arith.constant 28 : i32
          %add3A_473 = arith.addi %mul3A_471, %add3A_472 : i32
          %get3A_474 = arith.index_cast %add3A_473 : i32 to index
          %get3A_475 = arith.index_cast %add3A_222 : i32 to index
          %get3A_476 = tpu.vector_load %arg10[%get3A_474, %get3A_475] {strides = array<i32>} : memref<128x128xf32, #tpu.memory_space<vmem>>, vector<1x16xf32>,
          %get3A_477 = vector.shape_cast %get3A_476 : vector<1x16xf32> to vector<1x16xf32>
          %max3A_478 = arith.maximumf %max3A_469, %get3A_477 : vector<1x16xf32>
          %mul3A_479 = arith.constant 32 : i32
          %mul3A_480 = arith.muli %add3A_212, %mul3A_479 : i32
          %add3A_481 = arith.constant 29 : i32
          %add3A_482 = arith.addi %mul3A_480, %add3A_481 : i32
          %get3A_483 = arith.index_cast %add3A_482 : i32 to index
          %get3A_484 = arith.index_cast %add3A_222 : i32 to index
          %get3A_485 = tpu.vector_load %arg10[%get3A_483, %get3A_484] {strides = array<i32>} : memref<128x128xf32, #tpu.memory_space<vmem>>, vector<1x16xf32>,
          %get3A_486 = vector.shape_cast %get3A_485 : vector<1x16xf32> to vector<1x16xf32>
          %max3A_487 = arith.maximumf %max3A_478, %get3A_486 : vector<1x16xf32>
          %mul3A_488 = arith.constant 32 : i32
          %mul3A_489 = arith.muli %add3A_212, %mul3A_488 : i32
          %add3A_490 = arith.constant 30 : i32
          %add3A_491 = arith.addi %mul3A_489, %add3A_490 : i32
          %get3A_492 = arith.index_cast %add3A_491 : i32 to index
          %get3A_493 = arith.index_cast %add3A_222 : i32 to index
          %get3A_494 = tpu.vector_load %arg10[%get3A_492, %get3A_493] {strides = array<i32>} : memref<128x128xf32, #tpu.memory_space<vmem>>, vector<1x16xf32>,
          %get3A_495 = vector.shape_cast %get3A_494 : vector<1x16xf32> to vector<1x16xf32>
          %max3A_496 = arith.maximumf %max3A_487, %get3A_495 : vector<1x16xf32>
          %mul3A_497 = arith.constant 32 : i32
          %mul3A_498 = arith.muli %add3A_212, %mul3A_497 : i32
          %add3A_499 = arith.constant 31 : i32
          %add3A_500 = arith.addi %mul3A_498, %add3A_499 : i32
          %get3A_501 = arith.index_cast %add3A_500 : i32 to index
          %get3A_502 = arith.index_cast %add3A_222 : i32 to index
          %get3A_503 = tpu.vector_load %arg10[%get3A_501, %get3A_502] {strides = array<i32>} : memref<128x128xf32, #tpu.memory_space<vmem>>, vector<1x16xf32>,
          %get3A_504 = vector.shape_cast %get3A_503 : vector<1x16xf32> to vector<1x16xf32>
          %max3A_505 = arith.maximumf %max3A_496, %get3A_504 : vector<1x16xf32>
          %swap3A = arith.index_cast %add3A_212 : i32 to index
          %swap3A_506 = arith.index_cast %add3A_222 : i32 to index
          %swap3A_507 = tpu.vector_load %arg14[%swap3A, %swap3A_506] {strides = array<i32>} : memref<4x128xf32, #tpu.memory_space<vmem>>, vector<1x16xf32>,
          %swap3A_508 = vector.shape_cast %swap3A_507 : vector<1x16xf32> to vector<1x16xf32>
          %swap3A_509 = vector.shape_cast %max3A_505 : vector<1x16xf32> to vector<1x16xf32>
          tpu.vector_store %arg14[%swap3A, %swap3A_506], %swap3A_509 {strides = array<i32>} : memref<4x128xf32, #tpu.memory_space<vmem>>, vector<1x16xf32>,
        }
        %scan3A_217 = arith.constant 8 : i32
      }
      %scan3A_179 = arith.constant 4 : i32
      %add3A_180 = arith.addi %mul3A_2, %add3A_168 : i32
      %mul3A_181 = arith.constant 128 : i32
      %mul3A_182 = arith.muli %add3A_180, %mul3A_181 : i32
      %dma_start3A_183 = arith.constant 0 : i32
      %dma_start3A_184 = tpu.memref_slice %arg4[%mul3A_182, %dma_start3A_183] : memref<327680x128xf32, #tpu.memory_space<hbm>> -> memref<128x128xf32, #tpu.memory_space<hbm>>
      %dma_start3A_185 = arith.constant 0 : i32
      %dma_start3A_186 = tpu.memref_slice %arg4[%mul3A_182, %dma_start3A_185] : memref<327680x128xf32, #tpu.memory_space<hbm>> -> memref<128x128xf32, #tpu.memory_space<hbm>>
      tpu.enqueue_dma source(%arg10 : memref<128x128xf32, #tpu.memory_space<vmem>>) target(%dma_start3A_186 : memref<128x128xf32, #tpu.memory_space<hbm>>) target_semaphore(%arg22 : memref<!tpu.dma_semaphore, #tpu.memory_space<semaphore_mem>>)
      %mul3A_187 = arith.constant 320 : i32
      %mul3A_188 = arith.muli %add3A, %mul3A_187 : i32
      %mul3A_189 = arith.constant 4 : i32
      %mul3A_190 = arith.muli %add3A_168, %mul3A_189 : i32
      %add3A_191 = arith.addi %mul3A_188, %mul3A_190 : i32
      %dma_start3A_192 = arith.constant 0 : i32
      %dma_start3A_193 = tpu.memref_slice %arg5[%add3A_191, %dma_start3A_192] : memref<10240x128xf32, #tpu.memory_space<hbm>> -> memref<4x128xf32, #tpu.memory_space<hbm>>
      %dma_start3A_194 = arith.constant 0 : i32
      %dma_start3A_195 = tpu.memref_slice %arg5[%add3A_191, %dma_start3A_194] : memref<10240x128xf32, #tpu.memory_space<hbm>> -> memref<4x128xf32, #tpu.memory_space<hbm>>
      tpu.enqueue_dma source(%arg14 : memref<4x128xf32, #tpu.memory_space<vmem>>) target(%dma_start3A_195 : memref<4x128xf32, #tpu.memory_space<hbm>>) target_semaphore(%arg22 : memref<!tpu.dma_semaphore, #tpu.memory_space<semaphore_mem>>)
      %ge3A_196 = arith.constant 2 : i32
      %ge3A_197 = arith.cmpi sge, %add3A_168, %ge3A_196 : i32
      %convert_element_type3A_198 = arith.extui %ge3A_197 : i1 to i32
      %cond3A_199 = arith.constant 0 : i32
      %cond3A_200 = arith.cmpi ne, %convert_element_type3A_198, %cond3A_199 : i32
      scf.if %cond3A_200 {
        %dma_wait3A_208 = arith.constant 0 : i32
        %dma_wait3A_209 = arith.constant 0 : i32
        %dma_wait3A_210 = tpu.memref_slice %arg4[%dma_wait3A_208, %dma_wait3A_209] : memref<327680x128xf32, #tpu.memory_space<hbm>> -> memref<128x128xf32, #tpu.memory_space<hbm>>
        %dma_wait3A_211 = arith.constant 0 : i32
        %dma_wait3A_212 = arith.constant 0 : i32
        %dma_wait3A_213 = tpu.memref_slice %arg4[%dma_wait3A_211, %dma_wait3A_212] : memref<327680x128xf32, #tpu.memory_space<hbm>> -> memref<128x128xf32, #tpu.memory_space<hbm>>
        tpu.wait_dma2 semaphore(%arg20 : memref<!tpu.dma_semaphore, #tpu.memory_space<semaphore_mem>>) src(%arg8 : memref<128x128xf32, #tpu.memory_space<vmem>>) dst(%dma_wait3A_213 : memref<128x128xf32, #tpu.memory_space<hbm>>)
        %dma_wait3A_214 = arith.constant 0 : i32
        %dma_wait3A_215 = arith.constant 0 : i32
        %dma_wait3A_216 = tpu.memref_slice %arg5[%dma_wait3A_214, %dma_wait3A_215] : memref<10240x128xf32, #tpu.memory_space<hbm>> -> memref<4x128xf32, #tpu.memory_space<hbm>>
        %dma_wait3A_217 = arith.constant 0 : i32
        %dma_wait3A_218 = arith.constant 0 : i32
        %dma_wait3A_219 = tpu.memref_slice %arg5[%dma_wait3A_217, %dma_wait3A_218] : memref<10240x128xf32, #tpu.memory_space<hbm>> -> memref<4x128xf32, #tpu.memory_space<hbm>>
        tpu.wait_dma2 semaphore(%arg20 : memref<!tpu.dma_semaphore, #tpu.memory_space<semaphore_mem>>) src(%arg12 : memref<4x128xf32, #tpu.memory_space<vmem>>) dst(%dma_wait3A_219 : memref<4x128xf32, #tpu.memory_space<hbm>>)
      } else {
      }
      %add3A_201 = arith.constant 2 : i32
      %add3A_202 = arith.addi %add3A_168, %add3A_201 : i32
      %lt3A_203 = arith.constant 80 : i32
      %lt3A_204 = arith.cmpi slt, %add3A_202, %lt3A_203 : i32
      %convert_element_type3A_205 = arith.extui %lt3A_204 : i1 to i32
      %cond3A_206 = arith.constant 0 : i32
      %cond3A_207 = arith.cmpi ne, %convert_element_type3A_205, %cond3A_206 : i32
      scf.if %cond3A_207 {
        %add3A_208 = arith.constant 2 : i32
        %add3A_209 = arith.addi %add3A_168, %add3A_208 : i32
        %dma_start3A_210 = arith.constant 0 : i32
        %dma_start3A_211 = tpu.memref_slice %arg6[%add3A_209, %dma_start3A_210] : memref<80x128xi32, #tpu.memory_space<vmem>> -> memref<1x128xi32, #tpu.memory_space<vmem>>
        %dma_start3A_212 = tpu.memref_squeeze %dma_start3A_211 : memref<1x128xi32, #tpu.memory_space<vmem>> -> memref<128xi32, #tpu.memory_space<vmem>>
        %dma_start3A_213 = arith.constant 0 : i32
        %dma_start3A_214 = arith.constant 0 : i32
        %dma_start3A_215 = tpu.memref_slice %arg2[%dma_start3A_213, %dma_start3A_214] : memref<327680x128xf32, #tpu.memory_space<hbm>> -> memref<327680x128xf32, #tpu.memory_space<hbm>>
        tpu.enqueue_indirect_dma source(%dma_start3A_215 : memref<327680x128xf32, #tpu.memory_space<hbm>>) target(%arg8 : memref<128x128xf32, #tpu.memory_space<vmem>>) offsets(%dma_start3A_212 : memref<128xi32, #tpu.memory_space<vmem>>) semaphore(%arg16 : memref<!tpu.dma_semaphore, #tpu.memory_space<semaphore_mem>>)
      } else {
      }
    }
    %scan3A_19 = arith.constant 20 : i32
    %dma_wait3A = arith.constant 0 : i32
    %dma_wait3A_20 = arith.constant 0 : i32
    %dma_wait3A_21 = tpu.memref_slice %arg4[%dma_wait3A, %dma_wait3A_20] : memref<327680x128xf32, #tpu.memory_space<hbm>> -> memref<128x128xf32, #tpu.memory_space<hbm>>
    %dma_wait3A_22 = arith.constant 0 : i32
    %dma_wait3A_23 = arith.constant 0 : i32
    %dma_wait3A_24 = tpu.memref_slice %arg4[%dma_wait3A_22, %dma_wait3A_23] : memref<327680x128xf32, #tpu.memory_space<hbm>> -> memref<128x128xf32, #tpu.memory_space<hbm>>
    tpu.wait_dma2 semaphore(%arg21 : memref<!tpu.dma_semaphore, #tpu.memory_space<semaphore_mem>>) src(%arg9 : memref<128x128xf32, #tpu.memory_space<vmem>>) dst(%dma_wait3A_24 : memref<128x128xf32, #tpu.memory_space<hbm>>)
    %dma_wait3A_25 = arith.constant 0 : i32
    %dma_wait3A_26 = arith.constant 0 : i32
    %dma_wait3A_27 = tpu.memref_slice %arg5[%dma_wait3A_25, %dma_wait3A_26] : memref<10240x128xf32, #tpu.memory_space<hbm>> -> memref<4x128xf32, #tpu.memory_space<hbm>>
    %dma_wait3A_28 = arith.constant 0 : i32
    %dma_wait3A_29 = arith.constant 0 : i32
    %dma_wait3A_30 = tpu.memref_slice %arg5[%dma_wait3A_28, %dma_wait3A_29] : memref<10240x128xf32, #tpu.memory_space<hbm>> -> memref<4x128xf32, #tpu.memory_space<hbm>>
    tpu.wait_dma2 semaphore(%arg21 : memref<!tpu.dma_semaphore, #tpu.memory_space<semaphore_mem>>) src(%arg13 : memref<4x128xf32, #tpu.memory_space<vmem>>) dst(%dma_wait3A_30 : memref<4x128xf32, #tpu.memory_space<hbm>>)
    %dma_wait3A_31 = arith.constant 0 : i32
    %dma_wait3A_32 = arith.constant 0 : i32
    %dma_wait3A_33 = tpu.memref_slice %arg4[%dma_wait3A_31, %dma_wait3A_32] : memref<327680x128xf32, #tpu.memory_space<hbm>> -> memref<128x128xf32, #tpu.memory_space<hbm>>
    %dma_wait3A_34 = arith.constant 0 : i32
    %dma_wait3A_35 = arith.constant 0 : i32
    %dma_wait3A_36 = tpu.memref_slice %arg4[%dma_wait3A_34, %dma_wait3A_35] : memref<327680x128xf32, #tpu.memory_space<hbm>> -> memref<128x128xf32, #tpu.memory_space<hbm>>
    tpu.wait_dma2 semaphore(%arg22 : memref<!tpu.dma_semaphore, #tpu.memory_space<semaphore_mem>>) src(%arg10 : memref<128x128xf32, #tpu.memory_space<vmem>>) dst(%dma_wait3A_36 : memref<128x128xf32, #tpu.memory_space<hbm>>)
    %dma_wait3A_37 = arith.constant 0 : i32
    %dma_wait3A_38 = arith.constant 0 : i32
    %dma_wait3A_39 = tpu.memref_slice %arg5[%dma_wait3A_37, %dma_wait3A_38] : memref<10240x128xf32, #tpu.memory_space<hbm>> -> memref<4x128xf32, #tpu.memory_space<hbm>>
    %dma_wait3A_40 = arith.constant 0 : i32
    %dma_wait3A_41 = arith.constant 0 : i32
    %dma_wait3A_42 = tpu.memref_slice %arg5[%dma_wait3A_40, %dma_wait3A_41] : memref<10240x128xf32, #tpu.memory_space<hbm>> -> memref<4x128xf32, #tpu.memory_space<hbm>>
    tpu.wait_dma2 semaphore(%arg22 : memref<!tpu.dma_semaphore, #tpu.memory_space<semaphore_mem>>) src(%arg14 : memref<4x128xf32, #tpu.memory_space<vmem>>) dst(%dma_wait3A_42 : memref<4x128xf32, #tpu.memory_space<hbm>>)
    return
  }
}

#map = affine_map<(d0, d1) -> (0, 0)>
module attributes {stable_mosaic.version = 14 : i64} {
  func.func @_nb_gather(%arg0: i32, %arg1: i32, %arg2: memref<10240x128xf32, #tpu.memory_space<hbm>>, %arg3: memref<2560x128xi32, #tpu.memory_space<hbm>>, %arg4: memref<327680x128xf32, #tpu.memory_space<hbm>>, %arg5: memref<80x128xi32, #tpu.memory_space<vmem>>, %arg6: memref<128x128xf32, #tpu.memory_space<vmem>>, %arg7: memref<128x128xf32, #tpu.memory_space<vmem>>, %arg8: memref<128x128xf32, #tpu.memory_space<vmem>>, %arg9: memref<128x128xf32, #tpu.memory_space<vmem>>, %arg10: memref<!tpu.dma_semaphore, #tpu.memory_space<semaphore_mem>>, %arg11: memref<!tpu.dma_semaphore, #tpu.memory_space<semaphore_mem>>, %arg12: memref<!tpu.dma_semaphore, #tpu.memory_space<semaphore_mem>>, %arg13: memref<!tpu.dma_semaphore, #tpu.memory_space<semaphore_mem>>, %arg14: memref<!tpu.dma_semaphore, #tpu.memory_space<semaphore_mem>>, %arg15: memref<!tpu.dma_semaphore, #tpu.memory_space<semaphore_mem>>, %arg16: memref<!tpu.dma_semaphore, #tpu.memory_space<semaphore_mem>>, %arg17: memref<!tpu.dma_semaphore, #tpu.memory_space<semaphore_mem>>) attributes {dimension_semantics = [#tpu.dimension_semantics<core_parallel>, #tpu.dimension_semantics<subcore_parallel>], iteration_bounds = array<i64: 2, 16>, scalar_prefetch = 0 : i64, scratch_operands = 13 : i64, tpu.core_type = #tpu.core_type<sc_vector_subcore>, window_params = [{transform_indices = #map}, {transform_indices = #map}, {transform_indices = #map}]} {
    %mul3A = arith.constant 2 : i32
    %mul3A_0 = arith.muli %arg1, %mul3A : i32
    %add3A = arith.addi %mul3A_0, %arg0 : i32
    %mul3A_1 = arith.constant 80 : i32
    %mul3A_2 = arith.muli %add3A, %mul3A_1 : i32
    "tpu.region"() ({
      %run_scoped3A = tpu.sem_alloc : memref<!tpu.dma_semaphore, #tpu.memory_space<semaphore_mem>>
      %dma_start3A_31 = arith.constant 0 : i32
      %dma_start3A_32 = tpu.memref_slice %arg3[%mul3A_2, %dma_start3A_31] : memref<2560x128xi32, #tpu.memory_space<hbm>> -> memref<80x128xi32, #tpu.memory_space<hbm>>
      %dma_start3A_33 = arith.constant 0 : i32
      %dma_start3A_34 = tpu.memref_slice %arg3[%mul3A_2, %dma_start3A_33] : memref<2560x128xi32, #tpu.memory_space<hbm>> -> memref<80x128xi32, #tpu.memory_space<hbm>>
      tpu.enqueue_dma source(%dma_start3A_34 : memref<80x128xi32, #tpu.memory_space<hbm>>) target(%arg5 : memref<80x128xi32, #tpu.memory_space<vmem>>) target_semaphore(%run_scoped3A : memref<!tpu.dma_semaphore, #tpu.memory_space<semaphore_mem>>)
      %dma_wait3A_35 = arith.constant 0 : i32
      %dma_wait3A_36 = tpu.memref_slice %arg3[%mul3A_2, %dma_wait3A_35] : memref<2560x128xi32, #tpu.memory_space<hbm>> -> memref<80x128xi32, #tpu.memory_space<hbm>>
      %dma_wait3A_37 = arith.constant 0 : i32
      %dma_wait3A_38 = tpu.memref_slice %arg3[%mul3A_2, %dma_wait3A_37] : memref<2560x128xi32, #tpu.memory_space<hbm>> -> memref<80x128xi32, #tpu.memory_space<hbm>>
      tpu.wait_dma2 semaphore(%run_scoped3A : memref<!tpu.dma_semaphore, #tpu.memory_space<semaphore_mem>>) src(%dma_wait3A_38 : memref<80x128xi32, #tpu.memory_space<hbm>>) dst(%arg5 : memref<80x128xi32, #tpu.memory_space<vmem>>)
      tpu.yield
    }) : () -> ()
    %dma_start3A = arith.constant 0 : i32
    %dma_start3A_3 = arith.constant 0 : i32
    %dma_start3A_4 = tpu.memref_slice %arg5[%dma_start3A, %dma_start3A_3] : memref<80x128xi32, #tpu.memory_space<vmem>> -> memref<1x128xi32, #tpu.memory_space<vmem>>
    %dma_start3A_5 = tpu.memref_squeeze %dma_start3A_4 : memref<1x128xi32, #tpu.memory_space<vmem>> -> memref<128xi32, #tpu.memory_space<vmem>>
    %dma_start3A_6 = arith.constant 0 : i32
    %dma_start3A_7 = arith.constant 0 : i32
    %dma_start3A_8 = tpu.memref_slice %arg2[%dma_start3A_6, %dma_start3A_7] : memref<10240x128xf32, #tpu.memory_space<hbm>> -> memref<10240x128xf32, #tpu.memory_space<hbm>>
    tpu.enqueue_indirect_dma source(%dma_start3A_8 : memref<10240x128xf32, #tpu.memory_space<hbm>>) target(%arg6 : memref<128x128xf32, #tpu.memory_space<vmem>>) offsets(%dma_start3A_5 : memref<128xi32, #tpu.memory_space<vmem>>) semaphore(%arg10 : memref<!tpu.dma_semaphore, #tpu.memory_space<semaphore_mem>>)
    %dma_start3A_9 = arith.constant 1 : i32
    %dma_start3A_10 = arith.constant 0 : i32
    %dma_start3A_11 = tpu.memref_slice %arg5[%dma_start3A_9, %dma_start3A_10] : memref<80x128xi32, #tpu.memory_space<vmem>> -> memref<1x128xi32, #tpu.memory_space<vmem>>
    %dma_start3A_12 = tpu.memref_squeeze %dma_start3A_11 : memref<1x128xi32, #tpu.memory_space<vmem>> -> memref<128xi32, #tpu.memory_space<vmem>>
    %dma_start3A_13 = arith.constant 0 : i32
    %dma_start3A_14 = arith.constant 0 : i32
    %dma_start3A_15 = tpu.memref_slice %arg2[%dma_start3A_13, %dma_start3A_14] : memref<10240x128xf32, #tpu.memory_space<hbm>> -> memref<10240x128xf32, #tpu.memory_space<hbm>>
    tpu.enqueue_indirect_dma source(%dma_start3A_15 : memref<10240x128xf32, #tpu.memory_space<hbm>>) target(%arg7 : memref<128x128xf32, #tpu.memory_space<vmem>>) offsets(%dma_start3A_12 : memref<128xi32, #tpu.memory_space<vmem>>) semaphore(%arg11 : memref<!tpu.dma_semaphore, #tpu.memory_space<semaphore_mem>>)
    %scan3A = arith.constant 0 : i32
    %scan3A_16 = arith.constant 20 : i32
    %scan3A_17 = arith.addi %scan3A, %scan3A_16 : i32
    %scan3A_18 = arith.constant 1 : i32
    scf.for %scan3A_31 = %scan3A to %scan3A_17 step %scan3A_18  : i32 {
      %mul3A_32 = arith.constant 4 : i32
      %mul3A_33 = arith.muli %scan3A_31, %mul3A_32 : i32
      %add3A_34 = arith.constant 0 : i32
      %add3A_35 = arith.addi %add3A_34, %mul3A_33 : i32
      %add3A_36 = arith.constant 0 : i32
      %add3A_37 = arith.addi %add3A_35, %add3A_36 : i32
      %dma_wait3A_38 = arith.constant 0 : i32
      %dma_wait3A_39 = arith.constant 0 : i32
      %dma_wait3A_40 = tpu.memref_slice %arg2[%dma_wait3A_38, %dma_wait3A_39] : memref<10240x128xf32, #tpu.memory_space<hbm>> -> memref<128x128xf32, #tpu.memory_space<hbm>>
      %dma_wait3A_41 = arith.constant 0 : i32
      %dma_wait3A_42 = arith.constant 0 : i32
      %dma_wait3A_43 = tpu.memref_slice %arg2[%dma_wait3A_41, %dma_wait3A_42] : memref<10240x128xf32, #tpu.memory_space<hbm>> -> memref<128x128xf32, #tpu.memory_space<hbm>>
      tpu.wait_dma2 semaphore(%arg10 : memref<!tpu.dma_semaphore, #tpu.memory_space<semaphore_mem>>) src(%dma_wait3A_43 : memref<128x128xf32, #tpu.memory_space<hbm>>) dst(%arg6 : memref<128x128xf32, #tpu.memory_space<vmem>>)
      %add3A_44 = arith.addi %mul3A_2, %add3A_37 : i32
      %mul3A_45 = arith.constant 128 : i32
      %mul3A_46 = arith.muli %add3A_44, %mul3A_45 : i32
      %dma_start3A_47 = arith.constant 0 : i32
      %dma_start3A_48 = tpu.memref_slice %arg4[%mul3A_46, %dma_start3A_47] : memref<327680x128xf32, #tpu.memory_space<hbm>> -> memref<128x128xf32, #tpu.memory_space<hbm>>
      %dma_start3A_49 = arith.constant 0 : i32
      %dma_start3A_50 = tpu.memref_slice %arg4[%mul3A_46, %dma_start3A_49] : memref<327680x128xf32, #tpu.memory_space<hbm>> -> memref<128x128xf32, #tpu.memory_space<hbm>>
      tpu.enqueue_dma source(%arg6 : memref<128x128xf32, #tpu.memory_space<vmem>>) target(%dma_start3A_50 : memref<128x128xf32, #tpu.memory_space<hbm>>) target_semaphore(%arg14 : memref<!tpu.dma_semaphore, #tpu.memory_space<semaphore_mem>>)
      %ge3A = arith.constant 2 : i32
      %ge3A_51 = arith.cmpi sge, %add3A_37, %ge3A : i32
      %convert_element_type3A = arith.extui %ge3A_51 : i1 to i32
      %cond3A = arith.constant 0 : i32
      %cond3A_52 = arith.cmpi ne, %convert_element_type3A, %cond3A : i32
      scf.if %cond3A_52 {
        %dma_wait3A_140 = arith.constant 0 : i32
        %dma_wait3A_141 = arith.constant 0 : i32
        %dma_wait3A_142 = tpu.memref_slice %arg4[%dma_wait3A_140, %dma_wait3A_141] : memref<327680x128xf32, #tpu.memory_space<hbm>> -> memref<128x128xf32, #tpu.memory_space<hbm>>
        %dma_wait3A_143 = arith.constant 0 : i32
        %dma_wait3A_144 = arith.constant 0 : i32
        %dma_wait3A_145 = tpu.memref_slice %arg4[%dma_wait3A_143, %dma_wait3A_144] : memref<327680x128xf32, #tpu.memory_space<hbm>> -> memref<128x128xf32, #tpu.memory_space<hbm>>
        tpu.wait_dma2 semaphore(%arg16 : memref<!tpu.dma_semaphore, #tpu.memory_space<semaphore_mem>>) src(%arg8 : memref<128x128xf32, #tpu.memory_space<vmem>>) dst(%dma_wait3A_145 : memref<128x128xf32, #tpu.memory_space<hbm>>)
      } else {
      }
      %add3A_53 = arith.constant 2 : i32
      %add3A_54 = arith.addi %add3A_37, %add3A_53 : i32
      %lt3A = arith.constant 80 : i32
      %lt3A_55 = arith.cmpi slt, %add3A_54, %lt3A : i32
      %convert_element_type3A_56 = arith.extui %lt3A_55 : i1 to i32
      %cond3A_57 = arith.constant 0 : i32
      %cond3A_58 = arith.cmpi ne, %convert_element_type3A_56, %cond3A_57 : i32
      scf.if %cond3A_58 {
        %add3A_140 = arith.constant 2 : i32
        %add3A_141 = arith.addi %add3A_37, %add3A_140 : i32
        %dma_start3A_142 = arith.constant 0 : i32
        %dma_start3A_143 = tpu.memref_slice %arg5[%add3A_141, %dma_start3A_142] : memref<80x128xi32, #tpu.memory_space<vmem>> -> memref<1x128xi32, #tpu.memory_space<vmem>>
        %dma_start3A_144 = tpu.memref_squeeze %dma_start3A_143 : memref<1x128xi32, #tpu.memory_space<vmem>> -> memref<128xi32, #tpu.memory_space<vmem>>
        %dma_start3A_145 = arith.constant 0 : i32
        %dma_start3A_146 = arith.constant 0 : i32
        %dma_start3A_147 = tpu.memref_slice %arg2[%dma_start3A_145, %dma_start3A_146] : memref<10240x128xf32, #tpu.memory_space<hbm>> -> memref<10240x128xf32, #tpu.memory_space<hbm>>
        tpu.enqueue_indirect_dma source(%dma_start3A_147 : memref<10240x128xf32, #tpu.memory_space<hbm>>) target(%arg8 : memref<128x128xf32, #tpu.memory_space<vmem>>) offsets(%dma_start3A_144 : memref<128xi32, #tpu.memory_space<vmem>>) semaphore(%arg12 : memref<!tpu.dma_semaphore, #tpu.memory_space<semaphore_mem>>)
      } else {
      }
      %add3A_59 = arith.constant 1 : i32
      %add3A_60 = arith.addi %add3A_35, %add3A_59 : i32
      %dma_wait3A_61 = arith.constant 0 : i32
      %dma_wait3A_62 = arith.constant 0 : i32
      %dma_wait3A_63 = tpu.memref_slice %arg2[%dma_wait3A_61, %dma_wait3A_62] : memref<10240x128xf32, #tpu.memory_space<hbm>> -> memref<128x128xf32, #tpu.memory_space<hbm>>
      %dma_wait3A_64 = arith.constant 0 : i32
      %dma_wait3A_65 = arith.constant 0 : i32
      %dma_wait3A_66 = tpu.memref_slice %arg2[%dma_wait3A_64, %dma_wait3A_65] : memref<10240x128xf32, #tpu.memory_space<hbm>> -> memref<128x128xf32, #tpu.memory_space<hbm>>
      tpu.wait_dma2 semaphore(%arg11 : memref<!tpu.dma_semaphore, #tpu.memory_space<semaphore_mem>>) src(%dma_wait3A_66 : memref<128x128xf32, #tpu.memory_space<hbm>>) dst(%arg7 : memref<128x128xf32, #tpu.memory_space<vmem>>)
      %add3A_67 = arith.addi %mul3A_2, %add3A_60 : i32
      %mul3A_68 = arith.constant 128 : i32
      %mul3A_69 = arith.muli %add3A_67, %mul3A_68 : i32
      %dma_start3A_70 = arith.constant 0 : i32
      %dma_start3A_71 = tpu.memref_slice %arg4[%mul3A_69, %dma_start3A_70] : memref<327680x128xf32, #tpu.memory_space<hbm>> -> memref<128x128xf32, #tpu.memory_space<hbm>>
      %dma_start3A_72 = arith.constant 0 : i32
      %dma_start3A_73 = tpu.memref_slice %arg4[%mul3A_69, %dma_start3A_72] : memref<327680x128xf32, #tpu.memory_space<hbm>> -> memref<128x128xf32, #tpu.memory_space<hbm>>
      tpu.enqueue_dma source(%arg7 : memref<128x128xf32, #tpu.memory_space<vmem>>) target(%dma_start3A_73 : memref<128x128xf32, #tpu.memory_space<hbm>>) target_semaphore(%arg15 : memref<!tpu.dma_semaphore, #tpu.memory_space<semaphore_mem>>)
      %ge3A_74 = arith.constant 2 : i32
      %ge3A_75 = arith.cmpi sge, %add3A_60, %ge3A_74 : i32
      %convert_element_type3A_76 = arith.extui %ge3A_75 : i1 to i32
      %cond3A_77 = arith.constant 0 : i32
      %cond3A_78 = arith.cmpi ne, %convert_element_type3A_76, %cond3A_77 : i32
      scf.if %cond3A_78 {
        %dma_wait3A_140 = arith.constant 0 : i32
        %dma_wait3A_141 = arith.constant 0 : i32
        %dma_wait3A_142 = tpu.memref_slice %arg4[%dma_wait3A_140, %dma_wait3A_141] : memref<327680x128xf32, #tpu.memory_space<hbm>> -> memref<128x128xf32, #tpu.memory_space<hbm>>
        %dma_wait3A_143 = arith.constant 0 : i32
        %dma_wait3A_144 = arith.constant 0 : i32
        %dma_wait3A_145 = tpu.memref_slice %arg4[%dma_wait3A_143, %dma_wait3A_144] : memref<327680x128xf32, #tpu.memory_space<hbm>> -> memref<128x128xf32, #tpu.memory_space<hbm>>
        tpu.wait_dma2 semaphore(%arg17 : memref<!tpu.dma_semaphore, #tpu.memory_space<semaphore_mem>>) src(%arg9 : memref<128x128xf32, #tpu.memory_space<vmem>>) dst(%dma_wait3A_145 : memref<128x128xf32, #tpu.memory_space<hbm>>)
      } else {
      }
      %add3A_79 = arith.constant 2 : i32
      %add3A_80 = arith.addi %add3A_60, %add3A_79 : i32
      %lt3A_81 = arith.constant 80 : i32
      %lt3A_82 = arith.cmpi slt, %add3A_80, %lt3A_81 : i32
      %convert_element_type3A_83 = arith.extui %lt3A_82 : i1 to i32
      %cond3A_84 = arith.constant 0 : i32
      %cond3A_85 = arith.cmpi ne, %convert_element_type3A_83, %cond3A_84 : i32
      scf.if %cond3A_85 {
        %add3A_140 = arith.constant 2 : i32
        %add3A_141 = arith.addi %add3A_60, %add3A_140 : i32
        %dma_start3A_142 = arith.constant 0 : i32
        %dma_start3A_143 = tpu.memref_slice %arg5[%add3A_141, %dma_start3A_142] : memref<80x128xi32, #tpu.memory_space<vmem>> -> memref<1x128xi32, #tpu.memory_space<vmem>>
        %dma_start3A_144 = tpu.memref_squeeze %dma_start3A_143 : memref<1x128xi32, #tpu.memory_space<vmem>> -> memref<128xi32, #tpu.memory_space<vmem>>
        %dma_start3A_145 = arith.constant 0 : i32
        %dma_start3A_146 = arith.constant 0 : i32
        %dma_start3A_147 = tpu.memref_slice %arg2[%dma_start3A_145, %dma_start3A_146] : memref<10240x128xf32, #tpu.memory_space<hbm>> -> memref<10240x128xf32, #tpu.memory_space<hbm>>
        tpu.enqueue_indirect_dma source(%dma_start3A_147 : memref<10240x128xf32, #tpu.memory_space<hbm>>) target(%arg9 : memref<128x128xf32, #tpu.memory_space<vmem>>) offsets(%dma_start3A_144 : memref<128xi32, #tpu.memory_space<vmem>>) semaphore(%arg13 : memref<!tpu.dma_semaphore, #tpu.memory_space<semaphore_mem>>)
      } else {
      }
      %add3A_86 = arith.constant 2 : i32
      %add3A_87 = arith.addi %add3A_35, %add3A_86 : i32
      %dma_wait3A_88 = arith.constant 0 : i32
      %dma_wait3A_89 = arith.constant 0 : i32
      %dma_wait3A_90 = tpu.memref_slice %arg2[%dma_wait3A_88, %dma_wait3A_89] : memref<10240x128xf32, #tpu.memory_space<hbm>> -> memref<128x128xf32, #tpu.memory_space<hbm>>
      %dma_wait3A_91 = arith.constant 0 : i32
      %dma_wait3A_92 = arith.constant 0 : i32
      %dma_wait3A_93 = tpu.memref_slice %arg2[%dma_wait3A_91, %dma_wait3A_92] : memref<10240x128xf32, #tpu.memory_space<hbm>> -> memref<128x128xf32, #tpu.memory_space<hbm>>
      tpu.wait_dma2 semaphore(%arg12 : memref<!tpu.dma_semaphore, #tpu.memory_space<semaphore_mem>>) src(%dma_wait3A_93 : memref<128x128xf32, #tpu.memory_space<hbm>>) dst(%arg8 : memref<128x128xf32, #tpu.memory_space<vmem>>)
      %add3A_94 = arith.addi %mul3A_2, %add3A_87 : i32
      %mul3A_95 = arith.constant 128 : i32
      %mul3A_96 = arith.muli %add3A_94, %mul3A_95 : i32
      %dma_start3A_97 = arith.constant 0 : i32
      %dma_start3A_98 = tpu.memref_slice %arg4[%mul3A_96, %dma_start3A_97] : memref<327680x128xf32, #tpu.memory_space<hbm>> -> memref<128x128xf32, #tpu.memory_space<hbm>>
      %dma_start3A_99 = arith.constant 0 : i32
      %dma_start3A_100 = tpu.memref_slice %arg4[%mul3A_96, %dma_start3A_99] : memref<327680x128xf32, #tpu.memory_space<hbm>> -> memref<128x128xf32, #tpu.memory_space<hbm>>
      tpu.enqueue_dma source(%arg8 : memref<128x128xf32, #tpu.memory_space<vmem>>) target(%dma_start3A_100 : memref<128x128xf32, #tpu.memory_space<hbm>>) target_semaphore(%arg16 : memref<!tpu.dma_semaphore, #tpu.memory_space<semaphore_mem>>)
      %ge3A_101 = arith.constant 2 : i32
      %ge3A_102 = arith.cmpi sge, %add3A_87, %ge3A_101 : i32
      %convert_element_type3A_103 = arith.extui %ge3A_102 : i1 to i32
      %cond3A_104 = arith.constant 0 : i32
      %cond3A_105 = arith.cmpi ne, %convert_element_type3A_103, %cond3A_104 : i32
      scf.if %cond3A_105 {
        %dma_wait3A_140 = arith.constant 0 : i32
        %dma_wait3A_141 = arith.constant 0 : i32
        %dma_wait3A_142 = tpu.memref_slice %arg4[%dma_wait3A_140, %dma_wait3A_141] : memref<327680x128xf32, #tpu.memory_space<hbm>> -> memref<128x128xf32, #tpu.memory_space<hbm>>
        %dma_wait3A_143 = arith.constant 0 : i32
        %dma_wait3A_144 = arith.constant 0 : i32
        %dma_wait3A_145 = tpu.memref_slice %arg4[%dma_wait3A_143, %dma_wait3A_144] : memref<327680x128xf32, #tpu.memory_space<hbm>> -> memref<128x128xf32, #tpu.memory_space<hbm>>
        tpu.wait_dma2 semaphore(%arg14 : memref<!tpu.dma_semaphore, #tpu.memory_space<semaphore_mem>>) src(%arg6 : memref<128x128xf32, #tpu.memory_space<vmem>>) dst(%dma_wait3A_145 : memref<128x128xf32, #tpu.memory_space<hbm>>)
      } else {
      }
      %add3A_106 = arith.constant 2 : i32
      %add3A_107 = arith.addi %add3A_87, %add3A_106 : i32
      %lt3A_108 = arith.constant 80 : i32
      %lt3A_109 = arith.cmpi slt, %add3A_107, %lt3A_108 : i32
      %convert_element_type3A_110 = arith.extui %lt3A_109 : i1 to i32
      %cond3A_111 = arith.constant 0 : i32
      %cond3A_112 = arith.cmpi ne, %convert_element_type3A_110, %cond3A_111 : i32
      scf.if %cond3A_112 {
        %add3A_140 = arith.constant 2 : i32
        %add3A_141 = arith.addi %add3A_87, %add3A_140 : i32
        %dma_start3A_142 = arith.constant 0 : i32
        %dma_start3A_143 = tpu.memref_slice %arg5[%add3A_141, %dma_start3A_142] : memref<80x128xi32, #tpu.memory_space<vmem>> -> memref<1x128xi32, #tpu.memory_space<vmem>>
        %dma_start3A_144 = tpu.memref_squeeze %dma_start3A_143 : memref<1x128xi32, #tpu.memory_space<vmem>> -> memref<128xi32, #tpu.memory_space<vmem>>
        %dma_start3A_145 = arith.constant 0 : i32
        %dma_start3A_146 = arith.constant 0 : i32
        %dma_start3A_147 = tpu.memref_slice %arg2[%dma_start3A_145, %dma_start3A_146] : memref<10240x128xf32, #tpu.memory_space<hbm>> -> memref<10240x128xf32, #tpu.memory_space<hbm>>
        tpu.enqueue_indirect_dma source(%dma_start3A_147 : memref<10240x128xf32, #tpu.memory_space<hbm>>) target(%arg6 : memref<128x128xf32, #tpu.memory_space<vmem>>) offsets(%dma_start3A_144 : memref<128xi32, #tpu.memory_space<vmem>>) semaphore(%arg10 : memref<!tpu.dma_semaphore, #tpu.memory_space<semaphore_mem>>)
      } else {
      }
      %add3A_113 = arith.constant 3 : i32
      %add3A_114 = arith.addi %add3A_35, %add3A_113 : i32
      %dma_wait3A_115 = arith.constant 0 : i32
      %dma_wait3A_116 = arith.constant 0 : i32
      %dma_wait3A_117 = tpu.memref_slice %arg2[%dma_wait3A_115, %dma_wait3A_116] : memref<10240x128xf32, #tpu.memory_space<hbm>> -> memref<128x128xf32, #tpu.memory_space<hbm>>
      %dma_wait3A_118 = arith.constant 0 : i32
      %dma_wait3A_119 = arith.constant 0 : i32
      %dma_wait3A_120 = tpu.memref_slice %arg2[%dma_wait3A_118, %dma_wait3A_119] : memref<10240x128xf32, #tpu.memory_space<hbm>> -> memref<128x128xf32, #tpu.memory_space<hbm>>
      tpu.wait_dma2 semaphore(%arg13 : memref<!tpu.dma_semaphore, #tpu.memory_space<semaphore_mem>>) src(%dma_wait3A_120 : memref<128x128xf32, #tpu.memory_space<hbm>>) dst(%arg9 : memref<128x128xf32, #tpu.memory_space<vmem>>)
      %add3A_121 = arith.addi %mul3A_2, %add3A_114 : i32
      %mul3A_122 = arith.constant 128 : i32
      %mul3A_123 = arith.muli %add3A_121, %mul3A_122 : i32
      %dma_start3A_124 = arith.constant 0 : i32
      %dma_start3A_125 = tpu.memref_slice %arg4[%mul3A_123, %dma_start3A_124] : memref<327680x128xf32, #tpu.memory_space<hbm>> -> memref<128x128xf32, #tpu.memory_space<hbm>>
      %dma_start3A_126 = arith.constant 0 : i32
      %dma_start3A_127 = tpu.memref_slice %arg4[%mul3A_123, %dma_start3A_126] : memref<327680x128xf32, #tpu.memory_space<hbm>> -> memref<128x128xf32, #tpu.memory_space<hbm>>
      tpu.enqueue_dma source(%arg9 : memref<128x128xf32, #tpu.memory_space<vmem>>) target(%dma_start3A_127 : memref<128x128xf32, #tpu.memory_space<hbm>>) target_semaphore(%arg17 : memref<!tpu.dma_semaphore, #tpu.memory_space<semaphore_mem>>)
      %ge3A_128 = arith.constant 2 : i32
      %ge3A_129 = arith.cmpi sge, %add3A_114, %ge3A_128 : i32
      %convert_element_type3A_130 = arith.extui %ge3A_129 : i1 to i32
      %cond3A_131 = arith.constant 0 : i32
      %cond3A_132 = arith.cmpi ne, %convert_element_type3A_130, %cond3A_131 : i32
      scf.if %cond3A_132 {
        %dma_wait3A_140 = arith.constant 0 : i32
        %dma_wait3A_141 = arith.constant 0 : i32
        %dma_wait3A_142 = tpu.memref_slice %arg4[%dma_wait3A_140, %dma_wait3A_141] : memref<327680x128xf32, #tpu.memory_space<hbm>> -> memref<128x128xf32, #tpu.memory_space<hbm>>
        %dma_wait3A_143 = arith.constant 0 : i32
        %dma_wait3A_144 = arith.constant 0 : i32
        %dma_wait3A_145 = tpu.memref_slice %arg4[%dma_wait3A_143, %dma_wait3A_144] : memref<327680x128xf32, #tpu.memory_space<hbm>> -> memref<128x128xf32, #tpu.memory_space<hbm>>
        tpu.wait_dma2 semaphore(%arg15 : memref<!tpu.dma_semaphore, #tpu.memory_space<semaphore_mem>>) src(%arg7 : memref<128x128xf32, #tpu.memory_space<vmem>>) dst(%dma_wait3A_145 : memref<128x128xf32, #tpu.memory_space<hbm>>)
      } else {
      }
      %add3A_133 = arith.constant 2 : i32
      %add3A_134 = arith.addi %add3A_114, %add3A_133 : i32
      %lt3A_135 = arith.constant 80 : i32
      %lt3A_136 = arith.cmpi slt, %add3A_134, %lt3A_135 : i32
      %convert_element_type3A_137 = arith.extui %lt3A_136 : i1 to i32
      %cond3A_138 = arith.constant 0 : i32
      %cond3A_139 = arith.cmpi ne, %convert_element_type3A_137, %cond3A_138 : i32
      scf.if %cond3A_139 {
        %add3A_140 = arith.constant 2 : i32
        %add3A_141 = arith.addi %add3A_114, %add3A_140 : i32
        %dma_start3A_142 = arith.constant 0 : i32
        %dma_start3A_143 = tpu.memref_slice %arg5[%add3A_141, %dma_start3A_142] : memref<80x128xi32, #tpu.memory_space<vmem>> -> memref<1x128xi32, #tpu.memory_space<vmem>>
        %dma_start3A_144 = tpu.memref_squeeze %dma_start3A_143 : memref<1x128xi32, #tpu.memory_space<vmem>> -> memref<128xi32, #tpu.memory_space<vmem>>
        %dma_start3A_145 = arith.constant 0 : i32
        %dma_start3A_146 = arith.constant 0 : i32
        %dma_start3A_147 = tpu.memref_slice %arg2[%dma_start3A_145, %dma_start3A_146] : memref<10240x128xf32, #tpu.memory_space<hbm>> -> memref<10240x128xf32, #tpu.memory_space<hbm>>
        tpu.enqueue_indirect_dma source(%dma_start3A_147 : memref<10240x128xf32, #tpu.memory_space<hbm>>) target(%arg7 : memref<128x128xf32, #tpu.memory_space<vmem>>) offsets(%dma_start3A_144 : memref<128xi32, #tpu.memory_space<vmem>>) semaphore(%arg11 : memref<!tpu.dma_semaphore, #tpu.memory_space<semaphore_mem>>)
      } else {
      }
    }
    %scan3A_19 = arith.constant 20 : i32
    %dma_wait3A = arith.constant 0 : i32
    %dma_wait3A_20 = arith.constant 0 : i32
    %dma_wait3A_21 = tpu.memref_slice %arg4[%dma_wait3A, %dma_wait3A_20] : memref<327680x128xf32, #tpu.memory_space<hbm>> -> memref<128x128xf32, #tpu.memory_space<hbm>>
    %dma_wait3A_22 = arith.constant 0 : i32
    %dma_wait3A_23 = arith.constant 0 : i32
    %dma_wait3A_24 = tpu.memref_slice %arg4[%dma_wait3A_22, %dma_wait3A_23] : memref<327680x128xf32, #tpu.memory_space<hbm>> -> memref<128x128xf32, #tpu.memory_space<hbm>>
    tpu.wait_dma2 semaphore(%arg16 : memref<!tpu.dma_semaphore, #tpu.memory_space<semaphore_mem>>) src(%arg8 : memref<128x128xf32, #tpu.memory_space<vmem>>) dst(%dma_wait3A_24 : memref<128x128xf32, #tpu.memory_space<hbm>>)
    %dma_wait3A_25 = arith.constant 0 : i32
    %dma_wait3A_26 = arith.constant 0 : i32
    %dma_wait3A_27 = tpu.memref_slice %arg4[%dma_wait3A_25, %dma_wait3A_26] : memref<327680x128xf32, #tpu.memory_space<hbm>> -> memref<128x128xf32, #tpu.memory_space<hbm>>
    %dma_wait3A_28 = arith.constant 0 : i32
    %dma_wait3A_29 = arith.constant 0 : i32
    %dma_wait3A_30 = tpu.memref_slice %arg4[%dma_wait3A_28, %dma_wait3A_29] : memref<327680x128xf32, #tpu.memory_space<hbm>> -> memref<128x128xf32, #tpu.memory_space<hbm>>
    tpu.wait_dma2 semaphore(%arg17 : memref<!tpu.dma_semaphore, #tpu.memory_space<semaphore_mem>>) src(%arg9 : memref<128x128xf32, #tpu.memory_space<vmem>>) dst(%dma_wait3A_30 : memref<128x128xf32, #tpu.memory_space<hbm>>)
    return
  }
}

module attributes {stable_mosaic.version = 14 : i64} {
  func.func @_a_body(%arg0: i32, %arg1: memref<2048x16xf32, #tpu.memory_space<vmem>>, %arg2: memref<2048x128xf32, #tpu.memory_space<vmem>>, %arg3: memref<128x16xf32, #tpu.memory_space<vmem>>, %arg4: memref<2048x128xf32, #tpu.memory_space<vmem>>) attributes {dimension_semantics = [#tpu.dimension_semantics<arbitrary>], iteration_bounds = array<i64: 160>, scalar_prefetch = 0 : i64, scratch_operands = 0 : i64, tpu.core_type = #tpu.core_type<tc>, window_params = [{transform_indices = @transform_0, window_bounds = array<i64: 2048, 16>}, {transform_indices = @transform_1, window_bounds = array<i64: 2048, 128>}, {pipeline_mode = #tpu.pipeline_mode<synchronous>, transform_indices = @transform_2, window_bounds = array<i64: 128, 16>}, {transform_indices = @transform_3, window_bounds = array<i64: 2048, 128>}]} {
    %get3A = arith.constant 0 : index
    %get3A_0 = arith.constant 0 : index
    %get3A_1 = vector.load %arg1[%get3A, %get3A_0] : memref<2048x16xf32, #tpu.memory_space<vmem>>, vector<2048x16xf32>
    %get3A_2 = arith.constant 0 : index
    %get3A_3 = arith.constant 0 : index
    %get3A_4 = vector.load %arg3[%get3A_2, %get3A_3] : memref<128x16xf32, #tpu.memory_space<vmem>>, vector<128x16xf32>
    %dot_general3A = arith.constant dense<0.000000e+00> : vector<2048x128xf32>
    %dot_general3A_5 = tpu.matmul %get3A_1, %get3A_4, %dot_general3A {dimension_numbers = #tpu.dot_dimension_numbers<[1], [1], [0], [0], [0, 0, 1, 0], [], []>, transpose_lhs_hint = false} : vector<2048x16xf32>, vector<128x16xf32>, vector<2048x128xf32> -> vector<2048x128xf32>
    %get3A_6 = arith.constant 0 : index
    %get3A_7 = arith.constant 0 : index
    %get3A_8 = vector.load %arg2[%get3A_6, %get3A_7] : memref<2048x128xf32, #tpu.memory_space<vmem>>, vector<2048x128xf32>
    %add3A = arith.addf %get3A_8, %dot_general3A_5 : vector<2048x128xf32>
    %max3A = arith.constant 0.000000e+00 : f32
    %max3A_9 = vector.broadcast %max3A : f32 to vector<2048x128xf32>
    %max3A_10 = arith.maximumf %add3A, %max3A_9 : vector<2048x128xf32>
    %add3A_11 = arith.constant 1.000000e-07 : f32
    %add3A_12 = vector.broadcast %add3A_11 : f32 to vector<2048x128xf32>
    %add3A_13 = arith.addf %max3A_10, %add3A_12 : vector<2048x128xf32>
    %swap3A = arith.constant 0 : index
    %swap3A_14 = arith.constant 0 : index
    %swap3A_15 = vector.load %arg4[%swap3A, %swap3A_14] : memref<2048x128xf32, #tpu.memory_space<vmem>>, vector<2048x128xf32>
    tpu.vector_store %arg4[%swap3A, %swap3A_14], %add3A_13 {strides = array<i32>} : memref<2048x128xf32, #tpu.memory_space<vmem>>, vector<2048x128xf32>,
    return
  }
  func.func @transform_0(%arg0: i32) -> (i32, i32) {
    %c0_i32 = arith.constant 0 : i32
    %c0_i32_0 = arith.constant 0 : i32
    return %arg0, %c0_i32 : i32, i32
  }
  func.func @transform_1(%arg0: i32) -> (i32, i32) {
    %c0_i32 = arith.constant 0 : i32
    %c0_i32_0 = arith.constant 0 : i32
    return %arg0, %c0_i32 : i32, i32
  }
  func.func @transform_2(%arg0: i32) -> (i32, i32) {
    %c0_i32 = arith.constant 0 : i32
    %c0_i32_0 = arith.constant 0 : i32
    %c0_i32_1 = arith.constant 0 : i32
    return %c0_i32, %c0_i32_0 : i32, i32
  }
  func.func @transform_3(%arg0: i32) -> (i32, i32) {
    %c0_i32 = arith.constant 0 : i32
    %c0_i32_0 = arith.constant 0 : i32
    return %arg0, %c0_i32 : i32, i32
  }
}

module attributes {stable_mosaic.version = 14 : i64} {
  func.func @_g4b_body(%arg0: i32, %arg1: memref<2048x128xf32, #tpu.memory_space<vmem>>, %arg2: memref<2048x128xf32, #tpu.memory_space<vmem>>, %arg3: memref<2048x128xf32, #tpu.memory_space<vmem>>, %arg4: memref<64x128xf32, #tpu.memory_space<vmem>>) attributes {dimension_semantics = [#tpu.dimension_semantics<arbitrary>], iteration_bounds = array<i64: 160>, scalar_prefetch = 0 : i64, scratch_operands = 0 : i64, tpu.core_type = #tpu.core_type<tc>, window_params = [{transform_indices = @transform_0, window_bounds = array<i64: 2048, 128>}, {transform_indices = @transform_1, window_bounds = array<i64: 2048, 128>}, {transform_indices = @transform_2, window_bounds = array<i64: 2048, 128>}, {transform_indices = @transform_3, window_bounds = array<i64: 64, 128>}]} {
    %get3A = arith.constant 0 : index
    %get3A_0 = arith.constant 0 : index
    %get3A_1 = vector.load %arg1[%get3A, %get3A_0] : memref<2048x128xf32, #tpu.memory_space<vmem>>, vector<2048x128xf32>
    %get3A_2 = arith.constant 0 : index
    %get3A_3 = arith.constant 0 : index
    %get3A_4 = vector.load %arg2[%get3A_2, %get3A_3] : memref<2048x128xf32, #tpu.memory_space<vmem>>, vector<2048x128xf32>
    %sub3A = arith.subf %get3A_1, %get3A_4 : vector<2048x128xf32>
    %exp3A = math.exp %sub3A : vector<2048x128xf32>
    %mul3A = arith.mulf %get3A_1, %exp3A : vector<2048x128xf32>
    %swap3A = arith.constant 0 : index
    %swap3A_5 = arith.constant 0 : index
    %swap3A_6 = vector.load %arg3[%swap3A, %swap3A_5] : memref<2048x128xf32, #tpu.memory_space<vmem>>, vector<2048x128xf32>
    tpu.vector_store %arg3[%swap3A, %swap3A_5], %mul3A {strides = array<i32>} : memref<2048x128xf32, #tpu.memory_space<vmem>>, vector<2048x128xf32>,
    %reshape3A = vector.shape_cast %exp3A : vector<2048x128xf32> to vector<64x32x128xf32>
    %reduce_sum3A = arith.constant dense<0.000000e+00> : vector<64x128xf32>
    %reduce_sum3A_7 = vector.multi_reduction <add>, %reshape3A, %reduce_sum3A [1] : vector<64x32x128xf32> to vector<64x128xf32>
    %add3A = arith.constant 1.000000e-16 : f32
    %add3A_8 = vector.broadcast %add3A : f32 to vector<64x128xf32>
    %add3A_9 = arith.addf %reduce_sum3A_7, %add3A_8 : vector<64x128xf32>
    %div3A = arith.constant 1.000000e+00 : f32
    %div3A_10 = vector.broadcast %div3A : f32 to vector<64x128xf32>
    %div3A_11 = arith.divf %div3A_10, %add3A_9 : vector<64x128xf32>
    %swap3A_12 = arith.constant 0 : index
    %swap3A_13 = arith.constant 0 : index
    %swap3A_14 = vector.load %arg4[%swap3A_12, %swap3A_13] : memref<64x128xf32, #tpu.memory_space<vmem>>, vector<64x128xf32>
    tpu.vector_store %arg4[%swap3A_12, %swap3A_13], %div3A_11 {strides = array<i32>} : memref<64x128xf32, #tpu.memory_space<vmem>>, vector<64x128xf32>,
    return
  }
  func.func @transform_0(%arg0: i32) -> (i32, i32) {
    %c0_i32 = arith.constant 0 : i32
    %c0_i32_0 = arith.constant 0 : i32
    return %arg0, %c0_i32 : i32, i32
  }
  func.func @transform_1(%arg0: i32) -> (i32, i32) {
    %c0_i32 = arith.constant 0 : i32
    %c0_i32_0 = arith.constant 0 : i32
    return %arg0, %c0_i32 : i32, i32
  }
  func.func @transform_2(%arg0: i32) -> (i32, i32) {
    %c0_i32 = arith.constant 0 : i32
    %c0_i32_0 = arith.constant 0 : i32
    return %arg0, %c0_i32 : i32, i32
  }
  func.func @transform_3(%arg0: i32) -> (i32, i32) {
    %c0_i32 = arith.constant 0 : i32
    %c0_i32_0 = arith.constant 0 : i32
    return %arg0, %c0_i32 : i32, i32
  }
}

module attributes {stable_mosaic.version = 14 : i64} {
  func.func @_f_body(%arg0: memref<10000x128xf32, #tpu.memory_space<vmem>>, %arg1: memref<10000x128xf32, #tpu.memory_space<vmem>>, %arg2: memref<256x128xf32, #tpu.memory_space<vmem>>, %arg3: memref<1x256xf32, #tpu.memory_space<vmem>>, %arg4: memref<1x256xf32, #tpu.memory_space<vmem>>, %arg5: memref<128x256xf32, #tpu.memory_space<vmem>>, %arg6: memref<10000x128xf32, #tpu.memory_space<vmem>>) attributes {dimension_semantics = [], scalar_prefetch = 0 : i64, scratch_operands = 0 : i64, tpu.core_type = #tpu.core_type<tc>} {
    %get3A = arith.constant 0 : index
    %get3A_0 = arith.constant 0 : index
    %get3A_1 = vector.load %arg0[%get3A, %get3A_0] : memref<10000x128xf32, #tpu.memory_space<vmem>>, vector<10000x128xf32>
    %get3A_2 = arith.constant 0 : index
    %get3A_3 = arith.constant 0 : index
    %get3A_4 = vector.load %arg1[%get3A_2, %get3A_3] : memref<10000x128xf32, #tpu.memory_space<vmem>>, vector<10000x128xf32>
    %add3A = arith.addf %get3A_1, %get3A_4 : vector<10000x128xf32>
    %get3A_5 = arith.constant 0 : index
    %get3A_6 = arith.constant 0 : index
    %get3A_7 = vector.load %arg2[%get3A_5, %get3A_6] : memref<256x128xf32, #tpu.memory_space<vmem>>, vector<256x128xf32>
    %dot_general3A = arith.constant dense<0.000000e+00> : vector<10000x256xf32>
    %dot_general3A_8 = tpu.matmul %add3A, %get3A_7, %dot_general3A {dimension_numbers = #tpu.dot_dimension_numbers<[1], [1], [0], [0], [0, 0, 1, 0], [], []>, transpose_lhs_hint = false} : vector<10000x128xf32>, vector<256x128xf32>, vector<10000x256xf32> -> vector<10000x256xf32>
    %reduce_sum3A = arith.constant dense<0.000000e+00> : vector<256xf32>
    %reduce_sum3A_9 = vector.multi_reduction <add>, %dot_general3A_8, %reduce_sum3A [0] : vector<10000x256xf32> to vector<256xf32>
    %broadcast_in_dim3A = vector.shape_cast %reduce_sum3A_9 : vector<256xf32> to vector<1x256xf32>
    %div3A = arith.constant 1.000000e+04 : f32
    %div3A_10 = vector.broadcast %div3A : f32 to vector<1x256xf32>
    %div3A_11 = arith.divf %broadcast_in_dim3A, %div3A_10 : vector<1x256xf32>
    %sub3A = vector.broadcast %div3A_11 : vector<1x256xf32> to vector<10000x256xf32>
    %sub3A_12 = arith.subf %dot_general3A_8, %sub3A : vector<10000x256xf32>
    %mul3A = arith.mulf %sub3A_12, %sub3A_12 : vector<10000x256xf32>
    %reduce_sum3A_13 = arith.constant dense<0.000000e+00> : vector<256xf32>
    %reduce_sum3A_14 = vector.multi_reduction <add>, %mul3A, %reduce_sum3A_13 [0] : vector<10000x256xf32> to vector<256xf32>
    %broadcast_in_dim3A_15 = vector.shape_cast %reduce_sum3A_14 : vector<256xf32> to vector<1x256xf32>
    %div3A_16 = arith.constant 1.000000e+04 : f32
    %div3A_17 = vector.broadcast %div3A_16 : f32 to vector<1x256xf32>
    %div3A_18 = arith.divf %broadcast_in_dim3A_15, %div3A_17 : vector<1x256xf32>
    %add3A_19 = arith.constant 9.99999974E-6 : f32
    %add3A_20 = vector.broadcast %add3A_19 : f32 to vector<1x256xf32>
    %add3A_21 = arith.addf %div3A_18, %add3A_20 : vector<1x256xf32>
    %sqrt3A = math.sqrt %add3A_21 : vector<1x256xf32>
    %div3A_22 = vector.broadcast %sqrt3A : vector<1x256xf32> to vector<10000x256xf32>
    %div3A_23 = arith.divf %sub3A_12, %div3A_22 : vector<10000x256xf32>
    %get3A_24 = arith.constant 0 : index
    %get3A_25 = arith.constant 0 : index
    %get3A_26 = vector.load %arg3[%get3A_24, %get3A_25] : memref<1x256xf32, #tpu.memory_space<vmem>>, vector<1x256xf32>
    %mul3A_27 = vector.broadcast %get3A_26 : vector<1x256xf32> to vector<10000x256xf32>
    %mul3A_28 = arith.mulf %div3A_23, %mul3A_27 : vector<10000x256xf32>
    %get3A_29 = arith.constant 0 : index
    %get3A_30 = arith.constant 0 : index
    %get3A_31 = vector.load %arg4[%get3A_29, %get3A_30] : memref<1x256xf32, #tpu.memory_space<vmem>>, vector<1x256xf32>
    %add3A_32 = vector.broadcast %get3A_31 : vector<1x256xf32> to vector<10000x256xf32>
    %add3A_33 = arith.addf %mul3A_28, %add3A_32 : vector<10000x256xf32>
    %max3A = arith.constant 0.000000e+00 : f32
    %max3A_34 = vector.broadcast %max3A : f32 to vector<10000x256xf32>
    %max3A_35 = arith.maximumf %add3A_33, %max3A_34 : vector<10000x256xf32>
    %get3A_36 = arith.constant 0 : index
    %get3A_37 = arith.constant 0 : index
    %get3A_38 = vector.load %arg5[%get3A_36, %get3A_37] : memref<128x256xf32, #tpu.memory_space<vmem>>, vector<128x256xf32>
    %dot_general3A_39 = arith.constant dense<0.000000e+00> : vector<10000x128xf32>
    %dot_general3A_40 = tpu.matmul %max3A_35, %get3A_38, %dot_general3A_39 {dimension_numbers = #tpu.dot_dimension_numbers<[1], [1], [0], [0], [0, 0, 1, 0], [], []>, transpose_lhs_hint = false} : vector<10000x256xf32>, vector<128x256xf32>, vector<10000x128xf32> -> vector<10000x128xf32>
    %swap3A = arith.constant 0 : index
    %swap3A_41 = arith.constant 0 : index
    %swap3A_42 = vector.load %arg6[%swap3A, %swap3A_41] : memref<10000x128xf32, #tpu.memory_space<vmem>>, vector<10000x128xf32>
    tpu.vector_store %arg6[%swap3A, %swap3A_41], %dot_general3A_40 {strides = array<i32>} : memref<10000x128xf32, #tpu.memory_space<vmem>>, vector<10000x128xf32>,
    return
  }
}

</mosaic_0001>

<sc_bundles>
// kernel: kernel.12.cloned.1.call-start
scs
__scs_entry_jumppad:
0x0: {  	(pc) =	sbr.rel $0x88, $3  }
0x1: {  	(tag) =	ssettag $0x0;
	lr =	simm.s32 $0x1  }
0x2: {  	[smem:$0x3F98] =	sst lr;
	_ =	strace $0xD0000000  }
0x3: {  	_ = 	snop  }
0x4: {  	_ = 	snop  }
0x5: {  	_ = 	snop  }
0x6: {  	_ = 	snop  }
0x7: {  	_ = 	snop  }
__scs_overlays_trampoline_lowered:
0x8: {  	[smem:$0x3FA7] =	sst s0  }
0x9: {  	[smem:$0x3FA8] =	sst s1  }
0xa: {  	[smem:$0x3FA9] =	sst s2  }
0xb: {  	[smem:$0x3FAA] =	sst s3  }
0xc: {  	[smem:$0x3FAB] =	sst s4  }
0xd: {  	[smem:$0x3FAC] =	sst s5  }
0xe: {  	[smem:$0x3FAD] =	sst s6  }
0xf: {  	[smem:$0x3FAE] =	sst s7  }
0x10: {  	[smem:$0x3FAF] =	sst s8  }
0x11: {  	[smem:$0x3FB0] =	sst s9;
	s0 =	simm.s32 @!p0 $0x0  }
0x12: {  	s1 =	sld [smem:$0x3F96];
	s0 =	simm.s32 @p0 $0x1  }
0x13: {  	[smem:$0x3FB1] =	sst s0;
	s0 =	simm.s32 @!p1 $0x0  }
0x14: {  	s2 =	sld [smem:$0x3F95];
	s0 =	simm.s32 @p1 $0x1  }
0x15: {  	[smem:$0x3FB2] =	sst s0;
	s0 =	simm.s32 @!p2 $0x0  }
0x16: {  	s3 =	sld [smem:$0x3FDB];
	s0 =	simm.s32 @p2 $0x1  }
0x17: {  	s4 =	simm.s32 $0x1BF5;
	[smem:$0x3FB4] =	sst s0  }
0x18: {  	s0 =	sld [smem:$0x3F97];
	_ =	swait.ge [sflag:s4], $0x0  }
0x19: {  	s7 =	sld [smem:$0x3F98]  }
0x1a: {  	s8 =	sadd.s32 $0xFFFFE003, lr  }
0x1b: {  	s9 =	sadd.s32 $0xFFFFFEF7, lr;
	s5 =	simm.s32 $0xFFFFFFFF;
	p2 =	slt.u32 s8, $0xFFFFF086  }
0x1c: {  	p1 =	slt.u32 s9, $0xF7A;
	s5 =	simm.s32 @!p2 $0x0  }
0x1d: {  	s5 =	simm.s32 @p1 $0x1;
	p0 =	seq.s32 s7, s2  }
0x1e: {  	s7 =	smul.u32 @!p0 $0xF7A, s2;
	p2 =	seq.s32 @!p0 s5, $0x0  }
0x1f: {  	s9 =	smul.u32 $0xF7A, s1;
	s8 =	simm.s32 @!p0 $0x1BF5;
	p2 =	por !p2, p0  }
0x20: {  	[sflag:s8] =	ssyncset.s32 @!p0 $0xFFFFF086;
	s6 =	sadd.s32 @!p0 s3, s7;
	s7 =	simm.s32 @!p0 $0x108  }
0x21: {  	s3 =	sadd.s32 s3, s9;
	s6 =	sadd.s32 @!p0 $0x88, s6;
	s7 =	simm.s32 @p2 $0x1082  }
0x22: {  	[simem:s7], [sflag:s8] =	dma.local @!p0 [hbm:s6], $0xF7A  }
0x23: {  	s9 =	sor.u32 $0xD0000000, s2;
	s6 =	simm.s32 $0x108;
	_ =	swait.ge @!p0 [sflag:s8], $0x0  }
0x24: {  	s3 =	sadd.s32 $0x88, s3;
	s6 =	simm.s32 @!p1 $0x1082;
	[sflag:s4] =	ssyncset.s32 $0xFFFFF086  }
0x25: {  	[simem:s6], [sflag:s4] =	dma.local [hbm:s3], $0xF7A  }
0x26: {  	[smem:$0x3F98] =	sst s1;
	(tag) =	ssettag s2;
	_ =	strace s9  }
0x27: {  	s1 =	sld [smem:$0x3FA8]  }
0x28: {  	s2 =	sld [smem:$0x3FA9]  }
0x29: {  	s4 =	sld [smem:$0x3FAB]  }
0x2a: {  	p0 =	seq.s32 s5, $0x0;
	s5 =	sld [smem:$0x3FAC]  }
0x2b: {  	s6 =	sld [smem:$0x3FAD]  }
0x2c: {  	s7 =	sld [smem:$0x3FAE]  }
0x2d: {  	s3 =	simm.s32 $0x108;
	s8 =	sld [smem:$0x3FAF]  }
0x2e: {  	s3 =	simm.s32 @!p0 $0x1082;
	s9 =	sld [smem:$0x3FB0]  }
0x2f: {  	lr =	sadd.s32 s0, s3;
	s0 =	sld [smem:$0x3FA7]  }
0x30: {  	s3 =	sld [smem:$0x3FAA]  }
0x31: {  	[smem:$0x3FB3] =	sst s10  }
0x32: {  	s10 =	sld [smem:$0x3FB1];
	_ =	sdelay $0x3  }
0x33: {  	p0 =	seq.s32 s10, $0x1;
	s10 =	sld [smem:$0x3FB3];
	_ =	sdelay $0x3  }
0x34: {  	[smem:$0x3FB3] =	sst s10  }
0x35: {  	s10 =	sld [smem:$0x3FB2];
	_ =	sdelay $0x3  }
0x36: {  	p1 =	seq.s32 s10, $0x1;
	s10 =	sld [smem:$0x3FB3];
	_ =	sdelay $0x3  }
0x37: {  	[smem:$0x3FB3] =	sst s10  }
0x38: {  	s10 =	sld [smem:$0x3FB4]  }
0x39: {  	_ = 	snop;
	(pc) =	sbr.ind lr, $3  }
0x3a: {  	_ = 	snop  }
0x3b: {  	_ = 	snop  }
0x3c: {  	p2 =	seq.s32 s10, $0x1;
	s10 =	sld [smem:$0x3FB3]  }
0x3d: {  	_ =	shalt  }
0x3e: {  	_ =	shalt  }
0x3f: {  	_ =	shalt  }
0x40: {  	_ =	shalt  }
0x41: {  	_ =	shalt  }
0x42: {  	_ =	shalt  }
0x43: {  	_ =	shalt  }
0x44: {  	_ =	shalt  }
0x45: {  	_ =	shalt  }
0x46: {  	_ =	shalt  }
0x47: {  	_ =	shalt  }
0x48: {  	_ =	shalt  }
0x49: {  	_ =	shalt  }
0x4a: {  	_ =	shalt  }
0x4b: {  	_ =	shalt  }
0x4c: {  	_ =	shalt  }
0x4d: {  	_ =	shalt  }
0x4e: {  	_ =	shalt  }
0x4f: {  	_ =	shalt  }
0x50: {  	_ =	shalt  }
0x51: {  	_ =	shalt  }
0x52: {  	_ =	shalt  }
0x53: {  	_ =	shalt  }
0x54: {  	_ =	shalt  }
0x55: {  	_ =	shalt  }
0x56: {  	_ =	shalt  }
0x57: {  	_ =	shalt  }
0x58: {  	_ =	shalt  }
0x59: {  	_ =	shalt  }
0x5a: {  	_ =	shalt  }
0x5b: {  	_ =	shalt  }
0x5c: {  	_ =	shalt  }
0x5d: {  	_ =	shalt  }
0x5e: {  	_ =	shalt  }
0x5f: {  	_ =	shalt  }
0x60: {  	_ =	shalt  }
0x61: {  	_ =	shalt  }
0x62: {  	_ =	shalt  }
0x63: {  	_ =	shalt  }
0x64: {  	_ =	shalt  }
0x65: {  	_ =	shalt  }
0x66: {  	_ =	shalt  }
0x67: {  	_ =	shalt  }
0x68: {  	_ =	shalt  }
0x69: {  	_ =	shalt  }
0x6a: {  	_ =	shalt  }
0x6b: {  	_ =	shalt  }
0x6c: {  	_ =	shalt  }
0x6d: {  	_ =	shalt  }
0x6e: {  	_ =	shalt  }
0x6f: {  	_ =	shalt  }
0x70: {  	_ =	shalt  }
0x71: {  	_ =	shalt  }
0x72: {  	_ =	shalt  }
0x73: {  	_ =	shalt  }
0x74: {  	_ =	shalt  }
0x75: {  	_ =	shalt  }
0x76: {  	_ =	shalt  }
0x77: {  	_ =	shalt  }
0x78: {  	_ =	shalt  }
0x79: {  	_ =	shalt  }
0x7a: {  	_ =	shalt  }
0x7b: {  	_ =	shalt  }
0x7c: {  	_ =	shalt  }
0x7d: {  	_ =	shalt  }
0x7e: {  	_ =	shalt  }
0x7f: {  	_ =	shalt  }
0x80: {  	_ =	shalt  }
0x81: {  	_ =	shalt  }
0x82: {  	_ =	shalt  }
0x83: {  	_ =	shalt  }
0x84: {  	_ =	shalt  }
0x85: {  	_ =	shalt  }
0x86: {  	_ =	shalt  }
0x87: {  	_ =	shalt  }
.Lfunc_end0:
.L_simem_size_0:
called_computation.1_lowered:
.L_overlay_start_0:
0x88: {  	s2 =	sld [smem:$0x3FD9]  }
0x89: {  	s3 =	sld [smem:$0x3FFE];
	_ =	sdelay $0x1  }
0x8a: {  	s1 =	srdreg.scid  }
0x8b: {  	s0 =	sand.u32 $0x1, s1  }
0x8c: {  	s16 =	sshll.u32 s0, $0xA;
	s2 =	sadd.s32 s3, s2  }
0x8d: {  	s2 =	sadd.s32 s2, s16  }
0x8e: {  	[smem:$0x3FBF] =	sst s2  }
0x8f: {  	_ = 	snop  }
0x90: {  	(tm) =	ssettm $0x1  }
0x91: {  	s17 =	sld [smem:$0x3FFB];
	_ =	sdelay $0x3  }
0x92: {  	_ =	strace s17  }
0x93: {  	s2 =	sld [smem:$0x3FFC];
	_ =	sdelay $0x3  }
0x94: {  	_ =	strace s2  }
0x95: {  	s2 =	sld [smem:$0x3FFD];
	_ =	sdelay $0x3  }
0x96: {  	_ =	strace s2  }
0x97: {  	_ =	strace $0x8FFFFFFF  }
0x98: {  	s18 =	sld [smem:$0x3FDB];
	_ =	sdelay $0x1  }
0x99: {  	s19 =	simm.s32 $_scs_section_size  }
0x9a: {  	s4 =	simm.s32 $_size__tile_overlayer_lowered;
	s5 =	simm.s32 $_tile_overlayer_lowered  }
0x9b: {  	s22 =	simm.s32 $0x1BFF;
	s21 =	sshll.u32 s5, $0x1;
	s2 =	sadd.s32 s19, s18  }
0x9c: {  	s6 =	simm.s32 $0x0;
	s20 =	sshll.u32 s4, $0x1;
	s4 =	sadd.s32 s21, s2  }
0x9d: {  	[timem:s6], [sflag:s22] =	dma.local [hbm:s4], s20  }
0x9e: {  	_ =	swait.ge [sflag:s22], s20  }
0x9f: {  	s3 =	ssub.s32 $0x0, s20;
	[sflag:s22] =	ssyncset.done $0x0  }
0xa0: {  	[sflag:s22] =	ssyncadd.s32 s3;
	_ =	sdelay $0x1  }
0xa1: {  	s23 =	simm.s32 $0x1B8B  }
0xa2: {  	_ =	swait.ge [sflag:s23], $0x1  }
0xa3: {  	[sflag:s23] =	ssyncset.done $0x0  }
0xa4: {  	s25 =	simm.s32 $0x1B8E;
	s24 =	sld [smem:$0x3FFE];
	[sflag:s23] =	ssyncadd.s32 $0xFFFFFFFF  }
0xa5: {  	s26 =	simm.s32 $execute0_lowered;
	[smem:$0x3FD2] =	sst s25  }
0xa6: {  	s4 =	sshll.u32 s26, $0x1;
	_ =	strace $0x80000049;
	[dreg:$0x1] =	wrdreg $0xFFFFFFFF  }
0xa7: {  	s28 =	simm.s32 $_size_execute0_lowered;
	s2 =	sadd.s32 s2, s4;
	[dreg:$0x0] =	wrdreg $0x0  }
0xa8: {  	s4 =	sshll.u32 s28, $0x1;
	[dreg:$0x2] =	wrdreg s2  }
0xa9: {  	[dreg:$0x3] =	wrdreg s4  }
0xaa: {  	[dreg:$0x4] =	wrdreg $0xC0  }
0xab: {  	_ =	task [dreg:s6], $0x5FFFF  }
0xac: {  	[dreg:$0x1] =	wrdreg $0xFFFFFFFF  }
0xad: {  	[dreg:$0x0] =	wrdreg $0x60  }
0xae: {  	[dreg:$0x2] =	wrdreg s24  }
0xaf: {  	[dreg:$0x3] =	wrdreg $0x9  }
0xb0: {  	_ =	task.clear_ibuf [dreg:s6], $0x4FFFF;
	_ =	strace $0x90000049  }
0xb1: {  	s29 =	simm.s32 $0x9;
	_ =	strace $0x8000004B  }
0xb2: {  	_ =	swait.ge [sflag:s29], $0x1  }
0xb3: {  	[sflag:s29] =	ssyncadd.s32 $0xFFFFFFFF  }
0xb4: {  	_ =	strace $0x9000004B  }
0xb5: {  	_ =	sfence  }
0xb6: {  	s30 =	sld [smem:$0x0];
	_ =	sdelay $0x2  }
0xb7: {  	s31 =	sshll.u32 s1, $0xD;
	s1 =	sshrl.u32 s1, $0x2  }
0xb8: {  	s3 =	sand.u32 $0x4000, s31;
	s1 =	sadd.s32 s1, s30  }
0xb9: {  	s0 =	sor.u32 s3, s0;
	s1 =	sshll.u32 s1, $0x11  }
0xba: {  	s0 =	sor.u32 s1, s0  }
0xbb: {  	s0 =	sadd.s32 $0x8F2B, s0  }
0xbc: {  	[sflag:s0] =	ssyncadd.remote.s32 $0x1  }
0xbd: {  	_ =	sfence.sel $0xFFFF  }
0xbe: {  	[dreg:$0x0] =	wrdreg $0xFFFFFFFF;
	(pc) =	sbr.abs _section_cstart, $3  }
0xbf: {  	[dreg:$0x1] =	wrdreg $0xFFFFFFFF  }
0xc0: {  	_ =	task.clear_ibuf [dreg:s6], $0x2FFFF;
	_ =	strace $0x9FFFFFFF  }
0xc1: {  	(tm) =	ssettm $0x7FFFFFFF  }
tec
execute0_lowered:
.L_overlay_start_1:
0x0: {  	(tag) =	ssettag $0x1  }
0x1: {  	s0 =	srdreg.scid  }
0x2: {  	s2 =	stileid.u32;
	s1 =	rddreg [dreg:$0x0]  }
0x3: {  	s13 =	simm.s32 $0x80;
	s14 =	simm.s32 $0x2800;
	s15 =	simm.s32 $0x6800  }
0x4: {  	s16 =	simm.s32 $0x1;
	s18 =	simm.s32 $0xA800;
	s19 =	simm.s32 $0x2  }
0x5: {  	s21 =	simm.s32 $0xE800;
	s22 =	simm.s32 $0x3;
	s24 =	simm.s32 $0x5  }
0x6: {  	s25 =	simm.s32 $0x4;
	s26 =	simm.s32 $0x12E00;
	s28 =	simm.s32 $0x6  }
0x7: {  	s0 =	sand.u32 $0x1, s0;
	s3 =	sshll.u32 s2, $0x1;
	s2 =	simm.s32 $0x0  }
0x8: {  	s5 =	sadd.s32 $0x521400, s1;
	s7 =	sor.u32 s0, s3;
	s0 =	ssub.s32 $0x2, s0  }
0x9: {  	s6 =	sadd.s32 $0x17400, s1;
	s4 =	smul.u32 $0x500, s7;
	s9 =	sshrl.u32 s0, $0x1  }
.Ltmp0:
0xa: {  	[smem:$0x7FF] =	sst s2;
	s0 =	ssub.s32 s0, s9;
	(pc) =	sbr.rel .LBB2_1-.Ltmp0, $4  }
0xb: {  	_ =	strace $0x8000004A;
	s8 =	sadd.s32 s4, s1;
	s0 =	smax.u32 s0, $0x1  }
0xc: {  	s4 =	smul.u32 $0x50, s7;
	s8 =	sadd.s32 $0xD400, s8;
	[dreg:$0x3] =	wrdreg s0  }
0xd: {  	s10 =	sadd.s32 $0x17440, s1;
	s3 =	sadd.s32 $0xF03400, s1;
	[dreg:$0x2] =	wrdreg s8  }
0xe: {  	s8 =	smul.u32 $0xA000, s7;
	s9 =	sor.u32 $0x1, s4;
	s7 =	simm.s32 $0x0  }
.LBB2_20:
0xf: {  	s0 =	simm.s32 $0x7  }
0x10: {  	_ =	swait.ge [sflag:s0], $0x4000  }
0x11: {  	[sflag:s0] =	ssyncset.done $0x0  }
0x12: {  	[sflag:s0] =	ssyncadd.s32 $0xFFFFC000  }
0x13: {  	_ =	swait.ge [sflag:s0], $0x200  }
0x14: {  	[sflag:s0] =	ssyncset.done $0x0  }
0x15: {  	s1 =	simm.s32 $0x8;
	[sflag:s0] =	ssyncadd.s32 $0xFFFFFE00  }
0x16: {  	_ =	swait.ge [sflag:s1], $0x4000  }
0x17: {  	[sflag:s1] =	ssyncset.done $0x0  }
0x18: {  	[sflag:s1] =	ssyncadd.s32 $0xFFFFC000  }
0x19: {  	_ =	swait.ge [sflag:s1], $0x200  }
0x1a: {  	s7 =	rddreg [dreg:$0x4]  }
0x1b: {  	s31 =	rddreg [dreg:$0x3];
	s7 =	sadd.s32 $0x1, s7  }
0x1c: {  	p0 =	sne.s32 s7, s31  }
.Ltmp1:
0x1d: {  	_ = 	snop;
	(pc) =	sbr.rel @!p0 .LBB2_21-.Ltmp1, $3  }
0x1e: {  	_ =	sdelay $0x1  }
0x1f: {  	[sflag:s1] =	ssyncset.done $0x0  }
0x20: {  	[sflag:s1] =	ssyncadd.s32 $0xFFFFFE00  }
.LBB2_1:
0x21: {  	[dreg:$0x4] =	wrdreg s7  }
0x22: {  	s0 =	rddreg [dreg:$0x2];
	s31 =	simm.s32 $0x9  }
0x23: {  	[tilespmem:s2], [sflag:$0x9] =	stream.linear.gather [hbm4b:s0+s2], $0x2800, $0x38;
	[tilespmem:$0x13000] =	vst v63  }
0x24: {  	_ =	swait.ge [sflag:s31], $0x2800  }
0x25: {  	[sflag:s31] =	ssyncset.done $0x0  }
0x26: {  	[sflag:s31] =	ssyncadd.s32 $0xFFFFD800  }
0x27: {  	[tilespmem:s14], [sflag:$0x1] =	stream.indirect.gather [hbm4b:s3+s13], $0x80, s2, s13, $0xb8;
	[tilespmem:$0x13000] =	vst v63  }
0x28: {  	s1 =	simm.s32 $0x0  }
0x29: {  	[tilespmem:s15], [sflag:$0x2] =	stream.indirect.gather [hbm4b:s3+s13], $0x80, s13, s13, $0xb8;
	[tilespmem:$0x13000] =	vst v63  }
.LBB2_2:
0x2a: {  	_ =	swait.ge [sflag:s16], $0x4000  }
0x2b: {  	s0 =	simm.s32 $0x0;
	[sflag:s16] =	ssyncset.done $0x0  }
0x2c: {  	s7 =	simm.s32 $0x12800;
	s11 =	simm.s32 $0x3000;
	[sflag:s16] =	ssyncadd.s32 $0xFFFFC000  }
.LBB2_3:
0x2d: {  	v1 =	vmov s11;
	_ =	sdelay $0x3  }
0x2e: {  	s12 =	simm.s32 $0x0  }
0x2f: {  	v0 =	vmov s7;
	s17 =	simm.s32 $0x40;
	v2 =	vld.idx.msk [tilespmem:v1+s12+$0xFFFFF880 ss:$0x1], $0xffff  }
.LBB2_4:
0x30: {  	p0 =	sne.s32 s17, $0x1C0;
	v3 =	vld.idx.msk [tilespmem:v1+s12+$0xFFFFF800 ss:$0x1], $0xffff  }
0x31: {  	v4 =	vld.idx.msk [tilespmem:v1+s12+$0xFFFFF900 ss:$0x1], $0xffff  }
0x32: {  	v5 =	vld.idx.msk [tilespmem:v1+s12+$0xFFFFF980 ss:$0x1], $0xffff  }
0x33: {  	v6 =	vld.idx.msk [tilespmem:v1+s12+$0xFFFFFA00 ss:$0x1], $0xffff  }
0x34: {  	v7 =	vld.idx.msk [tilespmem:v1+s12+$0xFFFFFA80 ss:$0x1], $0xffff  }
0x35: {  	v8 =	vld.idx.msk [tilespmem:v1+s12+$0xFFFFFB00 ss:$0x1], $0xffff  }
0x36: {  	v2 =	vmax.f32 v3, v2;
	v3 =	vld.idx.msk [tilespmem:v1+s12+$0xFFFFFB80 ss:$0x1], $0xffff  }
0x37: {  	v2 =	vmax.f32 v2, v4;
	v4 =	vld.idx.msk [tilespmem:v1+s12+$0xFFFFFC00 ss:$0x1], $0xffff  }
0x38: {  	v2 =	vmax.f32 v2, v5;
	v5 =	vld.idx.msk [tilespmem:v1+s12+$0xFFFFFC80 ss:$0x1], $0xffff  }
0x39: {  	v2 =	vmax.f32 v2, v6;
	v6 =	vld.idx.msk [tilespmem:v1+s12+$0xFFFFFD00 ss:$0x1], $0xffff  }
0x3a: {  	v2 =	vmax.f32 v2, v7;
	v7 =	vld.idx.msk [tilespmem:v1+s12+$0xFFFFFD80 ss:$0x1], $0xffff  }
0x3b: {  	v2 =	vmax.f32 v2, v8;
	v8 =	vld.idx.msk [tilespmem:v1+s12+$0xFFFFFE00 ss:$0x1], $0xffff  }
0x3c: {  	v2 =	vmax.f32 v2, v3;
	v3 =	vld.idx.msk [tilespmem:v1+s12+$0xFFFFFE80 ss:$0x1], $0xffff  }
0x3d: {  	v2 =	vmax.f32 v2, v4;
	v4 =	vld.idx.msk [tilespmem:v1+s12+$0xFFFFFF00 ss:$0x1], $0xffff  }
0x3e: {  	v2 =	vmax.f32 v2, v5;
	v5 =	vld.idx.msk [tilespmem:v1+s12+$0xFFFFFF80 ss:$0x1], $0xffff  }
0x3f: {  	v2 =	vmax.f32 v2, v6;
	v6 =	vld.idx.msk [tilespmem:v1+s12+$0x0 ss:$0x1], $0xffff  }
0x40: {  	v2 =	vmax.f32 v2, v7;
	v7 =	vld.idx.msk [tilespmem:v1+s12+$0x80 ss:$0x1], $0xffff  }
0x41: {  	v2 =	vmax.f32 v2, v8;
	v8 =	vld.idx.msk [tilespmem:v1+s12+$0x100 ss:$0x1], $0xffff  }
0x42: {  	v2 =	vmax.f32 v2, v3;
	v3 =	vld.idx.msk [tilespmem:v1+s12+$0x180 ss:$0x1], $0xffff  }
0x43: {  	v2 =	vmax.f32 v2, v4;
	v4 =	vld.idx.msk [tilespmem:v1+s12+$0x200 ss:$0x1], $0xffff  }
0x44: {  	v2 =	vmax.f32 v2, v5;
	v5 =	vld.idx.msk [tilespmem:v1+s12+$0x280 ss:$0x1], $0xffff  }
0x45: {  	v2 =	vmax.f32 v2, v6;
	v6 =	vld.idx.msk [tilespmem:v1+s12+$0x300 ss:$0x1], $0xffff  }
0x46: {  	v2 =	vmax.f32 v2, v7;
	v7 =	vld.idx.msk [tilespmem:v1+s12+$0x380 ss:$0x1], $0xffff  }
0x47: {  	v2 =	vmax.f32 v2, v8;
	v8 =	vld.idx.msk [tilespmem:v1+s12+$0x400 ss:$0x1], $0xffff  }
0x48: {  	v2 =	vmax.f32 v2, v3;
	v3 =	vld.idx.msk [tilespmem:v1+s12+$0x480 ss:$0x1], $0xffff  }
0x49: {  	v2 =	vmax.f32 v2, v4;
	v4 =	vld.idx.msk [tilespmem:v1+s12+$0x500 ss:$0x1], $0xffff  }
0x4a: {  	v2 =	vmax.f32 v2, v5;
	v5 =	vld.idx.msk [tilespmem:v1+s12+$0x580 ss:$0x1], $0xffff  }
0x4b: {  	v2 =	vmax.f32 v2, v6;
	v6 =	vld.idx.msk [tilespmem:v1+s12+$0x600 ss:$0x1], $0xffff  }
0x4c: {  	v2 =	vmax.f32 v2, v7;
	v7 =	vld.idx.msk [tilespmem:v1+s12+$0x680 ss:$0x1], $0xffff  }
0x4d: {  	v2 =	vmax.f32 v2, v8;
	v8 =	vld.idx.msk [tilespmem:v1+s12+$0x700 ss:$0x1], $0xffff  }
0x4e: {  	v2 =	vmax.f32 v2, v3;
	v3 =	vld.idx.msk [tilespmem:v1+s12+$0x780 ss:$0x1], $0xffff  }
0x4f: {  	v2 =	vmax.f32 v2, v4  }
0x50: {  	v2 =	vmax.f32 v2, v5  }
0x51: {  	v2 =	vmax.f32 v2, v6  }
.Ltmp2:
0x52: {  	v2 =	vmax.f32 v2, v7;
	(pc) =	sbr.rel @p0 .LBB2_4-.Ltmp2, $4  }
0x53: {  	v2 =	vmax.f32 v2, v8  }
0x54: {  	v2 =	vmax.f32 v2, v3  }
0x55: {  	[tilespmem:v0+s12+$0x0 ss:$0x1] =	vst.idx.msk $0xffff, v2;
	s12 =	sshra.s32 s17, $0x2  }
0x56: {  	s17 =	sadd.s32 $0x40, s17;
	v2 =	vld.idx.msk [tilespmem:v1+s12+$0xFFFFF880 ss:$0x1], $0xffff  }
0x57: {  	_ =	sdelay $0x3  }
0x58: {  	v3 =	vld.idx.msk [tilespmem:v1+s12+$0xFFFFF800 ss:$0x1], $0xffff  }
0x59: {  	v4 =	vld.idx.msk [tilespmem:v1+s12+$0xFFFFF900 ss:$0x1], $0xffff  }
0x5a: {  	v5 =	vld.idx.msk [tilespmem:v1+s12+$0xFFFFF980 ss:$0x1], $0xffff  }
0x5b: {  	v6 =	vld.idx.msk [tilespmem:v1+s12+$0xFFFFFA00 ss:$0x1], $0xffff  }
0x5c: {  	v7 =	vld.idx.msk [tilespmem:v1+s12+$0xFFFFFA80 ss:$0x1], $0xffff  }
0x5d: {  	v8 =	vld.idx.msk [tilespmem:v1+s12+$0xFFFFFB00 ss:$0x1], $0xffff;
	v2 =	vmax.f32 v3, v2  }
0x5e: {  	v39 =	vld.idx.msk [tilespmem:v1+s12+$0xFFFFFB80 ss:$0x1], $0xffff;
	v2 =	vmax.f32 v2, v4  }
0x5f: {  	v40 =	vld.idx.msk [tilespmem:v1+s12+$0xFFFFFC00 ss:$0x1], $0xffff;
	v2 =	vmax.f32 v2, v5  }
0x60: {  	v41 =	vld.idx.msk [tilespmem:v1+s12+$0xFFFFFC80 ss:$0x1], $0xffff;
	v2 =	vmax.f32 v2, v6  }
0x61: {  	v42 =	vld.idx.msk [tilespmem:v1+s12+$0xFFFFFD00 ss:$0x1], $0xffff;
	v2 =	vmax.f32 v2, v7  }
0x62: {  	v43 =	vld.idx.msk [tilespmem:v1+s12+$0xFFFFFD80 ss:$0x1], $0xffff;
	v2 =	vmax.f32 v2, v8  }
0x63: {  	v44 =	vld.idx.msk [tilespmem:v1+s12+$0xFFFFFE00 ss:$0x1], $0xffff;
	v2 =	vmax.f32 v2, v39  }
0x64: {  	v45 =	vld.idx.msk [tilespmem:v1+s12+$0xFFFFFE80 ss:$0x1], $0xffff;
	v2 =	vmax.f32 v2, v40  }
0x65: {  	v46 =	vld.idx.msk [tilespmem:v1+s12+$0xFFFFFF00 ss:$0x1], $0xffff;
	v2 =	vmax.f32 v2, v41  }
0x66: {  	v47 =	vld.idx.msk [tilespmem:v1+s12+$0xFFFFFF80 ss:$0x1], $0xffff;
	v2 =	vmax.f32 v2, v42  }
0x67: {  	v48 =	vld.idx.msk [tilespmem:v1+s12+$0x0 ss:$0x1], $0xffff;
	v2 =	vmax.f32 v2, v43  }
0x68: {  	v49 =	vld.idx.msk [tilespmem:v1+s12+$0x80 ss:$0x1], $0xffff;
	v2 =	vmax.f32 v2, v44  }
0x69: {  	v50 =	vld.idx.msk [tilespmem:v1+s12+$0x100 ss:$0x1], $0xffff;
	v2 =	vmax.f32 v2, v45  }
0x6a: {  	v51 =	vld.idx.msk [tilespmem:v1+s12+$0x180 ss:$0x1], $0xffff;
	v2 =	vmax.f32 v2, v46  }
0x6b: {  	v52 =	vld.idx.msk [tilespmem:v1+s12+$0x200 ss:$0x1], $0xffff;
	v2 =	vmax.f32 v2, v47  }
0x6c: {  	v53 =	vld.idx.msk [tilespmem:v1+s12+$0x280 ss:$0x1], $0xffff;
	v2 =	vmax.f32 v2, v48  }
0x6d: {  	v54 =	vld.idx.msk [tilespmem:v1+s12+$0x300 ss:$0x1], $0xffff;
	v2 =	vmax.f32 v2, v49  }
0x6e: {  	v55 =	vld.idx.msk [tilespmem:v1+s12+$0x380 ss:$0x1], $0xffff;
	v2 =	vmax.f32 v2, v50  }
0x6f: {  	v56 =	vld.idx.msk [tilespmem:v1+s12+$0x400 ss:$0x1], $0xffff;
	v2 =	vmax.f32 v2, v51  }
0x70: {  	v57 =	vld.idx.msk [tilespmem:v1+s12+$0x480 ss:$0x1], $0xffff;
	v2 =	vmax.f32 v2, v52  }
0x71: {  	v58 =	vld.idx.msk [tilespmem:v1+s12+$0x500 ss:$0x1], $0xffff;
	v2 =	vmax.f32 v2, v53  }
0x72: {  	v59 =	vld.idx.msk [tilespmem:v1+s12+$0x580 ss:$0x1], $0xffff;
	v2 =	vmax.f32 v2, v54  }
0x73: {  	v60 =	vld.idx.msk [tilespmem:v1+s12+$0x600 ss:$0x1], $0xffff;
	v2 =	vmax.f32 v2, v55  }
0x74: {  	v61 =	vld.idx.msk [tilespmem:v1+s12+$0x680 ss:$0x1], $0xffff;
	v2 =	vmax.f32 v2, v56  }
0x75: {  	v62 =	vld.idx.msk [tilespmem:v1+s12+$0x700 ss:$0x1], $0xffff;
	v2 =	vmax.f32 v2, v57  }
0x76: {  	v63 =	vld.idx.msk [tilespmem:v1+s12+$0x780 ss:$0x1], $0xffff;
	s0 =	sadd.s32 $0x1, s0;
	v2 =	vmax.f32 v2, v58  }
0x77: {  	p0 =	sne.s32 s0, $0x4;
	v2 =	vmax.f32 v2, v59  }
.Ltmp3:
0x78: {  	v2 =	vmax.f32 v2, v60;
	(pc) =	sbr.rel @p0 .LBB2_3-.Ltmp3, $4  }
0x79: {  	v2 =	vmax.f32 v2, v61  }
0x7a: {  	v2 =	vmax.f32 v2, v62  }
0x7b: {  	v1 =	vmax.f32 v2, v63  }
0x7c: {  	s7 =	sadd.s32 $0x80, s7;
	s11 =	sadd.s32 $0x1000, s11;
	[tilespmem:v0+s12+$0x0 ss:$0x1] =	vst.idx.msk $0xffff, v1  }
0x7d: {  	s7 =	sshll.u32 s1, $0x2  }
0x7e: {  	s0 =	sadd.s32 s4, s7  }
0x7f: {  	s0 =	sshll.u32 s0, $0xB  }
0x80: {  	s0 =	sadd.s32 s5, s0  }
0x81: {  	[hbm4b:s0+s2] =	stream.linear.scatter [tilespmem:s14], [sflag:$0x5], $0x4000, $0x38;
	[tilespmem:$0x13000] =	vst v63  }
0x82: {  	s0 =	sshll.u32 s1, $0xB  }
0x83: {  	s11 =	sadd.s32 s8, s0  }
0x84: {  	s12 =	sshrl.u32 s11, $0x3  }
0x85: {  	s17 =	simm.s32 $0x12800;
	p0 =	seq.s32 s1, $0x0;
	s11 =	sadd.s32 s6, s12  }
0x86: {  	[hbm4b:s11+s2] =	stream.linear.scatter [tilespmem:s17], [sflag:$0x5], $0x200, $0x38;
	[tilespmem:$0x13000] =	vst v63  }
0x87: {  	s17 =	simm.s32 @!p0 $0x7  }
0x88: {  	_ =	swait.ge @!p0 [sflag:s17], $0x4000  }
0x89: {  	[sflag:s17] =	ssyncset.done @!p0 $0x0  }
0x8a: {  	[sflag:s17] =	ssyncadd.s32 @!p0 $0xFFFFC000  }
0x8b: {  	s29 =	sor.u32 $0x2, s7;
	_ =	swait.ge @!p0 [sflag:s17], $0x200  }
0x8c: {  	s11 =	sshll.u32 s29, $0x9;
	[sflag:s17] =	ssyncset.done @!p0 $0x0  }
0x8d: {  	s23 =	sshrl.u32 s11, $0x2;
	[sflag:s17] =	ssyncadd.s32 @!p0 $0xFFFFFE00  }
0x8e: {  	[tilespmem:s18], [sflag:$0x3] =	stream.indirect.gather [hbm4b:s3+s13], $0x80, s23, s13, $0xb8;
	[tilespmem:$0x13000] =	vst v63  }
0x8f: {  	_ =	swait.ge [sflag:s19], $0x4000  }
0x90: {  	s30 =	simm.s32 $0x0;
	[sflag:s19] =	ssyncset.done $0x0  }
0x91: {  	s31 =	simm.s32 $0x12A00;
	s17 =	simm.s32 $0x7000;
	[sflag:s19] =	ssyncadd.s32 $0xFFFFC000  }
.LBB2_7:
0x92: {  	v1 =	vmov s17;
	_ =	sdelay $0x3  }
0x93: {  	s20 =	simm.s32 $0x0  }
0x94: {  	v0 =	vmov s31;
	s23 =	simm.s32 $0x40;
	v2 =	vld.idx.msk [tilespmem:v1+s20+$0xFFFFF880 ss:$0x1], $0xffff  }
.LBB2_8:
0x95: {  	p1 =	sne.s32 s23, $0x1C0;
	v3 =	vld.idx.msk [tilespmem:v1+s20+$0xFFFFF800 ss:$0x1], $0xffff  }
0x96: {  	v4 =	vld.idx.msk [tilespmem:v1+s20+$0xFFFFF900 ss:$0x1], $0xffff  }
0x97: {  	v5 =	vld.idx.msk [tilespmem:v1+s20+$0xFFFFF980 ss:$0x1], $0xffff  }
0x98: {  	v6 =	vld.idx.msk [tilespmem:v1+s20+$0xFFFFFA00 ss:$0x1], $0xffff  }
0x99: {  	v7 =	vld.idx.msk [tilespmem:v1+s20+$0xFFFFFA80 ss:$0x1], $0xffff  }
0x9a: {  	v8 =	vld.idx.msk [tilespmem:v1+s20+$0xFFFFFB00 ss:$0x1], $0xffff  }
0x9b: {  	v2 =	vmax.f32 v3, v2;
	v3 =	vld.idx.msk [tilespmem:v1+s20+$0xFFFFFB80 ss:$0x1], $0xffff  }
0x9c: {  	v2 =	vmax.f32 v2, v4;
	v4 =	vld.idx.msk [tilespmem:v1+s20+$0xFFFFFC00 ss:$0x1], $0xffff  }
0x9d: {  	v2 =	vmax.f32 v2, v5;
	v5 =	vld.idx.msk [tilespmem:v1+s20+$0xFFFFFC80 ss:$0x1], $0xffff  }
0x9e: {  	v2 =	vmax.f32 v2, v6;
	v6 =	vld.idx.msk [tilespmem:v1+s20+$0xFFFFFD00 ss:$0x1], $0xffff  }
0x9f: {  	v2 =	vmax.f32 v2, v7;
	v7 =	vld.idx.msk [tilespmem:v1+s20+$0xFFFFFD80 ss:$0x1], $0xffff  }
0xa0: {  	v2 =	vmax.f32 v2, v8;
	v8 =	vld.idx.msk [tilespmem:v1+s20+$0xFFFFFE00 ss:$0x1], $0xffff  }
0xa1: {  	v2 =	vmax.f32 v2, v3;
	v3 =	vld.idx.msk [tilespmem:v1+s20+$0xFFFFFE80 ss:$0x1], $0xffff  }
0xa2: {  	v2 =	vmax.f32 v2, v4;
	v4 =	vld.idx.msk [tilespmem:v1+s20+$0xFFFFFF00 ss:$0x1], $0xffff  }
0xa3: {  	v2 =	vmax.f32 v2, v5;
	v5 =	vld.idx.msk [tilespmem:v1+s20+$0xFFFFFF80 ss:$0x1], $0xffff  }
0xa4: {  	v2 =	vmax.f32 v2, v6;
	v6 =	vld.idx.msk [tilespmem:v1+s20+$0x0 ss:$0x1], $0xffff  }
0xa5: {  	v2 =	vmax.f32 v2, v7;
	v7 =	vld.idx.msk [tilespmem:v1+s20+$0x80 ss:$0x1], $0xffff  }
0xa6: {  	v2 =	vmax.f32 v2, v8;
	v8 =	vld.idx.msk [tilespmem:v1+s20+$0x100 ss:$0x1], $0xffff  }
0xa7: {  	v2 =	vmax.f32 v2, v3;
	v3 =	vld.idx.msk [tilespmem:v1+s20+$0x180 ss:$0x1], $0xffff  }
0xa8: {  	v2 =	vmax.f32 v2, v4;
	v4 =	vld.idx.msk [tilespmem:v1+s20+$0x200 ss:$0x1], $0xffff  }
0xa9: {  	v2 =	vmax.f32 v2, v5;
	v5 =	vld.idx.msk [tilespmem:v1+s20+$0x280 ss:$0x1], $0xffff  }
0xaa: {  	v2 =	vmax.f32 v2, v6;
	v6 =	vld.idx.msk [tilespmem:v1+s20+$0x300 ss:$0x1], $0xffff  }
0xab: {  	v2 =	vmax.f32 v2, v7;
	v7 =	vld.idx.msk [tilespmem:v1+s20+$0x380 ss:$0x1], $0xffff  }
0xac: {  	v2 =	vmax.f32 v2, v8;
	v8 =	vld.idx.msk [tilespmem:v1+s20+$0x400 ss:$0x1], $0xffff  }
0xad: {  	v2 =	vmax.f32 v2, v3;
	v3 =	vld.idx.msk [tilespmem:v1+s20+$0x480 ss:$0x1], $0xffff  }
0xae: {  	v2 =	vmax.f32 v2, v4;
	v4 =	vld.idx.msk [tilespmem:v1+s20+$0x500 ss:$0x1], $0xffff  }
0xaf: {  	v2 =	vmax.f32 v2, v5;
	v5 =	vld.idx.msk [tilespmem:v1+s20+$0x580 ss:$0x1], $0xffff  }
0xb0: {  	v2 =	vmax.f32 v2, v6;
	v6 =	vld.idx.msk [tilespmem:v1+s20+$0x600 ss:$0x1], $0xffff  }
0xb1: {  	v2 =	vmax.f32 v2, v7;
	v7 =	vld.idx.msk [tilespmem:v1+s20+$0x680 ss:$0x1], $0xffff  }
0xb2: {  	v2 =	vmax.f32 v2, v8;
	v8 =	vld.idx.msk [tilespmem:v1+s20+$0x700 ss:$0x1], $0xffff  }
0xb3: {  	v2 =	vmax.f32 v2, v3;
	v3 =	vld.idx.msk [tilespmem:v1+s20+$0x780 ss:$0x1], $0xffff  }
0xb4: {  	v2 =	vmax.f32 v2, v4  }
0xb5: {  	v2 =	vmax.f32 v2, v5  }
0xb6: {  	v2 =	vmax.f32 v2, v6  }
.Ltmp4:
0xb7: {  	v2 =	vmax.f32 v2, v7;
	(pc) =	sbr.rel @p1 .LBB2_8-.Ltmp4, $4  }
0xb8: {  	v2 =	vmax.f32 v2, v8  }
0xb9: {  	v2 =	vmax.f32 v2, v3  }
0xba: {  	[tilespmem:v0+s20+$0x0 ss:$0x1] =	vst.idx.msk $0xffff, v2;
	s20 =	sshra.s32 s23, $0x2  }
0xbb: {  	s23 =	sadd.s32 $0x40, s23;
	v2 =	vld.idx.msk [tilespmem:v1+s20+$0xFFFFF880 ss:$0x1], $0xffff  }
0xbc: {  	_ =	sdelay $0x3  }
0xbd: {  	v3 =	vld.idx.msk [tilespmem:v1+s20+$0xFFFFF800 ss:$0x1], $0xffff  }
0xbe: {  	v4 =	vld.idx.msk [tilespmem:v1+s20+$0xFFFFF900 ss:$0x1], $0xffff  }
0xbf: {  	v5 =	vld.idx.msk [tilespmem:v1+s20+$0xFFFFF980 ss:$0x1], $0xffff  }
0xc0: {  	v6 =	vld.idx.msk [tilespmem:v1+s20+$0xFFFFFA00 ss:$0x1], $0xffff  }
0xc1: {  	v7 =	vld.idx.msk [tilespmem:v1+s20+$0xFFFFFA80 ss:$0x1], $0xffff  }
0xc2: {  	v8 =	vld.idx.msk [tilespmem:v1+s20+$0xFFFFFB00 ss:$0x1], $0xffff;
	v2 =	vmax.f32 v3, v2  }
0xc3: {  	v39 =	vld.idx.msk [tilespmem:v1+s20+$0xFFFFFB80 ss:$0x1], $0xffff;
	v2 =	vmax.f32 v2, v4  }
0xc4: {  	v40 =	vld.idx.msk [tilespmem:v1+s20+$0xFFFFFC00 ss:$0x1], $0xffff;
	v2 =	vmax.f32 v2, v5  }
0xc5: {  	v41 =	vld.idx.msk [tilespmem:v1+s20+$0xFFFFFC80 ss:$0x1], $0xffff;
	v2 =	vmax.f32 v2, v6  }
0xc6: {  	v42 =	vld.idx.msk [tilespmem:v1+s20+$0xFFFFFD00 ss:$0x1], $0xffff;
	v2 =	vmax.f32 v2, v7  }
0xc7: {  	v43 =	vld.idx.msk [tilespmem:v1+s20+$0xFFFFFD80 ss:$0x1], $0xffff;
	v2 =	vmax.f32 v2, v8  }
0xc8: {  	v44 =	vld.idx.msk [tilespmem:v1+s20+$0xFFFFFE00 ss:$0x1], $0xffff;
	v2 =	vmax.f32 v2, v39  }
0xc9: {  	v45 =	vld.idx.msk [tilespmem:v1+s20+$0xFFFFFE80 ss:$0x1], $0xffff;
	v2 =	vmax.f32 v2, v40  }
0xca: {  	v46 =	vld.idx.msk [tilespmem:v1+s20+$0xFFFFFF00 ss:$0x1], $0xffff;
	v2 =	vmax.f32 v2, v41  }
0xcb: {  	v47 =	vld.idx.msk [tilespmem:v1+s20+$0xFFFFFF80 ss:$0x1], $0xffff;
	v2 =	vmax.f32 v2, v42  }
0xcc: {  	v48 =	vld.idx.msk [tilespmem:v1+s20+$0x0 ss:$0x1], $0xffff;
	v2 =	vmax.f32 v2, v43  }
0xcd: {  	v49 =	vld.idx.msk [tilespmem:v1+s20+$0x80 ss:$0x1], $0xffff;
	v2 =	vmax.f32 v2, v44  }
0xce: {  	v50 =	vld.idx.msk [tilespmem:v1+s20+$0x100 ss:$0x1], $0xffff;
	v2 =	vmax.f32 v2, v45  }
0xcf: {  	v51 =	vld.idx.msk [tilespmem:v1+s20+$0x180 ss:$0x1], $0xffff;
	v2 =	vmax.f32 v2, v46  }
0xd0: {  	v52 =	vld.idx.msk [tilespmem:v1+s20+$0x200 ss:$0x1], $0xffff;
	v2 =	vmax.f32 v2, v47  }
0xd1: {  	v53 =	vld.idx.msk [tilespmem:v1+s20+$0x280 ss:$0x1], $0xffff;
	v2 =	vmax.f32 v2, v48  }
0xd2: {  	v54 =	vld.idx.msk [tilespmem:v1+s20+$0x300 ss:$0x1], $0xffff;
	v2 =	vmax.f32 v2, v49  }
0xd3: {  	v55 =	vld.idx.msk [tilespmem:v1+s20+$0x380 ss:$0x1], $0xffff;
	v2 =	vmax.f32 v2, v50  }
0xd4: {  	v56 =	vld.idx.msk [tilespmem:v1+s20+$0x400 ss:$0x1], $0xffff;
	v2 =	vmax.f32 v2, v51  }
0xd5: {  	v57 =	vld.idx.msk [tilespmem:v1+s20+$0x480 ss:$0x1], $0xffff;
	v2 =	vmax.f32 v2, v52  }
0xd6: {  	v58 =	vld.idx.msk [tilespmem:v1+s20+$0x500 ss:$0x1], $0xffff;
	v2 =	vmax.f32 v2, v53  }
0xd7: {  	v59 =	vld.idx.msk [tilespmem:v1+s20+$0x580 ss:$0x1], $0xffff;
	v2 =	vmax.f32 v2, v54  }
0xd8: {  	v60 =	vld.idx.msk [tilespmem:v1+s20+$0x600 ss:$0x1], $0xffff;
	v2 =	vmax.f32 v2, v55  }
0xd9: {  	v61 =	vld.idx.msk [tilespmem:v1+s20+$0x680 ss:$0x1], $0xffff;
	v2 =	vmax.f32 v2, v56  }
0xda: {  	v62 =	vld.idx.msk [tilespmem:v1+s20+$0x700 ss:$0x1], $0xffff;
	v2 =	vmax.f32 v2, v57  }
0xdb: {  	v63 =	vld.idx.msk [tilespmem:v1+s20+$0x780 ss:$0x1], $0xffff;
	s30 =	sadd.s32 $0x1, s30;
	v2 =	vmax.f32 v2, v58  }
0xdc: {  	p1 =	sne.s32 s30, $0x4;
	v2 =	vmax.f32 v2, v59  }
.Ltmp5:
0xdd: {  	v2 =	vmax.f32 v2, v60;
	(pc) =	sbr.rel @p1 .LBB2_7-.Ltmp5, $4  }
0xde: {  	v2 =	vmax.f32 v2, v61  }
0xdf: {  	v2 =	vmax.f32 v2, v62  }
0xe0: {  	v1 =	vmax.f32 v2, v63  }
0xe1: {  	s31 =	sadd.s32 $0x80, s31;
	s17 =	sadd.s32 $0x1000, s17;
	[tilespmem:v0+s20+$0x0 ss:$0x1] =	vst.idx.msk $0xffff, v1  }
0xe2: {  	s17 =	sadd.s32 s7, s9  }
0xe3: {  	s17 =	sshll.u32 s17, $0xB  }
0xe4: {  	s17 =	sand.u32 $0x1FFFE800, s17  }
0xe5: {  	s17 =	sadd.s32 s5, s17  }
0xe6: {  	[hbm4b:s17+s2] =	stream.linear.scatter [tilespmem:s15], [sflag:$0x6], $0x4000, $0x38;
	[tilespmem:$0x13000] =	vst v63  }
0xe7: {  	s12 =	sadd.s32 s12, s10;
	s20 =	simm.s32 $0x12A00;
	s17 =	simm.s32 @!p0 $0x8  }
0xe8: {  	[hbm4b:s12+s2] =	stream.linear.scatter [tilespmem:s20], [sflag:$0x6], $0x200, $0x38;
	[tilespmem:$0x13000] =	vst v63  }
0xe9: {  	_ =	swait.ge @!p0 [sflag:s17], $0x4000  }
0xea: {  	[sflag:s17] =	ssyncset.done @!p0 $0x0  }
0xeb: {  	[sflag:s17] =	ssyncadd.s32 @!p0 $0xFFFFC000  }
0xec: {  	s12 =	sor.u32 $0x3, s7;
	_ =	swait.ge @!p0 [sflag:s17], $0x200  }
0xed: {  	s7 =	sshll.u32 s12, $0x9;
	[sflag:s17] =	ssyncset.done @!p0 $0x0  }
0xee: {  	s23 =	sshrl.u32 s7, $0x2;
	[sflag:s17] =	ssyncadd.s32 @!p0 $0xFFFFFE00  }
0xef: {  	[tilespmem:s21], [sflag:$0x4] =	stream.indirect.gather [hbm4b:s3+s13], $0x80, s23, s13, $0xb8;
	[tilespmem:$0x13000] =	vst v63  }
0xf0: {  	_ =	swait.ge [sflag:s22], $0x4000  }
0xf1: {  	s30 =	simm.s32 $0x0;
	[sflag:s22] =	ssyncset.done $0x0  }
0xf2: {  	s31 =	simm.s32 $0x12C00;
	s17 =	simm.s32 $0xB000;
	[sflag:s22] =	ssyncadd.s32 $0xFFFFC000  }
.LBB2_11:
0xf3: {  	v1 =	vmov s17;
	_ =	sdelay $0x3  }
0xf4: {  	s20 =	simm.s32 $0x0  }
0xf5: {  	v0 =	vmov s31;
	s23 =	simm.s32 $0x40;
	v2 =	vld.idx.msk [tilespmem:v1+s20+$0xFFFFF880 ss:$0x1], $0xffff  }
.LBB2_12:
0xf6: {  	p0 =	sne.s32 s23, $0x1C0;
	v3 =	vld.idx.msk [tilespmem:v1+s20+$0xFFFFF800 ss:$0x1], $0xffff  }
0xf7: {  	v4 =	vld.idx.msk [tilespmem:v1+s20+$0xFFFFF900 ss:$0x1], $0xffff  }
0xf8: {  	v5 =	vld.idx.msk [tilespmem:v1+s20+$0xFFFFF980 ss:$0x1], $0xffff  }
0xf9: {  	v6 =	vld.idx.msk [tilespmem:v1+s20+$0xFFFFFA00 ss:$0x1], $0xffff  }
0xfa: {  	v7 =	vld.idx.msk [tilespmem:v1+s20+$0xFFFFFA80 ss:$0x1], $0xffff  }
0xfb: {  	v8 =	vld.idx.msk [tilespmem:v1+s20+$0xFFFFFB00 ss:$0x1], $0xffff  }
0xfc: {  	v2 =	vmax.f32 v3, v2;
	v3 =	vld.idx.msk [tilespmem:v1+s20+$0xFFFFFB80 ss:$0x1], $0xffff  }
0xfd: {  	v2 =	vmax.f32 v2, v4;
	v4 =	vld.idx.msk [tilespmem:v1+s20+$0xFFFFFC00 ss:$0x1], $0xffff  }
0xfe: {  	v2 =	vmax.f32 v2, v5;
	v5 =	vld.idx.msk [tilespmem:v1+s20+$0xFFFFFC80 ss:$0x1], $0xffff  }
0xff: {  	v2 =	vmax.f32 v2, v6;
	v6 =	vld.idx.msk [tilespmem:v1+s20+$0xFFFFFD00 ss:$0x1], $0xffff  }
0x100: {  	v2 =	vmax.f32 v2, v7;
	v7 =	vld.idx.msk [tilespmem:v1+s20+$0xFFFFFD80 ss:$0x1], $0xffff  }
0x101: {  	v2 =	vmax.f32 v2, v8;
	v8 =	vld.idx.msk [tilespmem:v1+s20+$0xFFFFFE00 ss:$0x1], $0xffff  }
0x102: {  	v2 =	vmax.f32 v2, v3;
	v3 =	vld.idx.msk [tilespmem:v1+s20+$0xFFFFFE80 ss:$0x1], $0xffff  }
0x103: {  	v2 =	vmax.f32 v2, v4;
	v4 =	vld.idx.msk [tilespmem:v1+s20+$0xFFFFFF00 ss:$0x1], $0xffff  }
0x104: {  	v2 =	vmax.f32 v2, v5;
	v5 =	vld.idx.msk [tilespmem:v1+s20+$0xFFFFFF80 ss:$0x1], $0xffff  }
0x105: {  	v2 =	vmax.f32 v2, v6;
	v6 =	vld.idx.msk [tilespmem:v1+s20+$0x0 ss:$0x1], $0xffff  }
0x106: {  	v2 =	vmax.f32 v2, v7;
	v7 =	vld.idx.msk [tilespmem:v1+s20+$0x80 ss:$0x1], $0xffff  }
0x107: {  	v2 =	vmax.f32 v2, v8;
	v8 =	vld.idx.msk [tilespmem:v1+s20+$0x100 ss:$0x1], $0xffff  }
0x108: {  	v2 =	vmax.f32 v2, v3;
	v3 =	vld.idx.msk [tilespmem:v1+s20+$0x180 ss:$0x1], $0xffff  }
0x109: {  	v2 =	vmax.f32 v2, v4;
	v4 =	vld.idx.msk [tilespmem:v1+s20+$0x200 ss:$0x1], $0xffff  }
0x10a: {  	v2 =	vmax.f32 v2, v5;
	v5 =	vld.idx.msk [tilespmem:v1+s20+$0x280 ss:$0x1], $0xffff  }
0x10b: {  	v2 =	vmax.f32 v2, v6;
	v6 =	vld.idx.msk [tilespmem:v1+s20+$0x300 ss:$0x1], $0xffff  }
0x10c: {  	v2 =	vmax.f32 v2, v7;
	v7 =	vld.idx.msk [tilespmem:v1+s20+$0x380 ss:$0x1], $0xffff  }
0x10d: {  	v2 =	vmax.f32 v2, v8;
	v8 =	vld.idx.msk [tilespmem:v1+s20+$0x400 ss:$0x1], $0xffff  }
0x10e: {  	v2 =	vmax.f32 v2, v3;
	v3 =	vld.idx.msk [tilespmem:v1+s20+$0x480 ss:$0x1], $0xffff  }
0x10f: {  	v2 =	vmax.f32 v2, v4;
	v4 =	vld.idx.msk [tilespmem:v1+s20+$0x500 ss:$0x1], $0xffff  }
0x110: {  	v2 =	vmax.f32 v2, v5;
	v5 =	vld.idx.msk [tilespmem:v1+s20+$0x580 ss:$0x1], $0xffff  }
0x111: {  	v2 =	vmax.f32 v2, v6;
	v6 =	vld.idx.msk [tilespmem:v1+s20+$0x600 ss:$0x1], $0xffff  }
0x112: {  	v2 =	vmax.f32 v2, v7;
	v7 =	vld.idx.msk [tilespmem:v1+s20+$0x680 ss:$0x1], $0xffff  }
0x113: {  	v2 =	vmax.f32 v2, v8;
	v8 =	vld.idx.msk [tilespmem:v1+s20+$0x700 ss:$0x1], $0xffff  }
0x114: {  	v2 =	vmax.f32 v2, v3;
	v3 =	vld.idx.msk [tilespmem:v1+s20+$0x780 ss:$0x1], $0xffff  }
0x115: {  	v2 =	vmax.f32 v2, v4  }
0x116: {  	v2 =	vmax.f32 v2, v5  }
0x117: {  	v2 =	vmax.f32 v2, v6  }
.Ltmp6:
0x118: {  	v2 =	vmax.f32 v2, v7;
	(pc) =	sbr.rel @p0 .LBB2_12-.Ltmp6, $4  }
0x119: {  	v2 =	vmax.f32 v2, v8  }
0x11a: {  	v2 =	vmax.f32 v2, v3  }
0x11b: {  	[tilespmem:v0+s20+$0x0 ss:$0x1] =	vst.idx.msk $0xffff, v2;
	s20 =	sshra.s32 s23, $0x2  }
0x11c: {  	s23 =	sadd.s32 $0x40, s23;
	v2 =	vld.idx.msk [tilespmem:v1+s20+$0xFFFFF880 ss:$0x1], $0xffff  }
0x11d: {  	_ =	sdelay $0x3  }
0x11e: {  	v3 =	vld.idx.msk [tilespmem:v1+s20+$0xFFFFF800 ss:$0x1], $0xffff  }
0x11f: {  	v4 =	vld.idx.msk [tilespmem:v1+s20+$0xFFFFF900 ss:$0x1], $0xffff  }
0x120: {  	v5 =	vld.idx.msk [tilespmem:v1+s20+$0xFFFFF980 ss:$0x1], $0xffff  }
0x121: {  	v6 =	vld.idx.msk [tilespmem:v1+s20+$0xFFFFFA00 ss:$0x1], $0xffff  }
0x122: {  	v7 =	vld.idx.msk [tilespmem:v1+s20+$0xFFFFFA80 ss:$0x1], $0xffff  }
0x123: {  	v8 =	vld.idx.msk [tilespmem:v1+s20+$0xFFFFFB00 ss:$0x1], $0xffff;
	v2 =	vmax.f32 v3, v2  }
0x124: {  	v39 =	vld.idx.msk [tilespmem:v1+s20+$0xFFFFFB80 ss:$0x1], $0xffff;
	v2 =	vmax.f32 v2, v4  }
0x125: {  	v40 =	vld.idx.msk [tilespmem:v1+s20+$0xFFFFFC00 ss:$0x1], $0xffff;
	v2 =	vmax.f32 v2, v5  }
0x126: {  	v41 =	vld.idx.msk [tilespmem:v1+s20+$0xFFFFFC80 ss:$0x1], $0xffff;
	v2 =	vmax.f32 v2, v6  }
0x127: {  	v42 =	vld.idx.msk [tilespmem:v1+s20+$0xFFFFFD00 ss:$0x1], $0xffff;
	v2 =	vmax.f32 v2, v7  }
0x128: {  	v43 =	vld.idx.msk [tilespmem:v1+s20+$0xFFFFFD80 ss:$0x1], $0xffff;
	v2 =	vmax.f32 v2, v8  }
0x129: {  	v44 =	vld.idx.msk [tilespmem:v1+s20+$0xFFFFFE00 ss:$0x1], $0xffff;
	v2 =	vmax.f32 v2, v39  }
0x12a: {  	v45 =	vld.idx.msk [tilespmem:v1+s20+$0xFFFFFE80 ss:$0x1], $0xffff;
	v2 =	vmax.f32 v2, v40  }
0x12b: {  	v46 =	vld.idx.msk [tilespmem:v1+s20+$0xFFFFFF00 ss:$0x1], $0xffff;
	v2 =	vmax.f32 v2, v41  }
0x12c: {  	v47 =	vld.idx.msk [tilespmem:v1+s20+$0xFFFFFF80 ss:$0x1], $0xffff;
	v2 =	vmax.f32 v2, v42  }
0x12d: {  	v48 =	vld.idx.msk [tilespmem:v1+s20+$0x0 ss:$0x1], $0xffff;
	v2 =	vmax.f32 v2, v43  }
0x12e: {  	v49 =	vld.idx.msk [tilespmem:v1+s20+$0x80 ss:$0x1], $0xffff;
	v2 =	vmax.f32 v2, v44  }
0x12f: {  	v50 =	vld.idx.msk [tilespmem:v1+s20+$0x100 ss:$0x1], $0xffff;
	v2 =	vmax.f32 v2, v45  }
0x130: {  	v51 =	vld.idx.msk [tilespmem:v1+s20+$0x180 ss:$0x1], $0xffff;
	v2 =	vmax.f32 v2, v46  }
0x131: {  	v52 =	vld.idx.msk [tilespmem:v1+s20+$0x200 ss:$0x1], $0xffff;
	v2 =	vmax.f32 v2, v47  }
0x132: {  	v53 =	vld.idx.msk [tilespmem:v1+s20+$0x280 ss:$0x1], $0xffff;
	v2 =	vmax.f32 v2, v48  }
0x133: {  	v54 =	vld.idx.msk [tilespmem:v1+s20+$0x300 ss:$0x1], $0xffff;
	v2 =	vmax.f32 v2, v49  }
0x134: {  	v55 =	vld.idx.msk [tilespmem:v1+s20+$0x380 ss:$0x1], $0xffff;
	v2 =	vmax.f32 v2, v50  }
0x135: {  	v56 =	vld.idx.msk [tilespmem:v1+s20+$0x400 ss:$0x1], $0xffff;
	v2 =	vmax.f32 v2, v51  }
0x136: {  	v57 =	vld.idx.msk [tilespmem:v1+s20+$0x480 ss:$0x1], $0xffff;
	v2 =	vmax.f32 v2, v52  }
0x137: {  	v58 =	vld.idx.msk [tilespmem:v1+s20+$0x500 ss:$0x1], $0xffff;
	v2 =	vmax.f32 v2, v53  }
0x138: {  	v59 =	vld.idx.msk [tilespmem:v1+s20+$0x580 ss:$0x1], $0xffff;
	v2 =	vmax.f32 v2, v54  }
0x139: {  	v60 =	vld.idx.msk [tilespmem:v1+s20+$0x600 ss:$0x1], $0xffff;
	v2 =	vmax.f32 v2, v55  }
0x13a: {  	v61 =	vld.idx.msk [tilespmem:v1+s20+$0x680 ss:$0x1], $0xffff;
	v2 =	vmax.f32 v2, v56  }
0x13b: {  	v62 =	vld.idx.msk [tilespmem:v1+s20+$0x700 ss:$0x1], $0xffff;
	v2 =	vmax.f32 v2, v57  }
0x13c: {  	v63 =	vld.idx.msk [tilespmem:v1+s20+$0x780 ss:$0x1], $0xffff;
	s30 =	sadd.s32 $0x1, s30;
	v2 =	vmax.f32 v2, v58  }
0x13d: {  	p0 =	sne.s32 s30, $0x4;
	v2 =	vmax.f32 v2, v59  }
.Ltmp7:
0x13e: {  	v2 =	vmax.f32 v2, v60;
	(pc) =	sbr.rel @p0 .LBB2_11-.Ltmp7, $4  }
0x13f: {  	v2 =	vmax.f32 v2, v61  }
0x140: {  	v2 =	vmax.f32 v2, v62  }
0x141: {  	v1 =	vmax.f32 v2, v63  }
0x142: {  	s31 =	sadd.s32 $0x80, s31;
	s17 =	sadd.s32 $0x1000, s17;
	[tilespmem:v0+s20+$0x0 ss:$0x1] =	vst.idx.msk $0xffff, v1  }
0x143: {  	s17 =	sadd.s32 s4, s29  }
0x144: {  	s17 =	sshll.u32 s17, $0xB  }
0x145: {  	s11 =	sadd.s32 s8, s11;
	s17 =	sand.u32 $0x1FFFF000, s17  }
0x146: {  	s11 =	sshrl.u32 s11, $0x3;
	s17 =	sadd.s32 s5, s17  }
0x147: {  	[hbm4b:s17+s2] =	stream.linear.scatter [tilespmem:s18], [sflag:$0x7], $0x4000, $0x38;
	[tilespmem:$0x13000] =	vst v63  }
0x148: {  	s31 =	simm.s32 $0x12C00;
	s11 =	sadd.s32 s6, s11  }
0x149: {  	[hbm4b:s11+s2] =	stream.linear.scatter [tilespmem:s31], [sflag:$0x7], $0x200, $0x38;
	[tilespmem:$0x13000] =	vst v63  }
0x14a: {  	_ =	swait.ge [sflag:s24], $0x4000  }
0x14b: {  	[sflag:s24] =	ssyncset.done $0x0  }
0x14c: {  	[sflag:s24] =	ssyncadd.s32 $0xFFFFC000  }
0x14d: {  	p0 =	seq.s32 s1, $0x13;
	_ =	swait.ge [sflag:s24], $0x200  }
0x14e: {  	s20 =	simm.s32 @!p0 $0x2800;
	s11 =	sshrl.u32 @!p0 s0, $0x2;
	[sflag:s24] =	ssyncset.done $0x0  }
0x14f: {  	s17 =	simm.s32 @!p0 $0x80;
	s11 =	sadd.s32 @!p0 $0x200, s11;
	[sflag:s24] =	ssyncadd.s32 $0xFFFFFE00  }
0x150: {  	[tilespmem:s20], [sflag:$0x1] =	stream.indirect.gather @!p0 [hbm4b:s3+s17], $0x80, s11, s17, $0xb8;
	[tilespmem:$0x13000] =	vst v63  }
0x151: {  	_ =	swait.ge [sflag:s25], $0x4000  }
0x152: {  	s29 =	simm.s32 $0x12E00;
	[sflag:s25] =	ssyncset.done $0x0  }
0x153: {  	s11 =	simm.s32 $0x0;
	s17 =	simm.s32 $0xF000;
	[sflag:s25] =	ssyncadd.s32 $0xFFFFC000  }
.LBB2_15:
0x154: {  	v1 =	vmov s17;
	_ =	sdelay $0x3  }
0x155: {  	s20 =	simm.s32 $0x0  }
0x156: {  	v0 =	vmov s29;
	s23 =	simm.s32 $0x40;
	v2 =	vld.idx.msk [tilespmem:v1+s20+$0xFFFFF880 ss:$0x1], $0xffff  }
.LBB2_16:
0x157: {  	p1 =	sne.s32 s23, $0x1C0;
	v3 =	vld.idx.msk [tilespmem:v1+s20+$0xFFFFF800 ss:$0x1], $0xffff  }
0x158: {  	v4 =	vld.idx.msk [tilespmem:v1+s20+$0xFFFFF900 ss:$0x1], $0xffff  }
0x159: {  	v5 =	vld.idx.msk [tilespmem:v1+s20+$0xFFFFF980 ss:$0x1], $0xffff  }
0x15a: {  	v6 =	vld.idx.msk [tilespmem:v1+s20+$0xFFFFFA00 ss:$0x1], $0xffff  }
0x15b: {  	v7 =	vld.idx.msk [tilespmem:v1+s20+$0xFFFFFA80 ss:$0x1], $0xffff  }
0x15c: {  	v8 =	vld.idx.msk [tilespmem:v1+s20+$0xFFFFFB00 ss:$0x1], $0xffff  }
0x15d: {  	v2 =	vmax.f32 v3, v2;
	v3 =	vld.idx.msk [tilespmem:v1+s20+$0xFFFFFB80 ss:$0x1], $0xffff  }
0x15e: {  	v2 =	vmax.f32 v2, v4;
	v4 =	vld.idx.msk [tilespmem:v1+s20+$0xFFFFFC00 ss:$0x1], $0xffff  }
0x15f: {  	v2 =	vmax.f32 v2, v5;
	v5 =	vld.idx.msk [tilespmem:v1+s20+$0xFFFFFC80 ss:$0x1], $0xffff  }
0x160: {  	v2 =	vmax.f32 v2, v6;
	v6 =	vld.idx.msk [tilespmem:v1+s20+$0xFFFFFD00 ss:$0x1], $0xffff  }
0x161: {  	v2 =	vmax.f32 v2, v7;
	v7 =	vld.idx.msk [tilespmem:v1+s20+$0xFFFFFD80 ss:$0x1], $0xffff  }
0x162: {  	v2 =	vmax.f32 v2, v8;
	v8 =	vld.idx.msk [tilespmem:v1+s20+$0xFFFFFE00 ss:$0x1], $0xffff  }
0x163: {  	v2 =	vmax.f32 v2, v3;
	v3 =	vld.idx.msk [tilespmem:v1+s20+$0xFFFFFE80 ss:$0x1], $0xffff  }
0x164: {  	v2 =	vmax.f32 v2, v4;
	v4 =	vld.idx.msk [tilespmem:v1+s20+$0xFFFFFF00 ss:$0x1], $0xffff  }
0x165: {  	v2 =	vmax.f32 v2, v5;
	v5 =	vld.idx.msk [tilespmem:v1+s20+$0xFFFFFF80 ss:$0x1], $0xffff  }
0x166: {  	v2 =	vmax.f32 v2, v6;
	v6 =	vld.idx.msk [tilespmem:v1+s20+$0x0 ss:$0x1], $0xffff  }
0x167: {  	v2 =	vmax.f32 v2, v7;
	v7 =	vld.idx.msk [tilespmem:v1+s20+$0x80 ss:$0x1], $0xffff  }
0x168: {  	v2 =	vmax.f32 v2, v8;
	v8 =	vld.idx.msk [tilespmem:v1+s20+$0x100 ss:$0x1], $0xffff  }
0x169: {  	v2 =	vmax.f32 v2, v3;
	v3 =	vld.idx.msk [tilespmem:v1+s20+$0x180 ss:$0x1], $0xffff  }
0x16a: {  	v2 =	vmax.f32 v2, v4;
	v4 =	vld.idx.msk [tilespmem:v1+s20+$0x200 ss:$0x1], $0xffff  }
0x16b: {  	v2 =	vmax.f32 v2, v5;
	v5 =	vld.idx.msk [tilespmem:v1+s20+$0x280 ss:$0x1], $0xffff  }
0x16c: {  	v2 =	vmax.f32 v2, v6;
	v6 =	vld.idx.msk [tilespmem:v1+s20+$0x300 ss:$0x1], $0xffff  }
0x16d: {  	v2 =	vmax.f32 v2, v7;
	v7 =	vld.idx.msk [tilespmem:v1+s20+$0x380 ss:$0x1], $0xffff  }
0x16e: {  	v2 =	vmax.f32 v2, v8;
	v8 =	vld.idx.msk [tilespmem:v1+s20+$0x400 ss:$0x1], $0xffff  }
0x16f: {  	v2 =	vmax.f32 v2, v3;
	v3 =	vld.idx.msk [tilespmem:v1+s20+$0x480 ss:$0x1], $0xffff  }
0x170: {  	v2 =	vmax.f32 v2, v4;
	v4 =	vld.idx.msk [tilespmem:v1+s20+$0x500 ss:$0x1], $0xffff  }
0x171: {  	v2 =	vmax.f32 v2, v5;
	v5 =	vld.idx.msk [tilespmem:v1+s20+$0x580 ss:$0x1], $0xffff  }
0x172: {  	v2 =	vmax.f32 v2, v6;
	v6 =	vld.idx.msk [tilespmem:v1+s20+$0x600 ss:$0x1], $0xffff  }
0x173: {  	v2 =	vmax.f32 v2, v7;
	v7 =	vld.idx.msk [tilespmem:v1+s20+$0x680 ss:$0x1], $0xffff  }
0x174: {  	v2 =	vmax.f32 v2, v8;
	v8 =	vld.idx.msk [tilespmem:v1+s20+$0x700 ss:$0x1], $0xffff  }
0x175: {  	v2 =	vmax.f32 v2, v3;
	v3 =	vld.idx.msk [tilespmem:v1+s20+$0x780 ss:$0x1], $0xffff  }
0x176: {  	v2 =	vmax.f32 v2, v4  }
0x177: {  	v2 =	vmax.f32 v2, v5  }
0x178: {  	v2 =	vmax.f32 v2, v6  }
.Ltmp8:
0x179: {  	v2 =	vmax.f32 v2, v7;
	(pc) =	sbr.rel @p1 .LBB2_16-.Ltmp8, $4  }
0x17a: {  	v2 =	vmax.f32 v2, v8  }
0x17b: {  	v2 =	vmax.f32 v2, v3  }
0x17c: {  	[tilespmem:v0+s20+$0x0 ss:$0x1] =	vst.idx.msk $0xffff, v2;
	s20 =	sshra.s32 s23, $0x2  }
0x17d: {  	s23 =	sadd.s32 $0x40, s23;
	v2 =	vld.idx.msk [tilespmem:v1+s20+$0xFFFFF880 ss:$0x1], $0xffff  }
0x17e: {  	_ =	sdelay $0x3  }
0x17f: {  	v3 =	vld.idx.msk [tilespmem:v1+s20+$0xFFFFF800 ss:$0x1], $0xffff  }
0x180: {  	v4 =	vld.idx.msk [tilespmem:v1+s20+$0xFFFFF900 ss:$0x1], $0xffff  }
0x181: {  	v5 =	vld.idx.msk [tilespmem:v1+s20+$0xFFFFF980 ss:$0x1], $0xffff  }
0x182: {  	v6 =	vld.idx.msk [tilespmem:v1+s20+$0xFFFFFA00 ss:$0x1], $0xffff  }
0x183: {  	v7 =	vld.idx.msk [tilespmem:v1+s20+$0xFFFFFA80 ss:$0x1], $0xffff  }
0x184: {  	v8 =	vld.idx.msk [tilespmem:v1+s20+$0xFFFFFB00 ss:$0x1], $0xffff;
	v2 =	vmax.f32 v3, v2  }
0x185: {  	v39 =	vld.idx.msk [tilespmem:v1+s20+$0xFFFFFB80 ss:$0x1], $0xffff;
	v2 =	vmax.f32 v2, v4  }
0x186: {  	v40 =	vld.idx.msk [tilespmem:v1+s20+$0xFFFFFC00 ss:$0x1], $0xffff;
	v2 =	vmax.f32 v2, v5  }
0x187: {  	v41 =	vld.idx.msk [tilespmem:v1+s20+$0xFFFFFC80 ss:$0x1], $0xffff;
	v2 =	vmax.f32 v2, v6  }
0x188: {  	v42 =	vld.idx.msk [tilespmem:v1+s20+$0xFFFFFD00 ss:$0x1], $0xffff;
	v2 =	vmax.f32 v2, v7  }
0x189: {  	v43 =	vld.idx.msk [tilespmem:v1+s20+$0xFFFFFD80 ss:$0x1], $0xffff;
	v2 =	vmax.f32 v2, v8  }
0x18a: {  	v44 =	vld.idx.msk [tilespmem:v1+s20+$0xFFFFFE00 ss:$0x1], $0xffff;
	v2 =	vmax.f32 v2, v39  }
0x18b: {  	v45 =	vld.idx.msk [tilespmem:v1+s20+$0xFFFFFE80 ss:$0x1], $0xffff;
	v2 =	vmax.f32 v2, v40  }
0x18c: {  	v46 =	vld.idx.msk [tilespmem:v1+s20+$0xFFFFFF00 ss:$0x1], $0xffff;
	v2 =	vmax.f32 v2, v41  }
0x18d: {  	v47 =	vld.idx.msk [tilespmem:v1+s20+$0xFFFFFF80 ss:$0x1], $0xffff;
	v2 =	vmax.f32 v2, v42  }
0x18e: {  	v48 =	vld.idx.msk [tilespmem:v1+s20+$0x0 ss:$0x1], $0xffff;
	v2 =	vmax.f32 v2, v43  }
0x18f: {  	v49 =	vld.idx.msk [tilespmem:v1+s20+$0x80 ss:$0x1], $0xffff;
	v2 =	vmax.f32 v2, v44  }
0x190: {  	v50 =	vld.idx.msk [tilespmem:v1+s20+$0x100 ss:$0x1], $0xffff;
	v2 =	vmax.f32 v2, v45  }
0x191: {  	v51 =	vld.idx.msk [tilespmem:v1+s20+$0x180 ss:$0x1], $0xffff;
	v2 =	vmax.f32 v2, v46  }
0x192: {  	v52 =	vld.idx.msk [tilespmem:v1+s20+$0x200 ss:$0x1], $0xffff;
	v2 =	vmax.f32 v2, v47  }
0x193: {  	v53 =	vld.idx.msk [tilespmem:v1+s20+$0x280 ss:$0x1], $0xffff;
	v2 =	vmax.f32 v2, v48  }
0x194: {  	v54 =	vld.idx.msk [tilespmem:v1+s20+$0x300 ss:$0x1], $0xffff;
	v2 =	vmax.f32 v2, v49  }
0x195: {  	v55 =	vld.idx.msk [tilespmem:v1+s20+$0x380 ss:$0x1], $0xffff;
	v2 =	vmax.f32 v2, v50  }
0x196: {  	v56 =	vld.idx.msk [tilespmem:v1+s20+$0x400 ss:$0x1], $0xffff;
	v2 =	vmax.f32 v2, v51  }
0x197: {  	v57 =	vld.idx.msk [tilespmem:v1+s20+$0x480 ss:$0x1], $0xffff;
	v2 =	vmax.f32 v2, v52  }
0x198: {  	v58 =	vld.idx.msk [tilespmem:v1+s20+$0x500 ss:$0x1], $0xffff;
	v2 =	vmax.f32 v2, v53  }
0x199: {  	v59 =	vld.idx.msk [tilespmem:v1+s20+$0x580 ss:$0x1], $0xffff;
	v2 =	vmax.f32 v2, v54  }
0x19a: {  	v60 =	vld.idx.msk [tilespmem:v1+s20+$0x600 ss:$0x1], $0xffff;
	v2 =	vmax.f32 v2, v55  }
0x19b: {  	v61 =	vld.idx.msk [tilespmem:v1+s20+$0x680 ss:$0x1], $0xffff;
	v2 =	vmax.f32 v2, v56  }
0x19c: {  	v62 =	vld.idx.msk [tilespmem:v1+s20+$0x700 ss:$0x1], $0xffff;
	v2 =	vmax.f32 v2, v57  }
0x19d: {  	v63 =	vld.idx.msk [tilespmem:v1+s20+$0x780 ss:$0x1], $0xffff;
	s11 =	sadd.s32 $0x1, s11;
	v2 =	vmax.f32 v2, v58  }
0x19e: {  	p1 =	sne.s32 s11, $0x4;
	v2 =	vmax.f32 v2, v59  }
.Ltmp9:
0x19f: {  	v2 =	vmax.f32 v2, v60;
	(pc) =	sbr.rel @p1 .LBB2_15-.Ltmp9, $4  }
0x1a0: {  	v2 =	vmax.f32 v2, v61  }
0x1a1: {  	v2 =	vmax.f32 v2, v62  }
0x1a2: {  	v1 =	vmax.f32 v2, v63  }
0x1a3: {  	s29 =	sadd.s32 $0x80, s29;
	s17 =	sadd.s32 $0x1000, s17;
	[tilespmem:v0+s20+$0x0 ss:$0x1] =	vst.idx.msk $0xffff, v1  }
0x1a4: {  	s11 =	sadd.s32 s4, s12  }
0x1a5: {  	s11 =	sshll.u32 s11, $0xB  }
0x1a6: {  	s7 =	sadd.s32 s8, s7;
	s11 =	sand.u32 $0x1FFFF800, s11  }
0x1a7: {  	s7 =	sshrl.u32 s7, $0x3;
	s11 =	sadd.s32 s5, s11  }
0x1a8: {  	[hbm4b:s11+s2] =	stream.linear.scatter [tilespmem:s21], [sflag:$0x8], $0x4000, $0x38;
	[tilespmem:$0x13000] =	vst v63  }
0x1a9: {  	s7 =	sadd.s32 s6, s7  }
0x1aa: {  	[hbm4b:s7+s2] =	stream.linear.scatter [tilespmem:s26], [sflag:$0x8], $0x200, $0x38;
	[tilespmem:$0x13000] =	vst v63  }
0x1ab: {  	_ =	swait.ge [sflag:s28], $0x4000  }
.Ltmp10:
0x1ac: {  	[sflag:s28] =	ssyncset.done $0x0;
	(pc) =	sbr.rel @p0 .LBB2_20-.Ltmp10, $4  }
0x1ad: {  	[sflag:s28] =	ssyncadd.s32 $0xFFFFC000  }
0x1ae: {  	_ =	swait.ge [sflag:s28], $0x200  }
0x1af: {  	[sflag:s28] =	ssyncset.done $0x0  }
0x1b0: {  	[sflag:s28] =	ssyncadd.s32 $0xFFFFFE00  }
.Ltmp11:
0x1b1: {  	(pc) =	sbr.rel .LBB2_2-.Ltmp11, $4  }
0x1b2: {  	_ = 	snop  }
0x1b3: {  	s0 =	sshrl.u32 s0, $0x2  }
0x1b4: {  	s1 =	sadd.s32 $0x1, s1;
	s0 =	sadd.s32 $0x280, s0  }
0x1b5: {  	[tilespmem:s15], [sflag:$0x2] =	stream.indirect.gather [hbm4b:s3+s13], $0x80, s0, s13, $0xb8;
	[tilespmem:$0x13000] =	vst v63  }
.LBB2_21:
0x1b6: {  	_ =	sfence.sel $0x180000  }
0x1b7: {  	[bflag:$0x0] =	sbarrier.arrive $0xFFFF  }
0x1b8: {  	_ =	strace $0x9000004A  }
0x1b9: {  	s0 =	stileid.u32;
	[bflag:$0x2] =	sbarrier.arrive $0xFFFF  }
0x1ba: {  	p0 =	sne.s32 s0, $0x0;
	s0 =	rddreg [dreg:$0x1]  }
0x1bb: {  	s0 =	sadd.s32 @!p0 $0x100000, s0  }
0x1bc: {  	[sflag:s0] =	ssyncadd.tile.s32 @!p0 $0x1;
	_ =	shalt  }
.Lfunc_end2:
_tile_overlayer_lowered:
.L_overlay_start_2:
0x1bd: {  	(tag) =	ssettag $0x2  }
0x1be: {  	s0 =	rddreg [dreg:$0x0];
	s2 =	stileid.u32  }
0x1bf: {  	s1 =	rddreg [dreg:$0x1];
	p0 =	sne.s32 s2, $0x0  }
0x1c0: {  	s3 =	rddreg [dreg:$0x2];
	[bflag:$0x3] =	sbarrier.arrive $0xFFFF;
	s2 =	simm.s32 @!p0 $0x1C09  }
0x1c1: {  	[timem:s3], [sflag:s2] =	dma.local @!p0 [hbm:s0], s1  }
0x1c2: {  	s0 =	simm.s32 @!p0 $0x9  }
0x1c3: {  	_ =	swait.ge @!p0 [sflag:s0], s1  }
0x1c4: {  	s1 =	ssub.s32 @!p0 $0x0, s1;
	[sflag:s0] =	ssyncset.done @!p0 $0x0  }
0x1c5: {  	[sflag:s0] =	ssyncadd.s32 @!p0 s1  }
0x1c6: {  	[bflag:$0x3] =	sbarrier.arrive $0xFFFF  }
0x1c7: {  	_ =	shalt  }

// kernel: kernel.15.cloned.1.call-start
scs
__scs_entry_jumppad:
0x0: {  	(pc) =	sbr.rel $0x88, $3  }
0x1: {  	(tag) =	ssettag $0x0;
	lr =	simm.s32 $0x1  }
0x2: {  	[smem:$0x3F98] =	sst lr;
	_ =	strace $0xD0000000  }
0x3: {  	_ = 	snop  }
0x4: {  	_ = 	snop  }
0x5: {  	_ = 	snop  }
0x6: {  	_ = 	snop  }
0x7: {  	_ = 	snop  }
__scs_overlays_trampoline_lowered:
0x8: {  	[smem:$0x3FA7] =	sst s0  }
0x9: {  	[smem:$0x3FA8] =	sst s1  }
0xa: {  	[smem:$0x3FA9] =	sst s2  }
0xb: {  	[smem:$0x3FAA] =	sst s3  }
0xc: {  	[smem:$0x3FAB] =	sst s4  }
0xd: {  	[smem:$0x3FAC] =	sst s5  }
0xe: {  	[smem:$0x3FAD] =	sst s6  }
0xf: {  	[smem:$0x3FAE] =	sst s7  }
0x10: {  	[smem:$0x3FAF] =	sst s8  }
0x11: {  	[smem:$0x3FB0] =	sst s9;
	s0 =	simm.s32 @!p0 $0x0  }
0x12: {  	s1 =	sld [smem:$0x3F96];
	s0 =	simm.s32 @p0 $0x1  }
0x13: {  	[smem:$0x3FB1] =	sst s0;
	s0 =	simm.s32 @!p1 $0x0  }
0x14: {  	s2 =	sld [smem:$0x3F95];
	s0 =	simm.s32 @p1 $0x1  }
0x15: {  	[smem:$0x3FB2] =	sst s0;
	s0 =	simm.s32 @!p2 $0x0  }
0x16: {  	s3 =	sld [smem:$0x3FDB];
	s0 =	simm.s32 @p2 $0x1  }
0x17: {  	s4 =	simm.s32 $0x1BF5;
	[smem:$0x3FB4] =	sst s0  }
0x18: {  	s0 =	sld [smem:$0x3F97];
	_ =	swait.ge [sflag:s4], $0x0  }
0x19: {  	s7 =	sld [smem:$0x3F98]  }
0x1a: {  	s8 =	sadd.s32 $0xFFFFE003, lr  }
0x1b: {  	s9 =	sadd.s32 $0xFFFFFEF7, lr;
	s5 =	simm.s32 $0xFFFFFFFF;
	p2 =	slt.u32 s8, $0xFFFFF086  }
0x1c: {  	p1 =	slt.u32 s9, $0xF7A;
	s5 =	simm.s32 @!p2 $0x0  }
0x1d: {  	s5 =	simm.s32 @p1 $0x1;
	p0 =	seq.s32 s7, s2  }
0x1e: {  	s7 =	smul.u32 @!p0 $0xF7A, s2;
	p2 =	seq.s32 @!p0 s5, $0x0  }
0x1f: {  	s9 =	smul.u32 $0xF7A, s1;
	s8 =	simm.s32 @!p0 $0x1BF5;
	p2 =	por !p2, p0  }
0x20: {  	[sflag:s8] =	ssyncset.s32 @!p0 $0xFFFFF086;
	s6 =	sadd.s32 @!p0 s3, s7;
	s7 =	simm.s32 @!p0 $0x108  }
0x21: {  	s3 =	sadd.s32 s3, s9;
	s6 =	sadd.s32 @!p0 $0x88, s6;
	s7 =	simm.s32 @p2 $0x1082  }
0x22: {  	[simem:s7], [sflag:s8] =	dma.local @!p0 [hbm:s6], $0xF7A  }
0x23: {  	s9 =	sor.u32 $0xD0000000, s2;
	s6 =	simm.s32 $0x108;
	_ =	swait.ge @!p0 [sflag:s8], $0x0  }
0x24: {  	s3 =	sadd.s32 $0x88, s3;
	s6 =	simm.s32 @!p1 $0x1082;
	[sflag:s4] =	ssyncset.s32 $0xFFFFF086  }
0x25: {  	[simem:s6], [sflag:s4] =	dma.local [hbm:s3], $0xF7A  }
0x26: {  	[smem:$0x3F98] =	sst s1;
	(tag) =	ssettag s2;
	_ =	strace s9  }
0x27: {  	s1 =	sld [smem:$0x3FA8]  }
0x28: {  	s2 =	sld [smem:$0x3FA9]  }
0x29: {  	s4 =	sld [smem:$0x3FAB]  }
0x2a: {  	p0 =	seq.s32 s5, $0x0;
	s5 =	sld [smem:$0x3FAC]  }
0x2b: {  	s6 =	sld [smem:$0x3FAD]  }
0x2c: {  	s7 =	sld [smem:$0x3FAE]  }
0x2d: {  	s3 =	simm.s32 $0x108;
	s8 =	sld [smem:$0x3FAF]  }
0x2e: {  	s3 =	simm.s32 @!p0 $0x1082;
	s9 =	sld [smem:$0x3FB0]  }
0x2f: {  	lr =	sadd.s32 s0, s3;
	s0 =	sld [smem:$0x3FA7]  }
0x30: {  	s3 =	sld [smem:$0x3FAA]  }
0x31: {  	[smem:$0x3FB3] =	sst s10  }
0x32: {  	s10 =	sld [smem:$0x3FB1];
	_ =	sdelay $0x3  }
0x33: {  	p0 =	seq.s32 s10, $0x1;
	s10 =	sld [smem:$0x3FB3];
	_ =	sdelay $0x3  }
0x34: {  	[smem:$0x3FB3] =	sst s10  }
0x35: {  	s10 =	sld [smem:$0x3FB2];
	_ =	sdelay $0x3  }
0x36: {  	p1 =	seq.s32 s10, $0x1;
	s10 =	sld [smem:$0x3FB3];
	_ =	sdelay $0x3  }
0x37: {  	[smem:$0x3FB3] =	sst s10  }
0x38: {  	s10 =	sld [smem:$0x3FB4]  }
0x39: {  	_ = 	snop;
	(pc) =	sbr.ind lr, $3  }
0x3a: {  	_ = 	snop  }
0x3b: {  	_ = 	snop  }
0x3c: {  	p2 =	seq.s32 s10, $0x1;
	s10 =	sld [smem:$0x3FB3]  }
0x3d: {  	_ =	shalt  }
0x3e: {  	_ =	shalt  }
0x3f: {  	_ =	shalt  }
0x40: {  	_ =	shalt  }
0x41: {  	_ =	shalt  }
0x42: {  	_ =	shalt  }
0x43: {  	_ =	shalt  }
0x44: {  	_ =	shalt  }
0x45: {  	_ =	shalt  }
0x46: {  	_ =	shalt  }
0x47: {  	_ =	shalt  }
0x48: {  	_ =	shalt  }
0x49: {  	_ =	shalt  }
0x4a: {  	_ =	shalt  }
0x4b: {  	_ =	shalt  }
0x4c: {  	_ =	shalt  }
0x4d: {  	_ =	shalt  }
0x4e: {  	_ =	shalt  }
0x4f: {  	_ =	shalt  }
0x50: {  	_ =	shalt  }
0x51: {  	_ =	shalt  }
0x52: {  	_ =	shalt  }
0x53: {  	_ =	shalt  }
0x54: {  	_ =	shalt  }
0x55: {  	_ =	shalt  }
0x56: {  	_ =	shalt  }
0x57: {  	_ =	shalt  }
0x58: {  	_ =	shalt  }
0x59: {  	_ =	shalt  }
0x5a: {  	_ =	shalt  }
0x5b: {  	_ =	shalt  }
0x5c: {  	_ =	shalt  }
0x5d: {  	_ =	shalt  }
0x5e: {  	_ =	shalt  }
0x5f: {  	_ =	shalt  }
0x60: {  	_ =	shalt  }
0x61: {  	_ =	shalt  }
0x62: {  	_ =	shalt  }
0x63: {  	_ =	shalt  }
0x64: {  	_ =	shalt  }
0x65: {  	_ =	shalt  }
0x66: {  	_ =	shalt  }
0x67: {  	_ =	shalt  }
0x68: {  	_ =	shalt  }
0x69: {  	_ =	shalt  }
0x6a: {  	_ =	shalt  }
0x6b: {  	_ =	shalt  }
0x6c: {  	_ =	shalt  }
0x6d: {  	_ =	shalt  }
0x6e: {  	_ =	shalt  }
0x6f: {  	_ =	shalt  }
0x70: {  	_ =	shalt  }
0x71: {  	_ =	shalt  }
0x72: {  	_ =	shalt  }
0x73: {  	_ =	shalt  }
0x74: {  	_ =	shalt  }
0x75: {  	_ =	shalt  }
0x76: {  	_ =	shalt  }
0x77: {  	_ =	shalt  }
0x78: {  	_ =	shalt  }
0x79: {  	_ =	shalt  }
0x7a: {  	_ =	shalt  }
0x7b: {  	_ =	shalt  }
0x7c: {  	_ =	shalt  }
0x7d: {  	_ =	shalt  }
0x7e: {  	_ =	shalt  }
0x7f: {  	_ =	shalt  }
0x80: {  	_ =	shalt  }
0x81: {  	_ =	shalt  }
0x82: {  	_ =	shalt  }
0x83: {  	_ =	shalt  }
0x84: {  	_ =	shalt  }
0x85: {  	_ =	shalt  }
0x86: {  	_ =	shalt  }
0x87: {  	_ =	shalt  }
.Lfunc_end0:
.L_simem_size_0:
called_computation.2_lowered:
.L_overlay_start_0:
0x88: {  	s2 =	sld [smem:$0x3FD9]  }
0x89: {  	s3 =	sld [smem:$0x3FFE];
	_ =	sdelay $0x1  }
0x8a: {  	s1 =	srdreg.scid  }
0x8b: {  	s0 =	sand.u32 $0x1, s1  }
0x8c: {  	s16 =	sshll.u32 s0, $0xA;
	s2 =	sadd.s32 s3, s2  }
0x8d: {  	s2 =	sadd.s32 s2, s16  }
0x8e: {  	[smem:$0x3FBF] =	sst s2  }
0x8f: {  	_ = 	snop  }
0x90: {  	(tm) =	ssettm $0x1  }
0x91: {  	s17 =	sld [smem:$0x3FFB];
	_ =	sdelay $0x3  }
0x92: {  	_ =	strace s17  }
0x93: {  	s2 =	sld [smem:$0x3FFC];
	_ =	sdelay $0x3  }
0x94: {  	_ =	strace s2  }
0x95: {  	s2 =	sld [smem:$0x3FFD];
	_ =	sdelay $0x3  }
0x96: {  	_ =	strace s2  }
0x97: {  	_ =	strace $0x8FFFFFFF  }
0x98: {  	s18 =	sld [smem:$0x3FDB];
	_ =	sdelay $0x1  }
0x99: {  	s19 =	simm.s32 $_scs_section_size  }
0x9a: {  	s4 =	simm.s32 $_size__tile_overlayer_lowered;
	s5 =	simm.s32 $_tile_overlayer_lowered  }
0x9b: {  	s22 =	simm.s32 $0x1BFF;
	s21 =	sshll.u32 s5, $0x1;
	s2 =	sadd.s32 s19, s18  }
0x9c: {  	s6 =	simm.s32 $0x0;
	s20 =	sshll.u32 s4, $0x1;
	s4 =	sadd.s32 s21, s2  }
0x9d: {  	[timem:s6], [sflag:s22] =	dma.local [hbm:s4], s20  }
0x9e: {  	_ =	swait.ge [sflag:s22], s20  }
0x9f: {  	s3 =	ssub.s32 $0x0, s20;
	[sflag:s22] =	ssyncset.done $0x0  }
0xa0: {  	[sflag:s22] =	ssyncadd.s32 s3;
	_ =	sdelay $0x1  }
0xa1: {  	s23 =	simm.s32 $0x1B8B  }
0xa2: {  	_ =	swait.ge [sflag:s23], $0x1  }
0xa3: {  	[sflag:s23] =	ssyncset.done $0x0  }
0xa4: {  	s25 =	simm.s32 $0x1B8E;
	s24 =	sld [smem:$0x3FFE];
	[sflag:s23] =	ssyncadd.s32 $0xFFFFFFFF  }
0xa5: {  	s26 =	simm.s32 $execute0_lowered;
	[smem:$0x3FD2] =	sst s25  }
0xa6: {  	s4 =	sshll.u32 s26, $0x1;
	_ =	strace $0x8000004C;
	[dreg:$0x1] =	wrdreg $0xFFFFFFFF  }
0xa7: {  	s28 =	simm.s32 $_size_execute0_lowered;
	s2 =	sadd.s32 s2, s4;
	[dreg:$0x0] =	wrdreg $0x0  }
0xa8: {  	s4 =	sshll.u32 s28, $0x1;
	[dreg:$0x2] =	wrdreg s2  }
0xa9: {  	[dreg:$0x3] =	wrdreg s4  }
0xaa: {  	[dreg:$0x4] =	wrdreg $0xC0  }
0xab: {  	_ =	task [dreg:s6], $0x5FFFF  }
0xac: {  	[dreg:$0x1] =	wrdreg $0xFFFFFFFF  }
0xad: {  	[dreg:$0x0] =	wrdreg $0x60  }
0xae: {  	[dreg:$0x2] =	wrdreg s24  }
0xaf: {  	[dreg:$0x3] =	wrdreg $0x9  }
0xb0: {  	_ =	task.clear_ibuf [dreg:s6], $0x4FFFF;
	_ =	strace $0x9000004C  }
0xb1: {  	s29 =	simm.s32 $0x9;
	_ =	strace $0x8000004E  }
0xb2: {  	_ =	swait.ge [sflag:s29], $0x1  }
0xb3: {  	[sflag:s29] =	ssyncadd.s32 $0xFFFFFFFF  }
0xb4: {  	_ =	strace $0x9000004E  }
0xb5: {  	_ =	sfence  }
0xb6: {  	s30 =	sld [smem:$0x0];
	_ =	sdelay $0x2  }
0xb7: {  	s31 =	sshll.u32 s1, $0xD;
	s1 =	sshrl.u32 s1, $0x2  }
0xb8: {  	s3 =	sand.u32 $0x4000, s31;
	s1 =	sadd.s32 s1, s30  }
0xb9: {  	s0 =	sor.u32 s3, s0;
	s1 =	sshll.u32 s1, $0x11  }
0xba: {  	s0 =	sor.u32 s1, s0  }
0xbb: {  	s0 =	sadd.s32 $0x8F2B, s0  }
0xbc: {  	[sflag:s0] =	ssyncadd.remote.s32 $0x1  }
0xbd: {  	_ =	sfence.sel $0xFFFF  }
0xbe: {  	[dreg:$0x0] =	wrdreg $0xFFFFFFFF;
	(pc) =	sbr.abs _section_cstart, $3  }
0xbf: {  	[dreg:$0x1] =	wrdreg $0xFFFFFFFF  }
0xc0: {  	_ =	task.clear_ibuf [dreg:s6], $0x2FFFF;
	_ =	strace $0x9FFFFFFF  }
0xc1: {  	(tm) =	ssettm $0x7FFFFFFF  }
tec
execute0_lowered:
.L_overlay_start_1:
0x0: {  	(tag) =	ssettag $0x1  }
0x1: {  	s1 =	srdreg.scid  }
0x2: {  	s0 =	stileid.u32;
	s4 =	rddreg [dreg:$0x0]  }
0x3: {  	s2 =	simm.s32 $0x0;
	s12 =	simm.s32 $0x6800;
	s13 =	simm.s32 $0x1  }
0x4: {  	s14 =	simm.s32 $0xA800;
	s15 =	simm.s32 $0x2;
	s16 =	simm.s32 $0xE800  }
0x5: {  	s17 =	simm.s32 $0x3;
	s18 =	simm.s32 $0x5;
	s19 =	simm.s32 $0x4  }
0x6: {  	s20 =	simm.s32 $0x6;
	s21 =	simm.s32 $0x7;
	s22 =	simm.s32 $0x8  }
0x7: {  	s23 =	simm.s32 $0x0;
	s5 =	sand.u32 $0x1, s1;
	s7 =	smul.u32 $0xA0, s0  }
0x8: {  	s3 =	sshll.u32 s0, $0x1;
	[smem:$0x7FF] =	sst s2;
	s29 =	smul.u32 $0x50000, s0  }
0x9: {  	s10 =	sadd.s32 $0xA21400, s4;
	s3 =	sor.u32 s5, s3;
	s9 =	smul.u32 $0x50, s5  }
0xa: {  	_ =	strace $0x8000004D;
	s8 =	ssub.s32 $0x2, s5;
	s11 =	smul.u32 $0x28000, s5  }
0xb: {  	s6 =	smul.u32 $0x500, s3;
	s3 =	sadd.s32 $0x17400, s4;
	s28 =	sshrl.u32 s8, $0x1  }
.Ltmp0:
0xc: {  	s31 =	sadd.s32 s29, s10;
	s8 =	ssub.s32 s8, s28;
	(pc) =	sbr.rel .LBB2_1-.Ltmp0, $4  }
0xd: {  	s7 =	sadd.s32 s9, s7;
	s9 =	simm.s32 $0x9;
	s6 =	sadd.s32 s6, s4  }
0xe: {  	s30 =	sshll.u32 s7, $0xB;
	s5 =	smax.u32 s8, $0x1;
	s8 =	sadd.s32 s11, s31  }
0xf: {  	s11 =	simm.s32 $0x2800;
	s4 =	sadd.s32 $0x517400, s6;
	s7 =	sadd.s32 s30, s10  }
0x10: {  	s10 =	simm.s32 $0x80;
	s6 =	sadd.s32 $0x1800, s7;
	s7 =	sadd.s32 $0x1000, s7  }
.LBB2_4:
0x11: {  	s23 =	sadd.s32 $0x1, s23  }
0x12: {  	_ =	swait.ge [sflag:s21], $0x4000;
	p0 =	sne.s32 s23, s5  }
.Ltmp1:
0x13: {  	[sflag:s21] =	ssyncset.done $0x0;
	(pc) =	sbr.rel @!p0 .LBB2_5-.Ltmp1, $4  }
0x14: {  	[sflag:s21] =	ssyncadd.s32 $0xFFFFC000  }
0x15: {  	_ =	swait.ge [sflag:s22], $0x4000  }
0x16: {  	[sflag:s22] =	ssyncset.done $0x0  }
0x17: {  	[sflag:s22] =	ssyncadd.s32 $0xFFFFC000  }
.LBB2_1:
0x18: {  	[tilespmem:s2], [sflag:$0x9] =	stream.linear.gather [hbm4b:s4+s2], $0x2800, $0x38;
	[tilespmem:$0x12800] =	vst v63  }
0x19: {  	_ =	swait.ge [sflag:s9], $0x2800  }
0x1a: {  	[sflag:s9] =	ssyncset.done $0x0  }
0x1b: {  	s24 =	smov.u32 s8;
	[sflag:s9] =	ssyncadd.s32 $0xFFFFD800  }
0x1c: {  	[tilespmem:s11], [sflag:$0x1] =	stream.indirect.gather [hbm4b:s3+s10], $0x80, s2, s10, $0xb8;
	[tilespmem:$0x12800] =	vst v63  }
0x1d: {  	s25 =	smov.u32 s7;
	s26 =	smov.u32 s6;
	s28 =	simm.s32 $0x0  }
0x1e: {  	[tilespmem:s12], [sflag:$0x2] =	stream.indirect.gather [hbm4b:s3+s10], $0x80, s10, s10, $0xb8;
	[tilespmem:$0x12800] =	vst v63  }
.LBB2_2:
0x1f: {  	_ =	swait.ge [sflag:s13], $0x4000  }
0x20: {  	p0 =	seq.s32 s28, $0x0;
	[sflag:s13] =	ssyncset.done $0x0  }
0x21: {  	s30 =	simm.s32 @!p0 $0x7;
	[sflag:s13] =	ssyncadd.s32 $0xFFFFC000  }
0x22: {  	[hbm4b:s24+s2] =	stream.linear.scatter [tilespmem:s11], [sflag:$0x5], $0x4000, $0x38;
	[tilespmem:$0x12800] =	vst v63  }
0x23: {  	_ =	swait.ge @!p0 [sflag:s30], $0x4000  }
0x24: {  	s29 =	sshra.s32 s28, $0x2;
	[sflag:s30] =	ssyncset.done @!p0 $0x0  }
0x25: {  	s31 =	sadd.s32 $0x100, s29;
	[sflag:s30] =	ssyncadd.s32 @!p0 $0xFFFFC000  }
0x26: {  	[tilespmem:s14], [sflag:$0x3] =	stream.indirect.gather [hbm4b:s3+s10], $0x80, s31, s10, $0xb8;
	[tilespmem:$0x12800] =	vst v63  }
0x27: {  	_ =	swait.ge [sflag:s15], $0x4000  }
0x28: {  	[sflag:s15] =	ssyncset.done $0x0  }
0x29: {  	s1 =	sadd.s32 $0xFFFFF000, s26;
	s30 =	simm.s32 @!p0 $0x8;
	[sflag:s15] =	ssyncadd.s32 $0xFFFFC000  }
0x2a: {  	[hbm4b:s1+s2] =	stream.linear.scatter [tilespmem:s12], [sflag:$0x6], $0x4000, $0x38;
	[tilespmem:$0x12800] =	vst v63  }
0x2b: {  	_ =	swait.ge @!p0 [sflag:s30], $0x4000  }
0x2c: {  	[sflag:s30] =	ssyncset.done @!p0 $0x0  }
0x2d: {  	s31 =	sadd.s32 $0x180, s29;
	[sflag:s30] =	ssyncadd.s32 @!p0 $0xFFFFC000  }
0x2e: {  	[tilespmem:s16], [sflag:$0x4] =	stream.indirect.gather [hbm4b:s3+s10], $0x80, s31, s10, $0xb8;
	[tilespmem:$0x12800] =	vst v63  }
0x2f: {  	_ =	swait.ge [sflag:s17], $0x4000  }
0x30: {  	[sflag:s17] =	ssyncset.done $0x0  }
0x31: {  	[sflag:s17] =	ssyncadd.s32 $0xFFFFC000  }
0x32: {  	[hbm4b:s25+s2] =	stream.linear.scatter [tilespmem:s14], [sflag:$0x7], $0x4000, $0x38;
	[tilespmem:$0x12800] =	vst v63  }
0x33: {  	p0 =	seq.s32 s28, $0x9800;
	_ =	swait.ge [sflag:s18], $0x4000  }
0x34: {  	s30 =	sshra.s32 @!p0 s28, $0x2;
	s31 =	simm.s32 @!p0 $0x80;
	[sflag:s18] =	ssyncset.done $0x0  }
0x35: {  	s1 =	simm.s32 @!p0 $0x2800;
	s30 =	sadd.s32 @!p0 $0x200, s30;
	[sflag:s18] =	ssyncadd.s32 $0xFFFFC000  }
0x36: {  	[tilespmem:s1], [sflag:$0x1] =	stream.indirect.gather @!p0 [hbm4b:s3+s31], $0x80, s30, s31, $0xb8;
	[tilespmem:$0x12800] =	vst v63  }
0x37: {  	_ =	swait.ge [sflag:s19], $0x4000  }
0x38: {  	[sflag:s19] =	ssyncset.done $0x0  }
.Ltmp2:
0x39: {  	[sflag:s19] =	ssyncadd.s32 $0xFFFFC000;
	(pc) =	sbr.rel @p0 .LBB2_4-.Ltmp2, $4  }
0x3a: {  	[hbm4b:s26+s2] =	stream.linear.scatter [tilespmem:s16], [sflag:$0x8], $0x4000, $0x38;
	[tilespmem:$0x12800] =	vst v63  }
0x3b: {  	_ =	swait.ge [sflag:s20], $0x4000  }
0x3c: {  	[sflag:s20] =	ssyncset.done $0x0  }
0x3d: {  	[sflag:s20] =	ssyncadd.s32 $0xFFFFC000  }
.Ltmp3:
0x3e: {  	(pc) =	sbr.rel .LBB2_2-.Ltmp3, $4  }
0x3f: {  	_ = 	snop  }
0x40: {  	s1 =	sadd.s32 $0x280, s29;
	s28 =	sadd.s32 $0x800, s28  }
0x41: {  	s26 =	sadd.s32 $0x2000, s26;
	s25 =	sadd.s32 $0x2000, s25;
	s24 =	sadd.s32 $0x2000, s24  }
0x42: {  	[tilespmem:s12], [sflag:$0x2] =	stream.indirect.gather [hbm4b:s3+s10], $0x80, s1, s10, $0xb8;
	[tilespmem:$0x12800] =	vst v63  }
.LBB2_5:
0x43: {  	_ =	sfence.sel $0x180000  }
0x44: {  	[bflag:$0x0] =	sbarrier.arrive $0xFFFF  }
0x45: {  	_ =	strace $0x9000004D  }
0x46: {  	[bflag:$0x2] =	sbarrier.arrive $0xFFFF  }
0x47: {  	p0 =	sne.s32 s0, $0x0;
	s0 =	rddreg [dreg:$0x1]  }
0x48: {  	s0 =	sadd.s32 @!p0 $0x100000, s0  }
0x49: {  	[sflag:s0] =	ssyncadd.tile.s32 @!p0 $0x1;
	_ =	shalt  }
.Lfunc_end2:
_tile_overlayer_lowered:
.L_overlay_start_2:
0x4a: {  	(tag) =	ssettag $0x2  }
0x4b: {  	s0 =	rddreg [dreg:$0x0];
	s2 =	stileid.u32  }
0x4c: {  	s1 =	rddreg [dreg:$0x1];
	p0 =	sne.s32 s2, $0x0  }
0x4d: {  	s3 =	rddreg [dreg:$0x2];
	[bflag:$0x3] =	sbarrier.arrive $0xFFFF;
	s2 =	simm.s32 @!p0 $0x1C09  }
0x4e: {  	[timem:s3], [sflag:s2] =	dma.local @!p0 [hbm:s0], s1  }
0x4f: {  	s0 =	simm.s32 @!p0 $0x9  }
0x50: {  	_ =	swait.ge @!p0 [sflag:s0], s1  }
0x51: {  	s1 =	ssub.s32 @!p0 $0x0, s1;
	[sflag:s0] =	ssyncset.done @!p0 $0x0  }
0x52: {  	[sflag:s0] =	ssyncadd.s32 @!p0 s1  }
0x53: {  	[bflag:$0x3] =	sbarrier.arrive $0xFFFF  }
0x54: {  	_ =	shalt  }

// kernel: kernel.18.cloned.1.call-start
scs
__scs_entry_jumppad:
0x0: {  	(pc) =	sbr.rel $0x88, $3  }
0x1: {  	(tag) =	ssettag $0x0;
	lr =	simm.s32 $0x1  }
0x2: {  	[smem:$0x3F98] =	sst lr;
	_ =	strace $0xD0000000  }
0x3: {  	_ = 	snop  }
0x4: {  	_ = 	snop  }
0x5: {  	_ = 	snop  }
0x6: {  	_ = 	snop  }
0x7: {  	_ = 	snop  }
__scs_overlays_trampoline_lowered:
0x8: {  	[smem:$0x3FA7] =	sst s0  }
0x9: {  	[smem:$0x3FA8] =	sst s1  }
0xa: {  	[smem:$0x3FA9] =	sst s2  }
0xb: {  	[smem:$0x3FAA] =	sst s3  }
0xc: {  	[smem:$0x3FAB] =	sst s4  }
0xd: {  	[smem:$0x3FAC] =	sst s5  }
0xe: {  	[smem:$0x3FAD] =	sst s6  }
0xf: {  	[smem:$0x3FAE] =	sst s7  }
0x10: {  	[smem:$0x3FAF] =	sst s8  }
0x11: {  	[smem:$0x3FB0] =	sst s9;
	s0 =	simm.s32 @!p0 $0x0  }
0x12: {  	s1 =	sld [smem:$0x3F96];
	s0 =	simm.s32 @p0 $0x1  }
0x13: {  	[smem:$0x3FB1] =	sst s0;
	s0 =	simm.s32 @!p1 $0x0  }
0x14: {  	s2 =	sld [smem:$0x3F95];
	s0 =	simm.s32 @p1 $0x1  }
0x15: {  	[smem:$0x3FB2] =	sst s0;
	s0 =	simm.s32 @!p2 $0x0  }
0x16: {  	s3 =	sld [smem:$0x3FDB];
	s0 =	simm.s32 @p2 $0x1  }
0x17: {  	s4 =	simm.s32 $0x1BF5;
	[smem:$0x3FB4] =	sst s0  }
0x18: {  	s0 =	sld [smem:$0x3F97];
	_ =	swait.ge [sflag:s4], $0x0  }
0x19: {  	s7 =	sld [smem:$0x3F98]  }
0x1a: {  	s8 =	sadd.s32 $0xFFFFE003, lr  }
0x1b: {  	s9 =	sadd.s32 $0xFFFFFEF7, lr;
	s5 =	simm.s32 $0xFFFFFFFF;
	p2 =	slt.u32 s8, $0xFFFFF086  }
0x1c: {  	p1 =	slt.u32 s9, $0xF7A;
	s5 =	simm.s32 @!p2 $0x0  }
0x1d: {  	s5 =	simm.s32 @p1 $0x1;
	p0 =	seq.s32 s7, s2  }
0x1e: {  	s7 =	smul.u32 @!p0 $0xF7A, s2;
	p2 =	seq.s32 @!p0 s5, $0x0  }
0x1f: {  	s9 =	smul.u32 $0xF7A, s1;
	s8 =	simm.s32 @!p0 $0x1BF5;
	p2 =	por !p2, p0  }
0x20: {  	[sflag:s8] =	ssyncset.s32 @!p0 $0xFFFFF086;
	s6 =	sadd.s32 @!p0 s3, s7;
	s7 =	simm.s32 @!p0 $0x108  }
0x21: {  	s3 =	sadd.s32 s3, s9;
	s6 =	sadd.s32 @!p0 $0x88, s6;
	s7 =	simm.s32 @p2 $0x1082  }
0x22: {  	[simem:s7], [sflag:s8] =	dma.local @!p0 [hbm:s6], $0xF7A  }
0x23: {  	s9 =	sor.u32 $0xD0000000, s2;
	s6 =	simm.s32 $0x108;
	_ =	swait.ge @!p0 [sflag:s8], $0x0  }
0x24: {  	s3 =	sadd.s32 $0x88, s3;
	s6 =	simm.s32 @!p1 $0x1082;
	[sflag:s4] =	ssyncset.s32 $0xFFFFF086  }
0x25: {  	[simem:s6], [sflag:s4] =	dma.local [hbm:s3], $0xF7A  }
0x26: {  	[smem:$0x3F98] =	sst s1;
	(tag) =	ssettag s2;
	_ =	strace s9  }
0x27: {  	s1 =	sld [smem:$0x3FA8]  }
0x28: {  	s2 =	sld [smem:$0x3FA9]  }
0x29: {  	s4 =	sld [smem:$0x3FAB]  }
0x2a: {  	p0 =	seq.s32 s5, $0x0;
	s5 =	sld [smem:$0x3FAC]  }
0x2b: {  	s6 =	sld [smem:$0x3FAD]  }
0x2c: {  	s7 =	sld [smem:$0x3FAE]  }
0x2d: {  	s3 =	simm.s32 $0x108;
	s8 =	sld [smem:$0x3FAF]  }
0x2e: {  	s3 =	simm.s32 @!p0 $0x1082;
	s9 =	sld [smem:$0x3FB0]  }
0x2f: {  	lr =	sadd.s32 s0, s3;
	s0 =	sld [smem:$0x3FA7]  }
0x30: {  	s3 =	sld [smem:$0x3FAA]  }
0x31: {  	[smem:$0x3FB3] =	sst s10  }
0x32: {  	s10 =	sld [smem:$0x3FB1];
	_ =	sdelay $0x3  }
0x33: {  	p0 =	seq.s32 s10, $0x1;
	s10 =	sld [smem:$0x3FB3];
	_ =	sdelay $0x3  }
0x34: {  	[smem:$0x3FB3] =	sst s10  }
0x35: {  	s10 =	sld [smem:$0x3FB2];
	_ =	sdelay $0x3  }
0x36: {  	p1 =	seq.s32 s10, $0x1;
	s10 =	sld [smem:$0x3FB3];
	_ =	sdelay $0x3  }
0x37: {  	[smem:$0x3FB3] =	sst s10  }
0x38: {  	s10 =	sld [smem:$0x3FB4]  }
0x39: {  	_ = 	snop;
	(pc) =	sbr.ind lr, $3  }
0x3a: {  	_ = 	snop  }
0x3b: {  	_ = 	snop  }
0x3c: {  	p2 =	seq.s32 s10, $0x1;
	s10 =	sld [smem:$0x3FB3]  }
0x3d: {  	_ =	shalt  }
0x3e: {  	_ =	shalt  }
0x3f: {  	_ =	shalt  }
0x40: {  	_ =	shalt  }
0x41: {  	_ =	shalt  }
0x42: {  	_ =	shalt  }
0x43: {  	_ =	shalt  }
0x44: {  	_ =	shalt  }
0x45: {  	_ =	shalt  }
0x46: {  	_ =	shalt  }
0x47: {  	_ =	shalt  }
0x48: {  	_ =	shalt  }
0x49: {  	_ =	shalt  }
0x4a: {  	_ =	shalt  }
0x4b: {  	_ =	shalt  }
0x4c: {  	_ =	shalt  }
0x4d: {  	_ =	shalt  }
0x4e: {  	_ =	shalt  }
0x4f: {  	_ =	shalt  }
0x50: {  	_ =	shalt  }
0x51: {  	_ =	shalt  }
0x52: {  	_ =	shalt  }
0x53: {  	_ =	shalt  }
0x54: {  	_ =	shalt  }
0x55: {  	_ =	shalt  }
0x56: {  	_ =	shalt  }
0x57: {  	_ =	shalt  }
0x58: {  	_ =	shalt  }
0x59: {  	_ =	shalt  }
0x5a: {  	_ =	shalt  }
0x5b: {  	_ =	shalt  }
0x5c: {  	_ =	shalt  }
0x5d: {  	_ =	shalt  }
0x5e: {  	_ =	shalt  }
0x5f: {  	_ =	shalt  }
0x60: {  	_ =	shalt  }
0x61: {  	_ =	shalt  }
0x62: {  	_ =	shalt  }
0x63: {  	_ =	shalt  }
0x64: {  	_ =	shalt  }
0x65: {  	_ =	shalt  }
0x66: {  	_ =	shalt  }
0x67: {  	_ =	shalt  }
0x68: {  	_ =	shalt  }
0x69: {  	_ =	shalt  }
0x6a: {  	_ =	shalt  }
0x6b: {  	_ =	shalt  }
0x6c: {  	_ =	shalt  }
0x6d: {  	_ =	shalt  }
0x6e: {  	_ =	shalt  }
0x6f: {  	_ =	shalt  }
0x70: {  	_ =	shalt  }
0x71: {  	_ =	shalt  }
0x72: {  	_ =	shalt  }
0x73: {  	_ =	shalt  }
0x74: {  	_ =	shalt  }
0x75: {  	_ =	shalt  }
0x76: {  	_ =	shalt  }
0x77: {  	_ =	shalt  }
0x78: {  	_ =	shalt  }
0x79: {  	_ =	shalt  }
0x7a: {  	_ =	shalt  }
0x7b: {  	_ =	shalt  }
0x7c: {  	_ =	shalt  }
0x7d: {  	_ =	shalt  }
0x7e: {  	_ =	shalt  }
0x7f: {  	_ =	shalt  }
0x80: {  	_ =	shalt  }
0x81: {  	_ =	shalt  }
0x82: {  	_ =	shalt  }
0x83: {  	_ =	shalt  }
0x84: {  	_ =	shalt  }
0x85: {  	_ =	shalt  }
0x86: {  	_ =	shalt  }
0x87: {  	_ =	shalt  }
.Lfunc_end0:
.L_simem_size_0:
called_computation.3_lowered:
.L_overlay_start_0:
0x88: {  	s2 =	sld [smem:$0x3FD9]  }
0x89: {  	s3 =	sld [smem:$0x3FFE];
	_ =	sdelay $0x1  }
0x8a: {  	s1 =	srdreg.scid  }
0x8b: {  	s0 =	sand.u32 $0x1, s1  }
0x8c: {  	s16 =	sshll.u32 s0, $0xA;
	s2 =	sadd.s32 s3, s2  }
0x8d: {  	s2 =	sadd.s32 s2, s16  }
0x8e: {  	[smem:$0x3FBF] =	sst s2  }
0x8f: {  	_ = 	snop  }
0x90: {  	(tm) =	ssettm $0x1  }
0x91: {  	s17 =	sld [smem:$0x3FFB];
	_ =	sdelay $0x3  }
0x92: {  	_ =	strace s17  }
0x93: {  	s2 =	sld [smem:$0x3FFC];
	_ =	sdelay $0x3  }
0x94: {  	_ =	strace s2  }
0x95: {  	s2 =	sld [smem:$0x3FFD];
	_ =	sdelay $0x3  }
0x96: {  	_ =	strace s2  }
0x97: {  	_ =	strace $0x8FFFFFFF  }
0x98: {  	s18 =	sld [smem:$0x3FDB];
	_ =	sdelay $0x1  }
0x99: {  	s19 =	simm.s32 $_scs_section_size  }
0x9a: {  	s4 =	simm.s32 $_size__tile_overlayer_lowered;
	s5 =	simm.s32 $_tile_overlayer_lowered  }
0x9b: {  	s22 =	simm.s32 $0x1BFF;
	s21 =	sshll.u32 s5, $0x1;
	s2 =	sadd.s32 s19, s18  }
0x9c: {  	s6 =	simm.s32 $0x0;
	s20 =	sshll.u32 s4, $0x1;
	s4 =	sadd.s32 s21, s2  }
0x9d: {  	[timem:s6], [sflag:s22] =	dma.local [hbm:s4], s20  }
0x9e: {  	_ =	swait.ge [sflag:s22], s20  }
0x9f: {  	s3 =	ssub.s32 $0x0, s20;
	[sflag:s22] =	ssyncset.done $0x0  }
0xa0: {  	[sflag:s22] =	ssyncadd.s32 s3;
	_ =	sdelay $0x1  }
0xa1: {  	s23 =	simm.s32 $0x1B8B  }
0xa2: {  	_ =	swait.ge [sflag:s23], $0x1  }
0xa3: {  	[sflag:s23] =	ssyncset.done $0x0  }
0xa4: {  	s25 =	simm.s32 $0x1B8E;
	s24 =	sld [smem:$0x3FFE];
	[sflag:s23] =	ssyncadd.s32 $0xFFFFFFFF  }
0xa5: {  	s26 =	simm.s32 $execute0_lowered;
	[smem:$0x3FD2] =	sst s25  }
0xa6: {  	s4 =	sshll.u32 s26, $0x1;
	_ =	strace $0x8000004F;
	[dreg:$0x1] =	wrdreg $0xFFFFFFFF  }
0xa7: {  	s28 =	simm.s32 $_size_execute0_lowered;
	s2 =	sadd.s32 s2, s4;
	[dreg:$0x0] =	wrdreg $0x0  }
0xa8: {  	s4 =	sshll.u32 s28, $0x1;
	[dreg:$0x2] =	wrdreg s2  }
0xa9: {  	[dreg:$0x3] =	wrdreg s4  }
0xaa: {  	[dreg:$0x4] =	wrdreg $0xC0  }
0xab: {  	_ =	task [dreg:s6], $0x5FFFF  }
0xac: {  	[dreg:$0x1] =	wrdreg $0xFFFFFFFF  }
0xad: {  	[dreg:$0x0] =	wrdreg $0x60  }
0xae: {  	[dreg:$0x2] =	wrdreg s24  }
0xaf: {  	[dreg:$0x3] =	wrdreg $0x9  }
0xb0: {  	_ =	task.clear_ibuf [dreg:s6], $0x4FFFF;
	_ =	strace $0x9000004F  }
0xb1: {  	s29 =	simm.s32 $0x9;
	_ =	strace $0x80000051  }
0xb2: {  	_ =	swait.ge [sflag:s29], $0x1  }
0xb3: {  	[sflag:s29] =	ssyncadd.s32 $0xFFFFFFFF  }
0xb4: {  	_ =	strace $0x90000051  }
0xb5: {  	_ =	sfence  }
0xb6: {  	s30 =	sld [smem:$0x0];
	_ =	sdelay $0x2  }
0xb7: {  	s31 =	sshll.u32 s1, $0xD;
	s1 =	sshrl.u32 s1, $0x2  }
0xb8: {  	s3 =	sand.u32 $0x4000, s31;
	s1 =	sadd.s32 s1, s30  }
0xb9: {  	s0 =	sor.u32 s3, s0;
	s1 =	sshll.u32 s1, $0x11  }
0xba: {  	s0 =	sor.u32 s1, s0  }
0xbb: {  	s0 =	sadd.s32 $0x8F2B, s0  }
0xbc: {  	[sflag:s0] =	ssyncadd.remote.s32 $0x1  }
0xbd: {  	_ =	sfence.sel $0xFFFF  }
0xbe: {  	[dreg:$0x0] =	wrdreg $0xFFFFFFFF;
	(pc) =	sbr.abs _section_cstart, $3  }
0xbf: {  	[dreg:$0x1] =	wrdreg $0xFFFFFFFF  }
0xc0: {  	_ =	task.clear_ibuf [dreg:s6], $0x2FFFF;
	_ =	strace $0x9FFFFFFF  }
0xc1: {  	(tm) =	ssettm $0x7FFFFFFF  }
tec
execute0_lowered:
.L_overlay_start_1:
0x0: {  	(tag) =	ssettag $0x1  }
0x1: {  	s0 =	srdreg.scid  }
0x2: {  	s2 =	stileid.u32;
	s1 =	rddreg [dreg:$0x0];
	s13 =	simm.s32 $0x5  }
0x3: {  	s15 =	simm.s32 $0x80;
	s16 =	simm.s32 $0xA800;
	s17 =	simm.s32 $0x6800  }
0x4: {  	s18 =	simm.s32 $0xE800;
	s19 =	simm.s32 $0x1;
	s20 =	simm.s32 $0x12800  }
0x5: {  	s21 =	simm.s32 $0x2;
	s0 =	sand.u32 $0x1, s0;
	s3 =	sshll.u32 s2, $0x1  }
0x6: {  	s22 =	simm.s32 $0x12A00;
	s23 =	simm.s32 $0x3;
	s10 =	sor.u32 s0, s3  }
0x7: {  	s24 =	simm.s32 $0x4;
	s25 =	simm.s32 $0x0;
	s4 =	smul.u32 $0x500, s10  }
0x8: {  	s2 =	simm.s32 $0x0;
	s5 =	sadd.s32 $0x549400, s1;
	s8 =	smul.u32 $0x28000, s10  }
0x9: {  	[smem:$0x7FF] =	sst s2;
	s0 =	ssub.s32 $0x2, s0;
	s31 =	smul.u32 $0x1400, s10  }
.Ltmp0:
0xa: {  	s3 =	sadd.s32 $0x3600, s1;
	s6 =	sshrl.u32 s0, $0x1;
	(pc) =	sbr.rel .LBB2_1-.Ltmp0, $4  }
0xb: {  	_ =	strace $0x80000050;
	s0 =	ssub.s32 s0, s6;
	s6 =	smul.u32 $0x50, s10  }
0xc: {  	s10 =	smul.u32 $0x28, s10;
	s7 =	sadd.s32 s4, s1;
	s4 =	sadd.s32 $0x521400, s1  }
0xd: {  	s8 =	sadd.s32 s3, s8;
	s1 =	sadd.s32 s31, s5;
	s11 =	smax.u32 s0, $0x1  }
0xe: {  	s7 =	sadd.s32 $0x517400, s7;
	s9 =	sadd.s32 $0x800, s8;
	s12 =	sadd.s32 $0x40, s1  }
.LBB2_12:
0xf: {  	s25 =	sadd.s32 $0x1, s25  }
0x10: {  	_ =	swait.ge [sflag:s23], $0x200;
	p0 =	sne.s32 s25, s11  }
.Ltmp1:
0x11: {  	[sflag:s23] =	ssyncset.done $0x0;
	(pc) =	sbr.rel @!p0 .LBB2_13-.Ltmp1, $4  }
0x12: {  	[sflag:s23] =	ssyncadd.s32 $0xFFFFFE00  }
0x13: {  	_ =	swait.ge [sflag:s24], $0x200  }
0x14: {  	[sflag:s24] =	ssyncset.done $0x0  }
0x15: {  	[sflag:s24] =	ssyncadd.s32 $0xFFFFFE00  }
.LBB2_1:
0x16: {  	[tilespmem:s2], [sflag:$0x5] =	stream.linear.gather [hbm4b:s7+s2], $0x2800, $0x38;
	[tilespmem:$0x12C00] =	vst v63  }
0x17: {  	_ =	swait.ge [sflag:s13], $0x2800  }
0x18: {  	[sflag:s13] =	ssyncset.done $0x0  }
0x19: {  	s0 =	simm.s32 $0x2800;
	[sflag:s13] =	ssyncadd.s32 $0xFFFFD800  }
0x1a: {  	[tilespmem:s0], [sflag:$0x1] =	stream.linear.gather [hbm4b:s8+s2], $0x4000, $0x38;
	[tilespmem:$0x12C00] =	vst v63  }
0x1b: {  	_ = 	snop  }
0x1c: {  	[tilespmem:s16], [sflag:$0x1] =	stream.indirect.gather [hbm4b:s4+s15], $0x80, s2, s15, $0xb8;
	[tilespmem:$0x12C00] =	vst v63  }
0x1d: {  	_ = 	snop  }
0x1e: {  	[tilespmem:s17], [sflag:$0x2] =	stream.linear.gather [hbm4b:s9+s2], $0x4000, $0x38;
	[tilespmem:$0x12C00] =	vst v63  }
0x1f: {  	s26 =	simm.s32 $0x0  }
0x20: {  	[tilespmem:s18], [sflag:$0x2] =	stream.indirect.gather [hbm4b:s4+s15], $0x80, s15, s15, $0xb8;
	[tilespmem:$0x12C00] =	vst v63  }
.LBB2_2:
0x21: {  	_ =	swait.ge [sflag:s19], $0x4000  }
0x22: {  	[sflag:s19] =	ssyncset.done $0x0  }
0x23: {  	[sflag:s19] =	ssyncadd.s32 $0xFFFFC000  }
0x24: {  	_ =	swait.ge [sflag:s19], $0x4000  }
0x25: {  	p0 =	seq.s32 s26, $0x0;
	[sflag:s19] =	ssyncset.done $0x0  }
0x26: {  	s0 =	simm.s32 @!p0 $0x3;
	[sflag:s19] =	ssyncadd.s32 $0xFFFFC000  }
0x27: {  	s28 =	sshll.u32 s26, $0x1;
	_ =	swait.ge @!p0 [sflag:s0], $0x200  }
0x28: {  	s29 =	simm.s32 $0x0;
	s30 =	simm.s32 $0x12800;
	[sflag:s0] =	ssyncset.done @!p0 $0x0  }
0x29: {  	s31 =	simm.s32 $0x3000;
	s1 =	simm.s32 $0xB000;
	[sflag:s0] =	ssyncadd.s32 @!p0 $0xFFFFFE00  }
.LBB2_3:
0x2a: {  	v1 =	vmov s1  }
0x2b: {  	v2 =	vmov s31;
	_ =	sdelay $0x2  }
0x2c: {  	s0 =	simm.s32 $0x0  }
0x2d: {  	v0 =	vmov s30;
	s14 =	simm.s32 $0x40;
	v3 =	vld.idx.msk [tilespmem:v1+s0+$0xFFFFF800 ss:$0x1], $0xffff  }
.LBB2_4:
0x2e: {  	p1 =	sne.s32 s14, $0x1C0;
	v4 =	vld.idx.msk [tilespmem:v2+s0+$0xFFFFF800 ss:$0x1], $0xffff  }
0x2f: {  	v5 =	vld.idx.msk [tilespmem:v2+s0+$0xFFFFF880 ss:$0x1], $0xffff  }
0x30: {  	v6 =	vld.idx.msk [tilespmem:v1+s0+$0xFFFFF880 ss:$0x1], $0xffff  }
0x31: {  	v7 =	vld.idx.msk [tilespmem:v2+s0+$0xFFFFF900 ss:$0x1], $0xffff  }
0x32: {  	v8 =	vld.idx.msk [tilespmem:v1+s0+$0xFFFFF900 ss:$0x1], $0xffff  }
0x33: {  	v9 =	vld.idx.msk [tilespmem:v2+s0+$0xFFFFF980 ss:$0x1], $0xffff  }
0x34: {  	v3 =	vmul.f32 v3, v4;
	v4 =	vld.idx.msk [tilespmem:v1+s0+$0xFFFFF980 ss:$0x1], $0xffff  }
0x35: {  	v10 =	vld.idx.msk [tilespmem:v2+s0+$0xFFFFFA00 ss:$0x1], $0xffff  }
0x36: {  	v3 =	vadd.f32 $0.0e+00, v3;
	v5 =	vmul.f32 v6, v5;
	v6 =	vld.idx.msk [tilespmem:v1+s0+$0xFFFFFA00 ss:$0x1], $0xffff  }
0x37: {  	v11 =	vld.idx.msk [tilespmem:v2+s0+$0xFFFFFA80 ss:$0x1], $0xffff  }
0x38: {  	v3 =	vadd.f32 v5, v3;
	v5 =	vmul.f32 v8, v7;
	v7 =	vld.idx.msk [tilespmem:v1+s0+$0xFFFFFA80 ss:$0x1], $0xffff  }
0x39: {  	v8 =	vld.idx.msk [tilespmem:v2+s0+$0xFFFFFB00 ss:$0x1], $0xffff  }
0x3a: {  	v3 =	vadd.f32 v5, v3;
	v4 =	vmul.f32 v4, v9;
	v5 =	vld.idx.msk [tilespmem:v1+s0+$0xFFFFFB00 ss:$0x1], $0xffff  }
0x3b: {  	v9 =	vld.idx.msk [tilespmem:v2+s0+$0xFFFFFB80 ss:$0x1], $0xffff  }
0x3c: {  	v3 =	vadd.f32 v4, v3;
	v4 =	vmul.f32 v6, v10;
	v6 =	vld.idx.msk [tilespmem:v1+s0+$0xFFFFFB80 ss:$0x1], $0xffff  }
0x3d: {  	v10 =	vld.idx.msk [tilespmem:v2+s0+$0xFFFFFC00 ss:$0x1], $0xffff  }
0x3e: {  	v3 =	vadd.f32 v4, v3;
	v4 =	vmul.f32 v7, v11;
	v7 =	vld.idx.msk [tilespmem:v1+s0+$0xFFFFFC00 ss:$0x1], $0xffff  }
0x3f: {  	v11 =	vld.idx.msk [tilespmem:v2+s0+$0xFFFFFC80 ss:$0x1], $0xffff  }
0x40: {  	v3 =	vadd.f32 v4, v3;
	v4 =	vmul.f32 v5, v8;
	v5 =	vld.idx.msk [tilespmem:v1+s0+$0xFFFFFC80 ss:$0x1], $0xffff  }
0x41: {  	v8 =	vld.idx.msk [tilespmem:v2+s0+$0xFFFFFD00 ss:$0x1], $0xffff  }
0x42: {  	v3 =	vadd.f32 v4, v3;
	v4 =	vmul.f32 v6, v9;
	v6 =	vld.idx.msk [tilespmem:v1+s0+$0xFFFFFD00 ss:$0x1], $0xffff  }
0x43: {  	v9 =	vld.idx.msk [tilespmem:v2+s0+$0xFFFFFD80 ss:$0x1], $0xffff  }
0x44: {  	v3 =	vadd.f32 v4, v3;
	v4 =	vmul.f32 v7, v10;
	v7 =	vld.idx.msk [tilespmem:v1+s0+$0xFFFFFD80 ss:$0x1], $0xffff  }
0x45: {  	v10 =	vld.idx.msk [tilespmem:v2+s0+$0xFFFFFE00 ss:$0x1], $0xffff  }
0x46: {  	v3 =	vadd.f32 v4, v3;
	v4 =	vmul.f32 v5, v11;
	v5 =	vld.idx.msk [tilespmem:v1+s0+$0xFFFFFE00 ss:$0x1], $0xffff  }
0x47: {  	v11 =	vld.idx.msk [tilespmem:v2+s0+$0xFFFFFE80 ss:$0x1], $0xffff  }
0x48: {  	v3 =	vadd.f32 v4, v3;
	v4 =	vmul.f32 v6, v8;
	v6 =	vld.idx.msk [tilespmem:v1+s0+$0xFFFFFE80 ss:$0x1], $0xffff  }
0x49: {  	v8 =	vld.idx.msk [tilespmem:v2+s0+$0xFFFFFF00 ss:$0x1], $0xffff  }
0x4a: {  	v3 =	vadd.f32 v4, v3;
	v4 =	vmul.f32 v7, v9;
	v7 =	vld.idx.msk [tilespmem:v1+s0+$0xFFFFFF00 ss:$0x1], $0xffff  }
0x4b: {  	v9 =	vld.idx.msk [tilespmem:v2+s0+$0xFFFFFF80 ss:$0x1], $0xffff  }
0x4c: {  	v3 =	vadd.f32 v4, v3;
	v4 =	vmul.f32 v5, v10;
	v5 =	vld.idx.msk [tilespmem:v1+s0+$0xFFFFFF80 ss:$0x1], $0xffff  }
0x4d: {  	v10 =	vld.idx.msk [tilespmem:v2+s0+$0x0 ss:$0x1], $0xffff  }
0x4e: {  	v3 =	vadd.f32 v4, v3;
	v4 =	vmul.f32 v6, v11;
	v6 =	vld.idx.msk [tilespmem:v1+s0+$0x0 ss:$0x1], $0xffff  }
0x4f: {  	v11 =	vld.idx.msk [tilespmem:v2+s0+$0x80 ss:$0x1], $0xffff  }
0x50: {  	v3 =	vadd.f32 v4, v3;
	v4 =	vmul.f32 v7, v8;
	v7 =	vld.idx.msk [tilespmem:v1+s0+$0x80 ss:$0x1], $0xffff  }
0x51: {  	v8 =	vld.idx.msk [tilespmem:v2+s0+$0x100 ss:$0x1], $0xffff  }
0x52: {  	v3 =	vadd.f32 v4, v3;
	v4 =	vmul.f32 v5, v9;
	v5 =	vld.idx.msk [tilespmem:v1+s0+$0x100 ss:$0x1], $0xffff  }
0x53: {  	v9 =	vld.idx.msk [tilespmem:v2+s0+$0x180 ss:$0x1], $0xffff  }
0x54: {  	v3 =	vadd.f32 v4, v3;
	v4 =	vmul.f32 v6, v10;
	v6 =	vld.idx.msk [tilespmem:v1+s0+$0x180 ss:$0x1], $0xffff  }
0x55: {  	v10 =	vld.idx.msk [tilespmem:v2+s0+$0x200 ss:$0x1], $0xffff  }
0x56: {  	v3 =	vadd.f32 v4, v3;
	v4 =	vmul.f32 v7, v11;
	v7 =	vld.idx.msk [tilespmem:v1+s0+$0x200 ss:$0x1], $0xffff  }
0x57: {  	v11 =	vld.idx.msk [tilespmem:v2+s0+$0x280 ss:$0x1], $0xffff  }
0x58: {  	v3 =	vadd.f32 v4, v3;
	v4 =	vmul.f32 v5, v8;
	v5 =	vld.idx.msk [tilespmem:v1+s0+$0x280 ss:$0x1], $0xffff  }
0x59: {  	v8 =	vld.idx.msk [tilespmem:v2+s0+$0x300 ss:$0x1], $0xffff  }
0x5a: {  	v3 =	vadd.f32 v4, v3;
	v4 =	vmul.f32 v6, v9;
	v6 =	vld.idx.msk [tilespmem:v1+s0+$0x300 ss:$0x1], $0xffff  }
0x5b: {  	v9 =	vld.idx.msk [tilespmem:v2+s0+$0x380 ss:$0x1], $0xffff  }
0x5c: {  	v3 =	vadd.f32 v4, v3;
	v4 =	vmul.f32 v7, v10;
	v7 =	vld.idx.msk [tilespmem:v1+s0+$0x380 ss:$0x1], $0xffff  }
0x5d: {  	v10 =	vld.idx.msk [tilespmem:v2+s0+$0x400 ss:$0x1], $0xffff  }
0x5e: {  	v3 =	vadd.f32 v4, v3;
	v4 =	vmul.f32 v5, v11;
	v5 =	vld.idx.msk [tilespmem:v1+s0+$0x400 ss:$0x1], $0xffff  }
0x5f: {  	v11 =	vld.idx.msk [tilespmem:v2+s0+$0x480 ss:$0x1], $0xffff  }
0x60: {  	v3 =	vadd.f32 v4, v3;
	v4 =	vmul.f32 v6, v8;
	v6 =	vld.idx.msk [tilespmem:v1+s0+$0x480 ss:$0x1], $0xffff  }
0x61: {  	v8 =	vld.idx.msk [tilespmem:v2+s0+$0x500 ss:$0x1], $0xffff  }
0x62: {  	v3 =	vadd.f32 v4, v3;
	v4 =	vmul.f32 v7, v9;
	v7 =	vld.idx.msk [tilespmem:v1+s0+$0x500 ss:$0x1], $0xffff  }
0x63: {  	v9 =	vld.idx.msk [tilespmem:v2+s0+$0x580 ss:$0x1], $0xffff  }
0x64: {  	v3 =	vadd.f32 v4, v3;
	v4 =	vmul.f32 v5, v10;
	v5 =	vld.idx.msk [tilespmem:v1+s0+$0x580 ss:$0x1], $0xffff  }
0x65: {  	v10 =	vld.idx.msk [tilespmem:v2+s0+$0x600 ss:$0x1], $0xffff  }
0x66: {  	v3 =	vadd.f32 v4, v3;
	v4 =	vmul.f32 v6, v11;
	v6 =	vld.idx.msk [tilespmem:v1+s0+$0x600 ss:$0x1], $0xffff  }
0x67: {  	v11 =	vld.idx.msk [tilespmem:v2+s0+$0x680 ss:$0x1], $0xffff  }
0x68: {  	v3 =	vadd.f32 v4, v3;
	v4 =	vmul.f32 v7, v8;
	v7 =	vld.idx.msk [tilespmem:v1+s0+$0x680 ss:$0x1], $0xffff  }
0x69: {  	v8 =	vld.idx.msk [tilespmem:v2+s0+$0x700 ss:$0x1], $0xffff  }
0x6a: {  	v3 =	vadd.f32 v4, v3;
	v4 =	vmul.f32 v5, v9;
	v5 =	vld.idx.msk [tilespmem:v1+s0+$0x700 ss:$0x1], $0xffff  }
0x6b: {  	v9 =	vld.idx.msk [tilespmem:v2+s0+$0x780 ss:$0x1], $0xffff  }
0x6c: {  	v3 =	vadd.f32 v4, v3;
	v4 =	vmul.f32 v6, v10;
	v6 =	vld.idx.msk [tilespmem:v1+s0+$0x780 ss:$0x1], $0xffff;
	_ =	sdelay $0x1  }
0x6d: {  	v3 =	vadd.f32 v4, v3;
	v4 =	vmul.f32 v7, v11;
	_ =	sdelay $0x1  }
0x6e: {  	v3 =	vadd.f32 v4, v3;
	v4 =	vmul.f32 v5, v8;
	_ =	sdelay $0x1  }
0x6f: {  	v3 =	vadd.f32 v4, v3;
	v4 =	vmul.f32 v6, v9  }
.Ltmp2:
0x70: {  	(pc) =	sbr.rel @p1 .LBB2_4-.Ltmp2, $3  }
0x71: {  	v3 =	vadd.f32 v4, v3;
	_ =	sdelay $0x1  }
0x72: {  	[tilespmem:v0+s0+$0x0 ss:$0x1] =	vst.idx.msk $0xffff, v3;
	s0 =	sshra.s32 s14, $0x2  }
0x73: {  	s14 =	sadd.s32 $0x40, s14;
	v3 =	vld.idx.msk [tilespmem:v1+s0+$0xFFFFF800 ss:$0x1], $0xffff  }
0x74: {  	_ =	sdelay $0x3  }
0x75: {  	v4 =	vld.idx.msk [tilespmem:v2+s0+$0xFFFFF800 ss:$0x1], $0xffff  }
0x76: {  	v5 =	vld.idx.msk [tilespmem:v2+s0+$0xFFFFF880 ss:$0x1], $0xffff  }
0x77: {  	v6 =	vld.idx.msk [tilespmem:v1+s0+$0xFFFFF880 ss:$0x1], $0xffff  }
0x78: {  	v7 =	vld.idx.msk [tilespmem:v2+s0+$0xFFFFF900 ss:$0x1], $0xffff  }
0x79: {  	v8 =	vld.idx.msk [tilespmem:v1+s0+$0xFFFFF900 ss:$0x1], $0xffff  }
0x7a: {  	v9 =	vld.idx.msk [tilespmem:v2+s0+$0xFFFFF980 ss:$0x1], $0xffff;
	v3 =	vmul.f32 v3, v4  }
0x7b: {  	v33 =	vld.idx.msk [tilespmem:v1+s0+$0xFFFFF980 ss:$0x1], $0xffff  }
0x7c: {  	v10 =	vld.idx.msk [tilespmem:v2+s0+$0xFFFFFA00 ss:$0x1], $0xffff;
	v5 =	vmul.f32 v6, v5;
	v3 =	vadd.f32 $0.0e+00, v3  }
0x7d: {  	v34 =	vld.idx.msk [tilespmem:v1+s0+$0xFFFFFA00 ss:$0x1], $0xffff  }
0x7e: {  	v11 =	vld.idx.msk [tilespmem:v2+s0+$0xFFFFFA80 ss:$0x1], $0xffff;
	v35 =	vmul.f32 v8, v7;
	v3 =	vadd.f32 v5, v3  }
0x7f: {  	v36 =	vld.idx.msk [tilespmem:v1+s0+$0xFFFFFA80 ss:$0x1], $0xffff  }
0x80: {  	v37 =	vld.idx.msk [tilespmem:v2+s0+$0xFFFFFB00 ss:$0x1], $0xffff;
	v4 =	vmul.f32 v33, v9;
	v3 =	vadd.f32 v35, v3  }
0x81: {  	v38 =	vld.idx.msk [tilespmem:v1+s0+$0xFFFFFB00 ss:$0x1], $0xffff  }
0x82: {  	v39 =	vld.idx.msk [tilespmem:v2+s0+$0xFFFFFB80 ss:$0x1], $0xffff;
	v40 =	vmul.f32 v34, v10;
	v3 =	vadd.f32 v4, v3  }
0x83: {  	v41 =	vld.idx.msk [tilespmem:v1+s0+$0xFFFFFB80 ss:$0x1], $0xffff  }
0x84: {  	v42 =	vld.idx.msk [tilespmem:v2+s0+$0xFFFFFC00 ss:$0x1], $0xffff;
	v43 =	vmul.f32 v36, v11;
	v3 =	vadd.f32 v40, v3  }
0x85: {  	v44 =	vld.idx.msk [tilespmem:v1+s0+$0xFFFFFC00 ss:$0x1], $0xffff  }
0x86: {  	v45 =	vld.idx.msk [tilespmem:v2+s0+$0xFFFFFC80 ss:$0x1], $0xffff;
	v46 =	vmul.f32 v38, v37;
	v3 =	vadd.f32 v43, v3  }
0x87: {  	v47 =	vld.idx.msk [tilespmem:v1+s0+$0xFFFFFC80 ss:$0x1], $0xffff  }
0x88: {  	v48 =	vld.idx.msk [tilespmem:v2+s0+$0xFFFFFD00 ss:$0x1], $0xffff;
	v49 =	vmul.f32 v41, v39;
	v3 =	vadd.f32 v46, v3  }
0x89: {  	v50 =	vld.idx.msk [tilespmem:v1+s0+$0xFFFFFD00 ss:$0x1], $0xffff  }
0x8a: {  	v51 =	vld.idx.msk [tilespmem:v2+s0+$0xFFFFFD80 ss:$0x1], $0xffff;
	v52 =	vmul.f32 v44, v42;
	v3 =	vadd.f32 v49, v3  }
0x8b: {  	v53 =	vld.idx.msk [tilespmem:v1+s0+$0xFFFFFD80 ss:$0x1], $0xffff  }
0x8c: {  	v54 =	vld.idx.msk [tilespmem:v2+s0+$0xFFFFFE00 ss:$0x1], $0xffff;
	v55 =	vmul.f32 v47, v45;
	v3 =	vadd.f32 v52, v3  }
0x8d: {  	v56 =	vld.idx.msk [tilespmem:v1+s0+$0xFFFFFE00 ss:$0x1], $0xffff  }
0x8e: {  	v57 =	vld.idx.msk [tilespmem:v2+s0+$0xFFFFFE80 ss:$0x1], $0xffff;
	v58 =	vmul.f32 v50, v48;
	v3 =	vadd.f32 v55, v3  }
0x8f: {  	v59 =	vld.idx.msk [tilespmem:v1+s0+$0xFFFFFE80 ss:$0x1], $0xffff  }
0x90: {  	v60 =	vld.idx.msk [tilespmem:v2+s0+$0xFFFFFF00 ss:$0x1], $0xffff;
	v61 =	vmul.f32 v53, v51;
	v3 =	vadd.f32 v58, v3  }
0x91: {  	v62 =	vld.idx.msk [tilespmem:v1+s0+$0xFFFFFF00 ss:$0x1], $0xffff  }
0x92: {  	v63 =	vld.idx.msk [tilespmem:v2+s0+$0xFFFFFF80 ss:$0x1], $0xffff;
	v12 =	vmul.f32 v56, v54;
	v3 =	vadd.f32 v61, v3  }
0x93: {  	v13 =	vld.idx.msk [tilespmem:v1+s0+$0xFFFFFF80 ss:$0x1], $0xffff  }
0x94: {  	v14 =	vld.idx.msk [tilespmem:v2+s0+$0x0 ss:$0x1], $0xffff;
	v15 =	vmul.f32 v59, v57;
	v3 =	vadd.f32 v12, v3  }
0x95: {  	v16 =	vld.idx.msk [tilespmem:v1+s0+$0x0 ss:$0x1], $0xffff  }
0x96: {  	v17 =	vld.idx.msk [tilespmem:v2+s0+$0x80 ss:$0x1], $0xffff;
	v18 =	vmul.f32 v62, v60;
	v3 =	vadd.f32 v15, v3  }
0x97: {  	v19 =	vld.idx.msk [tilespmem:v1+s0+$0x80 ss:$0x1], $0xffff  }
0x98: {  	v20 =	vld.idx.msk [tilespmem:v2+s0+$0x100 ss:$0x1], $0xffff;
	v21 =	vmul.f32 v13, v63;
	v3 =	vadd.f32 v18, v3  }
0x99: {  	v22 =	vld.idx.msk [tilespmem:v1+s0+$0x100 ss:$0x1], $0xffff  }
0x9a: {  	v23 =	vld.idx.msk [tilespmem:v2+s0+$0x180 ss:$0x1], $0xffff;
	v24 =	vmul.f32 v16, v14;
	v3 =	vadd.f32 v21, v3  }
0x9b: {  	v25 =	vld.idx.msk [tilespmem:v1+s0+$0x180 ss:$0x1], $0xffff  }
0x9c: {  	v26 =	vld.idx.msk [tilespmem:v2+s0+$0x200 ss:$0x1], $0xffff;
	v27 =	vmul.f32 v19, v17;
	v3 =	vadd.f32 v24, v3  }
0x9d: {  	v28 =	vld.idx.msk [tilespmem:v1+s0+$0x200 ss:$0x1], $0xffff  }
0x9e: {  	v29 =	vld.idx.msk [tilespmem:v2+s0+$0x280 ss:$0x1], $0xffff;
	v30 =	vmul.f32 v22, v20;
	v3 =	vadd.f32 v27, v3  }
0x9f: {  	v31 =	vld.idx.msk [tilespmem:v1+s0+$0x280 ss:$0x1], $0xffff  }
0xa0: {  	v32 =	vld.idx.msk [tilespmem:v2+s0+$0x300 ss:$0x1], $0xffff;
	v33 =	vmul.f32 v25, v23;
	v3 =	vadd.f32 v30, v3  }
0xa1: {  	v34 =	vld.idx.msk [tilespmem:v1+s0+$0x300 ss:$0x1], $0xffff  }
0xa2: {  	v36 =	vmul.f32 v28, v26;
	v37 =	vld.idx.msk [tilespmem:v1+s0+$0x380 ss:$0x1], $0xffff;
	v3 =	vadd.f32 v33, v3  }
0xa3: {  	v35 =	vld.idx.msk [tilespmem:v2+s0+$0x380 ss:$0x1], $0xffff  }
0xa4: {  	v38 =	vld.idx.msk [tilespmem:v2+s0+$0x400 ss:$0x1], $0xffff;
	v39 =	vmul.f32 v31, v29;
	v3 =	vadd.f32 v36, v3  }
0xa5: {  	v40 =	vld.idx.msk [tilespmem:v1+s0+$0x400 ss:$0x1], $0xffff  }
0xa6: {  	v41 =	vld.idx.msk [tilespmem:v2+s0+$0x480 ss:$0x1], $0xffff;
	v42 =	vmul.f32 v34, v32;
	v3 =	vadd.f32 v39, v3  }
0xa7: {  	v43 =	vld.idx.msk [tilespmem:v1+s0+$0x480 ss:$0x1], $0xffff  }
0xa8: {  	v44 =	vld.idx.msk [tilespmem:v2+s0+$0x500 ss:$0x1], $0xffff;
	v45 =	vmul.f32 v37, v35;
	v3 =	vadd.f32 v42, v3  }
0xa9: {  	v46 =	vld.idx.msk [tilespmem:v1+s0+$0x500 ss:$0x1], $0xffff  }
0xaa: {  	v47 =	vld.idx.msk [tilespmem:v2+s0+$0x580 ss:$0x1], $0xffff;
	v48 =	vmul.f32 v40, v38;
	v3 =	vadd.f32 v45, v3  }
0xab: {  	v49 =	vld.idx.msk [tilespmem:v1+s0+$0x580 ss:$0x1], $0xffff  }
0xac: {  	v50 =	vld.idx.msk [tilespmem:v2+s0+$0x600 ss:$0x1], $0xffff;
	v51 =	vmul.f32 v43, v41;
	v3 =	vadd.f32 v48, v3  }
0xad: {  	v52 =	vld.idx.msk [tilespmem:v1+s0+$0x600 ss:$0x1], $0xffff  }
0xae: {  	v53 =	vld.idx.msk [tilespmem:v2+s0+$0x680 ss:$0x1], $0xffff;
	v54 =	vmul.f32 v46, v44;
	v3 =	vadd.f32 v51, v3  }
0xaf: {  	v55 =	vld.idx.msk [tilespmem:v1+s0+$0x680 ss:$0x1], $0xffff  }
0xb0: {  	v56 =	vld.idx.msk [tilespmem:v2+s0+$0x700 ss:$0x1], $0xffff;
	v57 =	vmul.f32 v49, v47;
	v3 =	vadd.f32 v54, v3  }
0xb1: {  	v58 =	vld.idx.msk [tilespmem:v1+s0+$0x700 ss:$0x1], $0xffff  }
0xb2: {  	v59 =	vld.idx.msk [tilespmem:v2+s0+$0x780 ss:$0x1], $0xffff;
	v60 =	vmul.f32 v52, v50;
	v3 =	vadd.f32 v57, v3  }
0xb3: {  	v61 =	vld.idx.msk [tilespmem:v1+s0+$0x780 ss:$0x1], $0xffff  }
0xb4: {  	v62 =	vmul.f32 v55, v53;
	v3 =	vadd.f32 v60, v3;
	_ =	sdelay $0x1  }
0xb5: {  	s29 =	sadd.s32 $0x1, s29;
	v63 =	vmul.f32 v58, v56;
	v3 =	vadd.f32 v62, v3  }
0xb6: {  	p1 =	sne.s32 s29, $0x4  }
.Ltmp3:
0xb7: {  	v1 =	vmul.f32 v61, v59;
	v3 =	vadd.f32 v63, v3;
	(pc) =	sbr.rel @p1 .LBB2_3-.Ltmp3, $3  }
0xb8: {  	_ = 	snop  }
0xb9: {  	v1 =	vadd.f32 v1, v3;
	_ =	sdelay $0x1  }
0xba: {  	s30 =	sadd.s32 $0x80, s30;
	s31 =	sadd.s32 $0x1000, s31;
	s1 =	sadd.s32 $0x1000, s1;
	[tilespmem:v0+s0+$0x0 ss:$0x1] =	vst.idx.msk $0xffff, v1  }
0xbb: {  	s0 =	sadd.s32 s10, s26  }
0xbc: {  	s0 =	sshll.u32 s0, $0x7  }
0xbd: {  	p1 =	seq.s32 s26, $0x27;
	s0 =	sadd.s32 s5, s0  }
0xbe: {  	[hbm4b:s0+s2] =	stream.linear.scatter [tilespmem:s20], [sflag:$0x3], $0x200, $0x38;
	[tilespmem:$0x12C00] =	vst v63  }
0xbf: {  	s0 =	sadd.s32 @!p1 $0x2, s28  }
0xc0: {  	s1 =	sadd.s32 @!p1 s6, s0  }
0xc1: {  	s1 =	sshll.u32 @!p1 s1, $0xB  }
0xc2: {  	s14 =	simm.s32 @!p1 $0x0;
	s1 =	sand.u32 @!p1 $0x1FFFF000, s1  }
0xc3: {  	s29 =	simm.s32 @!p1 $0x2800;
	s0 =	sshll.u32 @!p1 s0, $0x7;
	s1 =	sadd.s32 @!p1 s3, s1  }
0xc4: {  	[tilespmem:s29], [sflag:$0x1] =	stream.linear.gather @!p1 [hbm4b:s1+s14], $0x4000, $0x38;
	[tilespmem:$0x12C00] =	vst v63  }
0xc5: {  	s0 =	sand.u32 @!p1 $0x3FFFFF80, s0;
	s1 =	simm.s32 @!p1 $0x80;
	s14 =	simm.s32 @!p1 $0xA800  }
0xc6: {  	[tilespmem:s14], [sflag:$0x1] =	stream.indirect.gather @!p1 [hbm4b:s4+s1], $0x80, s0, s1, $0xb8;
	[tilespmem:$0x12C00] =	vst v63  }
0xc7: {  	_ =	swait.ge [sflag:s21], $0x4000  }
0xc8: {  	[sflag:s21] =	ssyncset.done $0x0  }
0xc9: {  	[sflag:s21] =	ssyncadd.s32 $0xFFFFC000  }
0xca: {  	_ =	swait.ge [sflag:s21], $0x4000  }
0xcb: {  	[sflag:s21] =	ssyncset.done $0x0  }
0xcc: {  	s0 =	simm.s32 @!p0 $0x4;
	[sflag:s21] =	ssyncadd.s32 $0xFFFFC000  }
0xcd: {  	_ =	swait.ge @!p0 [sflag:s0], $0x200  }
0xce: {  	s30 =	simm.s32 $0x12A00;
	s31 =	simm.s32 $0x7000;
	[sflag:s0] =	ssyncset.done @!p0 $0x0  }
0xcf: {  	s29 =	simm.s32 $0x0;
	s1 =	simm.s32 $0xF000;
	[sflag:s0] =	ssyncadd.s32 @!p0 $0xFFFFFE00  }
.LBB2_7:
0xd0: {  	v1 =	vmov s1  }
0xd1: {  	v2 =	vmov s31;
	_ =	sdelay $0x2  }
0xd2: {  	s0 =	simm.s32 $0x0  }
0xd3: {  	v0 =	vmov s30;
	s14 =	simm.s32 $0x40;
	v3 =	vld.idx.msk [tilespmem:v1+s0+$0xFFFFF800 ss:$0x1], $0xffff  }
.LBB2_8:
0xd4: {  	p0 =	sne.s32 s14, $0x1C0;
	v4 =	vld.idx.msk [tilespmem:v2+s0+$0xFFFFF800 ss:$0x1], $0xffff  }
0xd5: {  	v5 =	vld.idx.msk [tilespmem:v2+s0+$0xFFFFF880 ss:$0x1], $0xffff  }
0xd6: {  	v6 =	vld.idx.msk [tilespmem:v1+s0+$0xFFFFF880 ss:$0x1], $0xffff  }
0xd7: {  	v7 =	vld.idx.msk [tilespmem:v2+s0+$0xFFFFF900 ss:$0x1], $0xffff  }
0xd8: {  	v8 =	vld.idx.msk [tilespmem:v1+s0+$0xFFFFF900 ss:$0x1], $0xffff  }
0xd9: {  	v9 =	vld.idx.msk [tilespmem:v2+s0+$0xFFFFF980 ss:$0x1], $0xffff  }
0xda: {  	v3 =	vmul.f32 v3, v4;
	v4 =	vld.idx.msk [tilespmem:v1+s0+$0xFFFFF980 ss:$0x1], $0xffff  }
0xdb: {  	v10 =	vld.idx.msk [tilespmem:v2+s0+$0xFFFFFA00 ss:$0x1], $0xffff  }
0xdc: {  	v3 =	vadd.f32 $0.0e+00, v3;
	v5 =	vmul.f32 v6, v5;
	v6 =	vld.idx.msk [tilespmem:v1+s0+$0xFFFFFA00 ss:$0x1], $0xffff  }
0xdd: {  	v11 =	vld.idx.msk [tilespmem:v2+s0+$0xFFFFFA80 ss:$0x1], $0xffff  }
0xde: {  	v3 =	vadd.f32 v5, v3;
	v5 =	vmul.f32 v8, v7;
	v7 =	vld.idx.msk [tilespmem:v1+s0+$0xFFFFFA80 ss:$0x1], $0xffff  }
0xdf: {  	v8 =	vld.idx.msk [tilespmem:v2+s0+$0xFFFFFB00 ss:$0x1], $0xffff  }
0xe0: {  	v3 =	vadd.f32 v5, v3;
	v4 =	vmul.f32 v4, v9;
	v5 =	vld.idx.msk [tilespmem:v1+s0+$0xFFFFFB00 ss:$0x1], $0xffff  }
0xe1: {  	v9 =	vld.idx.msk [tilespmem:v2+s0+$0xFFFFFB80 ss:$0x1], $0xffff  }
0xe2: {  	v3 =	vadd.f32 v4, v3;
	v4 =	vmul.f32 v6, v10;
	v6 =	vld.idx.msk [tilespmem:v1+s0+$0xFFFFFB80 ss:$0x1], $0xffff  }
0xe3: {  	v10 =	vld.idx.msk [tilespmem:v2+s0+$0xFFFFFC00 ss:$0x1], $0xffff  }
0xe4: {  	v3 =	vadd.f32 v4, v3;
	v4 =	vmul.f32 v7, v11;
	v7 =	vld.idx.msk [tilespmem:v1+s0+$0xFFFFFC00 ss:$0x1], $0xffff  }
0xe5: {  	v11 =	vld.idx.msk [tilespmem:v2+s0+$0xFFFFFC80 ss:$0x1], $0xffff  }
0xe6: {  	v3 =	vadd.f32 v4, v3;
	v4 =	vmul.f32 v5, v8;
	v5 =	vld.idx.msk [tilespmem:v1+s0+$0xFFFFFC80 ss:$0x1], $0xffff  }
0xe7: {  	v8 =	vld.idx.msk [tilespmem:v2+s0+$0xFFFFFD00 ss:$0x1], $0xffff  }
0xe8: {  	v3 =	vadd.f32 v4, v3;
	v4 =	vmul.f32 v6, v9;
	v6 =	vld.idx.msk [tilespmem:v1+s0+$0xFFFFFD00 ss:$0x1], $0xffff  }
0xe9: {  	v9 =	vld.idx.msk [tilespmem:v2+s0+$0xFFFFFD80 ss:$0x1], $0xffff  }
0xea: {  	v3 =	vadd.f32 v4, v3;
	v4 =	vmul.f32 v7, v10;
	v7 =	vld.idx.msk [tilespmem:v1+s0+$0xFFFFFD80 ss:$0x1], $0xffff  }
0xeb: {  	v10 =	vld.idx.msk [tilespmem:v2+s0+$0xFFFFFE00 ss:$0x1], $0xffff  }
0xec: {  	v3 =	vadd.f32 v4, v3;
	v4 =	vmul.f32 v5, v11;
	v5 =	vld.idx.msk [tilespmem:v1+s0+$0xFFFFFE00 ss:$0x1], $0xffff  }
0xed: {  	v11 =	vld.idx.msk [tilespmem:v2+s0+$0xFFFFFE80 ss:$0x1], $0xffff  }
0xee: {  	v3 =	vadd.f32 v4, v3;
	v4 =	vmul.f32 v6, v8;
	v6 =	vld.idx.msk [tilespmem:v1+s0+$0xFFFFFE80 ss:$0x1], $0xffff  }
0xef: {  	v8 =	vld.idx.msk [tilespmem:v2+s0+$0xFFFFFF00 ss:$0x1], $0xffff  }
0xf0: {  	v3 =	vadd.f32 v4, v3;
	v4 =	vmul.f32 v7, v9;
	v7 =	vld.idx.msk [tilespmem:v1+s0+$0xFFFFFF00 ss:$0x1], $0xffff  }
0xf1: {  	v9 =	vld.idx.msk [tilespmem:v2+s0+$0xFFFFFF80 ss:$0x1], $0xffff  }
0xf2: {  	v3 =	vadd.f32 v4, v3;
	v4 =	vmul.f32 v5, v10;
	v5 =	vld.idx.msk [tilespmem:v1+s0+$0xFFFFFF80 ss:$0x1], $0xffff  }
0xf3: {  	v10 =	vld.idx.msk [tilespmem:v2+s0+$0x0 ss:$0x1], $0xffff  }
0xf4: {  	v3 =	vadd.f32 v4, v3;
	v4 =	vmul.f32 v6, v11;
	v6 =	vld.idx.msk [tilespmem:v1+s0+$0x0 ss:$0x1], $0xffff  }
0xf5: {  	v11 =	vld.idx.msk [tilespmem:v2+s0+$0x80 ss:$0x1], $0xffff  }
0xf6: {  	v3 =	vadd.f32 v4, v3;
	v4 =	vmul.f32 v7, v8;
	v7 =	vld.idx.msk [tilespmem:v1+s0+$0x80 ss:$0x1], $0xffff  }
0xf7: {  	v8 =	vld.idx.msk [tilespmem:v2+s0+$0x100 ss:$0x1], $0xffff  }
0xf8: {  	v3 =	vadd.f32 v4, v3;
	v4 =	vmul.f32 v5, v9;
	v5 =	vld.idx.msk [tilespmem:v1+s0+$0x100 ss:$0x1], $0xffff  }
0xf9: {  	v9 =	vld.idx.msk [tilespmem:v2+s0+$0x180 ss:$0x1], $0xffff  }
0xfa: {  	v3 =	vadd.f32 v4, v3;
	v4 =	vmul.f32 v6, v10;
	v6 =	vld.idx.msk [tilespmem:v1+s0+$0x180 ss:$0x1], $0xffff  }
0xfb: {  	v10 =	vld.idx.msk [tilespmem:v2+s0+$0x200 ss:$0x1], $0xffff  }
0xfc: {  	v3 =	vadd.f32 v4, v3;
	v4 =	vmul.f32 v7, v11;
	v7 =	vld.idx.msk [tilespmem:v1+s0+$0x200 ss:$0x1], $0xffff  }
0xfd: {  	v11 =	vld.idx.msk [tilespmem:v2+s0+$0x280 ss:$0x1], $0xffff  }
0xfe: {  	v3 =	vadd.f32 v4, v3;
	v4 =	vmul.f32 v5, v8;
	v5 =	vld.idx.msk [tilespmem:v1+s0+$0x280 ss:$0x1], $0xffff  }
0xff: {  	v8 =	vld.idx.msk [tilespmem:v2+s0+$0x300 ss:$0x1], $0xffff  }
0x100: {  	v3 =	vadd.f32 v4, v3;
	v4 =	vmul.f32 v6, v9;
	v6 =	vld.idx.msk [tilespmem:v1+s0+$0x300 ss:$0x1], $0xffff  }
0x101: {  	v9 =	vld.idx.msk [tilespmem:v2+s0+$0x380 ss:$0x1], $0xffff  }
0x102: {  	v3 =	vadd.f32 v4, v3;
	v4 =	vmul.f32 v7, v10;
	v7 =	vld.idx.msk [tilespmem:v1+s0+$0x380 ss:$0x1], $0xffff  }
0x103: {  	v10 =	vld.idx.msk [tilespmem:v2+s0+$0x400 ss:$0x1], $0xffff  }
0x104: {  	v3 =	vadd.f32 v4, v3;
	v4 =	vmul.f32 v5, v11;
	v5 =	vld.idx.msk [tilespmem:v1+s0+$0x400 ss:$0x1], $0xffff  }
0x105: {  	v11 =	vld.idx.msk [tilespmem:v2+s0+$0x480 ss:$0x1], $0xffff  }
0x106: {  	v3 =	vadd.f32 v4, v3;
	v4 =	vmul.f32 v6, v8;
	v6 =	vld.idx.msk [tilespmem:v1+s0+$0x480 ss:$0x1], $0xffff  }
0x107: {  	v8 =	vld.idx.msk [tilespmem:v2+s0+$0x500 ss:$0x1], $0xffff  }
0x108: {  	v3 =	vadd.f32 v4, v3;
	v4 =	vmul.f32 v7, v9;
	v7 =	vld.idx.msk [tilespmem:v1+s0+$0x500 ss:$0x1], $0xffff  }
0x109: {  	v9 =	vld.idx.msk [tilespmem:v2+s0+$0x580 ss:$0x1], $0xffff  }
0x10a: {  	v3 =	vadd.f32 v4, v3;
	v4 =	vmul.f32 v5, v10;
	v5 =	vld.idx.msk [tilespmem:v1+s0+$0x580 ss:$0x1], $0xffff  }
0x10b: {  	v10 =	vld.idx.msk [tilespmem:v2+s0+$0x600 ss:$0x1], $0xffff  }
0x10c: {  	v3 =	vadd.f32 v4, v3;
	v4 =	vmul.f32 v6, v11;
	v6 =	vld.idx.msk [tilespmem:v1+s0+$0x600 ss:$0x1], $0xffff  }
0x10d: {  	v11 =	vld.idx.msk [tilespmem:v2+s0+$0x680 ss:$0x1], $0xffff  }
0x10e: {  	v3 =	vadd.f32 v4, v3;
	v4 =	vmul.f32 v7, v8;
	v7 =	vld.idx.msk [tilespmem:v1+s0+$0x680 ss:$0x1], $0xffff  }
0x10f: {  	v8 =	vld.idx.msk [tilespmem:v2+s0+$0x700 ss:$0x1], $0xffff  }
0x110: {  	v3 =	vadd.f32 v4, v3;
	v4 =	vmul.f32 v5, v9;
	v5 =	vld.idx.msk [tilespmem:v1+s0+$0x700 ss:$0x1], $0xffff  }
0x111: {  	v9 =	vld.idx.msk [tilespmem:v2+s0+$0x780 ss:$0x1], $0xffff  }
0x112: {  	v3 =	vadd.f32 v4, v3;
	v4 =	vmul.f32 v6, v10;
	v6 =	vld.idx.msk [tilespmem:v1+s0+$0x780 ss:$0x1], $0xffff;
	_ =	sdelay $0x1  }
0x113: {  	v3 =	vadd.f32 v4, v3;
	v4 =	vmul.f32 v7, v11;
	_ =	sdelay $0x1  }
0x114: {  	v3 =	vadd.f32 v4, v3;
	v4 =	vmul.f32 v5, v8;
	_ =	sdelay $0x1  }
0x115: {  	v3 =	vadd.f32 v4, v3;
	v4 =	vmul.f32 v6, v9  }
.Ltmp4:
0x116: {  	(pc) =	sbr.rel @p0 .LBB2_8-.Ltmp4, $3  }
0x117: {  	v3 =	vadd.f32 v4, v3;
	_ =	sdelay $0x1  }
0x118: {  	[tilespmem:v0+s0+$0x0 ss:$0x1] =	vst.idx.msk $0xffff, v3;
	s0 =	sshra.s32 s14, $0x2  }
0x119: {  	s14 =	sadd.s32 $0x40, s14;
	v3 =	vld.idx.msk [tilespmem:v1+s0+$0xFFFFF800 ss:$0x1], $0xffff  }
0x11a: {  	_ =	sdelay $0x3  }
0x11b: {  	v4 =	vld.idx.msk [tilespmem:v2+s0+$0xFFFFF800 ss:$0x1], $0xffff  }
0x11c: {  	v5 =	vld.idx.msk [tilespmem:v2+s0+$0xFFFFF880 ss:$0x1], $0xffff  }
0x11d: {  	v6 =	vld.idx.msk [tilespmem:v1+s0+$0xFFFFF880 ss:$0x1], $0xffff  }
0x11e: {  	v7 =	vld.idx.msk [tilespmem:v2+s0+$0xFFFFF900 ss:$0x1], $0xffff  }
0x11f: {  	v8 =	vld.idx.msk [tilespmem:v1+s0+$0xFFFFF900 ss:$0x1], $0xffff  }
0x120: {  	v9 =	vld.idx.msk [tilespmem:v2+s0+$0xFFFFF980 ss:$0x1], $0xffff;
	v3 =	vmul.f32 v3, v4  }
0x121: {  	v33 =	vld.idx.msk [tilespmem:v1+s0+$0xFFFFF980 ss:$0x1], $0xffff  }
0x122: {  	v10 =	vld.idx.msk [tilespmem:v2+s0+$0xFFFFFA00 ss:$0x1], $0xffff;
	v5 =	vmul.f32 v6, v5;
	v3 =	vadd.f32 $0.0e+00, v3  }
0x123: {  	v34 =	vld.idx.msk [tilespmem:v1+s0+$0xFFFFFA00 ss:$0x1], $0xffff  }
0x124: {  	v11 =	vld.idx.msk [tilespmem:v2+s0+$0xFFFFFA80 ss:$0x1], $0xffff;
	v35 =	vmul.f32 v8, v7;
	v3 =	vadd.f32 v5, v3  }
0x125: {  	v36 =	vld.idx.msk [tilespmem:v1+s0+$0xFFFFFA80 ss:$0x1], $0xffff  }
0x126: {  	v37 =	vld.idx.msk [tilespmem:v2+s0+$0xFFFFFB00 ss:$0x1], $0xffff;
	v4 =	vmul.f32 v33, v9;
	v3 =	vadd.f32 v35, v3  }
0x127: {  	v38 =	vld.idx.msk [tilespmem:v1+s0+$0xFFFFFB00 ss:$0x1], $0xffff  }
0x128: {  	v39 =	vld.idx.msk [tilespmem:v2+s0+$0xFFFFFB80 ss:$0x1], $0xffff;
	v40 =	vmul.f32 v34, v10;
	v3 =	vadd.f32 v4, v3  }
0x129: {  	v41 =	vld.idx.msk [tilespmem:v1+s0+$0xFFFFFB80 ss:$0x1], $0xffff  }
0x12a: {  	v42 =	vld.idx.msk [tilespmem:v2+s0+$0xFFFFFC00 ss:$0x1], $0xffff;
	v43 =	vmul.f32 v36, v11;
	v3 =	vadd.f32 v40, v3  }
0x12b: {  	v44 =	vld.idx.msk [tilespmem:v1+s0+$0xFFFFFC00 ss:$0x1], $0xffff  }
0x12c: {  	v45 =	vld.idx.msk [tilespmem:v2+s0+$0xFFFFFC80 ss:$0x1], $0xffff;
	v46 =	vmul.f32 v38, v37;
	v3 =	vadd.f32 v43, v3  }
0x12d: {  	v47 =	vld.idx.msk [tilespmem:v1+s0+$0xFFFFFC80 ss:$0x1], $0xffff  }
0x12e: {  	v48 =	vld.idx.msk [tilespmem:v2+s0+$0xFFFFFD00 ss:$0x1], $0xffff;
	v49 =	vmul.f32 v41, v39;
	v3 =	vadd.f32 v46, v3  }
0x12f: {  	v50 =	vld.idx.msk [tilespmem:v1+s0+$0xFFFFFD00 ss:$0x1], $0xffff  }
0x130: {  	v51 =	vld.idx.msk [tilespmem:v2+s0+$0xFFFFFD80 ss:$0x1], $0xffff;
	v52 =	vmul.f32 v44, v42;
	v3 =	vadd.f32 v49, v3  }
0x131: {  	v53 =	vld.idx.msk [tilespmem:v1+s0+$0xFFFFFD80 ss:$0x1], $0xffff  }
0x132: {  	v54 =	vld.idx.msk [tilespmem:v2+s0+$0xFFFFFE00 ss:$0x1], $0xffff;
	v55 =	vmul.f32 v47, v45;
	v3 =	vadd.f32 v52, v3  }
0x133: {  	v56 =	vld.idx.msk [tilespmem:v1+s0+$0xFFFFFE00 ss:$0x1], $0xffff  }
0x134: {  	v57 =	vld.idx.msk [tilespmem:v2+s0+$0xFFFFFE80 ss:$0x1], $0xffff;
	v58 =	vmul.f32 v50, v48;
	v3 =	vadd.f32 v55, v3  }
0x135: {  	v59 =	vld.idx.msk [tilespmem:v1+s0+$0xFFFFFE80 ss:$0x1], $0xffff  }
0x136: {  	v60 =	vld.idx.msk [tilespmem:v2+s0+$0xFFFFFF00 ss:$0x1], $0xffff;
	v61 =	vmul.f32 v53, v51;
	v3 =	vadd.f32 v58, v3  }
0x137: {  	v62 =	vld.idx.msk [tilespmem:v1+s0+$0xFFFFFF00 ss:$0x1], $0xffff  }
0x138: {  	v63 =	vld.idx.msk [tilespmem:v2+s0+$0xFFFFFF80 ss:$0x1], $0xffff;
	v12 =	vmul.f32 v56, v54;
	v3 =	vadd.f32 v61, v3  }
0x139: {  	v13 =	vld.idx.msk [tilespmem:v1+s0+$0xFFFFFF80 ss:$0x1], $0xffff  }
0x13a: {  	v14 =	vld.idx.msk [tilespmem:v2+s0+$0x0 ss:$0x1], $0xffff;
	v15 =	vmul.f32 v59, v57;
	v3 =	vadd.f32 v12, v3  }
0x13b: {  	v16 =	vld.idx.msk [tilespmem:v1+s0+$0x0 ss:$0x1], $0xffff  }
0x13c: {  	v17 =	vld.idx.msk [tilespmem:v2+s0+$0x80 ss:$0x1], $0xffff;
	v18 =	vmul.f32 v62, v60;
	v3 =	vadd.f32 v15, v3  }
0x13d: {  	v19 =	vld.idx.msk [tilespmem:v1+s0+$0x80 ss:$0x1], $0xffff  }
0x13e: {  	v20 =	vld.idx.msk [tilespmem:v2+s0+$0x100 ss:$0x1], $0xffff;
	v21 =	vmul.f32 v13, v63;
	v3 =	vadd.f32 v18, v3  }
0x13f: {  	v22 =	vld.idx.msk [tilespmem:v1+s0+$0x100 ss:$0x1], $0xffff  }
0x140: {  	v23 =	vld.idx.msk [tilespmem:v2+s0+$0x180 ss:$0x1], $0xffff;
	v24 =	vmul.f32 v16, v14;
	v3 =	vadd.f32 v21, v3  }
0x141: {  	v25 =	vld.idx.msk [tilespmem:v1+s0+$0x180 ss:$0x1], $0xffff  }
0x142: {  	v26 =	vld.idx.msk [tilespmem:v2+s0+$0x200 ss:$0x1], $0xffff;
	v27 =	vmul.f32 v19, v17;
	v3 =	vadd.f32 v24, v3  }
0x143: {  	v28 =	vld.idx.msk [tilespmem:v1+s0+$0x200 ss:$0x1], $0xffff  }
0x144: {  	v29 =	vld.idx.msk [tilespmem:v2+s0+$0x280 ss:$0x1], $0xffff;
	v30 =	vmul.f32 v22, v20;
	v3 =	vadd.f32 v27, v3  }
0x145: {  	v31 =	vld.idx.msk [tilespmem:v1+s0+$0x280 ss:$0x1], $0xffff  }
0x146: {  	v32 =	vld.idx.msk [tilespmem:v2+s0+$0x300 ss:$0x1], $0xffff;
	v33 =	vmul.f32 v25, v23;
	v3 =	vadd.f32 v30, v3  }
0x147: {  	v34 =	vld.idx.msk [tilespmem:v1+s0+$0x300 ss:$0x1], $0xffff  }
0x148: {  	v36 =	vmul.f32 v28, v26;
	v37 =	vld.idx.msk [tilespmem:v1+s0+$0x380 ss:$0x1], $0xffff;
	v3 =	vadd.f32 v33, v3  }
0x149: {  	v35 =	vld.idx.msk [tilespmem:v2+s0+$0x380 ss:$0x1], $0xffff  }
0x14a: {  	v38 =	vld.idx.msk [tilespmem:v2+s0+$0x400 ss:$0x1], $0xffff;
	v39 =	vmul.f32 v31, v29;
	v3 =	vadd.f32 v36, v3  }
0x14b: {  	v40 =	vld.idx.msk [tilespmem:v1+s0+$0x400 ss:$0x1], $0xffff  }
0x14c: {  	v41 =	vld.idx.msk [tilespmem:v2+s0+$0x480 ss:$0x1], $0xffff;
	v42 =	vmul.f32 v34, v32;
	v3 =	vadd.f32 v39, v3  }
0x14d: {  	v43 =	vld.idx.msk [tilespmem:v1+s0+$0x480 ss:$0x1], $0xffff  }
0x14e: {  	v44 =	vld.idx.msk [tilespmem:v2+s0+$0x500 ss:$0x1], $0xffff;
	v45 =	vmul.f32 v37, v35;
	v3 =	vadd.f32 v42, v3  }
0x14f: {  	v46 =	vld.idx.msk [tilespmem:v1+s0+$0x500 ss:$0x1], $0xffff  }
0x150: {  	v47 =	vld.idx.msk [tilespmem:v2+s0+$0x580 ss:$0x1], $0xffff;
	v48 =	vmul.f32 v40, v38;
	v3 =	vadd.f32 v45, v3  }
0x151: {  	v49 =	vld.idx.msk [tilespmem:v1+s0+$0x580 ss:$0x1], $0xffff  }
0x152: {  	v50 =	vld.idx.msk [tilespmem:v2+s0+$0x600 ss:$0x1], $0xffff;
	v51 =	vmul.f32 v43, v41;
	v3 =	vadd.f32 v48, v3  }
0x153: {  	v52 =	vld.idx.msk [tilespmem:v1+s0+$0x600 ss:$0x1], $0xffff  }
0x154: {  	v53 =	vld.idx.msk [tilespmem:v2+s0+$0x680 ss:$0x1], $0xffff;
	v54 =	vmul.f32 v46, v44;
	v3 =	vadd.f32 v51, v3  }
0x155: {  	v55 =	vld.idx.msk [tilespmem:v1+s0+$0x680 ss:$0x1], $0xffff  }
0x156: {  	v56 =	vld.idx.msk [tilespmem:v2+s0+$0x700 ss:$0x1], $0xffff;
	v57 =	vmul.f32 v49, v47;
	v3 =	vadd.f32 v54, v3  }
0x157: {  	v58 =	vld.idx.msk [tilespmem:v1+s0+$0x700 ss:$0x1], $0xffff  }
0x158: {  	v59 =	vld.idx.msk [tilespmem:v2+s0+$0x780 ss:$0x1], $0xffff;
	v60 =	vmul.f32 v52, v50;
	v3 =	vadd.f32 v57, v3  }
0x159: {  	v61 =	vld.idx.msk [tilespmem:v1+s0+$0x780 ss:$0x1], $0xffff  }
0x15a: {  	v62 =	vmul.f32 v55, v53;
	v3 =	vadd.f32 v60, v3;
	_ =	sdelay $0x1  }
0x15b: {  	s29 =	sadd.s32 $0x1, s29;
	v63 =	vmul.f32 v58, v56;
	v3 =	vadd.f32 v62, v3  }
0x15c: {  	p0 =	sne.s32 s29, $0x4  }
.Ltmp5:
0x15d: {  	v1 =	vmul.f32 v61, v59;
	v3 =	vadd.f32 v63, v3;
	(pc) =	sbr.rel @p0 .LBB2_7-.Ltmp5, $3  }
0x15e: {  	_ = 	snop  }
0x15f: {  	v1 =	vadd.f32 v1, v3;
	_ =	sdelay $0x1  }
0x160: {  	s30 =	sadd.s32 $0x80, s30;
	s31 =	sadd.s32 $0x1000, s31;
	s1 =	sadd.s32 $0x1000, s1;
	[tilespmem:v0+s0+$0x0 ss:$0x1] =	vst.idx.msk $0xffff, v1  }
.Ltmp6:
0x161: {  	(pc) =	sbr.rel @p1 .LBB2_12-.Ltmp6, $4  }
0x162: {  	_ = 	snop  }
0x163: {  	s0 =	sshll.u32 s26, $0x7  }
0x164: {  	s0 =	sadd.s32 s12, s0  }
0x165: {  	[hbm4b:s0+s2] =	stream.linear.scatter [tilespmem:s22], [sflag:$0x4], $0x200, $0x38;
	[tilespmem:$0x12C00] =	vst v63  }
0x166: {  	s0 =	sadd.s32 $0x3, s28  }
0x167: {  	s1 =	sadd.s32 s6, s0  }
0x168: {  	s1 =	sshll.u32 s1, $0xB  }
.Ltmp7:
0x169: {  	s1 =	sand.u32 $0x1FFFF800, s1;
	(pc) =	sbr.rel .LBB2_2-.Ltmp7, $4  }
0x16a: {  	s0 =	sshll.u32 s0, $0x7;
	s1 =	sadd.s32 s3, s1  }
0x16b: {  	[tilespmem:s17], [sflag:$0x2] =	stream.linear.gather [hbm4b:s1+s2], $0x4000, $0x38;
	[tilespmem:$0x12C00] =	vst v63  }
0x16c: {  	s26 =	sadd.s32 $0x1, s26;
	s0 =	sand.u32 $0x3FFFFF80, s0  }
0x16d: {  	[tilespmem:s18], [sflag:$0x2] =	stream.indirect.gather [hbm4b:s4+s15], $0x80, s0, s15, $0xb8;
	[tilespmem:$0x12C00] =	vst v63  }
.LBB2_13:
0x16e: {  	_ =	sfence.sel $0x180000  }
0x16f: {  	[bflag:$0x0] =	sbarrier.arrive $0xFFFF  }
0x170: {  	_ =	strace $0x90000050  }
0x171: {  	s0 =	stileid.u32;
	[bflag:$0x2] =	sbarrier.arrive $0xFFFF  }
0x172: {  	p0 =	sne.s32 s0, $0x0;
	s0 =	rddreg [dreg:$0x1]  }
0x173: {  	s0 =	sadd.s32 @!p0 $0x100000, s0  }
0x174: {  	[sflag:s0] =	ssyncadd.tile.s32 @!p0 $0x1;
	_ =	shalt  }
.Lfunc_end2:
_tile_overlayer_lowered:
.L_overlay_start_2:
0x175: {  	(tag) =	ssettag $0x2  }
0x176: {  	s0 =	rddreg [dreg:$0x0];
	s2 =	stileid.u32  }
0x177: {  	s1 =	rddreg [dreg:$0x1];
	p0 =	sne.s32 s2, $0x0  }
0x178: {  	s3 =	rddreg [dreg:$0x2];
	[bflag:$0x3] =	sbarrier.arrive $0xFFFF;
	s2 =	simm.s32 @!p0 $0x1C05  }
0x179: {  	[timem:s3], [sflag:s2] =	dma.local @!p0 [hbm:s0], s1  }
0x17a: {  	s0 =	simm.s32 @!p0 $0x5  }
0x17b: {  	_ =	swait.ge @!p0 [sflag:s0], s1  }
0x17c: {  	s1 =	ssub.s32 @!p0 $0x0, s1;
	[sflag:s0] =	ssyncset.done @!p0 $0x0  }
0x17d: {  	[sflag:s0] =	ssyncadd.s32 @!p0 s1  }
0x17e: {  	[bflag:$0x3] =	sbarrier.arrive $0xFFFF  }
0x17f: {  	_ =	shalt  }

// kernel: kernel.9.cloned.1.call-start
scs
__scs_entry_jumppad:
0x0: {  	(pc) =	sbr.rel $0x88, $3  }
0x1: {  	(tag) =	ssettag $0x0;
	lr =	simm.s32 $0x1  }
0x2: {  	[smem:$0x3F98] =	sst lr;
	_ =	strace $0xD0000000  }
0x3: {  	_ = 	snop  }
0x4: {  	_ = 	snop  }
0x5: {  	_ = 	snop  }
0x6: {  	_ = 	snop  }
0x7: {  	_ = 	snop  }
__scs_overlays_trampoline_lowered:
0x8: {  	[smem:$0x3FA7] =	sst s0  }
0x9: {  	[smem:$0x3FA8] =	sst s1  }
0xa: {  	[smem:$0x3FA9] =	sst s2  }
0xb: {  	[smem:$0x3FAA] =	sst s3  }
0xc: {  	[smem:$0x3FAB] =	sst s4  }
0xd: {  	[smem:$0x3FAC] =	sst s5  }
0xe: {  	[smem:$0x3FAD] =	sst s6  }
0xf: {  	[smem:$0x3FAE] =	sst s7  }
0x10: {  	[smem:$0x3FAF] =	sst s8  }
0x11: {  	[smem:$0x3FB0] =	sst s9;
	s0 =	simm.s32 @!p0 $0x0  }
0x12: {  	s1 =	sld [smem:$0x3F96];
	s0 =	simm.s32 @p0 $0x1  }
0x13: {  	[smem:$0x3FB1] =	sst s0;
	s0 =	simm.s32 @!p1 $0x0  }
0x14: {  	s2 =	sld [smem:$0x3F95];
	s0 =	simm.s32 @p1 $0x1  }
0x15: {  	[smem:$0x3FB2] =	sst s0;
	s0 =	simm.s32 @!p2 $0x0  }
0x16: {  	s3 =	sld [smem:$0x3FDB];
	s0 =	simm.s32 @p2 $0x1  }
0x17: {  	s4 =	simm.s32 $0x1BF5;
	[smem:$0x3FB4] =	sst s0  }
0x18: {  	s0 =	sld [smem:$0x3F97];
	_ =	swait.ge [sflag:s4], $0x0  }
0x19: {  	s7 =	sld [smem:$0x3F98]  }
0x1a: {  	s8 =	sadd.s32 $0xFFFFE003, lr  }
0x1b: {  	s9 =	sadd.s32 $0xFFFFFEF7, lr;
	s5 =	simm.s32 $0xFFFFFFFF;
	p2 =	slt.u32 s8, $0xFFFFF086  }
0x1c: {  	p1 =	slt.u32 s9, $0xF7A;
	s5 =	simm.s32 @!p2 $0x0  }
0x1d: {  	s5 =	simm.s32 @p1 $0x1;
	p0 =	seq.s32 s7, s2  }
0x1e: {  	s7 =	smul.u32 @!p0 $0xF7A, s2;
	p2 =	seq.s32 @!p0 s5, $0x0  }
0x1f: {  	s9 =	smul.u32 $0xF7A, s1;
	s8 =	simm.s32 @!p0 $0x1BF5;
	p2 =	por !p2, p0  }
0x20: {  	[sflag:s8] =	ssyncset.s32 @!p0 $0xFFFFF086;
	s6 =	sadd.s32 @!p0 s3, s7;
	s7 =	simm.s32 @!p0 $0x108  }
0x21: {  	s3 =	sadd.s32 s3, s9;
	s6 =	sadd.s32 @!p0 $0x88, s6;
	s7 =	simm.s32 @p2 $0x1082  }
0x22: {  	[simem:s7], [sflag:s8] =	dma.local @!p0 [hbm:s6], $0xF7A  }
0x23: {  	s9 =	sor.u32 $0xD0000000, s2;
	s6 =	simm.s32 $0x108;
	_ =	swait.ge @!p0 [sflag:s8], $0x0  }
0x24: {  	s3 =	sadd.s32 $0x88, s3;
	s6 =	simm.s32 @!p1 $0x1082;
	[sflag:s4] =	ssyncset.s32 $0xFFFFF086  }
0x25: {  	[simem:s6], [sflag:s4] =	dma.local [hbm:s3], $0xF7A  }
0x26: {  	[smem:$0x3F98] =	sst s1;
	(tag) =	ssettag s2;
	_ =	strace s9  }
0x27: {  	s1 =	sld [smem:$0x3FA8]  }
0x28: {  	s2 =	sld [smem:$0x3FA9]  }
0x29: {  	s4 =	sld [smem:$0x3FAB]  }
0x2a: {  	p0 =	seq.s32 s5, $0x0;
	s5 =	sld [smem:$0x3FAC]  }
0x2b: {  	s6 =	sld [smem:$0x3FAD]  }
0x2c: {  	s7 =	sld [smem:$0x3FAE]  }
0x2d: {  	s3 =	simm.s32 $0x108;
	s8 =	sld [smem:$0x3FAF]  }
0x2e: {  	s3 =	simm.s32 @!p0 $0x1082;
	s9 =	sld [smem:$0x3FB0]  }
0x2f: {  	lr =	sadd.s32 s0, s3;
	s0 =	sld [smem:$0x3FA7]  }
0x30: {  	s3 =	sld [smem:$0x3FAA]  }
0x31: {  	[smem:$0x3FB3] =	sst s10  }
0x32: {  	s10 =	sld [smem:$0x3FB1];
	_ =	sdelay $0x3  }
0x33: {  	p0 =	seq.s32 s10, $0x1;
	s10 =	sld [smem:$0x3FB3];
	_ =	sdelay $0x3  }
0x34: {  	[smem:$0x3FB3] =	sst s10  }
0x35: {  	s10 =	sld [smem:$0x3FB2];
	_ =	sdelay $0x3  }
0x36: {  	p1 =	seq.s32 s10, $0x1;
	s10 =	sld [smem:$0x3FB3];
	_ =	sdelay $0x3  }
0x37: {  	[smem:$0x3FB3] =	sst s10  }
0x38: {  	s10 =	sld [smem:$0x3FB4]  }
0x39: {  	_ = 	snop;
	(pc) =	sbr.ind lr, $3  }
0x3a: {  	_ = 	snop  }
0x3b: {  	_ = 	snop  }
0x3c: {  	p2 =	seq.s32 s10, $0x1;
	s10 =	sld [smem:$0x3FB3]  }
0x3d: {  	_ =	shalt  }
0x3e: {  	_ =	shalt  }
0x3f: {  	_ =	shalt  }
0x40: {  	_ =	shalt  }
0x41: {  	_ =	shalt  }
0x42: {  	_ =	shalt  }
0x43: {  	_ =	shalt  }
0x44: {  	_ =	shalt  }
0x45: {  	_ =	shalt  }
0x46: {  	_ =	shalt  }
0x47: {  	_ =	shalt  }
0x48: {  	_ =	shalt  }
0x49: {  	_ =	shalt  }
0x4a: {  	_ =	shalt  }
0x4b: {  	_ =	shalt  }
0x4c: {  	_ =	shalt  }
0x4d: {  	_ =	shalt  }
0x4e: {  	_ =	shalt  }
0x4f: {  	_ =	shalt  }
0x50: {  	_ =	shalt  }
0x51: {  	_ =	shalt  }
0x52: {  	_ =	shalt  }
0x53: {  	_ =	shalt  }
0x54: {  	_ =	shalt  }
0x55: {  	_ =	shalt  }
0x56: {  	_ =	shalt  }
0x57: {  	_ =	shalt  }
0x58: {  	_ =	shalt  }
0x59: {  	_ =	shalt  }
0x5a: {  	_ =	shalt  }
0x5b: {  	_ =	shalt  }
0x5c: {  	_ =	shalt  }
0x5d: {  	_ =	shalt  }
0x5e: {  	_ =	shalt  }
0x5f: {  	_ =	shalt  }
0x60: {  	_ =	shalt  }
0x61: {  	_ =	shalt  }
0x62: {  	_ =	shalt  }
0x63: {  	_ =	shalt  }
0x64: {  	_ =	shalt  }
0x65: {  	_ =	shalt  }
0x66: {  	_ =	shalt  }
0x67: {  	_ =	shalt  }
0x68: {  	_ =	shalt  }
0x69: {  	_ =	shalt  }
0x6a: {  	_ =	shalt  }
0x6b: {  	_ =	shalt  }
0x6c: {  	_ =	shalt  }
0x6d: {  	_ =	shalt  }
0x6e: {  	_ =	shalt  }
0x6f: {  	_ =	shalt  }
0x70: {  	_ =	shalt  }
0x71: {  	_ =	shalt  }
0x72: {  	_ =	shalt  }
0x73: {  	_ =	shalt  }
0x74: {  	_ =	shalt  }
0x75: {  	_ =	shalt  }
0x76: {  	_ =	shalt  }
0x77: {  	_ =	shalt  }
0x78: {  	_ =	shalt  }
0x79: {  	_ =	shalt  }
0x7a: {  	_ =	shalt  }
0x7b: {  	_ =	shalt  }
0x7c: {  	_ =	shalt  }
0x7d: {  	_ =	shalt  }
0x7e: {  	_ =	shalt  }
0x7f: {  	_ =	shalt  }
0x80: {  	_ =	shalt  }
0x81: {  	_ =	shalt  }
0x82: {  	_ =	shalt  }
0x83: {  	_ =	shalt  }
0x84: {  	_ =	shalt  }
0x85: {  	_ =	shalt  }
0x86: {  	_ =	shalt  }
0x87: {  	_ =	shalt  }
.Lfunc_end0:
.L_simem_size_0:
called_computation_lowered:
.L_overlay_start_0:
0x88: {  	s2 =	sld [smem:$0x3FD9]  }
0x89: {  	s3 =	sld [smem:$0x3FFE];
	_ =	sdelay $0x1  }
0x8a: {  	s1 =	srdreg.scid  }
0x8b: {  	s0 =	sand.u32 $0x1, s1  }
0x8c: {  	s17 =	sshll.u32 s0, $0xA;
	s2 =	sadd.s32 s3, s2  }
0x8d: {  	s2 =	sadd.s32 s2, s17  }
0x8e: {  	[smem:$0x3FBF] =	sst s2  }
0x8f: {  	_ = 	snop  }
0x90: {  	s2 =	sld [smem:$0x3FC9]  }
0x91: {  	s18 =	sld [smem:$0x3FD0];
	(tm) =	ssettm $0x1  }
0x92: {  	s4 =	sld [smem:$0x3FFB];
	_ =	sdelay $0x3  }
0x93: {  	_ =	strace s4  }
0x94: {  	s4 =	sld [smem:$0x3FFC];
	_ =	sdelay $0x3  }
0x95: {  	_ =	strace s4  }
0x96: {  	s4 =	sld [smem:$0x3FFD];
	_ =	sdelay $0x3  }
0x97: {  	_ =	strace s4  }
0x98: {  	_ =	strace $0x8FFFFFFF  }
0x99: {  	s19 =	sld [smem:$0x3FDB];
	_ =	sdelay $0x1  }
0x9a: {  	s5 =	simm.s32 $_scs_section_size  }
0x9b: {  	s6 =	simm.s32 $_size__tile_overlayer_lowered;
	s7 =	simm.s32 $_tile_overlayer_lowered  }
0x9c: {  	s22 =	simm.s32 $0x1BFF;
	s21 =	sshll.u32 s7, $0x1;
	s4 =	sadd.s32 s5, s19  }
0x9d: {  	s8 =	simm.s32 $0x0;
	s20 =	sshll.u32 s6, $0x1;
	s6 =	sadd.s32 s21, s4  }
0x9e: {  	[timem:s8], [sflag:s22] =	dma.local [hbm:s6], s20  }
0x9f: {  	_ =	swait.ge [sflag:s22], s20  }
0xa0: {  	s5 =	ssub.s32 $0x0, s20;
	[sflag:s22] =	ssyncset.done $0x0  }
0xa1: {  	[sflag:s22] =	ssyncadd.s32 s5;
	_ =	sdelay $0x1  }
0xa2: {  	s23 =	simm.s32 $0x1B8B  }
0xa3: {  	_ =	swait.ge [sflag:s23], $0x1  }
0xa4: {  	[sflag:s23] =	ssyncset.done $0x0  }
0xa5: {  	s25 =	simm.s32 $0x1B8E;
	s24 =	sld [smem:$0x3FFE];
	[sflag:s23] =	ssyncadd.s32 $0xFFFFFFFF  }
0xa6: {  	s26 =	simm.s32 $execute0_lowered;
	[smem:$0x3FD2] =	sst s25  }
0xa7: {  	s6 =	sshll.u32 s26, $0x1;
	_ =	strace $0x80000046;
	[dreg:$0x1] =	wrdreg $0xFFFFFFFF  }
0xa8: {  	s28 =	simm.s32 $_size_execute0_lowered;
	s4 =	sadd.s32 s4, s6;
	[dreg:$0x0] =	wrdreg $0x0  }
0xa9: {  	s6 =	sshll.u32 s28, $0x1;
	[dreg:$0x2] =	wrdreg s4  }
0xaa: {  	[dreg:$0x3] =	wrdreg s6  }
0xab: {  	[dreg:$0x4] =	wrdreg $0xC0  }
0xac: {  	_ =	task [dreg:s8], $0x5FFFF  }
0xad: {  	[dreg:$0x1] =	wrdreg $0xFFFFFFFF  }
0xae: {  	[dreg:$0x0] =	wrdreg $0x60  }
0xaf: {  	[dreg:$0x2] =	wrdreg s2  }
0xb0: {  	[dreg:$0x3] =	wrdreg s18  }
0xb1: {  	[dreg:$0x4] =	wrdreg s24  }
0xb2: {  	[dreg:$0x5] =	wrdreg $0x9  }
0xb3: {  	_ =	task.clear_ibuf [dreg:s8], $0x6FFFF;
	_ =	strace $0x90000046  }
0xb4: {  	s29 =	simm.s32 $0x9;
	_ =	strace $0x80000048  }
0xb5: {  	_ =	swait.ge [sflag:s29], $0x1  }
0xb6: {  	[sflag:s29] =	ssyncadd.s32 $0xFFFFFFFF  }
0xb7: {  	_ =	strace $0x90000048  }
0xb8: {  	_ =	sfence  }
0xb9: {  	s30 =	sld [smem:$0x0];
	_ =	sdelay $0x2  }
0xba: {  	s31 =	sshll.u32 s1, $0xD;
	s1 =	sshrl.u32 s1, $0x2  }
0xbb: {  	s3 =	sand.u32 $0x4000, s31;
	s1 =	sadd.s32 s1, s30  }
0xbc: {  	s0 =	sor.u32 s3, s0;
	s1 =	sshll.u32 s1, $0x11  }
0xbd: {  	s0 =	sor.u32 s1, s0  }
0xbe: {  	s0 =	sadd.s32 $0x8F2B, s0  }
0xbf: {  	[sflag:s0] =	ssyncadd.remote.s32 $0x1  }
0xc0: {  	_ =	sfence.sel $0xFFFF  }
0xc1: {  	[dreg:$0x0] =	wrdreg $0xFFFFFFFF;
	(pc) =	sbr.abs _section_cstart, $3  }
0xc2: {  	[dreg:$0x1] =	wrdreg $0xFFFFFFFF  }
0xc3: {  	_ =	task.clear_ibuf [dreg:s8], $0x2FFFF;
	_ =	strace $0x9FFFFFFF  }
0xc4: {  	(tm) =	ssettm $0x7FFFFFFF  }
0xc5: {  	_ =	shalt  }
tec
execute0_lowered:
.L_overlay_start_1:
0x0: {  	(tag) =	ssettag $0x1  }
0x1: {  	s1 =	rddreg [dreg:$0x0]  }
0x2: {  	s0 =	rddreg [dreg:$0x1];
	s2 =	srdreg.scid  }
0x3: {  	s14 =	stileid.u32;
	s5 =	rddreg [dreg:$0x2]  }
0x4: {  	s3 =	simm.s32 $0x0;
	s15 =	simm.s32 $0x80;
	s16 =	simm.s32 $0x5000  }
0x5: {  	s17 =	simm.s32 $0x15000;
	s18 =	simm.s32 $0x9000;
	s8 =	smul.u32 $0xA00, s14  }
0x6: {  	s28 =	simm.s32 $0x3;
	s29 =	simm.s32 $0x5;
	s11 =	smul.u32 $0xA0, s14  }
0x7: {  	s30 =	simm.s32 $0x4;
	s2 =	sand.u32 $0x1, s2;
	s22 =	smul.u32 $0x50000, s14  }
0x8: {  	s31 =	simm.s32 $0x6;
	s4 =	sshll.u32 s14, $0x1;
	s13 =	smul.u32 $0x50, s2  }
0x9: {  	[smem:$0x7FF] =	sst s3;
	s10 =	sadd.s32 $0x17400, s5;
	s19 =	smul.u32 $0x500, s2  }
0xa: {  	s4 =	sor.u32 s2, s4;
	s9 =	ssub.s32 $0x2, s2;
	s2 =	smul.u32 $0x28000, s2  }
0xb: {  	_ =	strace $0x80000047;
	s6 =	smul.u32 $0x500, s4;
	s4 =	sadd.s32 $0x3600, s5  }
0xc: {  	s12 =	sshrl.u32 s9, $0x1;
	s24 =	sadd.s32 s22, s10;
	s22 =	simm.s32 $0xD000  }
0xd: {  	s9 =	ssub.s32 s9, s12;
	s21 =	sadd.s32 s13, s11;
	s26 =	sadd.s32 s2, s24  }
0xe: {  	s24 =	simm.s32 $0x2;
	s7 =	sadd.s32 s6, s5;
	s5 =	sadd.s32 $0x517400, s5  }
0xf: {  	s0 =	sadd.s32 s0, s6;
	s9 =	smax.u32 s9, $0x1;
	s6 =	sshll.u32 s21, $0xB  }
0x10: {  	[dreg:$0x9] =	wrdreg s26;
	s21 =	simm.s32 $0x1;
	s26 =	simm.s32 $0x15180  }
.Ltmp0:
0x11: {  	[dreg:$0x4] =	wrdreg s0;
	s20 =	sadd.s32 $0xD400, s7;
	(pc) =	sbr.rel .LBB2_1-.Ltmp0, $4  }
0x12: {  	[dreg:$0x6] =	wrdreg s9;
	s9 =	sadd.s32 s19, s8;
	s23 =	sadd.s32 s6, s10  }
0x13: {  	s19 =	simm.s32 $0x0;
	[dreg:$0x5] =	wrdreg s20;
	s25 =	sadd.s32 $0x1800, s23  }
0x14: {  	s0 =	sadd.s32 $0x1000, s23;
	s20 =	simm.s32 $0x15080;
	[dreg:$0x7] =	wrdreg s25  }
0x15: {  	s23 =	simm.s32 $0x15100;
	[dreg:$0x8] =	wrdreg s0;
	s25 =	simm.s32 $0x11000  }
.LBB2_4:
0x16: {  	s0 =	simm.s32 $0x7  }
0x17: {  	_ =	swait.ge [sflag:s0], $0x4000  }
0x18: {  	[sflag:s0] =	ssyncset.done $0x0  }
0x19: {  	[sflag:s0] =	ssyncadd.s32 $0xFFFFC000  }
0x1a: {  	_ =	swait.ge [sflag:s0], $0x80  }
0x1b: {  	[sflag:s0] =	ssyncset.done $0x0  }
0x1c: {  	s2 =	simm.s32 $0x8;
	[sflag:s0] =	ssyncadd.s32 $0xFFFFFF80  }
0x1d: {  	_ =	swait.ge [sflag:s2], $0x4000  }
0x1e: {  	[sflag:s2] =	ssyncset.done $0x0  }
0x1f: {  	[sflag:s2] =	ssyncadd.s32 $0xFFFFC000  }
0x20: {  	_ =	swait.ge [sflag:s2], $0x80  }
0x21: {  	s19 =	sadd.s32 $0x1, s19;
	s14 =	rddreg [dreg:$0x6]  }
0x22: {  	p0 =	sne.s32 s19, s14  }
.Ltmp1:
0x23: {  	_ = 	snop;
	(pc) =	sbr.rel @!p0 .LBB2_5-.Ltmp1, $3  }
0x24: {  	_ =	sdelay $0x1  }
0x25: {  	[sflag:s2] =	ssyncset.done $0x0  }
0x26: {  	[sflag:s2] =	ssyncadd.s32 $0xFFFFFF80  }
.LBB2_1:
0x27: {  	s0 =	rddreg [dreg:$0x4];
	s2 =	simm.s32 $0x9  }
0x28: {  	[tilespmem:s3], [sflag:$0x9] =	stream.linear.gather [hbm4b:s0+s3], $0x2800, $0x38;
	[tilespmem:$0x15200] =	vst v63  }
0x29: {  	_ =	swait.ge [sflag:s2], $0x2800  }
0x2a: {  	[sflag:s2] =	ssyncset.done $0x0  }
0x2b: {  	s6 =	simm.s32 $0x2800;
	s13 =	rddreg [dreg:$0x5];
	[sflag:s2] =	ssyncadd.s32 $0xFFFFD800  }
0x2c: {  	[tilespmem:s6], [sflag:$0x9] =	stream.linear.gather [hbm4b:s13+s3], $0x2800, $0x38;
	[tilespmem:$0x15200] =	vst v63  }
0x2d: {  	_ =	swait.ge [sflag:s2], $0x2800  }
0x2e: {  	[sflag:s2] =	ssyncset.done $0x0  }
0x2f: {  	[sflag:s2] =	ssyncadd.s32 $0xFFFFD800  }
0x30: {  	[tilespmem:s16], [sflag:$0x1] =	stream.indirect.gather [hbm4b:s1+s15], $0x80, s3, s15, $0xb8;
	[tilespmem:$0x15200] =	vst v63  }
0x31: {  	_ = 	snop  }
0x32: {  	[tilespmem:s17], [sflag:$0x1] =	stream.indirect.gather [hbm4b:s4+s15], $0x1, s6, s15, $0xb8;
	[tilespmem:$0x15200] =	vst v63  }
0x33: {  	s12 =	rddreg [dreg:$0x9]  }
0x34: {  	[tilespmem:s18], [sflag:$0x2] =	stream.indirect.gather [hbm4b:s1+s15], $0x80, s15, s15, $0xb8;
	[tilespmem:$0x15200] =	vst v63  }
0x35: {  	s14 =	simm.s32 $0x2880;
	s11 =	rddreg [dreg:$0x8]  }
0x36: {  	[tilespmem:s20], [sflag:$0x2] =	stream.indirect.gather [hbm4b:s4+s15], $0x1, s14, s15, $0xb8;
	[tilespmem:$0x15200] =	vst v63  }
0x37: {  	s8 =	simm.s32 $0x0;
	s10 =	rddreg [dreg:$0x7];
	s14 =	simm.s32 $0x0  }
.LBB2_2:
0x38: {  	_ =	swait.ge [sflag:s21], $0x4000  }
0x39: {  	[sflag:s21] =	ssyncset.done $0x0  }
0x3a: {  	[sflag:s21] =	ssyncadd.s32 $0xFFFFC000  }
0x3b: {  	_ =	swait.ge [sflag:s21], $0x80  }
0x3c: {  	s7 =	sadd.s32 s14, s9;
	s6 =	sand.u32 $0x40, s14;
	[sflag:s21] =	ssyncset.done $0x0  }
0x3d: {  	s7 =	sand.u32 $0xFFFFF80, s7;
	s6 =	sadd.s32 s5, s6;
	[sflag:s21] =	ssyncadd.s32 $0xFFFFFF80  }
0x3e: {  	[hbm4b:s12+s3] =	stream.linear.scatter [tilespmem:s16], [sflag:$0x5], $0x4000, $0x38;
	[tilespmem:$0x15200] =	vst v63  }
0x3f: {  	p0 =	seq.s32 s14, $0x0;
	s6 =	sadd.s32 s7, s6  }
0x40: {  	[hbm4b:s6+s3] =	stream.linear.scatter [tilespmem:s17], [sflag:$0x5], $0x80, $0x38;
	[tilespmem:$0x15200] =	vst v63  }
0x41: {  	s6 =	simm.s32 @!p0 $0x7  }
0x42: {  	_ =	swait.ge @!p0 [sflag:s6], $0x4000  }
0x43: {  	[sflag:s6] =	ssyncset.done @!p0 $0x0  }
0x44: {  	[sflag:s6] =	ssyncadd.s32 @!p0 $0xFFFFC000  }
0x45: {  	_ =	swait.ge @!p0 [sflag:s6], $0x80  }
0x46: {  	s7 =	sshra.s32 s8, $0x2;
	[sflag:s6] =	ssyncset.done @!p0 $0x0  }
0x47: {  	s0 =	sadd.s32 $0x100, s7;
	[sflag:s6] =	ssyncadd.s32 @!p0 $0xFFFFFF80  }
0x48: {  	[tilespmem:s22], [sflag:$0x3] =	stream.indirect.gather [hbm4b:s1+s15], $0x80, s0, s15, $0xb8;
	[tilespmem:$0x15200] =	vst v63  }
0x49: {  	s2 =	sadd.s32 $0x2900, s7  }
0x4a: {  	[tilespmem:s23], [sflag:$0x3] =	stream.indirect.gather [hbm4b:s4+s15], $0x1, s2, s15, $0xb8;
	[tilespmem:$0x15200] =	vst v63  }
0x4b: {  	_ =	swait.ge [sflag:s24], $0x4000  }
0x4c: {  	[sflag:s24] =	ssyncset.done $0x0  }
0x4d: {  	[sflag:s24] =	ssyncadd.s32 $0xFFFFC000  }
0x4e: {  	_ =	swait.ge [sflag:s24], $0x80  }
0x4f: {  	[sflag:s24] =	ssyncset.done $0x0  }
0x50: {  	s13 =	sadd.s32 $0xFFFFF000, s10;
	s0 =	sadd.s32 $0x10, s14;
	[sflag:s24] =	ssyncadd.s32 $0xFFFFFF80  }
0x51: {  	[hbm4b:s13+s3] =	stream.linear.scatter [tilespmem:s18], [sflag:$0x6], $0x4000, $0x38;
	[tilespmem:$0x15200] =	vst v63  }
0x52: {  	s6 =	sand.u32 $0x50, s0;
	s13 =	sadd.s32 s9, s0  }
0x53: {  	s6 =	sadd.s32 s5, s6;
	s13 =	sand.u32 $0xFFFFF80, s13  }
0x54: {  	s6 =	sadd.s32 s13, s6  }
0x55: {  	[hbm4b:s6+s3] =	stream.linear.scatter [tilespmem:s20], [sflag:$0x6], $0x80, $0x38;
	[tilespmem:$0x15200] =	vst v63  }
0x56: {  	s6 =	simm.s32 @!p0 $0x8  }
0x57: {  	_ =	swait.ge @!p0 [sflag:s6], $0x4000  }
0x58: {  	[sflag:s6] =	ssyncset.done @!p0 $0x0  }
0x59: {  	[sflag:s6] =	ssyncadd.s32 @!p0 $0xFFFFC000  }
0x5a: {  	_ =	swait.ge @!p0 [sflag:s6], $0x80  }
0x5b: {  	[sflag:s6] =	ssyncset.done @!p0 $0x0  }
0x5c: {  	s2 =	sadd.s32 $0x180, s7;
	[sflag:s6] =	ssyncadd.s32 @!p0 $0xFFFFFF80  }
0x5d: {  	[tilespmem:s25], [sflag:$0x4] =	stream.indirect.gather [hbm4b:s1+s15], $0x80, s2, s15, $0xb8;
	[tilespmem:$0x15200] =	vst v63  }
0x5e: {  	s13 =	sadd.s32 $0x2980, s7  }
0x5f: {  	[tilespmem:s26], [sflag:$0x4] =	stream.indirect.gather [hbm4b:s4+s15], $0x1, s13, s15, $0xb8;
	[tilespmem:$0x15200] =	vst v63  }
0x60: {  	_ =	swait.ge [sflag:s28], $0x4000  }
0x61: {  	[sflag:s28] =	ssyncset.done $0x0  }
0x62: {  	[sflag:s28] =	ssyncadd.s32 $0xFFFFC000  }
0x63: {  	s0 =	sadd.s32 $0x20, s14;
	_ =	swait.ge [sflag:s28], $0x80  }
0x64: {  	s6 =	sand.u32 $0x60, s0;
	s2 =	sadd.s32 s9, s0;
	[sflag:s28] =	ssyncset.done $0x0  }
0x65: {  	s6 =	sadd.s32 s5, s6;
	s13 =	sand.u32 $0xFFFFF80, s2;
	[sflag:s28] =	ssyncadd.s32 $0xFFFFFF80  }
0x66: {  	[hbm4b:s11+s3] =	stream.linear.scatter [tilespmem:s22], [sflag:$0x7], $0x4000, $0x38;
	[tilespmem:$0x15200] =	vst v63  }
0x67: {  	s6 =	sadd.s32 s13, s6  }
0x68: {  	[hbm4b:s6+s3] =	stream.linear.scatter [tilespmem:s23], [sflag:$0x7], $0x80, $0x38;
	[tilespmem:$0x15200] =	vst v63  }
0x69: {  	_ =	swait.ge [sflag:s29], $0x4000  }
0x6a: {  	[sflag:s29] =	ssyncset.done $0x0  }
0x6b: {  	[sflag:s29] =	ssyncadd.s32 $0xFFFFC000  }
0x6c: {  	p0 =	seq.s32 s14, $0x4C0;
	_ =	swait.ge [sflag:s29], $0x80  }
0x6d: {  	s0 =	simm.s32 @!p0 $0x5000;
	s6 =	sshra.s32 @!p0 s8, $0x2;
	[sflag:s29] =	ssyncset.done $0x0  }
0x6e: {  	s2 =	simm.s32 @!p0 $0x80;
	s13 =	sadd.s32 @!p0 $0x200, s6;
	[sflag:s29] =	ssyncadd.s32 $0xFFFFFF80  }
0x6f: {  	[tilespmem:s0], [sflag:$0x1] =	stream.indirect.gather @!p0 [hbm4b:s1+s2], $0x80, s13, s2, $0xb8;
	[tilespmem:$0x15200] =	vst v63  }
0x70: {  	s0 =	sadd.s32 @!p0 $0x2A00, s6;
	s6 =	simm.s32 @!p0 $0x15000  }
0x71: {  	[tilespmem:s6], [sflag:$0x1] =	stream.indirect.gather @!p0 [hbm4b:s4+s2], $0x1, s0, s2, $0xb8;
	[tilespmem:$0x15200] =	vst v63  }
0x72: {  	_ =	swait.ge [sflag:s30], $0x4000  }
0x73: {  	[sflag:s30] =	ssyncset.done $0x0  }
0x74: {  	[sflag:s30] =	ssyncadd.s32 $0xFFFFC000  }
0x75: {  	s6 =	sadd.s32 $0x30, s14;
	_ =	swait.ge [sflag:s30], $0x80  }
0x76: {  	s13 =	sadd.s32 s9, s6;
	s0 =	sand.u32 $0x70, s6;
	[sflag:s30] =	ssyncset.done $0x0  }
0x77: {  	s2 =	sand.u32 $0xFFFFF80, s13;
	s0 =	sadd.s32 s5, s0;
	[sflag:s30] =	ssyncadd.s32 $0xFFFFFF80  }
0x78: {  	[hbm4b:s10+s3] =	stream.linear.scatter [tilespmem:s25], [sflag:$0x8], $0x4000, $0x38;
	[tilespmem:$0x15200] =	vst v63  }
0x79: {  	s0 =	sadd.s32 s2, s0  }
0x7a: {  	[hbm4b:s0+s3] =	stream.linear.scatter [tilespmem:s26], [sflag:$0x8], $0x80, $0x38;
	[tilespmem:$0x15200] =	vst v63  }
0x7b: {  	_ =	swait.ge [sflag:s31], $0x4000  }
.Ltmp2:
0x7c: {  	[sflag:s31] =	ssyncset.done $0x0;
	(pc) =	sbr.rel @p0 .LBB2_4-.Ltmp2, $4  }
0x7d: {  	[sflag:s31] =	ssyncadd.s32 $0xFFFFC000  }
0x7e: {  	_ =	swait.ge [sflag:s31], $0x80  }
0x7f: {  	[sflag:s31] =	ssyncset.done $0x0  }
0x80: {  	[sflag:s31] =	ssyncadd.s32 $0xFFFFFF80  }
.Ltmp3:
0x81: {  	s0 =	sadd.s32 $0x280, s7;
	(pc) =	sbr.rel .LBB2_2-.Ltmp3, $4  }
0x82: {  	s13 =	sadd.s32 $0x2A80, s7;
	s8 =	sadd.s32 $0x800, s8;
	s14 =	sadd.s32 $0x40, s14  }
0x83: {  	[tilespmem:s18], [sflag:$0x2] =	stream.indirect.gather [hbm4b:s1+s15], $0x80, s0, s15, $0xb8;
	[tilespmem:$0x15200] =	vst v63  }
0x84: {  	s10 =	sadd.s32 $0x2000, s10;
	s11 =	sadd.s32 $0x2000, s11;
	s12 =	sadd.s32 $0x2000, s12  }
0x85: {  	[tilespmem:s20], [sflag:$0x2] =	stream.indirect.gather [hbm4b:s4+s15], $0x1, s13, s15, $0xb8;
	[tilespmem:$0x15200] =	vst v63  }
.LBB2_5:
0x86: {  	_ =	sfence.sel $0x180000  }
0x87: {  	[bflag:$0x0] =	sbarrier.arrive $0xFFFF  }
0x88: {  	_ =	strace $0x90000047  }
0x89: {  	s0 =	stileid.u32;
	[bflag:$0x2] =	sbarrier.arrive $0xFFFF  }
0x8a: {  	p0 =	sne.s32 s0, $0x0;
	s0 =	rddreg [dreg:$0x3]  }
0x8b: {  	s0 =	sadd.s32 @!p0 $0x100000, s0  }
0x8c: {  	[sflag:s0] =	ssyncadd.tile.s32 @!p0 $0x1;
	_ =	shalt  }
.Lfunc_end2:
_tile_overlayer_lowered:
.L_overlay_start_2:
0x8d: {  	(tag) =	ssettag $0x2  }
0x8e: {  	s0 =	rddreg [dreg:$0x0];
	s2 =	stileid.u32  }
0x8f: {  	s1 =	rddreg [dreg:$0x1];
	p0 =	sne.s32 s2, $0x0  }
0x90: {  	s3 =	rddreg [dreg:$0x2];
	[bflag:$0x3] =	sbarrier.arrive $0xFFFF;
	s2 =	simm.s32 @!p0 $0x1C09  }
0x91: {  	[timem:s3], [sflag:s2] =	dma.local @!p0 [hbm:s0], s1  }
0x92: {  	s0 =	simm.s32 @!p0 $0x9  }
0x93: {  	_ =	swait.ge @!p0 [sflag:s0], s1  }
0x94: {  	s1 =	ssub.s32 @!p0 $0x0, s1;
	[sflag:s0] =	ssyncset.done @!p0 $0x0  }
0x95: {  	[sflag:s0] =	ssyncadd.s32 @!p0 s1  }
0x96: {  	[bflag:$0x3] =	sbarrier.arrive $0xFFFF  }
0x97: {  	_ =	shalt  }

</sc_bundles>
